<compile_context>
chip_gen: v7x
topology: tpu7x:2x2x1
jax: 0.10.2.dev20260603
libtpu: 0.0.44.dev20260713+nightly
codegen_flags: <defaults>
</compile_context>

<pallas_src>
import functools

import jax
import jax.numpy as jnp
from jax import lax
from jax.experimental import pallas as pl
from jax.experimental.pallas import tpu as pltpu
from jax.experimental.pallas import tpu_sc as plsc

DIM = 256
LANES = 16
NSLICE = DIM // LANES
CHUNK = 128
DG = 8
NBUF = 3
UNROLL = 3


@functools.partial(jax.jit, static_argnames=("n_rows",))
def _sc_tokenize(table, idx, vals, fc_w, fc_b, wv, cls, n_rows):
    info = plsc.get_sparse_core_info()
    nc, ns = info.num_cores, info.num_subcores
    nw = nc * ns
    rpw = n_rows // nw
    nch = rpw // CHUNK

    mesh = plsc.VectorSubcoreMesh(core_axis_name="c", subcore_axis_name="s")

    @functools.partial(
        pl.kernel,
        mesh=mesh,
        compiler_params=pltpu.CompilerParams(needs_layout_passes=False),
        out_type=jax.ShapeDtypeStruct((n_rows + 1, 1, DIM), jnp.float32),
        scratch_types=[
            pltpu.VMEM((rpw,), jnp.int32),
            pltpu.VMEM((rpw,), jnp.float32),
            pltpu.VMEM((4, DIM), jnp.float32),
            [pltpu.VMEM((CHUNK, DIM), jnp.float32)] * NBUF,
            pltpu.VMEM((DIM,), jnp.float32),
            [pltpu.SemaphoreType.DMA] * NBUF,
            [pltpu.SemaphoreType.DMA] * NBUF,
        ],
    )
    def k(table_hbm, idx_hbm, vals_hbm, fcw_hbm, fcb_hbm, wv_hbm, cls_hbm,
          out_3d, idx_v, vals_v, params_v, bufs, cls_v, gsems, wsems):
        out_hbm = out_3d.reshape(n_rows + 1, DIM)
        wid = lax.axis_index("s") * nc + lax.axis_index("c")
        start = pl.multiple_of(wid * rpw, CHUNK)

        pltpu.async_copy(idx_hbm.at[pl.ds(start, rpw)], idx_v,
                         wsems[0]).wait()
        hv = pltpu.async_copy(vals_hbm.at[pl.ds(start, rpw)], vals_v,
                              wsems[1])
        hps = [
            pltpu.async_copy(fcw_hbm, params_v.at[0], wsems[2]),
            pltpu.async_copy(fcb_hbm, params_v.at[1], wsems[2]),
            pltpu.async_copy(wv_hbm, params_v.at[2], wsems[2]),
            pltpu.async_copy(cls_hbm, params_v.at[3], wsems[2]),
        ]

        gh = [None] * NBUF
        wh = [None] * NBUF
        gh[0] = pltpu.async_copy(
            table_hbm.at[idx_v.at[pl.ds(0, CHUNK)]], bufs[0], gsems[0])

        hv.wait()
        for h in hps:
            h.wait()

        @pl.when(wid == 0)
        def _cls_row():
            for d in range(NSLICE):
                sl = pl.ds(d * LANES, LANES)
                cls_v[sl] = params_v[2, sl] + params_v[3, sl]
            pltpu.sync_copy(cls_v, out_hbm.at[0])

        for c in range(nch):
            b = c % NBUF
            buf = bufs[b]
            gh[b].wait()
            if c + 1 < nch:
                nb = (c + 1) % NBUF
                if wh[nb] is not None:
                    wh[nb].wait()
                    wh[nb] = None
                gh[nb] = pltpu.async_copy(
                    table_hbm.at[idx_v.at[pl.ds((c + 1) * CHUNK, CHUNK)]],
                    bufs[nb], gsems[nb])
            base = c * CHUNK
            for dg in range(NSLICE // DG):
                sls = [pl.ds((dg * DG + g) * LANES, LANES) for g in range(DG)]
                ws = [params_v[0, sl] for sl in sls]
                bs = [params_v[1, sl] for sl in sls]
                wvs = [params_v[2, sl] for sl in sls]

                def body(i, buf=buf, sls=sls, ws=ws, bs=bs, wvs=wvs,
                         base=base):
                    s = plsc.load_gather(
                        vals_v, [jnp.full((LANES,), base + i, jnp.int32)])
                    for g in range(DG):
                        t = jnp.maximum(s * ws[g] + bs[g], 0.0) + wvs[g]
                        buf[i, sls[g]] = buf[i, sls[g]] + t

                plsc.parallel_loop(0, CHUNK, 1, unroll=UNROLL)(body)

            wh[b] = pltpu.async_copy(
                buf, out_hbm.at[pl.ds(1 + start + base, CHUNK)], wsems[b])

        for b in range(NBUF):
            if wh[b] is not None:
                wh[b].wait()

    return k(table, idx, vals, fc_w, fc_b, wv, cls)


def kernel(indices, values, table, wv_omics, cls_token, fc_w, fc_b):
    L = indices.shape[0]
    out = _sc_tokenize(
        table, indices.astype(jnp.int32), values.astype(jnp.float32),
        fc_w.reshape(DIM), fc_b.reshape(DIM),
        wv_omics.reshape(DIM), cls_token.reshape(DIM), n_rows=L)
    return out.reshape(1, L + 1, DIM)

# --- scband reference (transcript-rebuilt; emitter-appended) ---
"""Pipeline reference for scband-tokenize-omics-13795434954844 (READ-ONLY COPY).

The authoritative reference and input builder live on the scoring server;
editing this copy changes nothing except your own understanding.
"""

import jax, jax.numpy as jnp
import numpy as np

VOCAB = 100000
DIM = 256
L = 16384


def setup_inputs(seed: int = 0) -> dict:
    key = jax.random.key(seed)
    k1, k2, k3, k4, k5, k6 = jax.random.split(key, 6)
    indices = jax.random.randint(k1, (L,), 0, VOCAB)
    values = jax.random.normal(k2, (L,), dtype=jnp.float32)
    # learned / pretrained parameters
    table = jax.random.normal(k3, (VOCAB, DIM), dtype=jnp.float32) * 0.02   # gene2vec embedding
    wv_omics = jax.random.normal(k4, (1, 1, DIM), dtype=jnp.float32) * 0.02  # wv['omics'] vector
    cls_token = jax.random.normal(k5, (1, 1, DIM), dtype=jnp.float32) * 1e-6
    fc_w = jax.random.normal(k6, (DIM, 1), dtype=jnp.float32) * 1.0          # nn.Linear(1, dim).weight
    fc_b = jnp.zeros((DIM,), dtype=jnp.float32)                              # nn.Linear(1, dim).bias
    return {
        "indices": indices,
        "values": values,
        "table": table,
        "wv_omics": wv_omics,
        "cls_token": cls_token,
        "fc_w": fc_w,
        "fc_b": fc_b,
    }


def reference(indices, values, table, wv_omics, cls_token, fc_w, fc_b):
    bs = 1
    # cls_token = wv['omics'].repeat(bs,1,1) + cls_token.repeat(bs,1,1)
    cls = wv_omics + cls_token                      # [1, 1, DIM]
    # index = self.emb(index)
    idx_emb = jnp.take(table, indices, axis=0)      # [L, DIM] embedding gather
    # value = self.fc_RNA(value.view(bs, -1, 1))  -> Linear(1, DIM) + ReLU
    val = values.reshape(bs, -1, 1)                 # [1, L, 1]
    val = jax.nn.relu(jnp.matmul(val, fc_w.T) + fc_b)  # [1, L, DIM]
    token = idx_emb[None, :, :] + val               # [1, L, DIM]
    # token = wv['omics'].repeat(bs, L, 1) + token
    token = wv_omics + token                        # broadcast over L
    tokens = jnp.concatenate([cls, token], axis=1)  # [1, L+1, DIM]
    return tokens

if __name__ == "__main__":
    import jax
    _d = setup_inputs()
    print(jax.jit(kernel)(*tuple(_d.values())))

</pallas_src>

<mosaic_0001>
#map = affine_map<(d0, d1) -> (0, 0)>
#map1 = affine_map<(d0, d1) -> (0)>
#map2 = affine_map<(d0, d1) -> (0, 0, 0)>
module attributes {stable_mosaic.version = 14 : i64} {
  func.func @k(%arg0: i32, %arg1: i32, %arg2: memref<100000x256xf32, #tpu.memory_space<hbm>>, %arg3: memref<16384xi32, #tpu.memory_space<hbm>>, %arg4: memref<16384xf32, #tpu.memory_space<hbm>>, %arg5: memref<256xf32, #tpu.memory_space<hbm>>, %arg6: memref<256xf32, #tpu.memory_space<hbm>>, %arg7: memref<256xf32, #tpu.memory_space<hbm>>, %arg8: memref<256xf32, #tpu.memory_space<hbm>>, %arg9: memref<16385x1x256xf32, #tpu.memory_space<hbm>>, %arg10: memref<512xi32, #tpu.memory_space<vmem>>, %arg11: memref<512xf32, #tpu.memory_space<vmem>>, %arg12: memref<4x256xf32, #tpu.memory_space<vmem>>, %arg13: memref<128x256xf32, #tpu.memory_space<vmem>>, %arg14: memref<128x256xf32, #tpu.memory_space<vmem>>, %arg15: memref<128x256xf32, #tpu.memory_space<vmem>>, %arg16: memref<256xf32, #tpu.memory_space<vmem>>, %arg17: memref<!tpu.dma_semaphore, #tpu.memory_space<semaphore_mem>>, %arg18: memref<!tpu.dma_semaphore, #tpu.memory_space<semaphore_mem>>, %arg19: memref<!tpu.dma_semaphore, #tpu.memory_space<semaphore_mem>>, %arg20: memref<!tpu.dma_semaphore, #tpu.memory_space<semaphore_mem>>, %arg21: memref<!tpu.dma_semaphore, #tpu.memory_space<semaphore_mem>>, %arg22: memref<!tpu.dma_semaphore, #tpu.memory_space<semaphore_mem>>) attributes {dimension_semantics = [#tpu.dimension_semantics<core_parallel>, #tpu.dimension_semantics<subcore_parallel>], iteration_bounds = array<i64: 2, 16>, scalar_prefetch = 0 : i64, scratch_operands = 13 : i64, tpu.core_type = #tpu.core_type<sc_vector_subcore>, window_params = [{transform_indices = #map}, {transform_indices = #map1}, {transform_indices = #map1}, {transform_indices = #map1}, {transform_indices = #map1}, {transform_indices = #map1}, {transform_indices = #map1}, {transform_indices = #map2}]} {
    %mul3A = arith.constant 2 : i32
    %mul3A_0 = arith.muli %arg1, %mul3A : i32
    %add3A = arith.addi %mul3A_0, %arg0 : i32
    %mul3A_1 = arith.constant 512 : i32
    %mul3A_2 = arith.muli %add3A, %mul3A_1 : i32
    %multiple_of3A = tpu.assume_multiple %mul3A_2, 128 : i32
    %dma_start3A = tpu.memref_slice %arg3[%multiple_of3A] : memref<16384xi32, #tpu.memory_space<hbm>> -> memref<512xi32, #tpu.memory_space<hbm>>
    %dma_start3A_3 = tpu.memref_slice %arg3[%multiple_of3A] : memref<16384xi32, #tpu.memory_space<hbm>> -> memref<512xi32, #tpu.memory_space<hbm>>
    tpu.enqueue_dma source(%dma_start3A_3 : memref<512xi32, #tpu.memory_space<hbm>>) target(%arg10 : memref<512xi32, #tpu.memory_space<vmem>>) target_semaphore(%arg20 : memref<!tpu.dma_semaphore, #tpu.memory_space<semaphore_mem>>)
    %dma_wait3A = tpu.memref_slice %arg3[%multiple_of3A] : memref<16384xi32, #tpu.memory_space<hbm>> -> memref<512xi32, #tpu.memory_space<hbm>>
    %dma_wait3A_4 = tpu.memref_slice %arg3[%multiple_of3A] : memref<16384xi32, #tpu.memory_space<hbm>> -> memref<512xi32, #tpu.memory_space<hbm>>
    tpu.wait_dma2 semaphore(%arg20 : memref<!tpu.dma_semaphore, #tpu.memory_space<semaphore_mem>>) src(%dma_wait3A_4 : memref<512xi32, #tpu.memory_space<hbm>>) dst(%arg10 : memref<512xi32, #tpu.memory_space<vmem>>)
    %dma_start3A_5 = tpu.memref_slice %arg4[%multiple_of3A] : memref<16384xf32, #tpu.memory_space<hbm>> -> memref<512xf32, #tpu.memory_space<hbm>>
    %dma_start3A_6 = tpu.memref_slice %arg4[%multiple_of3A] : memref<16384xf32, #tpu.memory_space<hbm>> -> memref<512xf32, #tpu.memory_space<hbm>>
    tpu.enqueue_dma source(%dma_start3A_6 : memref<512xf32, #tpu.memory_space<hbm>>) target(%arg11 : memref<512xf32, #tpu.memory_space<vmem>>) target_semaphore(%arg21 : memref<!tpu.dma_semaphore, #tpu.memory_space<semaphore_mem>>)
    %dma_start3A_7 = arith.constant 0 : i32
    %dma_start3A_8 = arith.constant 0 : i32
    %dma_start3A_9 = tpu.memref_slice %arg12[%dma_start3A_7, %dma_start3A_8] : memref<4x256xf32, #tpu.memory_space<vmem>> -> memref<1x256xf32, #tpu.memory_space<vmem>>
    %dma_start3A_10 = tpu.memref_squeeze %dma_start3A_9 : memref<1x256xf32, #tpu.memory_space<vmem>> -> memref<256xf32, #tpu.memory_space<vmem>>
    %dma_start3A_11 = arith.constant 0 : i32
    %dma_start3A_12 = tpu.memref_slice %arg12[%dma_start3A_7, %dma_start3A_11] : memref<4x256xf32, #tpu.memory_space<vmem>> -> memref<1x256xf32, #tpu.memory_space<vmem>>
    %dma_start3A_13 = tpu.memref_squeeze %dma_start3A_12 : memref<1x256xf32, #tpu.memory_space<vmem>> -> memref<256xf32, #tpu.memory_space<vmem>>
    tpu.enqueue_dma source(%arg5 : memref<256xf32, #tpu.memory_space<hbm>>) target(%dma_start3A_13 : memref<256xf32, #tpu.memory_space<vmem>>) target_semaphore(%arg22 : memref<!tpu.dma_semaphore, #tpu.memory_space<semaphore_mem>>)
    %dma_start3A_14 = arith.constant 1 : i32
    %dma_start3A_15 = arith.constant 0 : i32
    %dma_start3A_16 = tpu.memref_slice %arg12[%dma_start3A_14, %dma_start3A_15] : memref<4x256xf32, #tpu.memory_space<vmem>> -> memref<1x256xf32, #tpu.memory_space<vmem>>
    %dma_start3A_17 = tpu.memref_squeeze %dma_start3A_16 : memref<1x256xf32, #tpu.memory_space<vmem>> -> memref<256xf32, #tpu.memory_space<vmem>>
    %dma_start3A_18 = arith.constant 0 : i32
    %dma_start3A_19 = tpu.memref_slice %arg12[%dma_start3A_14, %dma_start3A_18] : memref<4x256xf32, #tpu.memory_space<vmem>> -> memref<1x256xf32, #tpu.memory_space<vmem>>
    %dma_start3A_20 = tpu.memref_squeeze %dma_start3A_19 : memref<1x256xf32, #tpu.memory_space<vmem>> -> memref<256xf32, #tpu.memory_space<vmem>>
    tpu.enqueue_dma source(%arg6 : memref<256xf32, #tpu.memory_space<hbm>>) target(%dma_start3A_20 : memref<256xf32, #tpu.memory_space<vmem>>) target_semaphore(%arg22 : memref<!tpu.dma_semaphore, #tpu.memory_space<semaphore_mem>>)
    %dma_start3A_21 = arith.constant 2 : i32
    %dma_start3A_22 = arith.constant 0 : i32
    %dma_start3A_23 = tpu.memref_slice %arg12[%dma_start3A_21, %dma_start3A_22] : memref<4x256xf32, #tpu.memory_space<vmem>> -> memref<1x256xf32, #tpu.memory_space<vmem>>
    %dma_start3A_24 = tpu.memref_squeeze %dma_start3A_23 : memref<1x256xf32, #tpu.memory_space<vmem>> -> memref<256xf32, #tpu.memory_space<vmem>>
    %dma_start3A_25 = arith.constant 0 : i32
    %dma_start3A_26 = tpu.memref_slice %arg12[%dma_start3A_21, %dma_start3A_25] : memref<4x256xf32, #tpu.memory_space<vmem>> -> memref<1x256xf32, #tpu.memory_space<vmem>>
    %dma_start3A_27 = tpu.memref_squeeze %dma_start3A_26 : memref<1x256xf32, #tpu.memory_space<vmem>> -> memref<256xf32, #tpu.memory_space<vmem>>
    tpu.enqueue_dma source(%arg7 : memref<256xf32, #tpu.memory_space<hbm>>) target(%dma_start3A_27 : memref<256xf32, #tpu.memory_space<vmem>>) target_semaphore(%arg22 : memref<!tpu.dma_semaphore, #tpu.memory_space<semaphore_mem>>)
    %dma_start3A_28 = arith.constant 3 : i32
    %dma_start3A_29 = arith.constant 0 : i32
    %dma_start3A_30 = tpu.memref_slice %arg12[%dma_start3A_28, %dma_start3A_29] : memref<4x256xf32, #tpu.memory_space<vmem>> -> memref<1x256xf32, #tpu.memory_space<vmem>>
    %dma_start3A_31 = tpu.memref_squeeze %dma_start3A_30 : memref<1x256xf32, #tpu.memory_space<vmem>> -> memref<256xf32, #tpu.memory_space<vmem>>
    %dma_start3A_32 = arith.constant 0 : i32
    %dma_start3A_33 = tpu.memref_slice %arg12[%dma_start3A_28, %dma_start3A_32] : memref<4x256xf32, #tpu.memory_space<vmem>> -> memref<1x256xf32, #tpu.memory_space<vmem>>
    %dma_start3A_34 = tpu.memref_squeeze %dma_start3A_33 : memref<1x256xf32, #tpu.memory_space<vmem>> -> memref<256xf32, #tpu.memory_space<vmem>>
    tpu.enqueue_dma source(%arg8 : memref<256xf32, #tpu.memory_space<hbm>>) target(%dma_start3A_34 : memref<256xf32, #tpu.memory_space<vmem>>) target_semaphore(%arg22 : memref<!tpu.dma_semaphore, #tpu.memory_space<semaphore_mem>>)
    %dma_start3A_35 = arith.constant 0 : i32
    %dma_start3A_36 = tpu.memref_slice %arg10[%dma_start3A_35] : memref<512xi32, #tpu.memory_space<vmem>> -> memref<128xi32, #tpu.memory_space<vmem>>
    %dma_start3A_37 = arith.constant 0 : i32
    %dma_start3A_38 = arith.constant 0 : i32
    %dma_start3A_39 = tpu.memref_slice %arg2[%dma_start3A_37, %dma_start3A_38] : memref<100000x256xf32, #tpu.memory_space<hbm>> -> memref<100000x256xf32, #tpu.memory_space<hbm>>
    tpu.enqueue_indirect_dma source(%dma_start3A_39 : memref<100000x256xf32, #tpu.memory_space<hbm>>) target(%arg13 : memref<128x256xf32, #tpu.memory_space<vmem>>) offsets(%dma_start3A_36 : memref<128xi32, #tpu.memory_space<vmem>>) semaphore(%arg17 : memref<!tpu.dma_semaphore, #tpu.memory_space<semaphore_mem>>)
    %dma_wait3A_40 = tpu.memref_slice %arg4[%multiple_of3A] : memref<16384xf32, #tpu.memory_space<hbm>> -> memref<512xf32, #tpu.memory_space<hbm>>
    %dma_wait3A_41 = tpu.memref_slice %arg4[%multiple_of3A] : memref<16384xf32, #tpu.memory_space<hbm>> -> memref<512xf32, #tpu.memory_space<hbm>>
    tpu.wait_dma2 semaphore(%arg21 : memref<!tpu.dma_semaphore, #tpu.memory_space<semaphore_mem>>) src(%dma_wait3A_41 : memref<512xf32, #tpu.memory_space<hbm>>) dst(%arg11 : memref<512xf32, #tpu.memory_space<vmem>>)
    %dma_wait3A_42 = arith.constant 0 : i32
    %dma_wait3A_43 = arith.constant 0 : i32
    %dma_wait3A_44 = tpu.memref_slice %arg12[%dma_wait3A_42, %dma_wait3A_43] : memref<4x256xf32, #tpu.memory_space<vmem>> -> memref<1x256xf32, #tpu.memory_space<vmem>>
    %dma_wait3A_45 = tpu.memref_squeeze %dma_wait3A_44 : memref<1x256xf32, #tpu.memory_space<vmem>> -> memref<256xf32, #tpu.memory_space<vmem>>
    %dma_wait3A_46 = arith.constant 0 : i32
    %dma_wait3A_47 = tpu.memref_slice %arg12[%dma_wait3A_42, %dma_wait3A_46] : memref<4x256xf32, #tpu.memory_space<vmem>> -> memref<1x256xf32, #tpu.memory_space<vmem>>
    %dma_wait3A_48 = tpu.memref_squeeze %dma_wait3A_47 : memref<1x256xf32, #tpu.memory_space<vmem>> -> memref<256xf32, #tpu.memory_space<vmem>>
    tpu.wait_dma2 semaphore(%arg22 : memref<!tpu.dma_semaphore, #tpu.memory_space<semaphore_mem>>) src(%arg5 : memref<256xf32, #tpu.memory_space<hbm>>) dst(%dma_wait3A_48 : memref<256xf32, #tpu.memory_space<vmem>>)
    %dma_wait3A_49 = arith.constant 1 : i32
    %dma_wait3A_50 = arith.constant 0 : i32
    %dma_wait3A_51 = tpu.memref_slice %arg12[%dma_wait3A_49, %dma_wait3A_50] : memref<4x256xf32, #tpu.memory_space<vmem>> -> memref<1x256xf32, #tpu.memory_space<vmem>>
    %dma_wait3A_52 = tpu.memref_squeeze %dma_wait3A_51 : memref<1x256xf32, #tpu.memory_space<vmem>> -> memref<256xf32, #tpu.memory_space<vmem>>
    %dma_wait3A_53 = arith.constant 0 : i32
    %dma_wait3A_54 = tpu.memref_slice %arg12[%dma_wait3A_49, %dma_wait3A_53] : memref<4x256xf32, #tpu.memory_space<vmem>> -> memref<1x256xf32, #tpu.memory_space<vmem>>
    %dma_wait3A_55 = tpu.memref_squeeze %dma_wait3A_54 : memref<1x256xf32, #tpu.memory_space<vmem>> -> memref<256xf32, #tpu.memory_space<vmem>>
    tpu.wait_dma2 semaphore(%arg22 : memref<!tpu.dma_semaphore, #tpu.memory_space<semaphore_mem>>) src(%arg6 : memref<256xf32, #tpu.memory_space<hbm>>) dst(%dma_wait3A_55 : memref<256xf32, #tpu.memory_space<vmem>>)
    %dma_wait3A_56 = arith.constant 2 : i32
    %dma_wait3A_57 = arith.constant 0 : i32
    %dma_wait3A_58 = tpu.memref_slice %arg12[%dma_wait3A_56, %dma_wait3A_57] : memref<4x256xf32, #tpu.memory_space<vmem>> -> memref<1x256xf32, #tpu.memory_space<vmem>>
    %dma_wait3A_59 = tpu.memref_squeeze %dma_wait3A_58 : memref<1x256xf32, #tpu.memory_space<vmem>> -> memref<256xf32, #tpu.memory_space<vmem>>
    %dma_wait3A_60 = arith.constant 0 : i32
    %dma_wait3A_61 = tpu.memref_slice %arg12[%dma_wait3A_56, %dma_wait3A_60] : memref<4x256xf32, #tpu.memory_space<vmem>> -> memref<1x256xf32, #tpu.memory_space<vmem>>
    %dma_wait3A_62 = tpu.memref_squeeze %dma_wait3A_61 : memref<1x256xf32, #tpu.memory_space<vmem>> -> memref<256xf32, #tpu.memory_space<vmem>>
    tpu.wait_dma2 semaphore(%arg22 : memref<!tpu.dma_semaphore, #tpu.memory_space<semaphore_mem>>) src(%arg7 : memref<256xf32, #tpu.memory_space<hbm>>) dst(%dma_wait3A_62 : memref<256xf32, #tpu.memory_space<vmem>>)
    %dma_wait3A_63 = arith.constant 3 : i32
    %dma_wait3A_64 = arith.constant 0 : i32
    %dma_wait3A_65 = tpu.memref_slice %arg12[%dma_wait3A_63, %dma_wait3A_64] : memref<4x256xf32, #tpu.memory_space<vmem>> -> memref<1x256xf32, #tpu.memory_space<vmem>>
    %dma_wait3A_66 = tpu.memref_squeeze %dma_wait3A_65 : memref<1x256xf32, #tpu.memory_space<vmem>> -> memref<256xf32, #tpu.memory_space<vmem>>
    %dma_wait3A_67 = arith.constant 0 : i32
    %dma_wait3A_68 = tpu.memref_slice %arg12[%dma_wait3A_63, %dma_wait3A_67] : memref<4x256xf32, #tpu.memory_space<vmem>> -> memref<1x256xf32, #tpu.memory_space<vmem>>
    %dma_wait3A_69 = tpu.memref_squeeze %dma_wait3A_68 : memref<1x256xf32, #tpu.memory_space<vmem>> -> memref<256xf32, #tpu.memory_space<vmem>>
    tpu.wait_dma2 semaphore(%arg22 : memref<!tpu.dma_semaphore, #tpu.memory_space<semaphore_mem>>) src(%arg8 : memref<256xf32, #tpu.memory_space<hbm>>) dst(%dma_wait3A_69 : memref<256xf32, #tpu.memory_space<vmem>>)
    %eq3A = arith.constant 0 : i32
    %eq3A_70 = arith.cmpi eq, %add3A, %eq3A : i32
    %convert_element_type3A = arith.extui %eq3A_70 : i1 to i32
    %cond3A = arith.constant 0 : i32
    %cond3A_71 = arith.cmpi ne, %convert_element_type3A, %cond3A : i32
    scf.if %cond3A_71 {
      %get3A_961 = arith.constant 2 : i32
      %get3A_962 = arith.index_cast %get3A_961 : i32 to index
      %get3A_963 = arith.constant 0 : index
      %get3A_964 = tpu.vector_load %arg12[%get3A_962, %get3A_963] {strides = array<i32>} : memref<4x256xf32, #tpu.memory_space<vmem>>, vector<16xf32>,
      %get3A_965 = arith.constant 3 : i32
      %get3A_966 = arith.index_cast %get3A_965 : i32 to index
      %get3A_967 = arith.constant 0 : index
      %get3A_968 = tpu.vector_load %arg12[%get3A_966, %get3A_967] {strides = array<i32>} : memref<4x256xf32, #tpu.memory_space<vmem>>, vector<16xf32>,
      %add3A_969 = arith.addf %get3A_964, %get3A_968 : vector<16xf32>
      %swap3A = arith.constant 0 : index
      %swap3A_970 = tpu.vector_load %arg16[%swap3A] {strides = array<i32>} : memref<256xf32, #tpu.memory_space<vmem>>, vector<16xf32>,
      tpu.vector_store %arg16[%swap3A], %add3A_969 {strides = array<i32>} : memref<256xf32, #tpu.memory_space<vmem>>, vector<16xf32>,
      %get3A_971 = arith.constant 2 : i32
      %get3A_972 = arith.index_cast %get3A_971 : i32 to index
      %get3A_973 = arith.constant 16 : index
      %get3A_974 = tpu.vector_load %arg12[%get3A_972, %get3A_973] {strides = array<i32>} : memref<4x256xf32, #tpu.memory_space<vmem>>, vector<16xf32>,
      %get3A_975 = arith.constant 3 : i32
      %get3A_976 = arith.index_cast %get3A_975 : i32 to index
      %get3A_977 = arith.constant 16 : index
      %get3A_978 = tpu.vector_load %arg12[%get3A_976, %get3A_977] {strides = array<i32>} : memref<4x256xf32, #tpu.memory_space<vmem>>, vector<16xf32>,
      %add3A_979 = arith.addf %get3A_974, %get3A_978 : vector<16xf32>
      %swap3A_980 = arith.constant 16 : index
      %swap3A_981 = tpu.vector_load %arg16[%swap3A_980] {strides = array<i32>} : memref<256xf32, #tpu.memory_space<vmem>>, vector<16xf32>,
      tpu.vector_store %arg16[%swap3A_980], %add3A_979 {strides = array<i32>} : memref<256xf32, #tpu.memory_space<vmem>>, vector<16xf32>,
      %get3A_982 = arith.constant 2 : i32
      %get3A_983 = arith.index_cast %get3A_982 : i32 to index
      %get3A_984 = arith.constant 32 : index
      %get3A_985 = tpu.vector_load %arg12[%get3A_983, %get3A_984] {strides = array<i32>} : memref<4x256xf32, #tpu.memory_space<vmem>>, vector<16xf32>,
      %get3A_986 = arith.constant 3 : i32
      %get3A_987 = arith.index_cast %get3A_986 : i32 to index
      %get3A_988 = arith.constant 32 : index
      %get3A_989 = tpu.vector_load %arg12[%get3A_987, %get3A_988] {strides = array<i32>} : memref<4x256xf32, #tpu.memory_space<vmem>>, vector<16xf32>,
      %add3A_990 = arith.addf %get3A_985, %get3A_989 : vector<16xf32>
      %swap3A_991 = arith.constant 32 : index
      %swap3A_992 = tpu.vector_load %arg16[%swap3A_991] {strides = array<i32>} : memref<256xf32, #tpu.memory_space<vmem>>, vector<16xf32>,
      tpu.vector_store %arg16[%swap3A_991], %add3A_990 {strides = array<i32>} : memref<256xf32, #tpu.memory_space<vmem>>, vector<16xf32>,
      %get3A_993 = arith.constant 2 : i32
      %get3A_994 = arith.index_cast %get3A_993 : i32 to index
      %get3A_995 = arith.constant 48 : index
      %get3A_996 = tpu.vector_load %arg12[%get3A_994, %get3A_995] {strides = array<i32>} : memref<4x256xf32, #tpu.memory_space<vmem>>, vector<16xf32>,
      %get3A_997 = arith.constant 3 : i32
      %get3A_998 = arith.index_cast %get3A_997 : i32 to index
      %get3A_999 = arith.constant 48 : index
      %get3A_1000 = tpu.vector_load %arg12[%get3A_998, %get3A_999] {strides = array<i32>} : memref<4x256xf32, #tpu.memory_space<vmem>>, vector<16xf32>,
      %add3A_1001 = arith.addf %get3A_996, %get3A_1000 : vector<16xf32>
      %swap3A_1002 = arith.constant 48 : index
      %swap3A_1003 = tpu.vector_load %arg16[%swap3A_1002] {strides = array<i32>} : memref<256xf32, #tpu.memory_space<vmem>>, vector<16xf32>,
      tpu.vector_store %arg16[%swap3A_1002], %add3A_1001 {strides = array<i32>} : memref<256xf32, #tpu.memory_space<vmem>>, vector<16xf32>,
      %get3A_1004 = arith.constant 2 : i32
      %get3A_1005 = arith.index_cast %get3A_1004 : i32 to index
      %get3A_1006 = arith.constant 64 : index
      %get3A_1007 = tpu.vector_load %arg12[%get3A_1005, %get3A_1006] {strides = array<i32>} : memref<4x256xf32, #tpu.memory_space<vmem>>, vector<16xf32>,
      %get3A_1008 = arith.constant 3 : i32
      %get3A_1009 = arith.index_cast %get3A_1008 : i32 to index
      %get3A_1010 = arith.constant 64 : index
      %get3A_1011 = tpu.vector_load %arg12[%get3A_1009, %get3A_1010] {strides = array<i32>} : memref<4x256xf32, #tpu.memory_space<vmem>>, vector<16xf32>,
      %add3A_1012 = arith.addf %get3A_1007, %get3A_1011 : vector<16xf32>
      %swap3A_1013 = arith.constant 64 : index
      %swap3A_1014 = tpu.vector_load %arg16[%swap3A_1013] {strides = array<i32>} : memref<256xf32, #tpu.memory_space<vmem>>, vector<16xf32>,
      tpu.vector_store %arg16[%swap3A_1013], %add3A_1012 {strides = array<i32>} : memref<256xf32, #tpu.memory_space<vmem>>, vector<16xf32>,
      %get3A_1015 = arith.constant 2 : i32
      %get3A_1016 = arith.index_cast %get3A_1015 : i32 to index
      %get3A_1017 = arith.constant 80 : index
      %get3A_1018 = tpu.vector_load %arg12[%get3A_1016, %get3A_1017] {strides = array<i32>} : memref<4x256xf32, #tpu.memory_space<vmem>>, vector<16xf32>,
      %get3A_1019 = arith.constant 3 : i32
      %get3A_1020 = arith.index_cast %get3A_1019 : i32 to index
      %get3A_1021 = arith.constant 80 : index
      %get3A_1022 = tpu.vector_load %arg12[%get3A_1020, %get3A_1021] {strides = array<i32>} : memref<4x256xf32, #tpu.memory_space<vmem>>, vector<16xf32>,
      %add3A_1023 = arith.addf %get3A_1018, %get3A_1022 : vector<16xf32>
      %swap3A_1024 = arith.constant 80 : index
      %swap3A_1025 = tpu.vector_load %arg16[%swap3A_1024] {strides = array<i32>} : memref<256xf32, #tpu.memory_space<vmem>>, vector<16xf32>,
      tpu.vector_store %arg16[%swap3A_1024], %add3A_1023 {strides = array<i32>} : memref<256xf32, #tpu.memory_space<vmem>>, vector<16xf32>,
      %get3A_1026 = arith.constant 2 : i32
      %get3A_1027 = arith.index_cast %get3A_1026 : i32 to index
      %get3A_1028 = arith.constant 96 : index
      %get3A_1029 = tpu.vector_load %arg12[%get3A_1027, %get3A_1028] {strides = array<i32>} : memref<4x256xf32, #tpu.memory_space<vmem>>, vector<16xf32>,
      %get3A_1030 = arith.constant 3 : i32
      %get3A_1031 = arith.index_cast %get3A_1030 : i32 to index
      %get3A_1032 = arith.constant 96 : index
      %get3A_1033 = tpu.vector_load %arg12[%get3A_1031, %get3A_1032] {strides = array<i32>} : memref<4x256xf32, #tpu.memory_space<vmem>>, vector<16xf32>,
      %add3A_1034 = arith.addf %get3A_1029, %get3A_1033 : vector<16xf32>
      %swap3A_1035 = arith.constant 96 : index
      %swap3A_1036 = tpu.vector_load %arg16[%swap3A_1035] {strides = array<i32>} : memref<256xf32, #tpu.memory_space<vmem>>, vector<16xf32>,
      tpu.vector_store %arg16[%swap3A_1035], %add3A_1034 {strides = array<i32>} : memref<256xf32, #tpu.memory_space<vmem>>, vector<16xf32>,
      %get3A_1037 = arith.constant 2 : i32
      %get3A_1038 = arith.index_cast %get3A_1037 : i32 to index
      %get3A_1039 = arith.constant 112 : index
      %get3A_1040 = tpu.vector_load %arg12[%get3A_1038, %get3A_1039] {strides = array<i32>} : memref<4x256xf32, #tpu.memory_space<vmem>>, vector<16xf32>,
      %get3A_1041 = arith.constant 3 : i32
      %get3A_1042 = arith.index_cast %get3A_1041 : i32 to index
      %get3A_1043 = arith.constant 112 : index
      %get3A_1044 = tpu.vector_load %arg12[%get3A_1042, %get3A_1043] {strides = array<i32>} : memref<4x256xf32, #tpu.memory_space<vmem>>, vector<16xf32>,
      %add3A_1045 = arith.addf %get3A_1040, %get3A_1044 : vector<16xf32>
      %swap3A_1046 = arith.constant 112 : index
      %swap3A_1047 = tpu.vector_load %arg16[%swap3A_1046] {strides = array<i32>} : memref<256xf32, #tpu.memory_space<vmem>>, vector<16xf32>,
      tpu.vector_store %arg16[%swap3A_1046], %add3A_1045 {strides = array<i32>} : memref<256xf32, #tpu.memory_space<vmem>>, vector<16xf32>,
      %get3A_1048 = arith.constant 2 : i32
      %get3A_1049 = arith.index_cast %get3A_1048 : i32 to index
      %get3A_1050 = arith.constant 128 : index
      %get3A_1051 = tpu.vector_load %arg12[%get3A_1049, %get3A_1050] {strides = array<i32>} : memref<4x256xf32, #tpu.memory_space<vmem>>, vector<16xf32>,
      %get3A_1052 = arith.constant 3 : i32
      %get3A_1053 = arith.index_cast %get3A_1052 : i32 to index
      %get3A_1054 = arith.constant 128 : index
      %get3A_1055 = tpu.vector_load %arg12[%get3A_1053, %get3A_1054] {strides = array<i32>} : memref<4x256xf32, #tpu.memory_space<vmem>>, vector<16xf32>,
      %add3A_1056 = arith.addf %get3A_1051, %get3A_1055 : vector<16xf32>
      %swap3A_1057 = arith.constant 128 : index
      %swap3A_1058 = tpu.vector_load %arg16[%swap3A_1057] {strides = array<i32>} : memref<256xf32, #tpu.memory_space<vmem>>, vector<16xf32>,
      tpu.vector_store %arg16[%swap3A_1057], %add3A_1056 {strides = array<i32>} : memref<256xf32, #tpu.memory_space<vmem>>, vector<16xf32>,
      %get3A_1059 = arith.constant 2 : i32
      %get3A_1060 = arith.index_cast %get3A_1059 : i32 to index
      %get3A_1061 = arith.constant 144 : index
      %get3A_1062 = tpu.vector_load %arg12[%get3A_1060, %get3A_1061] {strides = array<i32>} : memref<4x256xf32, #tpu.memory_space<vmem>>, vector<16xf32>,
      %get3A_1063 = arith.constant 3 : i32
      %get3A_1064 = arith.index_cast %get3A_1063 : i32 to index
      %get3A_1065 = arith.constant 144 : index
      %get3A_1066 = tpu.vector_load %arg12[%get3A_1064, %get3A_1065] {strides = array<i32>} : memref<4x256xf32, #tpu.memory_space<vmem>>, vector<16xf32>,
      %add3A_1067 = arith.addf %get3A_1062, %get3A_1066 : vector<16xf32>
      %swap3A_1068 = arith.constant 144 : index
      %swap3A_1069 = tpu.vector_load %arg16[%swap3A_1068] {strides = array<i32>} : memref<256xf32, #tpu.memory_space<vmem>>, vector<16xf32>,
      tpu.vector_store %arg16[%swap3A_1068], %add3A_1067 {strides = array<i32>} : memref<256xf32, #tpu.memory_space<vmem>>, vector<16xf32>,
      %get3A_1070 = arith.constant 2 : i32
      %get3A_1071 = arith.index_cast %get3A_1070 : i32 to index
      %get3A_1072 = arith.constant 160 : index
      %get3A_1073 = tpu.vector_load %arg12[%get3A_1071, %get3A_1072] {strides = array<i32>} : memref<4x256xf32, #tpu.memory_space<vmem>>, vector<16xf32>,
      %get3A_1074 = arith.constant 3 : i32
      %get3A_1075 = arith.index_cast %get3A_1074 : i32 to index
      %get3A_1076 = arith.constant 160 : index
      %get3A_1077 = tpu.vector_load %arg12[%get3A_1075, %get3A_1076] {strides = array<i32>} : memref<4x256xf32, #tpu.memory_space<vmem>>, vector<16xf32>,
      %add3A_1078 = arith.addf %get3A_1073, %get3A_1077 : vector<16xf32>
      %swap3A_1079 = arith.constant 160 : index
      %swap3A_1080 = tpu.vector_load %arg16[%swap3A_1079] {strides = array<i32>} : memref<256xf32, #tpu.memory_space<vmem>>, vector<16xf32>,
      tpu.vector_store %arg16[%swap3A_1079], %add3A_1078 {strides = array<i32>} : memref<256xf32, #tpu.memory_space<vmem>>, vector<16xf32>,
      %get3A_1081 = arith.constant 2 : i32
      %get3A_1082 = arith.index_cast %get3A_1081 : i32 to index
      %get3A_1083 = arith.constant 176 : index
      %get3A_1084 = tpu.vector_load %arg12[%get3A_1082, %get3A_1083] {strides = array<i32>} : memref<4x256xf32, #tpu.memory_space<vmem>>, vector<16xf32>,
      %get3A_1085 = arith.constant 3 : i32
      %get3A_1086 = arith.index_cast %get3A_1085 : i32 to index
      %get3A_1087 = arith.constant 176 : index
      %get3A_1088 = tpu.vector_load %arg12[%get3A_1086, %get3A_1087] {strides = array<i32>} : memref<4x256xf32, #tpu.memory_space<vmem>>, vector<16xf32>,
      %add3A_1089 = arith.addf %get3A_1084, %get3A_1088 : vector<16xf32>
      %swap3A_1090 = arith.constant 176 : index
      %swap3A_1091 = tpu.vector_load %arg16[%swap3A_1090] {strides = array<i32>} : memref<256xf32, #tpu.memory_space<vmem>>, vector<16xf32>,
      tpu.vector_store %arg16[%swap3A_1090], %add3A_1089 {strides = array<i32>} : memref<256xf32, #tpu.memory_space<vmem>>, vector<16xf32>,
      %get3A_1092 = arith.constant 2 : i32
      %get3A_1093 = arith.index_cast %get3A_1092 : i32 to index
      %get3A_1094 = arith.constant 192 : index
      %get3A_1095 = tpu.vector_load %arg12[%get3A_1093, %get3A_1094] {strides = array<i32>} : memref<4x256xf32, #tpu.memory_space<vmem>>, vector<16xf32>,
      %get3A_1096 = arith.constant 3 : i32
      %get3A_1097 = arith.index_cast %get3A_1096 : i32 to index
      %get3A_1098 = arith.constant 192 : index
      %get3A_1099 = tpu.vector_load %arg12[%get3A_1097, %get3A_1098] {strides = array<i32>} : memref<4x256xf32, #tpu.memory_space<vmem>>, vector<16xf32>,
      %add3A_1100 = arith.addf %get3A_1095, %get3A_1099 : vector<16xf32>
      %swap3A_1101 = arith.constant 192 : index
      %swap3A_1102 = tpu.vector_load %arg16[%swap3A_1101] {strides = array<i32>} : memref<256xf32, #tpu.memory_space<vmem>>, vector<16xf32>,
      tpu.vector_store %arg16[%swap3A_1101], %add3A_1100 {strides = array<i32>} : memref<256xf32, #tpu.memory_space<vmem>>, vector<16xf32>,
      %get3A_1103 = arith.constant 2 : i32
      %get3A_1104 = arith.index_cast %get3A_1103 : i32 to index
      %get3A_1105 = arith.constant 208 : index
      %get3A_1106 = tpu.vector_load %arg12[%get3A_1104, %get3A_1105] {strides = array<i32>} : memref<4x256xf32, #tpu.memory_space<vmem>>, vector<16xf32>,
      %get3A_1107 = arith.constant 3 : i32
      %get3A_1108 = arith.index_cast %get3A_1107 : i32 to index
      %get3A_1109 = arith.constant 208 : index
      %get3A_1110 = tpu.vector_load %arg12[%get3A_1108, %get3A_1109] {strides = array<i32>} : memref<4x256xf32, #tpu.memory_space<vmem>>, vector<16xf32>,
      %add3A_1111 = arith.addf %get3A_1106, %get3A_1110 : vector<16xf32>
      %swap3A_1112 = arith.constant 208 : index
      %swap3A_1113 = tpu.vector_load %arg16[%swap3A_1112] {strides = array<i32>} : memref<256xf32, #tpu.memory_space<vmem>>, vector<16xf32>,
      tpu.vector_store %arg16[%swap3A_1112], %add3A_1111 {strides = array<i32>} : memref<256xf32, #tpu.memory_space<vmem>>, vector<16xf32>,
      %get3A_1114 = arith.constant 2 : i32
      %get3A_1115 = arith.index_cast %get3A_1114 : i32 to index
      %get3A_1116 = arith.constant 224 : index
      %get3A_1117 = tpu.vector_load %arg12[%get3A_1115, %get3A_1116] {strides = array<i32>} : memref<4x256xf32, #tpu.memory_space<vmem>>, vector<16xf32>,
      %get3A_1118 = arith.constant 3 : i32
      %get3A_1119 = arith.index_cast %get3A_1118 : i32 to index
      %get3A_1120 = arith.constant 224 : index
      %get3A_1121 = tpu.vector_load %arg12[%get3A_1119, %get3A_1120] {strides = array<i32>} : memref<4x256xf32, #tpu.memory_space<vmem>>, vector<16xf32>,
      %add3A_1122 = arith.addf %get3A_1117, %get3A_1121 : vector<16xf32>
      %swap3A_1123 = arith.constant 224 : index
      %swap3A_1124 = tpu.vector_load %arg16[%swap3A_1123] {strides = array<i32>} : memref<256xf32, #tpu.memory_space<vmem>>, vector<16xf32>,
      tpu.vector_store %arg16[%swap3A_1123], %add3A_1122 {strides = array<i32>} : memref<256xf32, #tpu.memory_space<vmem>>, vector<16xf32>,
      %get3A_1125 = arith.constant 2 : i32
      %get3A_1126 = arith.index_cast %get3A_1125 : i32 to index
      %get3A_1127 = arith.constant 240 : index
      %get3A_1128 = tpu.vector_load %arg12[%get3A_1126, %get3A_1127] {strides = array<i32>} : memref<4x256xf32, #tpu.memory_space<vmem>>, vector<16xf32>,
      %get3A_1129 = arith.constant 3 : i32
      %get3A_1130 = arith.index_cast %get3A_1129 : i32 to index
      %get3A_1131 = arith.constant 240 : index
      %get3A_1132 = tpu.vector_load %arg12[%get3A_1130, %get3A_1131] {strides = array<i32>} : memref<4x256xf32, #tpu.memory_space<vmem>>, vector<16xf32>,
      %add3A_1133 = arith.addf %get3A_1128, %get3A_1132 : vector<16xf32>
      %swap3A_1134 = arith.constant 240 : index
      %swap3A_1135 = tpu.vector_load %arg16[%swap3A_1134] {strides = array<i32>} : memref<256xf32, #tpu.memory_space<vmem>>, vector<16xf32>,
      tpu.vector_store %arg16[%swap3A_1134], %add3A_1133 {strides = array<i32>} : memref<256xf32, #tpu.memory_space<vmem>>, vector<16xf32>,
      %run_scoped3A = arith.constant 0 : i32
      "tpu.region"() ({
        %run_scoped3A_1136 = tpu.sem_alloc : memref<!tpu.dma_semaphore, #tpu.memory_space<semaphore_mem>>
        %dma_start3A_1137 = tpu.memref_reshape %arg9 : memref<16385x1x256xf32, #tpu.memory_space<hbm>> -> memref<16385x256xf32, #tpu.memory_space<hbm>>
        %dma_start3A_1138 = arith.constant 0 : i32
        %dma_start3A_1139 = tpu.memref_slice %dma_start3A_1137[%run_scoped3A, %dma_start3A_1138] : memref<16385x256xf32, #tpu.memory_space<hbm>> -> memref<1x256xf32, #tpu.memory_space<hbm>>
        %dma_start3A_1140 = tpu.memref_squeeze %dma_start3A_1139 : memref<1x256xf32, #tpu.memory_space<hbm>> -> memref<256xf32, #tpu.memory_space<hbm>>
        %dma_start3A_1141 = tpu.memref_reshape %arg9 : memref<16385x1x256xf32, #tpu.memory_space<hbm>> -> memref<16385x256xf32, #tpu.memory_space<hbm>>
        %dma_start3A_1142 = arith.constant 0 : i32
        %dma_start3A_1143 = tpu.memref_slice %dma_start3A_1141[%run_scoped3A, %dma_start3A_1142] : memref<16385x256xf32, #tpu.memory_space<hbm>> -> memref<1x256xf32, #tpu.memory_space<hbm>>
        %dma_start3A_1144 = tpu.memref_squeeze %dma_start3A_1143 : memref<1x256xf32, #tpu.memory_space<hbm>> -> memref<256xf32, #tpu.memory_space<hbm>>
        tpu.enqueue_dma source(%arg16 : memref<256xf32, #tpu.memory_space<vmem>>) target(%dma_start3A_1144 : memref<256xf32, #tpu.memory_space<hbm>>) target_semaphore(%run_scoped3A_1136 : memref<!tpu.dma_semaphore, #tpu.memory_space<semaphore_mem>>)
        %dma_wait3A_1145 = tpu.memref_reshape %arg9 : memref<16385x1x256xf32, #tpu.memory_space<hbm>> -> memref<16385x256xf32, #tpu.memory_space<hbm>>
        %dma_wait3A_1146 = arith.constant 0 : i32
        %dma_wait3A_1147 = tpu.memref_slice %dma_wait3A_1145[%run_scoped3A, %dma_wait3A_1146] : memref<16385x256xf32, #tpu.memory_space<hbm>> -> memref<1x256xf32, #tpu.memory_space<hbm>>
        %dma_wait3A_1148 = tpu.memref_squeeze %dma_wait3A_1147 : memref<1x256xf32, #tpu.memory_space<hbm>> -> memref<256xf32, #tpu.memory_space<hbm>>
        %dma_wait3A_1149 = tpu.memref_reshape %arg9 : memref<16385x1x256xf32, #tpu.memory_space<hbm>> -> memref<16385x256xf32, #tpu.memory_space<hbm>>
        %dma_wait3A_1150 = arith.constant 0 : i32
        %dma_wait3A_1151 = tpu.memref_slice %dma_wait3A_1149[%run_scoped3A, %dma_wait3A_1150] : memref<16385x256xf32, #tpu.memory_space<hbm>> -> memref<1x256xf32, #tpu.memory_space<hbm>>
        %dma_wait3A_1152 = tpu.memref_squeeze %dma_wait3A_1151 : memref<1x256xf32, #tpu.memory_space<hbm>> -> memref<256xf32, #tpu.memory_space<hbm>>
        tpu.wait_dma2 semaphore(%run_scoped3A_1136 : memref<!tpu.dma_semaphore, #tpu.memory_space<semaphore_mem>>) src(%arg16 : memref<256xf32, #tpu.memory_space<vmem>>) dst(%dma_wait3A_1152 : memref<256xf32, #tpu.memory_space<hbm>>)
        tpu.yield
      }) : () -> ()
    } else {
    }
    %dma_wait3A_72 = arith.constant 0 : i32
    %dma_wait3A_73 = tpu.memref_slice %arg10[%dma_wait3A_72] : memref<512xi32, #tpu.memory_space<vmem>> -> memref<128xi32, #tpu.memory_space<vmem>>
    %dma_wait3A_74 = arith.constant 0 : i32
    %dma_wait3A_75 = arith.constant 0 : i32
    %dma_wait3A_76 = tpu.memref_slice %arg2[%dma_wait3A_74, %dma_wait3A_75] : memref<100000x256xf32, #tpu.memory_space<hbm>> -> memref<100000x256xf32, #tpu.memory_space<hbm>>
    tpu.wait_indirect_dma semaphore(%arg17 : memref<!tpu.dma_semaphore, #tpu.memory_space<semaphore_mem>>) src(%dma_wait3A_76 : memref<100000x256xf32, #tpu.memory_space<hbm>>) dst(%arg13 : memref<128x256xf32, #tpu.memory_space<vmem>>)
    %dma_start3A_77 = arith.constant 128 : i32
    %dma_start3A_78 = tpu.memref_slice %arg10[%dma_start3A_77] : memref<512xi32, #tpu.memory_space<vmem>> -> memref<128xi32, #tpu.memory_space<vmem>>
    %dma_start3A_79 = arith.constant 0 : i32
    %dma_start3A_80 = arith.constant 0 : i32
    %dma_start3A_81 = tpu.memref_slice %arg2[%dma_start3A_79, %dma_start3A_80] : memref<100000x256xf32, #tpu.memory_space<hbm>> -> memref<100000x256xf32, #tpu.memory_space<hbm>>
    tpu.enqueue_indirect_dma source(%dma_start3A_81 : memref<100000x256xf32, #tpu.memory_space<hbm>>) target(%arg14 : memref<128x256xf32, #tpu.memory_space<vmem>>) offsets(%dma_start3A_78 : memref<128xi32, #tpu.memory_space<vmem>>) semaphore(%arg18 : memref<!tpu.dma_semaphore, #tpu.memory_space<semaphore_mem>>)
    %get3A = arith.constant 0 : i32
    %get3A_82 = arith.index_cast %get3A : i32 to index
    %get3A_83 = arith.constant 0 : index
    %get3A_84 = tpu.vector_load %arg12[%get3A_82, %get3A_83] {strides = array<i32>} : memref<4x256xf32, #tpu.memory_space<vmem>>, vector<16xf32>,
    %get3A_85 = arith.constant 0 : i32
    %get3A_86 = arith.index_cast %get3A_85 : i32 to index
    %get3A_87 = arith.constant 16 : index
    %get3A_88 = tpu.vector_load %arg12[%get3A_86, %get3A_87] {strides = array<i32>} : memref<4x256xf32, #tpu.memory_space<vmem>>, vector<16xf32>,
    %get3A_89 = arith.constant 0 : i32
    %get3A_90 = arith.index_cast %get3A_89 : i32 to index
    %get3A_91 = arith.constant 32 : index
    %get3A_92 = tpu.vector_load %arg12[%get3A_90, %get3A_91] {strides = array<i32>} : memref<4x256xf32, #tpu.memory_space<vmem>>, vector<16xf32>,
    %get3A_93 = arith.constant 0 : i32
    %get3A_94 = arith.index_cast %get3A_93 : i32 to index
    %get3A_95 = arith.constant 48 : index
    %get3A_96 = tpu.vector_load %arg12[%get3A_94, %get3A_95] {strides = array<i32>} : memref<4x256xf32, #tpu.memory_space<vmem>>, vector<16xf32>,
    %get3A_97 = arith.constant 0 : i32
    %get3A_98 = arith.index_cast %get3A_97 : i32 to index
    %get3A_99 = arith.constant 64 : index
    %get3A_100 = tpu.vector_load %arg12[%get3A_98, %get3A_99] {strides = array<i32>} : memref<4x256xf32, #tpu.memory_space<vmem>>, vector<16xf32>,
    %get3A_101 = arith.constant 0 : i32
    %get3A_102 = arith.index_cast %get3A_101 : i32 to index
    %get3A_103 = arith.constant 80 : index
    %get3A_104 = tpu.vector_load %arg12[%get3A_102, %get3A_103] {strides = array<i32>} : memref<4x256xf32, #tpu.memory_space<vmem>>, vector<16xf32>,
    %get3A_105 = arith.constant 0 : i32
    %get3A_106 = arith.index_cast %get3A_105 : i32 to index
    %get3A_107 = arith.constant 96 : index
    %get3A_108 = tpu.vector_load %arg12[%get3A_106, %get3A_107] {strides = array<i32>} : memref<4x256xf32, #tpu.memory_space<vmem>>, vector<16xf32>,
    %get3A_109 = arith.constant 0 : i32
    %get3A_110 = arith.index_cast %get3A_109 : i32 to index
    %get3A_111 = arith.constant 112 : index
    %get3A_112 = tpu.vector_load %arg12[%get3A_110, %get3A_111] {strides = array<i32>} : memref<4x256xf32, #tpu.memory_space<vmem>>, vector<16xf32>,
    %get3A_113 = arith.constant 1 : i32
    %get3A_114 = arith.index_cast %get3A_113 : i32 to index
    %get3A_115 = arith.constant 0 : index
    %get3A_116 = tpu.vector_load %arg12[%get3A_114, %get3A_115] {strides = array<i32>} : memref<4x256xf32, #tpu.memory_space<vmem>>, vector<16xf32>,
    %get3A_117 = arith.constant 1 : i32
    %get3A_118 = arith.index_cast %get3A_117 : i32 to index
    %get3A_119 = arith.constant 16 : index
    %get3A_120 = tpu.vector_load %arg12[%get3A_118, %get3A_119] {strides = array<i32>} : memref<4x256xf32, #tpu.memory_space<vmem>>, vector<16xf32>,
    %get3A_121 = arith.constant 1 : i32
    %get3A_122 = arith.index_cast %get3A_121 : i32 to index
    %get3A_123 = arith.constant 32 : index
    %get3A_124 = tpu.vector_load %arg12[%get3A_122, %get3A_123] {strides = array<i32>} : memref<4x256xf32, #tpu.memory_space<vmem>>, vector<16xf32>,
    %get3A_125 = arith.constant 1 : i32
    %get3A_126 = arith.index_cast %get3A_125 : i32 to index
    %get3A_127 = arith.constant 48 : index
    %get3A_128 = tpu.vector_load %arg12[%get3A_126, %get3A_127] {strides = array<i32>} : memref<4x256xf32, #tpu.memory_space<vmem>>, vector<16xf32>,
    %get3A_129 = arith.constant 1 : i32
    %get3A_130 = arith.index_cast %get3A_129 : i32 to index
    %get3A_131 = arith.constant 64 : index
    %get3A_132 = tpu.vector_load %arg12[%get3A_130, %get3A_131] {strides = array<i32>} : memref<4x256xf32, #tpu.memory_space<vmem>>, vector<16xf32>,
    %get3A_133 = arith.constant 1 : i32
    %get3A_134 = arith.index_cast %get3A_133 : i32 to index
    %get3A_135 = arith.constant 80 : index
    %get3A_136 = tpu.vector_load %arg12[%get3A_134, %get3A_135] {strides = array<i32>} : memref<4x256xf32, #tpu.memory_space<vmem>>, vector<16xf32>,
    %get3A_137 = arith.constant 1 : i32
    %get3A_138 = arith.index_cast %get3A_137 : i32 to index
    %get3A_139 = arith.constant 96 : index
    %get3A_140 = tpu.vector_load %arg12[%get3A_138, %get3A_139] {strides = array<i32>} : memref<4x256xf32, #tpu.memory_space<vmem>>, vector<16xf32>,
    %get3A_141 = arith.constant 1 : i32
    %get3A_142 = arith.index_cast %get3A_141 : i32 to index
    %get3A_143 = arith.constant 112 : index
    %get3A_144 = tpu.vector_load %arg12[%get3A_142, %get3A_143] {strides = array<i32>} : memref<4x256xf32, #tpu.memory_space<vmem>>, vector<16xf32>,
    %get3A_145 = arith.constant 2 : i32
    %get3A_146 = arith.index_cast %get3A_145 : i32 to index
    %get3A_147 = arith.constant 0 : index
    %get3A_148 = tpu.vector_load %arg12[%get3A_146, %get3A_147] {strides = array<i32>} : memref<4x256xf32, #tpu.memory_space<vmem>>, vector<16xf32>,
    %get3A_149 = arith.constant 2 : i32
    %get3A_150 = arith.index_cast %get3A_149 : i32 to index
    %get3A_151 = arith.constant 16 : index
    %get3A_152 = tpu.vector_load %arg12[%get3A_150, %get3A_151] {strides = array<i32>} : memref<4x256xf32, #tpu.memory_space<vmem>>, vector<16xf32>,
    %get3A_153 = arith.constant 2 : i32
    %get3A_154 = arith.index_cast %get3A_153 : i32 to index
    %get3A_155 = arith.constant 32 : index
    %get3A_156 = tpu.vector_load %arg12[%get3A_154, %get3A_155] {strides = array<i32>} : memref<4x256xf32, #tpu.memory_space<vmem>>, vector<16xf32>,
    %get3A_157 = arith.constant 2 : i32
    %get3A_158 = arith.index_cast %get3A_157 : i32 to index
    %get3A_159 = arith.constant 48 : index
    %get3A_160 = tpu.vector_load %arg12[%get3A_158, %get3A_159] {strides = array<i32>} : memref<4x256xf32, #tpu.memory_space<vmem>>, vector<16xf32>,
    %get3A_161 = arith.constant 2 : i32
    %get3A_162 = arith.index_cast %get3A_161 : i32 to index
    %get3A_163 = arith.constant 64 : index
    %get3A_164 = tpu.vector_load %arg12[%get3A_162, %get3A_163] {strides = array<i32>} : memref<4x256xf32, #tpu.memory_space<vmem>>, vector<16xf32>,
    %get3A_165 = arith.constant 2 : i32
    %get3A_166 = arith.index_cast %get3A_165 : i32 to index
    %get3A_167 = arith.constant 80 : index
    %get3A_168 = tpu.vector_load %arg12[%get3A_166, %get3A_167] {strides = array<i32>} : memref<4x256xf32, #tpu.memory_space<vmem>>, vector<16xf32>,
    %get3A_169 = arith.constant 2 : i32
    %get3A_170 = arith.index_cast %get3A_169 : i32 to index
    %get3A_171 = arith.constant 96 : index
    %get3A_172 = tpu.vector_load %arg12[%get3A_170, %get3A_171] {strides = array<i32>} : memref<4x256xf32, #tpu.memory_space<vmem>>, vector<16xf32>,
    %get3A_173 = arith.constant 2 : i32
    %get3A_174 = arith.index_cast %get3A_173 : i32 to index
    %get3A_175 = arith.constant 112 : index
    %get3A_176 = tpu.vector_load %arg12[%get3A_174, %get3A_175] {strides = array<i32>} : memref<4x256xf32, #tpu.memory_space<vmem>>, vector<16xf32>,
    %parallel_loop3A = arith.constant 0 : i32
    %parallel_loop3A_177 = arith.constant 128 : i32
    %parallel_loop3A_178 = arith.constant 1 : i32
    scf.for %parallel_loop3A_961 = %parallel_loop3A to %parallel_loop3A_177 step %parallel_loop3A_178  : i32 {
      %parallel_loop3A_962 = arith.constant 0 : i32
      %parallel_loop3A_963 = arith.addi %parallel_loop3A_962, %parallel_loop3A_961 : i32
      %parallel_loop3A_964 = vector.broadcast %parallel_loop3A_963 : i32 to vector<16xi32>
      %parallel_loop3A_965 = tpu.vector_load_idx %arg11[%parallel_loop3A_964] : memref<512xf32, #tpu.memory_space<vmem>>[vector<16xi32>], vector<16xf32>,
      %parallel_loop3A_966 = arith.mulf %parallel_loop3A_965, %get3A_84 : vector<16xf32>
      %parallel_loop3A_967 = arith.addf %parallel_loop3A_966, %get3A_116 : vector<16xf32>
      %parallel_loop3A_968 = arith.constant 0.000000e+00 : f32
      %parallel_loop3A_969 = vector.broadcast %parallel_loop3A_968 : f32 to vector<16xf32>
      %parallel_loop3A_970 = arith.maximumf %parallel_loop3A_967, %parallel_loop3A_969 : vector<16xf32>
      %parallel_loop3A_971 = arith.addf %parallel_loop3A_970, %get3A_148 : vector<16xf32>
      %parallel_loop3A_972 = arith.index_cast %parallel_loop3A_961 : i32 to index
      %parallel_loop3A_973 = arith.constant 0 : index
      %parallel_loop3A_974 = tpu.vector_load %arg13[%parallel_loop3A_972, %parallel_loop3A_973] {strides = array<i32>} : memref<128x256xf32, #tpu.memory_space<vmem>>, vector<16xf32>,
      %parallel_loop3A_975 = arith.addf %parallel_loop3A_974, %parallel_loop3A_971 : vector<16xf32>
      %parallel_loop3A_976 = arith.index_cast %parallel_loop3A_961 : i32 to index
      %parallel_loop3A_977 = arith.constant 0 : index
      %parallel_loop3A_978 = tpu.vector_load %arg13[%parallel_loop3A_976, %parallel_loop3A_977] {strides = array<i32>} : memref<128x256xf32, #tpu.memory_space<vmem>>, vector<16xf32>,
      tpu.vector_store %arg13[%parallel_loop3A_976, %parallel_loop3A_977], %parallel_loop3A_975 {strides = array<i32>} : memref<128x256xf32, #tpu.memory_space<vmem>>, vector<16xf32>,
      %parallel_loop3A_979 = arith.mulf %parallel_loop3A_965, %get3A_88 : vector<16xf32>
      %parallel_loop3A_980 = arith.addf %parallel_loop3A_979, %get3A_120 : vector<16xf32>
      %parallel_loop3A_981 = arith.constant 0.000000e+00 : f32
      %parallel_loop3A_982 = vector.broadcast %parallel_loop3A_981 : f32 to vector<16xf32>
      %parallel_loop3A_983 = arith.maximumf %parallel_loop3A_980, %parallel_loop3A_982 : vector<16xf32>
      %parallel_loop3A_984 = arith.addf %parallel_loop3A_983, %get3A_152 : vector<16xf32>
      %parallel_loop3A_985 = arith.index_cast %parallel_loop3A_961 : i32 to index
      %parallel_loop3A_986 = arith.constant 16 : index
      %parallel_loop3A_987 = tpu.vector_load %arg13[%parallel_loop3A_985, %parallel_loop3A_986] {strides = array<i32>} : memref<128x256xf32, #tpu.memory_space<vmem>>, vector<16xf32>,
      %parallel_loop3A_988 = arith.addf %parallel_loop3A_987, %parallel_loop3A_984 : vector<16xf32>
      %parallel_loop3A_989 = arith.index_cast %parallel_loop3A_961 : i32 to index
      %parallel_loop3A_990 = arith.constant 16 : index
      %parallel_loop3A_991 = tpu.vector_load %arg13[%parallel_loop3A_989, %parallel_loop3A_990] {strides = array<i32>} : memref<128x256xf32, #tpu.memory_space<vmem>>, vector<16xf32>,
      tpu.vector_store %arg13[%parallel_loop3A_989, %parallel_loop3A_990], %parallel_loop3A_988 {strides = array<i32>} : memref<128x256xf32, #tpu.memory_space<vmem>>, vector<16xf32>,
      %parallel_loop3A_992 = arith.mulf %parallel_loop3A_965, %get3A_92 : vector<16xf32>
      %parallel_loop3A_993 = arith.addf %parallel_loop3A_992, %get3A_124 : vector<16xf32>
      %parallel_loop3A_994 = arith.constant 0.000000e+00 : f32
      %parallel_loop3A_995 = vector.broadcast %parallel_loop3A_994 : f32 to vector<16xf32>
      %parallel_loop3A_996 = arith.maximumf %parallel_loop3A_993, %parallel_loop3A_995 : vector<16xf32>
      %parallel_loop3A_997 = arith.addf %parallel_loop3A_996, %get3A_156 : vector<16xf32>
      %parallel_loop3A_998 = arith.index_cast %parallel_loop3A_961 : i32 to index
      %parallel_loop3A_999 = arith.constant 32 : index
      %parallel_loop3A_1000 = tpu.vector_load %arg13[%parallel_loop3A_998, %parallel_loop3A_999] {strides = array<i32>} : memref<128x256xf32, #tpu.memory_space<vmem>>, vector<16xf32>,
      %parallel_loop3A_1001 = arith.addf %parallel_loop3A_1000, %parallel_loop3A_997 : vector<16xf32>
      %parallel_loop3A_1002 = arith.index_cast %parallel_loop3A_961 : i32 to index
      %parallel_loop3A_1003 = arith.constant 32 : index
      %parallel_loop3A_1004 = tpu.vector_load %arg13[%parallel_loop3A_1002, %parallel_loop3A_1003] {strides = array<i32>} : memref<128x256xf32, #tpu.memory_space<vmem>>, vector<16xf32>,
      tpu.vector_store %arg13[%parallel_loop3A_1002, %parallel_loop3A_1003], %parallel_loop3A_1001 {strides = array<i32>} : memref<128x256xf32, #tpu.memory_space<vmem>>, vector<16xf32>,
      %parallel_loop3A_1005 = arith.mulf %parallel_loop3A_965, %get3A_96 : vector<16xf32>
      %parallel_loop3A_1006 = arith.addf %parallel_loop3A_1005, %get3A_128 : vector<16xf32>
      %parallel_loop3A_1007 = arith.constant 0.000000e+00 : f32
      %parallel_loop3A_1008 = vector.broadcast %parallel_loop3A_1007 : f32 to vector<16xf32>
      %parallel_loop3A_1009 = arith.maximumf %parallel_loop3A_1006, %parallel_loop3A_1008 : vector<16xf32>
      %parallel_loop3A_1010 = arith.addf %parallel_loop3A_1009, %get3A_160 : vector<16xf32>
      %parallel_loop3A_1011 = arith.index_cast %parallel_loop3A_961 : i32 to index
      %parallel_loop3A_1012 = arith.constant 48 : index
      %parallel_loop3A_1013 = tpu.vector_load %arg13[%parallel_loop3A_1011, %parallel_loop3A_1012] {strides = array<i32>} : memref<128x256xf32, #tpu.memory_space<vmem>>, vector<16xf32>,
      %parallel_loop3A_1014 = arith.addf %parallel_loop3A_1013, %parallel_loop3A_1010 : vector<16xf32>
      %parallel_loop3A_1015 = arith.index_cast %parallel_loop3A_961 : i32 to index
      %parallel_loop3A_1016 = arith.constant 48 : index
      %parallel_loop3A_1017 = tpu.vector_load %arg13[%parallel_loop3A_1015, %parallel_loop3A_1016] {strides = array<i32>} : memref<128x256xf32, #tpu.memory_space<vmem>>, vector<16xf32>,
      tpu.vector_store %arg13[%parallel_loop3A_1015, %parallel_loop3A_1016], %parallel_loop3A_1014 {strides = array<i32>} : memref<128x256xf32, #tpu.memory_space<vmem>>, vector<16xf32>,
      %parallel_loop3A_1018 = arith.mulf %parallel_loop3A_965, %get3A_100 : vector<16xf32>
      %parallel_loop3A_1019 = arith.addf %parallel_loop3A_1018, %get3A_132 : vector<16xf32>
      %parallel_loop3A_1020 = arith.constant 0.000000e+00 : f32
      %parallel_loop3A_1021 = vector.broadcast %parallel_loop3A_1020 : f32 to vector<16xf32>
      %parallel_loop3A_1022 = arith.maximumf %parallel_loop3A_1019, %parallel_loop3A_1021 : vector<16xf32>
      %parallel_loop3A_1023 = arith.addf %parallel_loop3A_1022, %get3A_164 : vector<16xf32>
      %parallel_loop3A_1024 = arith.index_cast %parallel_loop3A_961 : i32 to index
      %parallel_loop3A_1025 = arith.constant 64 : index
      %parallel_loop3A_1026 = tpu.vector_load %arg13[%parallel_loop3A_1024, %parallel_loop3A_1025] {strides = array<i32>} : memref<128x256xf32, #tpu.memory_space<vmem>>, vector<16xf32>,
      %parallel_loop3A_1027 = arith.addf %parallel_loop3A_1026, %parallel_loop3A_1023 : vector<16xf32>
      %parallel_loop3A_1028 = arith.index_cast %parallel_loop3A_961 : i32 to index
      %parallel_loop3A_1029 = arith.constant 64 : index
      %parallel_loop3A_1030 = tpu.vector_load %arg13[%parallel_loop3A_1028, %parallel_loop3A_1029] {strides = array<i32>} : memref<128x256xf32, #tpu.memory_space<vmem>>, vector<16xf32>,
      tpu.vector_store %arg13[%parallel_loop3A_1028, %parallel_loop3A_1029], %parallel_loop3A_1027 {strides = array<i32>} : memref<128x256xf32, #tpu.memory_space<vmem>>, vector<16xf32>,
      %parallel_loop3A_1031 = arith.mulf %parallel_loop3A_965, %get3A_104 : vector<16xf32>
      %parallel_loop3A_1032 = arith.addf %parallel_loop3A_1031, %get3A_136 : vector<16xf32>
      %parallel_loop3A_1033 = arith.constant 0.000000e+00 : f32
      %parallel_loop3A_1034 = vector.broadcast %parallel_loop3A_1033 : f32 to vector<16xf32>
      %parallel_loop3A_1035 = arith.maximumf %parallel_loop3A_1032, %parallel_loop3A_1034 : vector<16xf32>
      %parallel_loop3A_1036 = arith.addf %parallel_loop3A_1035, %get3A_168 : vector<16xf32>
      %parallel_loop3A_1037 = arith.index_cast %parallel_loop3A_961 : i32 to index
      %parallel_loop3A_1038 = arith.constant 80 : index
      %parallel_loop3A_1039 = tpu.vector_load %arg13[%parallel_loop3A_1037, %parallel_loop3A_1038] {strides = array<i32>} : memref<128x256xf32, #tpu.memory_space<vmem>>, vector<16xf32>,
      %parallel_loop3A_1040 = arith.addf %parallel_loop3A_1039, %parallel_loop3A_1036 : vector<16xf32>
      %parallel_loop3A_1041 = arith.index_cast %parallel_loop3A_961 : i32 to index
      %parallel_loop3A_1042 = arith.constant 80 : index
      %parallel_loop3A_1043 = tpu.vector_load %arg13[%parallel_loop3A_1041, %parallel_loop3A_1042] {strides = array<i32>} : memref<128x256xf32, #tpu.memory_space<vmem>>, vector<16xf32>,
      tpu.vector_store %arg13[%parallel_loop3A_1041, %parallel_loop3A_1042], %parallel_loop3A_1040 {strides = array<i32>} : memref<128x256xf32, #tpu.memory_space<vmem>>, vector<16xf32>,
      %parallel_loop3A_1044 = arith.mulf %parallel_loop3A_965, %get3A_108 : vector<16xf32>
      %parallel_loop3A_1045 = arith.addf %parallel_loop3A_1044, %get3A_140 : vector<16xf32>
      %parallel_loop3A_1046 = arith.constant 0.000000e+00 : f32
      %parallel_loop3A_1047 = vector.broadcast %parallel_loop3A_1046 : f32 to vector<16xf32>
      %parallel_loop3A_1048 = arith.maximumf %parallel_loop3A_1045, %parallel_loop3A_1047 : vector<16xf32>
      %parallel_loop3A_1049 = arith.addf %parallel_loop3A_1048, %get3A_172 : vector<16xf32>
      %parallel_loop3A_1050 = arith.index_cast %parallel_loop3A_961 : i32 to index
      %parallel_loop3A_1051 = arith.constant 96 : index
      %parallel_loop3A_1052 = tpu.vector_load %arg13[%parallel_loop3A_1050, %parallel_loop3A_1051] {strides = array<i32>} : memref<128x256xf32, #tpu.memory_space<vmem>>, vector<16xf32>,
      %parallel_loop3A_1053 = arith.addf %parallel_loop3A_1052, %parallel_loop3A_1049 : vector<16xf32>
      %parallel_loop3A_1054 = arith.index_cast %parallel_loop3A_961 : i32 to index
      %parallel_loop3A_1055 = arith.constant 96 : index
      %parallel_loop3A_1056 = tpu.vector_load %arg13[%parallel_loop3A_1054, %parallel_loop3A_1055] {strides = array<i32>} : memref<128x256xf32, #tpu.memory_space<vmem>>, vector<16xf32>,
      tpu.vector_store %arg13[%parallel_loop3A_1054, %parallel_loop3A_1055], %parallel_loop3A_1053 {strides = array<i32>} : memref<128x256xf32, #tpu.memory_space<vmem>>, vector<16xf32>,
      %parallel_loop3A_1057 = arith.mulf %parallel_loop3A_965, %get3A_112 : vector<16xf32>
      %parallel_loop3A_1058 = arith.addf %parallel_loop3A_1057, %get3A_144 : vector<16xf32>
      %parallel_loop3A_1059 = arith.constant 0.000000e+00 : f32
      %parallel_loop3A_1060 = vector.broadcast %parallel_loop3A_1059 : f32 to vector<16xf32>
      %parallel_loop3A_1061 = arith.maximumf %parallel_loop3A_1058, %parallel_loop3A_1060 : vector<16xf32>
      %parallel_loop3A_1062 = arith.addf %parallel_loop3A_1061, %get3A_176 : vector<16xf32>
      %parallel_loop3A_1063 = arith.index_cast %parallel_loop3A_961 : i32 to index
      %parallel_loop3A_1064 = arith.constant 112 : index
      %parallel_loop3A_1065 = tpu.vector_load %arg13[%parallel_loop3A_1063, %parallel_loop3A_1064] {strides = array<i32>} : memref<128x256xf32, #tpu.memory_space<vmem>>, vector<16xf32>,
      %parallel_loop3A_1066 = arith.addf %parallel_loop3A_1065, %parallel_loop3A_1062 : vector<16xf32>
      %parallel_loop3A_1067 = arith.index_cast %parallel_loop3A_961 : i32 to index
      %parallel_loop3A_1068 = arith.constant 112 : index
      %parallel_loop3A_1069 = tpu.vector_load %arg13[%parallel_loop3A_1067, %parallel_loop3A_1068] {strides = array<i32>} : memref<128x256xf32, #tpu.memory_space<vmem>>, vector<16xf32>,
      tpu.vector_store %arg13[%parallel_loop3A_1067, %parallel_loop3A_1068], %parallel_loop3A_1066 {strides = array<i32>} : memref<128x256xf32, #tpu.memory_space<vmem>>, vector<16xf32>,
    } {sc.loop_unroll_factor = 3 : i64, sc.parallel_access}
    %get3A_179 = arith.constant 0 : i32
    %get3A_180 = arith.index_cast %get3A_179 : i32 to index
    %get3A_181 = arith.constant 128 : index
    %get3A_182 = tpu.vector_load %arg12[%get3A_180, %get3A_181] {strides = array<i32>} : memref<4x256xf32, #tpu.memory_space<vmem>>, vector<16xf32>,
    %get3A_183 = arith.constant 0 : i32
    %get3A_184 = arith.index_cast %get3A_183 : i32 to index
    %get3A_185 = arith.constant 144 : index
    %get3A_186 = tpu.vector_load %arg12[%get3A_184, %get3A_185] {strides = array<i32>} : memref<4x256xf32, #tpu.memory_space<vmem>>, vector<16xf32>,
    %get3A_187 = arith.constant 0 : i32
    %get3A_188 = arith.index_cast %get3A_187 : i32 to index
    %get3A_189 = arith.constant 160 : index
    %get3A_190 = tpu.vector_load %arg12[%get3A_188, %get3A_189] {strides = array<i32>} : memref<4x256xf32, #tpu.memory_space<vmem>>, vector<16xf32>,
    %get3A_191 = arith.constant 0 : i32
    %get3A_192 = arith.index_cast %get3A_191 : i32 to index
    %get3A_193 = arith.constant 176 : index
    %get3A_194 = tpu.vector_load %arg12[%get3A_192, %get3A_193] {strides = array<i32>} : memref<4x256xf32, #tpu.memory_space<vmem>>, vector<16xf32>,
    %get3A_195 = arith.constant 0 : i32
    %get3A_196 = arith.index_cast %get3A_195 : i32 to index
    %get3A_197 = arith.constant 192 : index
    %get3A_198 = tpu.vector_load %arg12[%get3A_196, %get3A_197] {strides = array<i32>} : memref<4x256xf32, #tpu.memory_space<vmem>>, vector<16xf32>,
    %get3A_199 = arith.constant 0 : i32
    %get3A_200 = arith.index_cast %get3A_199 : i32 to index
    %get3A_201 = arith.constant 208 : index
    %get3A_202 = tpu.vector_load %arg12[%get3A_200, %get3A_201] {strides = array<i32>} : memref<4x256xf32, #tpu.memory_space<vmem>>, vector<16xf32>,
    %get3A_203 = arith.constant 0 : i32
    %get3A_204 = arith.index_cast %get3A_203 : i32 to index
    %get3A_205 = arith.constant 224 : index
    %get3A_206 = tpu.vector_load %arg12[%get3A_204, %get3A_205] {strides = array<i32>} : memref<4x256xf32, #tpu.memory_space<vmem>>, vector<16xf32>,
    %get3A_207 = arith.constant 0 : i32
    %get3A_208 = arith.index_cast %get3A_207 : i32 to index
    %get3A_209 = arith.constant 240 : index
    %get3A_210 = tpu.vector_load %arg12[%get3A_208, %get3A_209] {strides = array<i32>} : memref<4x256xf32, #tpu.memory_space<vmem>>, vector<16xf32>,
    %get3A_211 = arith.constant 1 : i32
    %get3A_212 = arith.index_cast %get3A_211 : i32 to index
    %get3A_213 = arith.constant 128 : index
    %get3A_214 = tpu.vector_load %arg12[%get3A_212, %get3A_213] {strides = array<i32>} : memref<4x256xf32, #tpu.memory_space<vmem>>, vector<16xf32>,
    %get3A_215 = arith.constant 1 : i32
    %get3A_216 = arith.index_cast %get3A_215 : i32 to index
    %get3A_217 = arith.constant 144 : index
    %get3A_218 = tpu.vector_load %arg12[%get3A_216, %get3A_217] {strides = array<i32>} : memref<4x256xf32, #tpu.memory_space<vmem>>, vector<16xf32>,
    %get3A_219 = arith.constant 1 : i32
    %get3A_220 = arith.index_cast %get3A_219 : i32 to index
    %get3A_221 = arith.constant 160 : index
    %get3A_222 = tpu.vector_load %arg12[%get3A_220, %get3A_221] {strides = array<i32>} : memref<4x256xf32, #tpu.memory_space<vmem>>, vector<16xf32>,
    %get3A_223 = arith.constant 1 : i32
    %get3A_224 = arith.index_cast %get3A_223 : i32 to index
    %get3A_225 = arith.constant 176 : index
    %get3A_226 = tpu.vector_load %arg12[%get3A_224, %get3A_225] {strides = array<i32>} : memref<4x256xf32, #tpu.memory_space<vmem>>, vector<16xf32>,
    %get3A_227 = arith.constant 1 : i32
    %get3A_228 = arith.index_cast %get3A_227 : i32 to index
    %get3A_229 = arith.constant 192 : index
    %get3A_230 = tpu.vector_load %arg12[%get3A_228, %get3A_229] {strides = array<i32>} : memref<4x256xf32, #tpu.memory_space<vmem>>, vector<16xf32>,
    %get3A_231 = arith.constant 1 : i32
    %get3A_232 = arith.index_cast %get3A_231 : i32 to index
    %get3A_233 = arith.constant 208 : index
    %get3A_234 = tpu.vector_load %arg12[%get3A_232, %get3A_233] {strides = array<i32>} : memref<4x256xf32, #tpu.memory_space<vmem>>, vector<16xf32>,
    %get3A_235 = arith.constant 1 : i32
    %get3A_236 = arith.index_cast %get3A_235 : i32 to index
    %get3A_237 = arith.constant 224 : index
    %get3A_238 = tpu.vector_load %arg12[%get3A_236, %get3A_237] {strides = array<i32>} : memref<4x256xf32, #tpu.memory_space<vmem>>, vector<16xf32>,
    %get3A_239 = arith.constant 1 : i32
    %get3A_240 = arith.index_cast %get3A_239 : i32 to index
    %get3A_241 = arith.constant 240 : index
    %get3A_242 = tpu.vector_load %arg12[%get3A_240, %get3A_241] {strides = array<i32>} : memref<4x256xf32, #tpu.memory_space<vmem>>, vector<16xf32>,
    %get3A_243 = arith.constant 2 : i32
    %get3A_244 = arith.index_cast %get3A_243 : i32 to index
    %get3A_245 = arith.constant 128 : index
    %get3A_246 = tpu.vector_load %arg12[%get3A_244, %get3A_245] {strides = array<i32>} : memref<4x256xf32, #tpu.memory_space<vmem>>, vector<16xf32>,
    %get3A_247 = arith.constant 2 : i32
    %get3A_248 = arith.index_cast %get3A_247 : i32 to index
    %get3A_249 = arith.constant 144 : index
    %get3A_250 = tpu.vector_load %arg12[%get3A_248, %get3A_249] {strides = array<i32>} : memref<4x256xf32, #tpu.memory_space<vmem>>, vector<16xf32>,
    %get3A_251 = arith.constant 2 : i32
    %get3A_252 = arith.index_cast %get3A_251 : i32 to index
    %get3A_253 = arith.constant 160 : index
    %get3A_254 = tpu.vector_load %arg12[%get3A_252, %get3A_253] {strides = array<i32>} : memref<4x256xf32, #tpu.memory_space<vmem>>, vector<16xf32>,
    %get3A_255 = arith.constant 2 : i32
    %get3A_256 = arith.index_cast %get3A_255 : i32 to index
    %get3A_257 = arith.constant 176 : index
    %get3A_258 = tpu.vector_load %arg12[%get3A_256, %get3A_257] {strides = array<i32>} : memref<4x256xf32, #tpu.memory_space<vmem>>, vector<16xf32>,
    %get3A_259 = arith.constant 2 : i32
    %get3A_260 = arith.index_cast %get3A_259 : i32 to index
    %get3A_261 = arith.constant 192 : index
    %get3A_262 = tpu.vector_load %arg12[%get3A_260, %get3A_261] {strides = array<i32>} : memref<4x256xf32, #tpu.memory_space<vmem>>, vector<16xf32>,
    %get3A_263 = arith.constant 2 : i32
    %get3A_264 = arith.index_cast %get3A_263 : i32 to index
    %get3A_265 = arith.constant 208 : index
    %get3A_266 = tpu.vector_load %arg12[%get3A_264, %get3A_265] {strides = array<i32>} : memref<4x256xf32, #tpu.memory_space<vmem>>, vector<16xf32>,
    %get3A_267 = arith.constant 2 : i32
    %get3A_268 = arith.index_cast %get3A_267 : i32 to index
    %get3A_269 = arith.constant 224 : index
    %get3A_270 = tpu.vector_load %arg12[%get3A_268, %get3A_269] {strides = array<i32>} : memref<4x256xf32, #tpu.memory_space<vmem>>, vector<16xf32>,
    %get3A_271 = arith.constant 2 : i32
    %get3A_272 = arith.index_cast %get3A_271 : i32 to index
    %get3A_273 = arith.constant 240 : index
    %get3A_274 = tpu.vector_load %arg12[%get3A_272, %get3A_273] {strides = array<i32>} : memref<4x256xf32, #tpu.memory_space<vmem>>, vector<16xf32>,
    %parallel_loop3A_275 = arith.constant 0 : i32
    %parallel_loop3A_276 = arith.constant 128 : i32
    %parallel_loop3A_277 = arith.constant 1 : i32
    scf.for %parallel_loop3A_961 = %parallel_loop3A_275 to %parallel_loop3A_276 step %parallel_loop3A_277  : i32 {
      %parallel_loop3A_962 = arith.constant 0 : i32
      %parallel_loop3A_963 = arith.addi %parallel_loop3A_962, %parallel_loop3A_961 : i32
      %parallel_loop3A_964 = vector.broadcast %parallel_loop3A_963 : i32 to vector<16xi32>
      %parallel_loop3A_965 = tpu.vector_load_idx %arg11[%parallel_loop3A_964] : memref<512xf32, #tpu.memory_space<vmem>>[vector<16xi32>], vector<16xf32>,
      %parallel_loop3A_966 = arith.mulf %parallel_loop3A_965, %get3A_182 : vector<16xf32>
      %parallel_loop3A_967 = arith.addf %parallel_loop3A_966, %get3A_214 : vector<16xf32>
      %parallel_loop3A_968 = arith.constant 0.000000e+00 : f32
      %parallel_loop3A_969 = vector.broadcast %parallel_loop3A_968 : f32 to vector<16xf32>
      %parallel_loop3A_970 = arith.maximumf %parallel_loop3A_967, %parallel_loop3A_969 : vector<16xf32>
      %parallel_loop3A_971 = arith.addf %parallel_loop3A_970, %get3A_246 : vector<16xf32>
      %parallel_loop3A_972 = arith.index_cast %parallel_loop3A_961 : i32 to index
      %parallel_loop3A_973 = arith.constant 128 : index
      %parallel_loop3A_974 = tpu.vector_load %arg13[%parallel_loop3A_972, %parallel_loop3A_973] {strides = array<i32>} : memref<128x256xf32, #tpu.memory_space<vmem>>, vector<16xf32>,
      %parallel_loop3A_975 = arith.addf %parallel_loop3A_974, %parallel_loop3A_971 : vector<16xf32>
      %parallel_loop3A_976 = arith.index_cast %parallel_loop3A_961 : i32 to index
      %parallel_loop3A_977 = arith.constant 128 : index
      %parallel_loop3A_978 = tpu.vector_load %arg13[%parallel_loop3A_976, %parallel_loop3A_977] {strides = array<i32>} : memref<128x256xf32, #tpu.memory_space<vmem>>, vector<16xf32>,
      tpu.vector_store %arg13[%parallel_loop3A_976, %parallel_loop3A_977], %parallel_loop3A_975 {strides = array<i32>} : memref<128x256xf32, #tpu.memory_space<vmem>>, vector<16xf32>,
      %parallel_loop3A_979 = arith.mulf %parallel_loop3A_965, %get3A_186 : vector<16xf32>
      %parallel_loop3A_980 = arith.addf %parallel_loop3A_979, %get3A_218 : vector<16xf32>
      %parallel_loop3A_981 = arith.constant 0.000000e+00 : f32
      %parallel_loop3A_982 = vector.broadcast %parallel_loop3A_981 : f32 to vector<16xf32>
      %parallel_loop3A_983 = arith.maximumf %parallel_loop3A_980, %parallel_loop3A_982 : vector<16xf32>
      %parallel_loop3A_984 = arith.addf %parallel_loop3A_983, %get3A_250 : vector<16xf32>
      %parallel_loop3A_985 = arith.index_cast %parallel_loop3A_961 : i32 to index
      %parallel_loop3A_986 = arith.constant 144 : index
      %parallel_loop3A_987 = tpu.vector_load %arg13[%parallel_loop3A_985, %parallel_loop3A_986] {strides = array<i32>} : memref<128x256xf32, #tpu.memory_space<vmem>>, vector<16xf32>,
      %parallel_loop3A_988 = arith.addf %parallel_loop3A_987, %parallel_loop3A_984 : vector<16xf32>
      %parallel_loop3A_989 = arith.index_cast %parallel_loop3A_961 : i32 to index
      %parallel_loop3A_990 = arith.constant 144 : index
      %parallel_loop3A_991 = tpu.vector_load %arg13[%parallel_loop3A_989, %parallel_loop3A_990] {strides = array<i32>} : memref<128x256xf32, #tpu.memory_space<vmem>>, vector<16xf32>,
      tpu.vector_store %arg13[%parallel_loop3A_989, %parallel_loop3A_990], %parallel_loop3A_988 {strides = array<i32>} : memref<128x256xf32, #tpu.memory_space<vmem>>, vector<16xf32>,
      %parallel_loop3A_992 = arith.mulf %parallel_loop3A_965, %get3A_190 : vector<16xf32>
      %parallel_loop3A_993 = arith.addf %parallel_loop3A_992, %get3A_222 : vector<16xf32>
      %parallel_loop3A_994 = arith.constant 0.000000e+00 : f32
      %parallel_loop3A_995 = vector.broadcast %parallel_loop3A_994 : f32 to vector<16xf32>
      %parallel_loop3A_996 = arith.maximumf %parallel_loop3A_993, %parallel_loop3A_995 : vector<16xf32>
      %parallel_loop3A_997 = arith.addf %parallel_loop3A_996, %get3A_254 : vector<16xf32>
      %parallel_loop3A_998 = arith.index_cast %parallel_loop3A_961 : i32 to index
      %parallel_loop3A_999 = arith.constant 160 : index
      %parallel_loop3A_1000 = tpu.vector_load %arg13[%parallel_loop3A_998, %parallel_loop3A_999] {strides = array<i32>} : memref<128x256xf32, #tpu.memory_space<vmem>>, vector<16xf32>,
      %parallel_loop3A_1001 = arith.addf %parallel_loop3A_1000, %parallel_loop3A_997 : vector<16xf32>
      %parallel_loop3A_1002 = arith.index_cast %parallel_loop3A_961 : i32 to index
      %parallel_loop3A_1003 = arith.constant 160 : index
      %parallel_loop3A_1004 = tpu.vector_load %arg13[%parallel_loop3A_1002, %parallel_loop3A_1003] {strides = array<i32>} : memref<128x256xf32, #tpu.memory_space<vmem>>, vector<16xf32>,
      tpu.vector_store %arg13[%parallel_loop3A_1002, %parallel_loop3A_1003], %parallel_loop3A_1001 {strides = array<i32>} : memref<128x256xf32, #tpu.memory_space<vmem>>, vector<16xf32>,
      %parallel_loop3A_1005 = arith.mulf %parallel_loop3A_965, %get3A_194 : vector<16xf32>
      %parallel_loop3A_1006 = arith.addf %parallel_loop3A_1005, %get3A_226 : vector<16xf32>
      %parallel_loop3A_1007 = arith.constant 0.000000e+00 : f32
      %parallel_loop3A_1008 = vector.broadcast %parallel_loop3A_1007 : f32 to vector<16xf32>
      %parallel_loop3A_1009 = arith.maximumf %parallel_loop3A_1006, %parallel_loop3A_1008 : vector<16xf32>
      %parallel_loop3A_1010 = arith.addf %parallel_loop3A_1009, %get3A_258 : vector<16xf32>
      %parallel_loop3A_1011 = arith.index_cast %parallel_loop3A_961 : i32 to index
      %parallel_loop3A_1012 = arith.constant 176 : index
      %parallel_loop3A_1013 = tpu.vector_load %arg13[%parallel_loop3A_1011, %parallel_loop3A_1012] {strides = array<i32>} : memref<128x256xf32, #tpu.memory_space<vmem>>, vector<16xf32>,
      %parallel_loop3A_1014 = arith.addf %parallel_loop3A_1013, %parallel_loop3A_1010 : vector<16xf32>
      %parallel_loop3A_1015 = arith.index_cast %parallel_loop3A_961 : i32 to index
      %parallel_loop3A_1016 = arith.constant 176 : index
      %parallel_loop3A_1017 = tpu.vector_load %arg13[%parallel_loop3A_1015, %parallel_loop3A_1016] {strides = array<i32>} : memref<128x256xf32, #tpu.memory_space<vmem>>, vector<16xf32>,
      tpu.vector_store %arg13[%parallel_loop3A_1015, %parallel_loop3A_1016], %parallel_loop3A_1014 {strides = array<i32>} : memref<128x256xf32, #tpu.memory_space<vmem>>, vector<16xf32>,
      %parallel_loop3A_1018 = arith.mulf %parallel_loop3A_965, %get3A_198 : vector<16xf32>
      %parallel_loop3A_1019 = arith.addf %parallel_loop3A_1018, %get3A_230 : vector<16xf32>
      %parallel_loop3A_1020 = arith.constant 0.000000e+00 : f32
      %parallel_loop3A_1021 = vector.broadcast %parallel_loop3A_1020 : f32 to vector<16xf32>
      %parallel_loop3A_1022 = arith.maximumf %parallel_loop3A_1019, %parallel_loop3A_1021 : vector<16xf32>
      %parallel_loop3A_1023 = arith.addf %parallel_loop3A_1022, %get3A_262 : vector<16xf32>
      %parallel_loop3A_1024 = arith.index_cast %parallel_loop3A_961 : i32 to index
      %parallel_loop3A_1025 = arith.constant 192 : index
      %parallel_loop3A_1026 = tpu.vector_load %arg13[%parallel_loop3A_1024, %parallel_loop3A_1025] {strides = array<i32>} : memref<128x256xf32, #tpu.memory_space<vmem>>, vector<16xf32>,
      %parallel_loop3A_1027 = arith.addf %parallel_loop3A_1026, %parallel_loop3A_1023 : vector<16xf32>
      %parallel_loop3A_1028 = arith.index_cast %parallel_loop3A_961 : i32 to index
      %parallel_loop3A_1029 = arith.constant 192 : index
      %parallel_loop3A_1030 = tpu.vector_load %arg13[%parallel_loop3A_1028, %parallel_loop3A_1029] {strides = array<i32>} : memref<128x256xf32, #tpu.memory_space<vmem>>, vector<16xf32>,
      tpu.vector_store %arg13[%parallel_loop3A_1028, %parallel_loop3A_1029], %parallel_loop3A_1027 {strides = array<i32>} : memref<128x256xf32, #tpu.memory_space<vmem>>, vector<16xf32>,
      %parallel_loop3A_1031 = arith.mulf %parallel_loop3A_965, %get3A_202 : vector<16xf32>
      %parallel_loop3A_1032 = arith.addf %parallel_loop3A_1031, %get3A_234 : vector<16xf32>
      %parallel_loop3A_1033 = arith.constant 0.000000e+00 : f32
      %parallel_loop3A_1034 = vector.broadcast %parallel_loop3A_1033 : f32 to vector<16xf32>
      %parallel_loop3A_1035 = arith.maximumf %parallel_loop3A_1032, %parallel_loop3A_1034 : vector<16xf32>
      %parallel_loop3A_1036 = arith.addf %parallel_loop3A_1035, %get3A_266 : vector<16xf32>
      %parallel_loop3A_1037 = arith.index_cast %parallel_loop3A_961 : i32 to index
      %parallel_loop3A_1038 = arith.constant 208 : index
      %parallel_loop3A_1039 = tpu.vector_load %arg13[%parallel_loop3A_1037, %parallel_loop3A_1038] {strides = array<i32>} : memref<128x256xf32, #tpu.memory_space<vmem>>, vector<16xf32>,
      %parallel_loop3A_1040 = arith.addf %parallel_loop3A_1039, %parallel_loop3A_1036 : vector<16xf32>
      %parallel_loop3A_1041 = arith.index_cast %parallel_loop3A_961 : i32 to index
      %parallel_loop3A_1042 = arith.constant 208 : index
      %parallel_loop3A_1043 = tpu.vector_load %arg13[%parallel_loop3A_1041, %parallel_loop3A_1042] {strides = array<i32>} : memref<128x256xf32, #tpu.memory_space<vmem>>, vector<16xf32>,
      tpu.vector_store %arg13[%parallel_loop3A_1041, %parallel_loop3A_1042], %parallel_loop3A_1040 {strides = array<i32>} : memref<128x256xf32, #tpu.memory_space<vmem>>, vector<16xf32>,
      %parallel_loop3A_1044 = arith.mulf %parallel_loop3A_965, %get3A_206 : vector<16xf32>
      %parallel_loop3A_1045 = arith.addf %parallel_loop3A_1044, %get3A_238 : vector<16xf32>
      %parallel_loop3A_1046 = arith.constant 0.000000e+00 : f32
      %parallel_loop3A_1047 = vector.broadcast %parallel_loop3A_1046 : f32 to vector<16xf32>
      %parallel_loop3A_1048 = arith.maximumf %parallel_loop3A_1045, %parallel_loop3A_1047 : vector<16xf32>
      %parallel_loop3A_1049 = arith.addf %parallel_loop3A_1048, %get3A_270 : vector<16xf32>
      %parallel_loop3A_1050 = arith.index_cast %parallel_loop3A_961 : i32 to index
      %parallel_loop3A_1051 = arith.constant 224 : index
      %parallel_loop3A_1052 = tpu.vector_load %arg13[%parallel_loop3A_1050, %parallel_loop3A_1051] {strides = array<i32>} : memref<128x256xf32, #tpu.memory_space<vmem>>, vector<16xf32>,
      %parallel_loop3A_1053 = arith.addf %parallel_loop3A_1052, %parallel_loop3A_1049 : vector<16xf32>
      %parallel_loop3A_1054 = arith.index_cast %parallel_loop3A_961 : i32 to index
      %parallel_loop3A_1055 = arith.constant 224 : index
      %parallel_loop3A_1056 = tpu.vector_load %arg13[%parallel_loop3A_1054, %parallel_loop3A_1055] {strides = array<i32>} : memref<128x256xf32, #tpu.memory_space<vmem>>, vector<16xf32>,
      tpu.vector_store %arg13[%parallel_loop3A_1054, %parallel_loop3A_1055], %parallel_loop3A_1053 {strides = array<i32>} : memref<128x256xf32, #tpu.memory_space<vmem>>, vector<16xf32>,
      %parallel_loop3A_1057 = arith.mulf %parallel_loop3A_965, %get3A_210 : vector<16xf32>
      %parallel_loop3A_1058 = arith.addf %parallel_loop3A_1057, %get3A_242 : vector<16xf32>
      %parallel_loop3A_1059 = arith.constant 0.000000e+00 : f32
      %parallel_loop3A_1060 = vector.broadcast %parallel_loop3A_1059 : f32 to vector<16xf32>
      %parallel_loop3A_1061 = arith.maximumf %parallel_loop3A_1058, %parallel_loop3A_1060 : vector<16xf32>
      %parallel_loop3A_1062 = arith.addf %parallel_loop3A_1061, %get3A_274 : vector<16xf32>
      %parallel_loop3A_1063 = arith.index_cast %parallel_loop3A_961 : i32 to index
      %parallel_loop3A_1064 = arith.constant 240 : index
      %parallel_loop3A_1065 = tpu.vector_load %arg13[%parallel_loop3A_1063, %parallel_loop3A_1064] {strides = array<i32>} : memref<128x256xf32, #tpu.memory_space<vmem>>, vector<16xf32>,
      %parallel_loop3A_1066 = arith.addf %parallel_loop3A_1065, %parallel_loop3A_1062 : vector<16xf32>
      %parallel_loop3A_1067 = arith.index_cast %parallel_loop3A_961 : i32 to index
      %parallel_loop3A_1068 = arith.constant 240 : index
      %parallel_loop3A_1069 = tpu.vector_load %arg13[%parallel_loop3A_1067, %parallel_loop3A_1068] {strides = array<i32>} : memref<128x256xf32, #tpu.memory_space<vmem>>, vector<16xf32>,
      tpu.vector_store %arg13[%parallel_loop3A_1067, %parallel_loop3A_1068], %parallel_loop3A_1066 {strides = array<i32>} : memref<128x256xf32, #tpu.memory_space<vmem>>, vector<16xf32>,
    } {sc.loop_unroll_factor = 3 : i64, sc.parallel_access}
    %add3A_278 = arith.constant 1 : i32
    %add3A_279 = arith.addi %add3A_278, %multiple_of3A : i32
    %add3A_280 = arith.constant 0 : i32
    %add3A_281 = arith.addi %add3A_279, %add3A_280 : i32
    %dma_start3A_282 = tpu.memref_reshape %arg9 : memref<16385x1x256xf32, #tpu.memory_space<hbm>> -> memref<16385x256xf32, #tpu.memory_space<hbm>>
    %dma_start3A_283 = arith.constant 0 : i32
    %dma_start3A_284 = tpu.memref_slice %dma_start3A_282[%add3A_281, %dma_start3A_283] : memref<16385x256xf32, #tpu.memory_space<hbm>> -> memref<128x256xf32, #tpu.memory_space<hbm>>
    %dma_start3A_285 = tpu.memref_reshape %arg9 : memref<16385x1x256xf32, #tpu.memory_space<hbm>> -> memref<16385x256xf32, #tpu.memory_space<hbm>>
    %dma_start3A_286 = arith.constant 0 : i32
    %dma_start3A_287 = tpu.memref_slice %dma_start3A_285[%add3A_281, %dma_start3A_286] : memref<16385x256xf32, #tpu.memory_space<hbm>> -> memref<128x256xf32, #tpu.memory_space<hbm>>
    tpu.enqueue_dma source(%arg13 : memref<128x256xf32, #tpu.memory_space<vmem>>) target(%dma_start3A_287 : memref<128x256xf32, #tpu.memory_space<hbm>>) target_semaphore(%arg20 : memref<!tpu.dma_semaphore, #tpu.memory_space<semaphore_mem>>)
    %dma_wait3A_288 = arith.constant 128 : i32
    %dma_wait3A_289 = tpu.memref_slice %arg10[%dma_wait3A_288] : memref<512xi32, #tpu.memory_space<vmem>> -> memref<128xi32, #tpu.memory_space<vmem>>
    %dma_wait3A_290 = arith.constant 0 : i32
    %dma_wait3A_291 = arith.constant 0 : i32
    %dma_wait3A_292 = tpu.memref_slice %arg2[%dma_wait3A_290, %dma_wait3A_291] : memref<100000x256xf32, #tpu.memory_space<hbm>> -> memref<100000x256xf32, #tpu.memory_space<hbm>>
    tpu.wait_indirect_dma semaphore(%arg18 : memref<!tpu.dma_semaphore, #tpu.memory_space<semaphore_mem>>) src(%dma_wait3A_292 : memref<100000x256xf32, #tpu.memory_space<hbm>>) dst(%arg14 : memref<128x256xf32, #tpu.memory_space<vmem>>)
    %dma_start3A_293 = arith.constant 256 : i32
    %dma_start3A_294 = tpu.memref_slice %arg10[%dma_start3A_293] : memref<512xi32, #tpu.memory_space<vmem>> -> memref<128xi32, #tpu.memory_space<vmem>>
    %dma_start3A_295 = arith.constant 0 : i32
    %dma_start3A_296 = arith.constant 0 : i32
    %dma_start3A_297 = tpu.memref_slice %arg2[%dma_start3A_295, %dma_start3A_296] : memref<100000x256xf32, #tpu.memory_space<hbm>> -> memref<100000x256xf32, #tpu.memory_space<hbm>>
    tpu.enqueue_indirect_dma source(%dma_start3A_297 : memref<100000x256xf32, #tpu.memory_space<hbm>>) target(%arg15 : memref<128x256xf32, #tpu.memory_space<vmem>>) offsets(%dma_start3A_294 : memref<128xi32, #tpu.memory_space<vmem>>) semaphore(%arg19 : memref<!tpu.dma_semaphore, #tpu.memory_space<semaphore_mem>>)
    %get3A_298 = arith.constant 0 : i32
    %get3A_299 = arith.index_cast %get3A_298 : i32 to index
    %get3A_300 = arith.constant 0 : index
    %get3A_301 = tpu.vector_load %arg12[%get3A_299, %get3A_300] {strides = array<i32>} : memref<4x256xf32, #tpu.memory_space<vmem>>, vector<16xf32>,
    %get3A_302 = arith.constant 0 : i32
    %get3A_303 = arith.index_cast %get3A_302 : i32 to index
    %get3A_304 = arith.constant 16 : index
    %get3A_305 = tpu.vector_load %arg12[%get3A_303, %get3A_304] {strides = array<i32>} : memref<4x256xf32, #tpu.memory_space<vmem>>, vector<16xf32>,
    %get3A_306 = arith.constant 0 : i32
    %get3A_307 = arith.index_cast %get3A_306 : i32 to index
    %get3A_308 = arith.constant 32 : index
    %get3A_309 = tpu.vector_load %arg12[%get3A_307, %get3A_308] {strides = array<i32>} : memref<4x256xf32, #tpu.memory_space<vmem>>, vector<16xf32>,
    %get3A_310 = arith.constant 0 : i32
    %get3A_311 = arith.index_cast %get3A_310 : i32 to index
    %get3A_312 = arith.constant 48 : index
    %get3A_313 = tpu.vector_load %arg12[%get3A_311, %get3A_312] {strides = array<i32>} : memref<4x256xf32, #tpu.memory_space<vmem>>, vector<16xf32>,
    %get3A_314 = arith.constant 0 : i32
    %get3A_315 = arith.index_cast %get3A_314 : i32 to index
    %get3A_316 = arith.constant 64 : index
    %get3A_317 = tpu.vector_load %arg12[%get3A_315, %get3A_316] {strides = array<i32>} : memref<4x256xf32, #tpu.memory_space<vmem>>, vector<16xf32>,
    %get3A_318 = arith.constant 0 : i32
    %get3A_319 = arith.index_cast %get3A_318 : i32 to index
    %get3A_320 = arith.constant 80 : index
    %get3A_321 = tpu.vector_load %arg12[%get3A_319, %get3A_320] {strides = array<i32>} : memref<4x256xf32, #tpu.memory_space<vmem>>, vector<16xf32>,
    %get3A_322 = arith.constant 0 : i32
    %get3A_323 = arith.index_cast %get3A_322 : i32 to index
    %get3A_324 = arith.constant 96 : index
    %get3A_325 = tpu.vector_load %arg12[%get3A_323, %get3A_324] {strides = array<i32>} : memref<4x256xf32, #tpu.memory_space<vmem>>, vector<16xf32>,
    %get3A_326 = arith.constant 0 : i32
    %get3A_327 = arith.index_cast %get3A_326 : i32 to index
    %get3A_328 = arith.constant 112 : index
    %get3A_329 = tpu.vector_load %arg12[%get3A_327, %get3A_328] {strides = array<i32>} : memref<4x256xf32, #tpu.memory_space<vmem>>, vector<16xf32>,
    %get3A_330 = arith.constant 1 : i32
    %get3A_331 = arith.index_cast %get3A_330 : i32 to index
    %get3A_332 = arith.constant 0 : index
    %get3A_333 = tpu.vector_load %arg12[%get3A_331, %get3A_332] {strides = array<i32>} : memref<4x256xf32, #tpu.memory_space<vmem>>, vector<16xf32>,
    %get3A_334 = arith.constant 1 : i32
    %get3A_335 = arith.index_cast %get3A_334 : i32 to index
    %get3A_336 = arith.constant 16 : index
    %get3A_337 = tpu.vector_load %arg12[%get3A_335, %get3A_336] {strides = array<i32>} : memref<4x256xf32, #tpu.memory_space<vmem>>, vector<16xf32>,
    %get3A_338 = arith.constant 1 : i32
    %get3A_339 = arith.index_cast %get3A_338 : i32 to index
    %get3A_340 = arith.constant 32 : index
    %get3A_341 = tpu.vector_load %arg12[%get3A_339, %get3A_340] {strides = array<i32>} : memref<4x256xf32, #tpu.memory_space<vmem>>, vector<16xf32>,
    %get3A_342 = arith.constant 1 : i32
    %get3A_343 = arith.index_cast %get3A_342 : i32 to index
    %get3A_344 = arith.constant 48 : index
    %get3A_345 = tpu.vector_load %arg12[%get3A_343, %get3A_344] {strides = array<i32>} : memref<4x256xf32, #tpu.memory_space<vmem>>, vector<16xf32>,
    %get3A_346 = arith.constant 1 : i32
    %get3A_347 = arith.index_cast %get3A_346 : i32 to index
    %get3A_348 = arith.constant 64 : index
    %get3A_349 = tpu.vector_load %arg12[%get3A_347, %get3A_348] {strides = array<i32>} : memref<4x256xf32, #tpu.memory_space<vmem>>, vector<16xf32>,
    %get3A_350 = arith.constant 1 : i32
    %get3A_351 = arith.index_cast %get3A_350 : i32 to index
    %get3A_352 = arith.constant 80 : index
    %get3A_353 = tpu.vector_load %arg12[%get3A_351, %get3A_352] {strides = array<i32>} : memref<4x256xf32, #tpu.memory_space<vmem>>, vector<16xf32>,
    %get3A_354 = arith.constant 1 : i32
    %get3A_355 = arith.index_cast %get3A_354 : i32 to index
    %get3A_356 = arith.constant 96 : index
    %get3A_357 = tpu.vector_load %arg12[%get3A_355, %get3A_356] {strides = array<i32>} : memref<4x256xf32, #tpu.memory_space<vmem>>, vector<16xf32>,
    %get3A_358 = arith.constant 1 : i32
    %get3A_359 = arith.index_cast %get3A_358 : i32 to index
    %get3A_360 = arith.constant 112 : index
    %get3A_361 = tpu.vector_load %arg12[%get3A_359, %get3A_360] {strides = array<i32>} : memref<4x256xf32, #tpu.memory_space<vmem>>, vector<16xf32>,
    %get3A_362 = arith.constant 2 : i32
    %get3A_363 = arith.index_cast %get3A_362 : i32 to index
    %get3A_364 = arith.constant 0 : index
    %get3A_365 = tpu.vector_load %arg12[%get3A_363, %get3A_364] {strides = array<i32>} : memref<4x256xf32, #tpu.memory_space<vmem>>, vector<16xf32>,
    %get3A_366 = arith.constant 2 : i32
    %get3A_367 = arith.index_cast %get3A_366 : i32 to index
    %get3A_368 = arith.constant 16 : index
    %get3A_369 = tpu.vector_load %arg12[%get3A_367, %get3A_368] {strides = array<i32>} : memref<4x256xf32, #tpu.memory_space<vmem>>, vector<16xf32>,
    %get3A_370 = arith.constant 2 : i32
    %get3A_371 = arith.index_cast %get3A_370 : i32 to index
    %get3A_372 = arith.constant 32 : index
    %get3A_373 = tpu.vector_load %arg12[%get3A_371, %get3A_372] {strides = array<i32>} : memref<4x256xf32, #tpu.memory_space<vmem>>, vector<16xf32>,
    %get3A_374 = arith.constant 2 : i32
    %get3A_375 = arith.index_cast %get3A_374 : i32 to index
    %get3A_376 = arith.constant 48 : index
    %get3A_377 = tpu.vector_load %arg12[%get3A_375, %get3A_376] {strides = array<i32>} : memref<4x256xf32, #tpu.memory_space<vmem>>, vector<16xf32>,
    %get3A_378 = arith.constant 2 : i32
    %get3A_379 = arith.index_cast %get3A_378 : i32 to index
    %get3A_380 = arith.constant 64 : index
    %get3A_381 = tpu.vector_load %arg12[%get3A_379, %get3A_380] {strides = array<i32>} : memref<4x256xf32, #tpu.memory_space<vmem>>, vector<16xf32>,
    %get3A_382 = arith.constant 2 : i32
    %get3A_383 = arith.index_cast %get3A_382 : i32 to index
    %get3A_384 = arith.constant 80 : index
    %get3A_385 = tpu.vector_load %arg12[%get3A_383, %get3A_384] {strides = array<i32>} : memref<4x256xf32, #tpu.memory_space<vmem>>, vector<16xf32>,
    %get3A_386 = arith.constant 2 : i32
    %get3A_387 = arith.index_cast %get3A_386 : i32 to index
    %get3A_388 = arith.constant 96 : index
    %get3A_389 = tpu.vector_load %arg12[%get3A_387, %get3A_388] {strides = array<i32>} : memref<4x256xf32, #tpu.memory_space<vmem>>, vector<16xf32>,
    %get3A_390 = arith.constant 2 : i32
    %get3A_391 = arith.index_cast %get3A_390 : i32 to index
    %get3A_392 = arith.constant 112 : index
    %get3A_393 = tpu.vector_load %arg12[%get3A_391, %get3A_392] {strides = array<i32>} : memref<4x256xf32, #tpu.memory_space<vmem>>, vector<16xf32>,
    %parallel_loop3A_394 = arith.constant 0 : i32
    %parallel_loop3A_395 = arith.constant 128 : i32
    %parallel_loop3A_396 = arith.constant 1 : i32
    scf.for %parallel_loop3A_961 = %parallel_loop3A_394 to %parallel_loop3A_395 step %parallel_loop3A_396  : i32 {
      %parallel_loop3A_962 = arith.constant 128 : i32
      %parallel_loop3A_963 = arith.addi %parallel_loop3A_962, %parallel_loop3A_961 : i32
      %parallel_loop3A_964 = vector.broadcast %parallel_loop3A_963 : i32 to vector<16xi32>
      %parallel_loop3A_965 = tpu.vector_load_idx %arg11[%parallel_loop3A_964] : memref<512xf32, #tpu.memory_space<vmem>>[vector<16xi32>], vector<16xf32>,
      %parallel_loop3A_966 = arith.mulf %parallel_loop3A_965, %get3A_301 : vector<16xf32>
      %parallel_loop3A_967 = arith.addf %parallel_loop3A_966, %get3A_333 : vector<16xf32>
      %parallel_loop3A_968 = arith.constant 0.000000e+00 : f32
      %parallel_loop3A_969 = vector.broadcast %parallel_loop3A_968 : f32 to vector<16xf32>
      %parallel_loop3A_970 = arith.maximumf %parallel_loop3A_967, %parallel_loop3A_969 : vector<16xf32>
      %parallel_loop3A_971 = arith.addf %parallel_loop3A_970, %get3A_365 : vector<16xf32>
      %parallel_loop3A_972 = arith.index_cast %parallel_loop3A_961 : i32 to index
      %parallel_loop3A_973 = arith.constant 0 : index
      %parallel_loop3A_974 = tpu.vector_load %arg14[%parallel_loop3A_972, %parallel_loop3A_973] {strides = array<i32>} : memref<128x256xf32, #tpu.memory_space<vmem>>, vector<16xf32>,
      %parallel_loop3A_975 = arith.addf %parallel_loop3A_974, %parallel_loop3A_971 : vector<16xf32>
      %parallel_loop3A_976 = arith.index_cast %parallel_loop3A_961 : i32 to index
      %parallel_loop3A_977 = arith.constant 0 : index
      %parallel_loop3A_978 = tpu.vector_load %arg14[%parallel_loop3A_976, %parallel_loop3A_977] {strides = array<i32>} : memref<128x256xf32, #tpu.memory_space<vmem>>, vector<16xf32>,
      tpu.vector_store %arg14[%parallel_loop3A_976, %parallel_loop3A_977], %parallel_loop3A_975 {strides = array<i32>} : memref<128x256xf32, #tpu.memory_space<vmem>>, vector<16xf32>,
      %parallel_loop3A_979 = arith.mulf %parallel_loop3A_965, %get3A_305 : vector<16xf32>
      %parallel_loop3A_980 = arith.addf %parallel_loop3A_979, %get3A_337 : vector<16xf32>
      %parallel_loop3A_981 = arith.constant 0.000000e+00 : f32
      %parallel_loop3A_982 = vector.broadcast %parallel_loop3A_981 : f32 to vector<16xf32>
      %parallel_loop3A_983 = arith.maximumf %parallel_loop3A_980, %parallel_loop3A_982 : vector<16xf32>
      %parallel_loop3A_984 = arith.addf %parallel_loop3A_983, %get3A_369 : vector<16xf32>
      %parallel_loop3A_985 = arith.index_cast %parallel_loop3A_961 : i32 to index
      %parallel_loop3A_986 = arith.constant 16 : index
      %parallel_loop3A_987 = tpu.vector_load %arg14[%parallel_loop3A_985, %parallel_loop3A_986] {strides = array<i32>} : memref<128x256xf32, #tpu.memory_space<vmem>>, vector<16xf32>,
      %parallel_loop3A_988 = arith.addf %parallel_loop3A_987, %parallel_loop3A_984 : vector<16xf32>
      %parallel_loop3A_989 = arith.index_cast %parallel_loop3A_961 : i32 to index
      %parallel_loop3A_990 = arith.constant 16 : index
      %parallel_loop3A_991 = tpu.vector_load %arg14[%parallel_loop3A_989, %parallel_loop3A_990] {strides = array<i32>} : memref<128x256xf32, #tpu.memory_space<vmem>>, vector<16xf32>,
      tpu.vector_store %arg14[%parallel_loop3A_989, %parallel_loop3A_990], %parallel_loop3A_988 {strides = array<i32>} : memref<128x256xf32, #tpu.memory_space<vmem>>, vector<16xf32>,
      %parallel_loop3A_992 = arith.mulf %parallel_loop3A_965, %get3A_309 : vector<16xf32>
      %parallel_loop3A_993 = arith.addf %parallel_loop3A_992, %get3A_341 : vector<16xf32>
      %parallel_loop3A_994 = arith.constant 0.000000e+00 : f32
      %parallel_loop3A_995 = vector.broadcast %parallel_loop3A_994 : f32 to vector<16xf32>
      %parallel_loop3A_996 = arith.maximumf %parallel_loop3A_993, %parallel_loop3A_995 : vector<16xf32>
      %parallel_loop3A_997 = arith.addf %parallel_loop3A_996, %get3A_373 : vector<16xf32>
      %parallel_loop3A_998 = arith.index_cast %parallel_loop3A_961 : i32 to index
      %parallel_loop3A_999 = arith.constant 32 : index
      %parallel_loop3A_1000 = tpu.vector_load %arg14[%parallel_loop3A_998, %parallel_loop3A_999] {strides = array<i32>} : memref<128x256xf32, #tpu.memory_space<vmem>>, vector<16xf32>,
      %parallel_loop3A_1001 = arith.addf %parallel_loop3A_1000, %parallel_loop3A_997 : vector<16xf32>
      %parallel_loop3A_1002 = arith.index_cast %parallel_loop3A_961 : i32 to index
      %parallel_loop3A_1003 = arith.constant 32 : index
      %parallel_loop3A_1004 = tpu.vector_load %arg14[%parallel_loop3A_1002, %parallel_loop3A_1003] {strides = array<i32>} : memref<128x256xf32, #tpu.memory_space<vmem>>, vector<16xf32>,
      tpu.vector_store %arg14[%parallel_loop3A_1002, %parallel_loop3A_1003], %parallel_loop3A_1001 {strides = array<i32>} : memref<128x256xf32, #tpu.memory_space<vmem>>, vector<16xf32>,
      %parallel_loop3A_1005 = arith.mulf %parallel_loop3A_965, %get3A_313 : vector<16xf32>
      %parallel_loop3A_1006 = arith.addf %parallel_loop3A_1005, %get3A_345 : vector<16xf32>
      %parallel_loop3A_1007 = arith.constant 0.000000e+00 : f32
      %parallel_loop3A_1008 = vector.broadcast %parallel_loop3A_1007 : f32 to vector<16xf32>
      %parallel_loop3A_1009 = arith.maximumf %parallel_loop3A_1006, %parallel_loop3A_1008 : vector<16xf32>
      %parallel_loop3A_1010 = arith.addf %parallel_loop3A_1009, %get3A_377 : vector<16xf32>
      %parallel_loop3A_1011 = arith.index_cast %parallel_loop3A_961 : i32 to index
      %parallel_loop3A_1012 = arith.constant 48 : index
      %parallel_loop3A_1013 = tpu.vector_load %arg14[%parallel_loop3A_1011, %parallel_loop3A_1012] {strides = array<i32>} : memref<128x256xf32, #tpu.memory_space<vmem>>, vector<16xf32>,
      %parallel_loop3A_1014 = arith.addf %parallel_loop3A_1013, %parallel_loop3A_1010 : vector<16xf32>
      %parallel_loop3A_1015 = arith.index_cast %parallel_loop3A_961 : i32 to index
      %parallel_loop3A_1016 = arith.constant 48 : index
      %parallel_loop3A_1017 = tpu.vector_load %arg14[%parallel_loop3A_1015, %parallel_loop3A_1016] {strides = array<i32>} : memref<128x256xf32, #tpu.memory_space<vmem>>, vector<16xf32>,
      tpu.vector_store %arg14[%parallel_loop3A_1015, %parallel_loop3A_1016], %parallel_loop3A_1014 {strides = array<i32>} : memref<128x256xf32, #tpu.memory_space<vmem>>, vector<16xf32>,
      %parallel_loop3A_1018 = arith.mulf %parallel_loop3A_965, %get3A_317 : vector<16xf32>
      %parallel_loop3A_1019 = arith.addf %parallel_loop3A_1018, %get3A_349 : vector<16xf32>
      %parallel_loop3A_1020 = arith.constant 0.000000e+00 : f32
      %parallel_loop3A_1021 = vector.broadcast %parallel_loop3A_1020 : f32 to vector<16xf32>
      %parallel_loop3A_1022 = arith.maximumf %parallel_loop3A_1019, %parallel_loop3A_1021 : vector<16xf32>
      %parallel_loop3A_1023 = arith.addf %parallel_loop3A_1022, %get3A_381 : vector<16xf32>
      %parallel_loop3A_1024 = arith.index_cast %parallel_loop3A_961 : i32 to index
      %parallel_loop3A_1025 = arith.constant 64 : index
      %parallel_loop3A_1026 = tpu.vector_load %arg14[%parallel_loop3A_1024, %parallel_loop3A_1025] {strides = array<i32>} : memref<128x256xf32, #tpu.memory_space<vmem>>, vector<16xf32>,
      %parallel_loop3A_1027 = arith.addf %parallel_loop3A_1026, %parallel_loop3A_1023 : vector<16xf32>
      %parallel_loop3A_1028 = arith.index_cast %parallel_loop3A_961 : i32 to index
      %parallel_loop3A_1029 = arith.constant 64 : index
      %parallel_loop3A_1030 = tpu.vector_load %arg14[%parallel_loop3A_1028, %parallel_loop3A_1029] {strides = array<i32>} : memref<128x256xf32, #tpu.memory_space<vmem>>, vector<16xf32>,
      tpu.vector_store %arg14[%parallel_loop3A_1028, %parallel_loop3A_1029], %parallel_loop3A_1027 {strides = array<i32>} : memref<128x256xf32, #tpu.memory_space<vmem>>, vector<16xf32>,
      %parallel_loop3A_1031 = arith.mulf %parallel_loop3A_965, %get3A_321 : vector<16xf32>
      %parallel_loop3A_1032 = arith.addf %parallel_loop3A_1031, %get3A_353 : vector<16xf32>
      %parallel_loop3A_1033 = arith.constant 0.000000e+00 : f32
      %parallel_loop3A_1034 = vector.broadcast %parallel_loop3A_1033 : f32 to vector<16xf32>
      %parallel_loop3A_1035 = arith.maximumf %parallel_loop3A_1032, %parallel_loop3A_1034 : vector<16xf32>
      %parallel_loop3A_1036 = arith.addf %parallel_loop3A_1035, %get3A_385 : vector<16xf32>
      %parallel_loop3A_1037 = arith.index_cast %parallel_loop3A_961 : i32 to index
      %parallel_loop3A_1038 = arith.constant 80 : index
      %parallel_loop3A_1039 = tpu.vector_load %arg14[%parallel_loop3A_1037, %parallel_loop3A_1038] {strides = array<i32>} : memref<128x256xf32, #tpu.memory_space<vmem>>, vector<16xf32>,
      %parallel_loop3A_1040 = arith.addf %parallel_loop3A_1039, %parallel_loop3A_1036 : vector<16xf32>
      %parallel_loop3A_1041 = arith.index_cast %parallel_loop3A_961 : i32 to index
      %parallel_loop3A_1042 = arith.constant 80 : index
      %parallel_loop3A_1043 = tpu.vector_load %arg14[%parallel_loop3A_1041, %parallel_loop3A_1042] {strides = array<i32>} : memref<128x256xf32, #tpu.memory_space<vmem>>, vector<16xf32>,
      tpu.vector_store %arg14[%parallel_loop3A_1041, %parallel_loop3A_1042], %parallel_loop3A_1040 {strides = array<i32>} : memref<128x256xf32, #tpu.memory_space<vmem>>, vector<16xf32>,
      %parallel_loop3A_1044 = arith.mulf %parallel_loop3A_965, %get3A_325 : vector<16xf32>
      %parallel_loop3A_1045 = arith.addf %parallel_loop3A_1044, %get3A_357 : vector<16xf32>
      %parallel_loop3A_1046 = arith.constant 0.000000e+00 : f32
      %parallel_loop3A_1047 = vector.broadcast %parallel_loop3A_1046 : f32 to vector<16xf32>
      %parallel_loop3A_1048 = arith.maximumf %parallel_loop3A_1045, %parallel_loop3A_1047 : vector<16xf32>
      %parallel_loop3A_1049 = arith.addf %parallel_loop3A_1048, %get3A_389 : vector<16xf32>
      %parallel_loop3A_1050 = arith.index_cast %parallel_loop3A_961 : i32 to index
      %parallel_loop3A_1051 = arith.constant 96 : index
      %parallel_loop3A_1052 = tpu.vector_load %arg14[%parallel_loop3A_1050, %parallel_loop3A_1051] {strides = array<i32>} : memref<128x256xf32, #tpu.memory_space<vmem>>, vector<16xf32>,
      %parallel_loop3A_1053 = arith.addf %parallel_loop3A_1052, %parallel_loop3A_1049 : vector<16xf32>
      %parallel_loop3A_1054 = arith.index_cast %parallel_loop3A_961 : i32 to index
      %parallel_loop3A_1055 = arith.constant 96 : index
      %parallel_loop3A_1056 = tpu.vector_load %arg14[%parallel_loop3A_1054, %parallel_loop3A_1055] {strides = array<i32>} : memref<128x256xf32, #tpu.memory_space<vmem>>, vector<16xf32>,
      tpu.vector_store %arg14[%parallel_loop3A_1054, %parallel_loop3A_1055], %parallel_loop3A_1053 {strides = array<i32>} : memref<128x256xf32, #tpu.memory_space<vmem>>, vector<16xf32>,
      %parallel_loop3A_1057 = arith.mulf %parallel_loop3A_965, %get3A_329 : vector<16xf32>
      %parallel_loop3A_1058 = arith.addf %parallel_loop3A_1057, %get3A_361 : vector<16xf32>
      %parallel_loop3A_1059 = arith.constant 0.000000e+00 : f32
      %parallel_loop3A_1060 = vector.broadcast %parallel_loop3A_1059 : f32 to vector<16xf32>
      %parallel_loop3A_1061 = arith.maximumf %parallel_loop3A_1058, %parallel_loop3A_1060 : vector<16xf32>
      %parallel_loop3A_1062 = arith.addf %parallel_loop3A_1061, %get3A_393 : vector<16xf32>
      %parallel_loop3A_1063 = arith.index_cast %parallel_loop3A_961 : i32 to index
      %parallel_loop3A_1064 = arith.constant 112 : index
      %parallel_loop3A_1065 = tpu.vector_load %arg14[%parallel_loop3A_1063, %parallel_loop3A_1064] {strides = array<i32>} : memref<128x256xf32, #tpu.memory_space<vmem>>, vector<16xf32>,
      %parallel_loop3A_1066 = arith.addf %parallel_loop3A_1065, %parallel_loop3A_1062 : vector<16xf32>
      %parallel_loop3A_1067 = arith.index_cast %parallel_loop3A_961 : i32 to index
      %parallel_loop3A_1068 = arith.constant 112 : index
      %parallel_loop3A_1069 = tpu.vector_load %arg14[%parallel_loop3A_1067, %parallel_loop3A_1068] {strides = array<i32>} : memref<128x256xf32, #tpu.memory_space<vmem>>, vector<16xf32>,
      tpu.vector_store %arg14[%parallel_loop3A_1067, %parallel_loop3A_1068], %parallel_loop3A_1066 {strides = array<i32>} : memref<128x256xf32, #tpu.memory_space<vmem>>, vector<16xf32>,
    } {sc.loop_unroll_factor = 3 : i64, sc.parallel_access}
    %get3A_397 = arith.constant 0 : i32
    %get3A_398 = arith.index_cast %get3A_397 : i32 to index
    %get3A_399 = arith.constant 128 : index
    %get3A_400 = tpu.vector_load %arg12[%get3A_398, %get3A_399] {strides = array<i32>} : memref<4x256xf32, #tpu.memory_space<vmem>>, vector<16xf32>,
    %get3A_401 = arith.constant 0 : i32
    %get3A_402 = arith.index_cast %get3A_401 : i32 to index
    %get3A_403 = arith.constant 144 : index
    %get3A_404 = tpu.vector_load %arg12[%get3A_402, %get3A_403] {strides = array<i32>} : memref<4x256xf32, #tpu.memory_space<vmem>>, vector<16xf32>,
    %get3A_405 = arith.constant 0 : i32
    %get3A_406 = arith.index_cast %get3A_405 : i32 to index
    %get3A_407 = arith.constant 160 : index
    %get3A_408 = tpu.vector_load %arg12[%get3A_406, %get3A_407] {strides = array<i32>} : memref<4x256xf32, #tpu.memory_space<vmem>>, vector<16xf32>,
    %get3A_409 = arith.constant 0 : i32
    %get3A_410 = arith.index_cast %get3A_409 : i32 to index
    %get3A_411 = arith.constant 176 : index
    %get3A_412 = tpu.vector_load %arg12[%get3A_410, %get3A_411] {strides = array<i32>} : memref<4x256xf32, #tpu.memory_space<vmem>>, vector<16xf32>,
    %get3A_413 = arith.constant 0 : i32
    %get3A_414 = arith.index_cast %get3A_413 : i32 to index
    %get3A_415 = arith.constant 192 : index
    %get3A_416 = tpu.vector_load %arg12[%get3A_414, %get3A_415] {strides = array<i32>} : memref<4x256xf32, #tpu.memory_space<vmem>>, vector<16xf32>,
    %get3A_417 = arith.constant 0 : i32
    %get3A_418 = arith.index_cast %get3A_417 : i32 to index
    %get3A_419 = arith.constant 208 : index
    %get3A_420 = tpu.vector_load %arg12[%get3A_418, %get3A_419] {strides = array<i32>} : memref<4x256xf32, #tpu.memory_space<vmem>>, vector<16xf32>,
    %get3A_421 = arith.constant 0 : i32
    %get3A_422 = arith.index_cast %get3A_421 : i32 to index
    %get3A_423 = arith.constant 224 : index
    %get3A_424 = tpu.vector_load %arg12[%get3A_422, %get3A_423] {strides = array<i32>} : memref<4x256xf32, #tpu.memory_space<vmem>>, vector<16xf32>,
    %get3A_425 = arith.constant 0 : i32
    %get3A_426 = arith.index_cast %get3A_425 : i32 to index
    %get3A_427 = arith.constant 240 : index
    %get3A_428 = tpu.vector_load %arg12[%get3A_426, %get3A_427] {strides = array<i32>} : memref<4x256xf32, #tpu.memory_space<vmem>>, vector<16xf32>,
    %get3A_429 = arith.constant 1 : i32
    %get3A_430 = arith.index_cast %get3A_429 : i32 to index
    %get3A_431 = arith.constant 128 : index
    %get3A_432 = tpu.vector_load %arg12[%get3A_430, %get3A_431] {strides = array<i32>} : memref<4x256xf32, #tpu.memory_space<vmem>>, vector<16xf32>,
    %get3A_433 = arith.constant 1 : i32
    %get3A_434 = arith.index_cast %get3A_433 : i32 to index
    %get3A_435 = arith.constant 144 : index
    %get3A_436 = tpu.vector_load %arg12[%get3A_434, %get3A_435] {strides = array<i32>} : memref<4x256xf32, #tpu.memory_space<vmem>>, vector<16xf32>,
    %get3A_437 = arith.constant 1 : i32
    %get3A_438 = arith.index_cast %get3A_437 : i32 to index
    %get3A_439 = arith.constant 160 : index
    %get3A_440 = tpu.vector_load %arg12[%get3A_438, %get3A_439] {strides = array<i32>} : memref<4x256xf32, #tpu.memory_space<vmem>>, vector<16xf32>,
    %get3A_441 = arith.constant 1 : i32
    %get3A_442 = arith.index_cast %get3A_441 : i32 to index
    %get3A_443 = arith.constant 176 : index
    %get3A_444 = tpu.vector_load %arg12[%get3A_442, %get3A_443] {strides = array<i32>} : memref<4x256xf32, #tpu.memory_space<vmem>>, vector<16xf32>,
    %get3A_445 = arith.constant 1 : i32
    %get3A_446 = arith.index_cast %get3A_445 : i32 to index
    %get3A_447 = arith.constant 192 : index
    %get3A_448 = tpu.vector_load %arg12[%get3A_446, %get3A_447] {strides = array<i32>} : memref<4x256xf32, #tpu.memory_space<vmem>>, vector<16xf32>,
    %get3A_449 = arith.constant 1 : i32
    %get3A_450 = arith.index_cast %get3A_449 : i32 to index
    %get3A_451 = arith.constant 208 : index
    %get3A_452 = tpu.vector_load %arg12[%get3A_450, %get3A_451] {strides = array<i32>} : memref<4x256xf32, #tpu.memory_space<vmem>>, vector<16xf32>,
    %get3A_453 = arith.constant 1 : i32
    %get3A_454 = arith.index_cast %get3A_453 : i32 to index
    %get3A_455 = arith.constant 224 : index
    %get3A_456 = tpu.vector_load %arg12[%get3A_454, %get3A_455] {strides = array<i32>} : memref<4x256xf32, #tpu.memory_space<vmem>>, vector<16xf32>,
    %get3A_457 = arith.constant 1 : i32
    %get3A_458 = arith.index_cast %get3A_457 : i32 to index
    %get3A_459 = arith.constant 240 : index
    %get3A_460 = tpu.vector_load %arg12[%get3A_458, %get3A_459] {strides = array<i32>} : memref<4x256xf32, #tpu.memory_space<vmem>>, vector<16xf32>,
    %get3A_461 = arith.constant 2 : i32
    %get3A_462 = arith.index_cast %get3A_461 : i32 to index
    %get3A_463 = arith.constant 128 : index
    %get3A_464 = tpu.vector_load %arg12[%get3A_462, %get3A_463] {strides = array<i32>} : memref<4x256xf32, #tpu.memory_space<vmem>>, vector<16xf32>,
    %get3A_465 = arith.constant 2 : i32
    %get3A_466 = arith.index_cast %get3A_465 : i32 to index
    %get3A_467 = arith.constant 144 : index
    %get3A_468 = tpu.vector_load %arg12[%get3A_466, %get3A_467] {strides = array<i32>} : memref<4x256xf32, #tpu.memory_space<vmem>>, vector<16xf32>,
    %get3A_469 = arith.constant 2 : i32
    %get3A_470 = arith.index_cast %get3A_469 : i32 to index
    %get3A_471 = arith.constant 160 : index
    %get3A_472 = tpu.vector_load %arg12[%get3A_470, %get3A_471] {strides = array<i32>} : memref<4x256xf32, #tpu.memory_space<vmem>>, vector<16xf32>,
    %get3A_473 = arith.constant 2 : i32
    %get3A_474 = arith.index_cast %get3A_473 : i32 to index
    %get3A_475 = arith.constant 176 : index
    %get3A_476 = tpu.vector_load %arg12[%get3A_474, %get3A_475] {strides = array<i32>} : memref<4x256xf32, #tpu.memory_space<vmem>>, vector<16xf32>,
    %get3A_477 = arith.constant 2 : i32
    %get3A_478 = arith.index_cast %get3A_477 : i32 to index
    %get3A_479 = arith.constant 192 : index
    %get3A_480 = tpu.vector_load %arg12[%get3A_478, %get3A_479] {strides = array<i32>} : memref<4x256xf32, #tpu.memory_space<vmem>>, vector<16xf32>,
    %get3A_481 = arith.constant 2 : i32
    %get3A_482 = arith.index_cast %get3A_481 : i32 to index
    %get3A_483 = arith.constant 208 : index
    %get3A_484 = tpu.vector_load %arg12[%get3A_482, %get3A_483] {strides = array<i32>} : memref<4x256xf32, #tpu.memory_space<vmem>>, vector<16xf32>,
    %get3A_485 = arith.constant 2 : i32
    %get3A_486 = arith.index_cast %get3A_485 : i32 to index
    %get3A_487 = arith.constant 224 : index
    %get3A_488 = tpu.vector_load %arg12[%get3A_486, %get3A_487] {strides = array<i32>} : memref<4x256xf32, #tpu.memory_space<vmem>>, vector<16xf32>,
    %get3A_489 = arith.constant 2 : i32
    %get3A_490 = arith.index_cast %get3A_489 : i32 to index
    %get3A_491 = arith.constant 240 : index
    %get3A_492 = tpu.vector_load %arg12[%get3A_490, %get3A_491] {strides = array<i32>} : memref<4x256xf32, #tpu.memory_space<vmem>>, vector<16xf32>,
    %parallel_loop3A_493 = arith.constant 0 : i32
    %parallel_loop3A_494 = arith.constant 128 : i32
    %parallel_loop3A_495 = arith.constant 1 : i32
    scf.for %parallel_loop3A_961 = %parallel_loop3A_493 to %parallel_loop3A_494 step %parallel_loop3A_495  : i32 {
      %parallel_loop3A_962 = arith.constant 128 : i32
      %parallel_loop3A_963 = arith.addi %parallel_loop3A_962, %parallel_loop3A_961 : i32
      %parallel_loop3A_964 = vector.broadcast %parallel_loop3A_963 : i32 to vector<16xi32>
      %parallel_loop3A_965 = tpu.vector_load_idx %arg11[%parallel_loop3A_964] : memref<512xf32, #tpu.memory_space<vmem>>[vector<16xi32>], vector<16xf32>,
      %parallel_loop3A_966 = arith.mulf %parallel_loop3A_965, %get3A_400 : vector<16xf32>
      %parallel_loop3A_967 = arith.addf %parallel_loop3A_966, %get3A_432 : vector<16xf32>
      %parallel_loop3A_968 = arith.constant 0.000000e+00 : f32
      %parallel_loop3A_969 = vector.broadcast %parallel_loop3A_968 : f32 to vector<16xf32>
      %parallel_loop3A_970 = arith.maximumf %parallel_loop3A_967, %parallel_loop3A_969 : vector<16xf32>
      %parallel_loop3A_971 = arith.addf %parallel_loop3A_970, %get3A_464 : vector<16xf32>
      %parallel_loop3A_972 = arith.index_cast %parallel_loop3A_961 : i32 to index
      %parallel_loop3A_973 = arith.constant 128 : index
      %parallel_loop3A_974 = tpu.vector_load %arg14[%parallel_loop3A_972, %parallel_loop3A_973] {strides = array<i32>} : memref<128x256xf32, #tpu.memory_space<vmem>>, vector<16xf32>,
      %parallel_loop3A_975 = arith.addf %parallel_loop3A_974, %parallel_loop3A_971 : vector<16xf32>
      %parallel_loop3A_976 = arith.index_cast %parallel_loop3A_961 : i32 to index
      %parallel_loop3A_977 = arith.constant 128 : index
      %parallel_loop3A_978 = tpu.vector_load %arg14[%parallel_loop3A_976, %parallel_loop3A_977] {strides = array<i32>} : memref<128x256xf32, #tpu.memory_space<vmem>>, vector<16xf32>,
      tpu.vector_store %arg14[%parallel_loop3A_976, %parallel_loop3A_977], %parallel_loop3A_975 {strides = array<i32>} : memref<128x256xf32, #tpu.memory_space<vmem>>, vector<16xf32>,
      %parallel_loop3A_979 = arith.mulf %parallel_loop3A_965, %get3A_404 : vector<16xf32>
      %parallel_loop3A_980 = arith.addf %parallel_loop3A_979, %get3A_436 : vector<16xf32>
      %parallel_loop3A_981 = arith.constant 0.000000e+00 : f32
      %parallel_loop3A_982 = vector.broadcast %parallel_loop3A_981 : f32 to vector<16xf32>
      %parallel_loop3A_983 = arith.maximumf %parallel_loop3A_980, %parallel_loop3A_982 : vector<16xf32>
      %parallel_loop3A_984 = arith.addf %parallel_loop3A_983, %get3A_468 : vector<16xf32>
      %parallel_loop3A_985 = arith.index_cast %parallel_loop3A_961 : i32 to index
      %parallel_loop3A_986 = arith.constant 144 : index
      %parallel_loop3A_987 = tpu.vector_load %arg14[%parallel_loop3A_985, %parallel_loop3A_986] {strides = array<i32>} : memref<128x256xf32, #tpu.memory_space<vmem>>, vector<16xf32>,
      %parallel_loop3A_988 = arith.addf %parallel_loop3A_987, %parallel_loop3A_984 : vector<16xf32>
      %parallel_loop3A_989 = arith.index_cast %parallel_loop3A_961 : i32 to index
      %parallel_loop3A_990 = arith.constant 144 : index
      %parallel_loop3A_991 = tpu.vector_load %arg14[%parallel_loop3A_989, %parallel_loop3A_990] {strides = array<i32>} : memref<128x256xf32, #tpu.memory_space<vmem>>, vector<16xf32>,
      tpu.vector_store %arg14[%parallel_loop3A_989, %parallel_loop3A_990], %parallel_loop3A_988 {strides = array<i32>} : memref<128x256xf32, #tpu.memory_space<vmem>>, vector<16xf32>,
      %parallel_loop3A_992 = arith.mulf %parallel_loop3A_965, %get3A_408 : vector<16xf32>
      %parallel_loop3A_993 = arith.addf %parallel_loop3A_992, %get3A_440 : vector<16xf32>
      %parallel_loop3A_994 = arith.constant 0.000000e+00 : f32
      %parallel_loop3A_995 = vector.broadcast %parallel_loop3A_994 : f32 to vector<16xf32>
      %parallel_loop3A_996 = arith.maximumf %parallel_loop3A_993, %parallel_loop3A_995 : vector<16xf32>
      %parallel_loop3A_997 = arith.addf %parallel_loop3A_996, %get3A_472 : vector<16xf32>
      %parallel_loop3A_998 = arith.index_cast %parallel_loop3A_961 : i32 to index
      %parallel_loop3A_999 = arith.constant 160 : index
      %parallel_loop3A_1000 = tpu.vector_load %arg14[%parallel_loop3A_998, %parallel_loop3A_999] {strides = array<i32>} : memref<128x256xf32, #tpu.memory_space<vmem>>, vector<16xf32>,
      %parallel_loop3A_1001 = arith.addf %parallel_loop3A_1000, %parallel_loop3A_997 : vector<16xf32>
      %parallel_loop3A_1002 = arith.index_cast %parallel_loop3A_961 : i32 to index
      %parallel_loop3A_1003 = arith.constant 160 : index
      %parallel_loop3A_1004 = tpu.vector_load %arg14[%parallel_loop3A_1002, %parallel_loop3A_1003] {strides = array<i32>} : memref<128x256xf32, #tpu.memory_space<vmem>>, vector<16xf32>,
      tpu.vector_store %arg14[%parallel_loop3A_1002, %parallel_loop3A_1003], %parallel_loop3A_1001 {strides = array<i32>} : memref<128x256xf32, #tpu.memory_space<vmem>>, vector<16xf32>,
      %parallel_loop3A_1005 = arith.mulf %parallel_loop3A_965, %get3A_412 : vector<16xf32>
      %parallel_loop3A_1006 = arith.addf %parallel_loop3A_1005, %get3A_444 : vector<16xf32>
      %parallel_loop3A_1007 = arith.constant 0.000000e+00 : f32
      %parallel_loop3A_1008 = vector.broadcast %parallel_loop3A_1007 : f32 to vector<16xf32>
      %parallel_loop3A_1009 = arith.maximumf %parallel_loop3A_1006, %parallel_loop3A_1008 : vector<16xf32>
      %parallel_loop3A_1010 = arith.addf %parallel_loop3A_1009, %get3A_476 : vector<16xf32>
      %parallel_loop3A_1011 = arith.index_cast %parallel_loop3A_961 : i32 to index
      %parallel_loop3A_1012 = arith.constant 176 : index
      %parallel_loop3A_1013 = tpu.vector_load %arg14[%parallel_loop3A_1011, %parallel_loop3A_1012] {strides = array<i32>} : memref<128x256xf32, #tpu.memory_space<vmem>>, vector<16xf32>,
      %parallel_loop3A_1014 = arith.addf %parallel_loop3A_1013, %parallel_loop3A_1010 : vector<16xf32>
      %parallel_loop3A_1015 = arith.index_cast %parallel_loop3A_961 : i32 to index
      %parallel_loop3A_1016 = arith.constant 176 : index
      %parallel_loop3A_1017 = tpu.vector_load %arg14[%parallel_loop3A_1015, %parallel_loop3A_1016] {strides = array<i32>} : memref<128x256xf32, #tpu.memory_space<vmem>>, vector<16xf32>,
      tpu.vector_store %arg14[%parallel_loop3A_1015, %parallel_loop3A_1016], %parallel_loop3A_1014 {strides = array<i32>} : memref<128x256xf32, #tpu.memory_space<vmem>>, vector<16xf32>,
      %parallel_loop3A_1018 = arith.mulf %parallel_loop3A_965, %get3A_416 : vector<16xf32>
      %parallel_loop3A_1019 = arith.addf %parallel_loop3A_1018, %get3A_448 : vector<16xf32>
      %parallel_loop3A_1020 = arith.constant 0.000000e+00 : f32
      %parallel_loop3A_1021 = vector.broadcast %parallel_loop3A_1020 : f32 to vector<16xf32>
      %parallel_loop3A_1022 = arith.maximumf %parallel_loop3A_1019, %parallel_loop3A_1021 : vector<16xf32>
      %parallel_loop3A_1023 = arith.addf %parallel_loop3A_1022, %get3A_480 : vector<16xf32>
      %parallel_loop3A_1024 = arith.index_cast %parallel_loop3A_961 : i32 to index
      %parallel_loop3A_1025 = arith.constant 192 : index
      %parallel_loop3A_1026 = tpu.vector_load %arg14[%parallel_loop3A_1024, %parallel_loop3A_1025] {strides = array<i32>} : memref<128x256xf32, #tpu.memory_space<vmem>>, vector<16xf32>,
      %parallel_loop3A_1027 = arith.addf %parallel_loop3A_1026, %parallel_loop3A_1023 : vector<16xf32>
      %parallel_loop3A_1028 = arith.index_cast %parallel_loop3A_961 : i32 to index
      %parallel_loop3A_1029 = arith.constant 192 : index
      %parallel_loop3A_1030 = tpu.vector_load %arg14[%parallel_loop3A_1028, %parallel_loop3A_1029] {strides = array<i32>} : memref<128x256xf32, #tpu.memory_space<vmem>>, vector<16xf32>,
      tpu.vector_store %arg14[%parallel_loop3A_1028, %parallel_loop3A_1029], %parallel_loop3A_1027 {strides = array<i32>} : memref<128x256xf32, #tpu.memory_space<vmem>>, vector<16xf32>,
      %parallel_loop3A_1031 = arith.mulf %parallel_loop3A_965, %get3A_420 : vector<16xf32>
      %parallel_loop3A_1032 = arith.addf %parallel_loop3A_1031, %get3A_452 : vector<16xf32>
      %parallel_loop3A_1033 = arith.constant 0.000000e+00 : f32
      %parallel_loop3A_1034 = vector.broadcast %parallel_loop3A_1033 : f32 to vector<16xf32>
      %parallel_loop3A_1035 = arith.maximumf %parallel_loop3A_1032, %parallel_loop3A_1034 : vector<16xf32>
      %parallel_loop3A_1036 = arith.addf %parallel_loop3A_1035, %get3A_484 : vector<16xf32>
      %parallel_loop3A_1037 = arith.index_cast %parallel_loop3A_961 : i32 to index
      %parallel_loop3A_1038 = arith.constant 208 : index
      %parallel_loop3A_1039 = tpu.vector_load %arg14[%parallel_loop3A_1037, %parallel_loop3A_1038] {strides = array<i32>} : memref<128x256xf32, #tpu.memory_space<vmem>>, vector<16xf32>,
      %parallel_loop3A_1040 = arith.addf %parallel_loop3A_1039, %parallel_loop3A_1036 : vector<16xf32>
      %parallel_loop3A_1041 = arith.index_cast %parallel_loop3A_961 : i32 to index
      %parallel_loop3A_1042 = arith.constant 208 : index
      %parallel_loop3A_1043 = tpu.vector_load %arg14[%parallel_loop3A_1041, %parallel_loop3A_1042] {strides = array<i32>} : memref<128x256xf32, #tpu.memory_space<vmem>>, vector<16xf32>,
      tpu.vector_store %arg14[%parallel_loop3A_1041, %parallel_loop3A_1042], %parallel_loop3A_1040 {strides = array<i32>} : memref<128x256xf32, #tpu.memory_space<vmem>>, vector<16xf32>,
      %parallel_loop3A_1044 = arith.mulf %parallel_loop3A_965, %get3A_424 : vector<16xf32>
      %parallel_loop3A_1045 = arith.addf %parallel_loop3A_1044, %get3A_456 : vector<16xf32>
      %parallel_loop3A_1046 = arith.constant 0.000000e+00 : f32
      %parallel_loop3A_1047 = vector.broadcast %parallel_loop3A_1046 : f32 to vector<16xf32>
      %parallel_loop3A_1048 = arith.maximumf %parallel_loop3A_1045, %parallel_loop3A_1047 : vector<16xf32>
      %parallel_loop3A_1049 = arith.addf %parallel_loop3A_1048, %get3A_488 : vector<16xf32>
      %parallel_loop3A_1050 = arith.index_cast %parallel_loop3A_961 : i32 to index
      %parallel_loop3A_1051 = arith.constant 224 : index
      %parallel_loop3A_1052 = tpu.vector_load %arg14[%parallel_loop3A_1050, %parallel_loop3A_1051] {strides = array<i32>} : memref<128x256xf32, #tpu.memory_space<vmem>>, vector<16xf32>,
      %parallel_loop3A_1053 = arith.addf %parallel_loop3A_1052, %parallel_loop3A_1049 : vector<16xf32>
      %parallel_loop3A_1054 = arith.index_cast %parallel_loop3A_961 : i32 to index
      %parallel_loop3A_1055 = arith.constant 224 : index
      %parallel_loop3A_1056 = tpu.vector_load %arg14[%parallel_loop3A_1054, %parallel_loop3A_1055] {strides = array<i32>} : memref<128x256xf32, #tpu.memory_space<vmem>>, vector<16xf32>,
      tpu.vector_store %arg14[%parallel_loop3A_1054, %parallel_loop3A_1055], %parallel_loop3A_1053 {strides = array<i32>} : memref<128x256xf32, #tpu.memory_space<vmem>>, vector<16xf32>,
      %parallel_loop3A_1057 = arith.mulf %parallel_loop3A_965, %get3A_428 : vector<16xf32>
      %parallel_loop3A_1058 = arith.addf %parallel_loop3A_1057, %get3A_460 : vector<16xf32>
      %parallel_loop3A_1059 = arith.constant 0.000000e+00 : f32
      %parallel_loop3A_1060 = vector.broadcast %parallel_loop3A_1059 : f32 to vector<16xf32>
      %parallel_loop3A_1061 = arith.maximumf %parallel_loop3A_1058, %parallel_loop3A_1060 : vector<16xf32>
      %parallel_loop3A_1062 = arith.addf %parallel_loop3A_1061, %get3A_492 : vector<16xf32>
      %parallel_loop3A_1063 = arith.index_cast %parallel_loop3A_961 : i32 to index
      %parallel_loop3A_1064 = arith.constant 240 : index
      %parallel_loop3A_1065 = tpu.vector_load %arg14[%parallel_loop3A_1063, %parallel_loop3A_1064] {strides = array<i32>} : memref<128x256xf32, #tpu.memory_space<vmem>>, vector<16xf32>,
      %parallel_loop3A_1066 = arith.addf %parallel_loop3A_1065, %parallel_loop3A_1062 : vector<16xf32>
      %parallel_loop3A_1067 = arith.index_cast %parallel_loop3A_961 : i32 to index
      %parallel_loop3A_1068 = arith.constant 240 : index
      %parallel_loop3A_1069 = tpu.vector_load %arg14[%parallel_loop3A_1067, %parallel_loop3A_1068] {strides = array<i32>} : memref<128x256xf32, #tpu.memory_space<vmem>>, vector<16xf32>,
      tpu.vector_store %arg14[%parallel_loop3A_1067, %parallel_loop3A_1068], %parallel_loop3A_1066 {strides = array<i32>} : memref<128x256xf32, #tpu.memory_space<vmem>>, vector<16xf32>,
    } {sc.loop_unroll_factor = 3 : i64, sc.parallel_access}
    %add3A_496 = arith.constant 1 : i32
    %add3A_497 = arith.addi %add3A_496, %multiple_of3A : i32
    %add3A_498 = arith.constant 128 : i32
    %add3A_499 = arith.addi %add3A_497, %add3A_498 : i32
    %dma_start3A_500 = tpu.memref_reshape %arg9 : memref<16385x1x256xf32, #tpu.memory_space<hbm>> -> memref<16385x256xf32, #tpu.memory_space<hbm>>
    %dma_start3A_501 = arith.constant 0 : i32
    %dma_start3A_502 = tpu.memref_slice %dma_start3A_500[%add3A_499, %dma_start3A_501] : memref<16385x256xf32, #tpu.memory_space<hbm>> -> memref<128x256xf32, #tpu.memory_space<hbm>>
    %dma_start3A_503 = tpu.memref_reshape %arg9 : memref<16385x1x256xf32, #tpu.memory_space<hbm>> -> memref<16385x256xf32, #tpu.memory_space<hbm>>
    %dma_start3A_504 = arith.constant 0 : i32
    %dma_start3A_505 = tpu.memref_slice %dma_start3A_503[%add3A_499, %dma_start3A_504] : memref<16385x256xf32, #tpu.memory_space<hbm>> -> memref<128x256xf32, #tpu.memory_space<hbm>>
    tpu.enqueue_dma source(%arg14 : memref<128x256xf32, #tpu.memory_space<vmem>>) target(%dma_start3A_505 : memref<128x256xf32, #tpu.memory_space<hbm>>) target_semaphore(%arg21 : memref<!tpu.dma_semaphore, #tpu.memory_space<semaphore_mem>>)
    %dma_wait3A_506 = arith.constant 256 : i32
    %dma_wait3A_507 = tpu.memref_slice %arg10[%dma_wait3A_506] : memref<512xi32, #tpu.memory_space<vmem>> -> memref<128xi32, #tpu.memory_space<vmem>>
    %dma_wait3A_508 = arith.constant 0 : i32
    %dma_wait3A_509 = arith.constant 0 : i32
    %dma_wait3A_510 = tpu.memref_slice %arg2[%dma_wait3A_508, %dma_wait3A_509] : memref<100000x256xf32, #tpu.memory_space<hbm>> -> memref<100000x256xf32, #tpu.memory_space<hbm>>
    tpu.wait_indirect_dma semaphore(%arg19 : memref<!tpu.dma_semaphore, #tpu.memory_space<semaphore_mem>>) src(%dma_wait3A_510 : memref<100000x256xf32, #tpu.memory_space<hbm>>) dst(%arg15 : memref<128x256xf32, #tpu.memory_space<vmem>>)
    %dma_wait3A_511 = tpu.memref_reshape %arg9 : memref<16385x1x256xf32, #tpu.memory_space<hbm>> -> memref<16385x256xf32, #tpu.memory_space<hbm>>
    %dma_wait3A_512 = arith.constant 0 : i32
    %dma_wait3A_513 = tpu.memref_slice %dma_wait3A_511[%add3A_281, %dma_wait3A_512] : memref<16385x256xf32, #tpu.memory_space<hbm>> -> memref<128x256xf32, #tpu.memory_space<hbm>>
    %dma_wait3A_514 = tpu.memref_reshape %arg9 : memref<16385x1x256xf32, #tpu.memory_space<hbm>> -> memref<16385x256xf32, #tpu.memory_space<hbm>>
    %dma_wait3A_515 = arith.constant 0 : i32
    %dma_wait3A_516 = tpu.memref_slice %dma_wait3A_514[%add3A_281, %dma_wait3A_515] : memref<16385x256xf32, #tpu.memory_space<hbm>> -> memref<128x256xf32, #tpu.memory_space<hbm>>
    tpu.wait_dma2 semaphore(%arg20 : memref<!tpu.dma_semaphore, #tpu.memory_space<semaphore_mem>>) src(%arg13 : memref<128x256xf32, #tpu.memory_space<vmem>>) dst(%dma_wait3A_516 : memref<128x256xf32, #tpu.memory_space<hbm>>)
    %dma_start3A_517 = arith.constant 384 : i32
    %dma_start3A_518 = tpu.memref_slice %arg10[%dma_start3A_517] : memref<512xi32, #tpu.memory_space<vmem>> -> memref<128xi32, #tpu.memory_space<vmem>>
    %dma_start3A_519 = arith.constant 0 : i32
    %dma_start3A_520 = arith.constant 0 : i32
    %dma_start3A_521 = tpu.memref_slice %arg2[%dma_start3A_519, %dma_start3A_520] : memref<100000x256xf32, #tpu.memory_space<hbm>> -> memref<100000x256xf32, #tpu.memory_space<hbm>>
    tpu.enqueue_indirect_dma source(%dma_start3A_521 : memref<100000x256xf32, #tpu.memory_space<hbm>>) target(%arg13 : memref<128x256xf32, #tpu.memory_space<vmem>>) offsets(%dma_start3A_518 : memref<128xi32, #tpu.memory_space<vmem>>) semaphore(%arg17 : memref<!tpu.dma_semaphore, #tpu.memory_space<semaphore_mem>>)
    %get3A_522 = arith.constant 0 : i32
    %get3A_523 = arith.index_cast %get3A_522 : i32 to index
    %get3A_524 = arith.constant 0 : index
    %get3A_525 = tpu.vector_load %arg12[%get3A_523, %get3A_524] {strides = array<i32>} : memref<4x256xf32, #tpu.memory_space<vmem>>, vector<16xf32>,
    %get3A_526 = arith.constant 0 : i32
    %get3A_527 = arith.index_cast %get3A_526 : i32 to index
    %get3A_528 = arith.constant 16 : index
    %get3A_529 = tpu.vector_load %arg12[%get3A_527, %get3A_528] {strides = array<i32>} : memref<4x256xf32, #tpu.memory_space<vmem>>, vector<16xf32>,
    %get3A_530 = arith.constant 0 : i32
    %get3A_531 = arith.index_cast %get3A_530 : i32 to index
    %get3A_532 = arith.constant 32 : index
    %get3A_533 = tpu.vector_load %arg12[%get3A_531, %get3A_532] {strides = array<i32>} : memref<4x256xf32, #tpu.memory_space<vmem>>, vector<16xf32>,
    %get3A_534 = arith.constant 0 : i32
    %get3A_535 = arith.index_cast %get3A_534 : i32 to index
    %get3A_536 = arith.constant 48 : index
    %get3A_537 = tpu.vector_load %arg12[%get3A_535, %get3A_536] {strides = array<i32>} : memref<4x256xf32, #tpu.memory_space<vmem>>, vector<16xf32>,
    %get3A_538 = arith.constant 0 : i32
    %get3A_539 = arith.index_cast %get3A_538 : i32 to index
    %get3A_540 = arith.constant 64 : index
    %get3A_541 = tpu.vector_load %arg12[%get3A_539, %get3A_540] {strides = array<i32>} : memref<4x256xf32, #tpu.memory_space<vmem>>, vector<16xf32>,
    %get3A_542 = arith.constant 0 : i32
    %get3A_543 = arith.index_cast %get3A_542 : i32 to index
    %get3A_544 = arith.constant 80 : index
    %get3A_545 = tpu.vector_load %arg12[%get3A_543, %get3A_544] {strides = array<i32>} : memref<4x256xf32, #tpu.memory_space<vmem>>, vector<16xf32>,
    %get3A_546 = arith.constant 0 : i32
    %get3A_547 = arith.index_cast %get3A_546 : i32 to index
    %get3A_548 = arith.constant 96 : index
    %get3A_549 = tpu.vector_load %arg12[%get3A_547, %get3A_548] {strides = array<i32>} : memref<4x256xf32, #tpu.memory_space<vmem>>, vector<16xf32>,
    %get3A_550 = arith.constant 0 : i32
    %get3A_551 = arith.index_cast %get3A_550 : i32 to index
    %get3A_552 = arith.constant 112 : index
    %get3A_553 = tpu.vector_load %arg12[%get3A_551, %get3A_552] {strides = array<i32>} : memref<4x256xf32, #tpu.memory_space<vmem>>, vector<16xf32>,
    %get3A_554 = arith.constant 1 : i32
    %get3A_555 = arith.index_cast %get3A_554 : i32 to index
    %get3A_556 = arith.constant 0 : index
    %get3A_557 = tpu.vector_load %arg12[%get3A_555, %get3A_556] {strides = array<i32>} : memref<4x256xf32, #tpu.memory_space<vmem>>, vector<16xf32>,
    %get3A_558 = arith.constant 1 : i32
    %get3A_559 = arith.index_cast %get3A_558 : i32 to index
    %get3A_560 = arith.constant 16 : index
    %get3A_561 = tpu.vector_load %arg12[%get3A_559, %get3A_560] {strides = array<i32>} : memref<4x256xf32, #tpu.memory_space<vmem>>, vector<16xf32>,
    %get3A_562 = arith.constant 1 : i32
    %get3A_563 = arith.index_cast %get3A_562 : i32 to index
    %get3A_564 = arith.constant 32 : index
    %get3A_565 = tpu.vector_load %arg12[%get3A_563, %get3A_564] {strides = array<i32>} : memref<4x256xf32, #tpu.memory_space<vmem>>, vector<16xf32>,
    %get3A_566 = arith.constant 1 : i32
    %get3A_567 = arith.index_cast %get3A_566 : i32 to index
    %get3A_568 = arith.constant 48 : index
    %get3A_569 = tpu.vector_load %arg12[%get3A_567, %get3A_568] {strides = array<i32>} : memref<4x256xf32, #tpu.memory_space<vmem>>, vector<16xf32>,
    %get3A_570 = arith.constant 1 : i32
    %get3A_571 = arith.index_cast %get3A_570 : i32 to index
    %get3A_572 = arith.constant 64 : index
    %get3A_573 = tpu.vector_load %arg12[%get3A_571, %get3A_572] {strides = array<i32>} : memref<4x256xf32, #tpu.memory_space<vmem>>, vector<16xf32>,
    %get3A_574 = arith.constant 1 : i32
    %get3A_575 = arith.index_cast %get3A_574 : i32 to index
    %get3A_576 = arith.constant 80 : index
    %get3A_577 = tpu.vector_load %arg12[%get3A_575, %get3A_576] {strides = array<i32>} : memref<4x256xf32, #tpu.memory_space<vmem>>, vector<16xf32>,
    %get3A_578 = arith.constant 1 : i32
    %get3A_579 = arith.index_cast %get3A_578 : i32 to index
    %get3A_580 = arith.constant 96 : index
    %get3A_581 = tpu.vector_load %arg12[%get3A_579, %get3A_580] {strides = array<i32>} : memref<4x256xf32, #tpu.memory_space<vmem>>, vector<16xf32>,
    %get3A_582 = arith.constant 1 : i32
    %get3A_583 = arith.index_cast %get3A_582 : i32 to index
    %get3A_584 = arith.constant 112 : index
    %get3A_585 = tpu.vector_load %arg12[%get3A_583, %get3A_584] {strides = array<i32>} : memref<4x256xf32, #tpu.memory_space<vmem>>, vector<16xf32>,
    %get3A_586 = arith.constant 2 : i32
    %get3A_587 = arith.index_cast %get3A_586 : i32 to index
    %get3A_588 = arith.constant 0 : index
    %get3A_589 = tpu.vector_load %arg12[%get3A_587, %get3A_588] {strides = array<i32>} : memref<4x256xf32, #tpu.memory_space<vmem>>, vector<16xf32>,
    %get3A_590 = arith.constant 2 : i32
    %get3A_591 = arith.index_cast %get3A_590 : i32 to index
    %get3A_592 = arith.constant 16 : index
    %get3A_593 = tpu.vector_load %arg12[%get3A_591, %get3A_592] {strides = array<i32>} : memref<4x256xf32, #tpu.memory_space<vmem>>, vector<16xf32>,
    %get3A_594 = arith.constant 2 : i32
    %get3A_595 = arith.index_cast %get3A_594 : i32 to index
    %get3A_596 = arith.constant 32 : index
    %get3A_597 = tpu.vector_load %arg12[%get3A_595, %get3A_596] {strides = array<i32>} : memref<4x256xf32, #tpu.memory_space<vmem>>, vector<16xf32>,
    %get3A_598 = arith.constant 2 : i32
    %get3A_599 = arith.index_cast %get3A_598 : i32 to index
    %get3A_600 = arith.constant 48 : index
    %get3A_601 = tpu.vector_load %arg12[%get3A_599, %get3A_600] {strides = array<i32>} : memref<4x256xf32, #tpu.memory_space<vmem>>, vector<16xf32>,
    %get3A_602 = arith.constant 2 : i32
    %get3A_603 = arith.index_cast %get3A_602 : i32 to index
    %get3A_604 = arith.constant 64 : index
    %get3A_605 = tpu.vector_load %arg12[%get3A_603, %get3A_604] {strides = array<i32>} : memref<4x256xf32, #tpu.memory_space<vmem>>, vector<16xf32>,
    %get3A_606 = arith.constant 2 : i32
    %get3A_607 = arith.index_cast %get3A_606 : i32 to index
    %get3A_608 = arith.constant 80 : index
    %get3A_609 = tpu.vector_load %arg12[%get3A_607, %get3A_608] {strides = array<i32>} : memref<4x256xf32, #tpu.memory_space<vmem>>, vector<16xf32>,
    %get3A_610 = arith.constant 2 : i32
    %get3A_611 = arith.index_cast %get3A_610 : i32 to index
    %get3A_612 = arith.constant 96 : index
    %get3A_613 = tpu.vector_load %arg12[%get3A_611, %get3A_612] {strides = array<i32>} : memref<4x256xf32, #tpu.memory_space<vmem>>, vector<16xf32>,
    %get3A_614 = arith.constant 2 : i32
    %get3A_615 = arith.index_cast %get3A_614 : i32 to index
    %get3A_616 = arith.constant 112 : index
    %get3A_617 = tpu.vector_load %arg12[%get3A_615, %get3A_616] {strides = array<i32>} : memref<4x256xf32, #tpu.memory_space<vmem>>, vector<16xf32>,
    %parallel_loop3A_618 = arith.constant 0 : i32
    %parallel_loop3A_619 = arith.constant 128 : i32
    %parallel_loop3A_620 = arith.constant 1 : i32
    scf.for %parallel_loop3A_961 = %parallel_loop3A_618 to %parallel_loop3A_619 step %parallel_loop3A_620  : i32 {
      %parallel_loop3A_962 = arith.constant 256 : i32
      %parallel_loop3A_963 = arith.addi %parallel_loop3A_962, %parallel_loop3A_961 : i32
      %parallel_loop3A_964 = vector.broadcast %parallel_loop3A_963 : i32 to vector<16xi32>
      %parallel_loop3A_965 = tpu.vector_load_idx %arg11[%parallel_loop3A_964] : memref<512xf32, #tpu.memory_space<vmem>>[vector<16xi32>], vector<16xf32>,
      %parallel_loop3A_966 = arith.mulf %parallel_loop3A_965, %get3A_525 : vector<16xf32>
      %parallel_loop3A_967 = arith.addf %parallel_loop3A_966, %get3A_557 : vector<16xf32>
      %parallel_loop3A_968 = arith.constant 0.000000e+00 : f32
      %parallel_loop3A_969 = vector.broadcast %parallel_loop3A_968 : f32 to vector<16xf32>
      %parallel_loop3A_970 = arith.maximumf %parallel_loop3A_967, %parallel_loop3A_969 : vector<16xf32>
      %parallel_loop3A_971 = arith.addf %parallel_loop3A_970, %get3A_589 : vector<16xf32>
      %parallel_loop3A_972 = arith.index_cast %parallel_loop3A_961 : i32 to index
      %parallel_loop3A_973 = arith.constant 0 : index
      %parallel_loop3A_974 = tpu.vector_load %arg15[%parallel_loop3A_972, %parallel_loop3A_973] {strides = array<i32>} : memref<128x256xf32, #tpu.memory_space<vmem>>, vector<16xf32>,
      %parallel_loop3A_975 = arith.addf %parallel_loop3A_974, %parallel_loop3A_971 : vector<16xf32>
      %parallel_loop3A_976 = arith.index_cast %parallel_loop3A_961 : i32 to index
      %parallel_loop3A_977 = arith.constant 0 : index
      %parallel_loop3A_978 = tpu.vector_load %arg15[%parallel_loop3A_976, %parallel_loop3A_977] {strides = array<i32>} : memref<128x256xf32, #tpu.memory_space<vmem>>, vector<16xf32>,
      tpu.vector_store %arg15[%parallel_loop3A_976, %parallel_loop3A_977], %parallel_loop3A_975 {strides = array<i32>} : memref<128x256xf32, #tpu.memory_space<vmem>>, vector<16xf32>,
      %parallel_loop3A_979 = arith.mulf %parallel_loop3A_965, %get3A_529 : vector<16xf32>
      %parallel_loop3A_980 = arith.addf %parallel_loop3A_979, %get3A_561 : vector<16xf32>
      %parallel_loop3A_981 = arith.constant 0.000000e+00 : f32
      %parallel_loop3A_982 = vector.broadcast %parallel_loop3A_981 : f32 to vector<16xf32>
      %parallel_loop3A_983 = arith.maximumf %parallel_loop3A_980, %parallel_loop3A_982 : vector<16xf32>
      %parallel_loop3A_984 = arith.addf %parallel_loop3A_983, %get3A_593 : vector<16xf32>
      %parallel_loop3A_985 = arith.index_cast %parallel_loop3A_961 : i32 to index
      %parallel_loop3A_986 = arith.constant 16 : index
      %parallel_loop3A_987 = tpu.vector_load %arg15[%parallel_loop3A_985, %parallel_loop3A_986] {strides = array<i32>} : memref<128x256xf32, #tpu.memory_space<vmem>>, vector<16xf32>,
      %parallel_loop3A_988 = arith.addf %parallel_loop3A_987, %parallel_loop3A_984 : vector<16xf32>
      %parallel_loop3A_989 = arith.index_cast %parallel_loop3A_961 : i32 to index
      %parallel_loop3A_990 = arith.constant 16 : index
      %parallel_loop3A_991 = tpu.vector_load %arg15[%parallel_loop3A_989, %parallel_loop3A_990] {strides = array<i32>} : memref<128x256xf32, #tpu.memory_space<vmem>>, vector<16xf32>,
      tpu.vector_store %arg15[%parallel_loop3A_989, %parallel_loop3A_990], %parallel_loop3A_988 {strides = array<i32>} : memref<128x256xf32, #tpu.memory_space<vmem>>, vector<16xf32>,
      %parallel_loop3A_992 = arith.mulf %parallel_loop3A_965, %get3A_533 : vector<16xf32>
      %parallel_loop3A_993 = arith.addf %parallel_loop3A_992, %get3A_565 : vector<16xf32>
      %parallel_loop3A_994 = arith.constant 0.000000e+00 : f32
      %parallel_loop3A_995 = vector.broadcast %parallel_loop3A_994 : f32 to vector<16xf32>
      %parallel_loop3A_996 = arith.maximumf %parallel_loop3A_993, %parallel_loop3A_995 : vector<16xf32>
      %parallel_loop3A_997 = arith.addf %parallel_loop3A_996, %get3A_597 : vector<16xf32>
      %parallel_loop3A_998 = arith.index_cast %parallel_loop3A_961 : i32 to index
      %parallel_loop3A_999 = arith.constant 32 : index
      %parallel_loop3A_1000 = tpu.vector_load %arg15[%parallel_loop3A_998, %parallel_loop3A_999] {strides = array<i32>} : memref<128x256xf32, #tpu.memory_space<vmem>>, vector<16xf32>,
      %parallel_loop3A_1001 = arith.addf %parallel_loop3A_1000, %parallel_loop3A_997 : vector<16xf32>
      %parallel_loop3A_1002 = arith.index_cast %parallel_loop3A_961 : i32 to index
      %parallel_loop3A_1003 = arith.constant 32 : index
      %parallel_loop3A_1004 = tpu.vector_load %arg15[%parallel_loop3A_1002, %parallel_loop3A_1003] {strides = array<i32>} : memref<128x256xf32, #tpu.memory_space<vmem>>, vector<16xf32>,
      tpu.vector_store %arg15[%parallel_loop3A_1002, %parallel_loop3A_1003], %parallel_loop3A_1001 {strides = array<i32>} : memref<128x256xf32, #tpu.memory_space<vmem>>, vector<16xf32>,
      %parallel_loop3A_1005 = arith.mulf %parallel_loop3A_965, %get3A_537 : vector<16xf32>
      %parallel_loop3A_1006 = arith.addf %parallel_loop3A_1005, %get3A_569 : vector<16xf32>
      %parallel_loop3A_1007 = arith.constant 0.000000e+00 : f32
      %parallel_loop3A_1008 = vector.broadcast %parallel_loop3A_1007 : f32 to vector<16xf32>
      %parallel_loop3A_1009 = arith.maximumf %parallel_loop3A_1006, %parallel_loop3A_1008 : vector<16xf32>
      %parallel_loop3A_1010 = arith.addf %parallel_loop3A_1009, %get3A_601 : vector<16xf32>
      %parallel_loop3A_1011 = arith.index_cast %parallel_loop3A_961 : i32 to index
      %parallel_loop3A_1012 = arith.constant 48 : index
      %parallel_loop3A_1013 = tpu.vector_load %arg15[%parallel_loop3A_1011, %parallel_loop3A_1012] {strides = array<i32>} : memref<128x256xf32, #tpu.memory_space<vmem>>, vector<16xf32>,
      %parallel_loop3A_1014 = arith.addf %parallel_loop3A_1013, %parallel_loop3A_1010 : vector<16xf32>
      %parallel_loop3A_1015 = arith.index_cast %parallel_loop3A_961 : i32 to index
      %parallel_loop3A_1016 = arith.constant 48 : index
      %parallel_loop3A_1017 = tpu.vector_load %arg15[%parallel_loop3A_1015, %parallel_loop3A_1016] {strides = array<i32>} : memref<128x256xf32, #tpu.memory_space<vmem>>, vector<16xf32>,
      tpu.vector_store %arg15[%parallel_loop3A_1015, %parallel_loop3A_1016], %parallel_loop3A_1014 {strides = array<i32>} : memref<128x256xf32, #tpu.memory_space<vmem>>, vector<16xf32>,
      %parallel_loop3A_1018 = arith.mulf %parallel_loop3A_965, %get3A_541 : vector<16xf32>
      %parallel_loop3A_1019 = arith.addf %parallel_loop3A_1018, %get3A_573 : vector<16xf32>
      %parallel_loop3A_1020 = arith.constant 0.000000e+00 : f32
      %parallel_loop3A_1021 = vector.broadcast %parallel_loop3A_1020 : f32 to vector<16xf32>
      %parallel_loop3A_1022 = arith.maximumf %parallel_loop3A_1019, %parallel_loop3A_1021 : vector<16xf32>
      %parallel_loop3A_1023 = arith.addf %parallel_loop3A_1022, %get3A_605 : vector<16xf32>
      %parallel_loop3A_1024 = arith.index_cast %parallel_loop3A_961 : i32 to index
      %parallel_loop3A_1025 = arith.constant 64 : index
      %parallel_loop3A_1026 = tpu.vector_load %arg15[%parallel_loop3A_1024, %parallel_loop3A_1025] {strides = array<i32>} : memref<128x256xf32, #tpu.memory_space<vmem>>, vector<16xf32>,
      %parallel_loop3A_1027 = arith.addf %parallel_loop3A_1026, %parallel_loop3A_1023 : vector<16xf32>
      %parallel_loop3A_1028 = arith.index_cast %parallel_loop3A_961 : i32 to index
      %parallel_loop3A_1029 = arith.constant 64 : index
      %parallel_loop3A_1030 = tpu.vector_load %arg15[%parallel_loop3A_1028, %parallel_loop3A_1029] {strides = array<i32>} : memref<128x256xf32, #tpu.memory_space<vmem>>, vector<16xf32>,
      tpu.vector_store %arg15[%parallel_loop3A_1028, %parallel_loop3A_1029], %parallel_loop3A_1027 {strides = array<i32>} : memref<128x256xf32, #tpu.memory_space<vmem>>, vector<16xf32>,
      %parallel_loop3A_1031 = arith.mulf %parallel_loop3A_965, %get3A_545 : vector<16xf32>
      %parallel_loop3A_1032 = arith.addf %parallel_loop3A_1031, %get3A_577 : vector<16xf32>
      %parallel_loop3A_1033 = arith.constant 0.000000e+00 : f32
      %parallel_loop3A_1034 = vector.broadcast %parallel_loop3A_1033 : f32 to vector<16xf32>
      %parallel_loop3A_1035 = arith.maximumf %parallel_loop3A_1032, %parallel_loop3A_1034 : vector<16xf32>
      %parallel_loop3A_1036 = arith.addf %parallel_loop3A_1035, %get3A_609 : vector<16xf32>
      %parallel_loop3A_1037 = arith.index_cast %parallel_loop3A_961 : i32 to index
      %parallel_loop3A_1038 = arith.constant 80 : index
      %parallel_loop3A_1039 = tpu.vector_load %arg15[%parallel_loop3A_1037, %parallel_loop3A_1038] {strides = array<i32>} : memref<128x256xf32, #tpu.memory_space<vmem>>, vector<16xf32>,
      %parallel_loop3A_1040 = arith.addf %parallel_loop3A_1039, %parallel_loop3A_1036 : vector<16xf32>
      %parallel_loop3A_1041 = arith.index_cast %parallel_loop3A_961 : i32 to index
      %parallel_loop3A_1042 = arith.constant 80 : index
      %parallel_loop3A_1043 = tpu.vector_load %arg15[%parallel_loop3A_1041, %parallel_loop3A_1042] {strides = array<i32>} : memref<128x256xf32, #tpu.memory_space<vmem>>, vector<16xf32>,
      tpu.vector_store %arg15[%parallel_loop3A_1041, %parallel_loop3A_1042], %parallel_loop3A_1040 {strides = array<i32>} : memref<128x256xf32, #tpu.memory_space<vmem>>, vector<16xf32>,
      %parallel_loop3A_1044 = arith.mulf %parallel_loop3A_965, %get3A_549 : vector<16xf32>
      %parallel_loop3A_1045 = arith.addf %parallel_loop3A_1044, %get3A_581 : vector<16xf32>
      %parallel_loop3A_1046 = arith.constant 0.000000e+00 : f32
      %parallel_loop3A_1047 = vector.broadcast %parallel_loop3A_1046 : f32 to vector<16xf32>
      %parallel_loop3A_1048 = arith.maximumf %parallel_loop3A_1045, %parallel_loop3A_1047 : vector<16xf32>
      %parallel_loop3A_1049 = arith.addf %parallel_loop3A_1048, %get3A_613 : vector<16xf32>
      %parallel_loop3A_1050 = arith.index_cast %parallel_loop3A_961 : i32 to index
      %parallel_loop3A_1051 = arith.constant 96 : index
      %parallel_loop3A_1052 = tpu.vector_load %arg15[%parallel_loop3A_1050, %parallel_loop3A_1051] {strides = array<i32>} : memref<128x256xf32, #tpu.memory_space<vmem>>, vector<16xf32>,
      %parallel_loop3A_1053 = arith.addf %parallel_loop3A_1052, %parallel_loop3A_1049 : vector<16xf32>
      %parallel_loop3A_1054 = arith.index_cast %parallel_loop3A_961 : i32 to index
      %parallel_loop3A_1055 = arith.constant 96 : index
      %parallel_loop3A_1056 = tpu.vector_load %arg15[%parallel_loop3A_1054, %parallel_loop3A_1055] {strides = array<i32>} : memref<128x256xf32, #tpu.memory_space<vmem>>, vector<16xf32>,
      tpu.vector_store %arg15[%parallel_loop3A_1054, %parallel_loop3A_1055], %parallel_loop3A_1053 {strides = array<i32>} : memref<128x256xf32, #tpu.memory_space<vmem>>, vector<16xf32>,
      %parallel_loop3A_1057 = arith.mulf %parallel_loop3A_965, %get3A_553 : vector<16xf32>
      %parallel_loop3A_1058 = arith.addf %parallel_loop3A_1057, %get3A_585 : vector<16xf32>
      %parallel_loop3A_1059 = arith.constant 0.000000e+00 : f32
      %parallel_loop3A_1060 = vector.broadcast %parallel_loop3A_1059 : f32 to vector<16xf32>
      %parallel_loop3A_1061 = arith.maximumf %parallel_loop3A_1058, %parallel_loop3A_1060 : vector<16xf32>
      %parallel_loop3A_1062 = arith.addf %parallel_loop3A_1061, %get3A_617 : vector<16xf32>
      %parallel_loop3A_1063 = arith.index_cast %parallel_loop3A_961 : i32 to index
      %parallel_loop3A_1064 = arith.constant 112 : index
      %parallel_loop3A_1065 = tpu.vector_load %arg15[%parallel_loop3A_1063, %parallel_loop3A_1064] {strides = array<i32>} : memref<128x256xf32, #tpu.memory_space<vmem>>, vector<16xf32>,
      %parallel_loop3A_1066 = arith.addf %parallel_loop3A_1065, %parallel_loop3A_1062 : vector<16xf32>
      %parallel_loop3A_1067 = arith.index_cast %parallel_loop3A_961 : i32 to index
      %parallel_loop3A_1068 = arith.constant 112 : index
      %parallel_loop3A_1069 = tpu.vector_load %arg15[%parallel_loop3A_1067, %parallel_loop3A_1068] {strides = array<i32>} : memref<128x256xf32, #tpu.memory_space<vmem>>, vector<16xf32>,
      tpu.vector_store %arg15[%parallel_loop3A_1067, %parallel_loop3A_1068], %parallel_loop3A_1066 {strides = array<i32>} : memref<128x256xf32, #tpu.memory_space<vmem>>, vector<16xf32>,
    } {sc.loop_unroll_factor = 3 : i64, sc.parallel_access}
    %get3A_621 = arith.constant 0 : i32
    %get3A_622 = arith.index_cast %get3A_621 : i32 to index
    %get3A_623 = arith.constant 128 : index
    %get3A_624 = tpu.vector_load %arg12[%get3A_622, %get3A_623] {strides = array<i32>} : memref<4x256xf32, #tpu.memory_space<vmem>>, vector<16xf32>,
    %get3A_625 = arith.constant 0 : i32
    %get3A_626 = arith.index_cast %get3A_625 : i32 to index
    %get3A_627 = arith.constant 144 : index
    %get3A_628 = tpu.vector_load %arg12[%get3A_626, %get3A_627] {strides = array<i32>} : memref<4x256xf32, #tpu.memory_space<vmem>>, vector<16xf32>,
    %get3A_629 = arith.constant 0 : i32
    %get3A_630 = arith.index_cast %get3A_629 : i32 to index
    %get3A_631 = arith.constant 160 : index
    %get3A_632 = tpu.vector_load %arg12[%get3A_630, %get3A_631] {strides = array<i32>} : memref<4x256xf32, #tpu.memory_space<vmem>>, vector<16xf32>,
    %get3A_633 = arith.constant 0 : i32
    %get3A_634 = arith.index_cast %get3A_633 : i32 to index
    %get3A_635 = arith.constant 176 : index
    %get3A_636 = tpu.vector_load %arg12[%get3A_634, %get3A_635] {strides = array<i32>} : memref<4x256xf32, #tpu.memory_space<vmem>>, vector<16xf32>,
    %get3A_637 = arith.constant 0 : i32
    %get3A_638 = arith.index_cast %get3A_637 : i32 to index
    %get3A_639 = arith.constant 192 : index
    %get3A_640 = tpu.vector_load %arg12[%get3A_638, %get3A_639] {strides = array<i32>} : memref<4x256xf32, #tpu.memory_space<vmem>>, vector<16xf32>,
    %get3A_641 = arith.constant 0 : i32
    %get3A_642 = arith.index_cast %get3A_641 : i32 to index
    %get3A_643 = arith.constant 208 : index
    %get3A_644 = tpu.vector_load %arg12[%get3A_642, %get3A_643] {strides = array<i32>} : memref<4x256xf32, #tpu.memory_space<vmem>>, vector<16xf32>,
    %get3A_645 = arith.constant 0 : i32
    %get3A_646 = arith.index_cast %get3A_645 : i32 to index
    %get3A_647 = arith.constant 224 : index
    %get3A_648 = tpu.vector_load %arg12[%get3A_646, %get3A_647] {strides = array<i32>} : memref<4x256xf32, #tpu.memory_space<vmem>>, vector<16xf32>,
    %get3A_649 = arith.constant 0 : i32
    %get3A_650 = arith.index_cast %get3A_649 : i32 to index
    %get3A_651 = arith.constant 240 : index
    %get3A_652 = tpu.vector_load %arg12[%get3A_650, %get3A_651] {strides = array<i32>} : memref<4x256xf32, #tpu.memory_space<vmem>>, vector<16xf32>,
    %get3A_653 = arith.constant 1 : i32
    %get3A_654 = arith.index_cast %get3A_653 : i32 to index
    %get3A_655 = arith.constant 128 : index
    %get3A_656 = tpu.vector_load %arg12[%get3A_654, %get3A_655] {strides = array<i32>} : memref<4x256xf32, #tpu.memory_space<vmem>>, vector<16xf32>,
    %get3A_657 = arith.constant 1 : i32
    %get3A_658 = arith.index_cast %get3A_657 : i32 to index
    %get3A_659 = arith.constant 144 : index
    %get3A_660 = tpu.vector_load %arg12[%get3A_658, %get3A_659] {strides = array<i32>} : memref<4x256xf32, #tpu.memory_space<vmem>>, vector<16xf32>,
    %get3A_661 = arith.constant 1 : i32
    %get3A_662 = arith.index_cast %get3A_661 : i32 to index
    %get3A_663 = arith.constant 160 : index
    %get3A_664 = tpu.vector_load %arg12[%get3A_662, %get3A_663] {strides = array<i32>} : memref<4x256xf32, #tpu.memory_space<vmem>>, vector<16xf32>,
    %get3A_665 = arith.constant 1 : i32
    %get3A_666 = arith.index_cast %get3A_665 : i32 to index
    %get3A_667 = arith.constant 176 : index
    %get3A_668 = tpu.vector_load %arg12[%get3A_666, %get3A_667] {strides = array<i32>} : memref<4x256xf32, #tpu.memory_space<vmem>>, vector<16xf32>,
    %get3A_669 = arith.constant 1 : i32
    %get3A_670 = arith.index_cast %get3A_669 : i32 to index
    %get3A_671 = arith.constant 192 : index
    %get3A_672 = tpu.vector_load %arg12[%get3A_670, %get3A_671] {strides = array<i32>} : memref<4x256xf32, #tpu.memory_space<vmem>>, vector<16xf32>,
    %get3A_673 = arith.constant 1 : i32
    %get3A_674 = arith.index_cast %get3A_673 : i32 to index
    %get3A_675 = arith.constant 208 : index
    %get3A_676 = tpu.vector_load %arg12[%get3A_674, %get3A_675] {strides = array<i32>} : memref<4x256xf32, #tpu.memory_space<vmem>>, vector<16xf32>,
    %get3A_677 = arith.constant 1 : i32
    %get3A_678 = arith.index_cast %get3A_677 : i32 to index
    %get3A_679 = arith.constant 224 : index
    %get3A_680 = tpu.vector_load %arg12[%get3A_678, %get3A_679] {strides = array<i32>} : memref<4x256xf32, #tpu.memory_space<vmem>>, vector<16xf32>,
    %get3A_681 = arith.constant 1 : i32
    %get3A_682 = arith.index_cast %get3A_681 : i32 to index
    %get3A_683 = arith.constant 240 : index
    %get3A_684 = tpu.vector_load %arg12[%get3A_682, %get3A_683] {strides = array<i32>} : memref<4x256xf32, #tpu.memory_space<vmem>>, vector<16xf32>,
    %get3A_685 = arith.constant 2 : i32
    %get3A_686 = arith.index_cast %get3A_685 : i32 to index
    %get3A_687 = arith.constant 128 : index
    %get3A_688 = tpu.vector_load %arg12[%get3A_686, %get3A_687] {strides = array<i32>} : memref<4x256xf32, #tpu.memory_space<vmem>>, vector<16xf32>,
    %get3A_689 = arith.constant 2 : i32
    %get3A_690 = arith.index_cast %get3A_689 : i32 to index
    %get3A_691 = arith.constant 144 : index
    %get3A_692 = tpu.vector_load %arg12[%get3A_690, %get3A_691] {strides = array<i32>} : memref<4x256xf32, #tpu.memory_space<vmem>>, vector<16xf32>,
    %get3A_693 = arith.constant 2 : i32
    %get3A_694 = arith.index_cast %get3A_693 : i32 to index
    %get3A_695 = arith.constant 160 : index
    %get3A_696 = tpu.vector_load %arg12[%get3A_694, %get3A_695] {strides = array<i32>} : memref<4x256xf32, #tpu.memory_space<vmem>>, vector<16xf32>,
    %get3A_697 = arith.constant 2 : i32
    %get3A_698 = arith.index_cast %get3A_697 : i32 to index
    %get3A_699 = arith.constant 176 : index
    %get3A_700 = tpu.vector_load %arg12[%get3A_698, %get3A_699] {strides = array<i32>} : memref<4x256xf32, #tpu.memory_space<vmem>>, vector<16xf32>,
    %get3A_701 = arith.constant 2 : i32
    %get3A_702 = arith.index_cast %get3A_701 : i32 to index
    %get3A_703 = arith.constant 192 : index
    %get3A_704 = tpu.vector_load %arg12[%get3A_702, %get3A_703] {strides = array<i32>} : memref<4x256xf32, #tpu.memory_space<vmem>>, vector<16xf32>,
    %get3A_705 = arith.constant 2 : i32
    %get3A_706 = arith.index_cast %get3A_705 : i32 to index
    %get3A_707 = arith.constant 208 : index
    %get3A_708 = tpu.vector_load %arg12[%get3A_706, %get3A_707] {strides = array<i32>} : memref<4x256xf32, #tpu.memory_space<vmem>>, vector<16xf32>,
    %get3A_709 = arith.constant 2 : i32
    %get3A_710 = arith.index_cast %get3A_709 : i32 to index
    %get3A_711 = arith.constant 224 : index
    %get3A_712 = tpu.vector_load %arg12[%get3A_710, %get3A_711] {strides = array<i32>} : memref<4x256xf32, #tpu.memory_space<vmem>>, vector<16xf32>,
    %get3A_713 = arith.constant 2 : i32
    %get3A_714 = arith.index_cast %get3A_713 : i32 to index
    %get3A_715 = arith.constant 240 : index
    %get3A_716 = tpu.vector_load %arg12[%get3A_714, %get3A_715] {strides = array<i32>} : memref<4x256xf32, #tpu.memory_space<vmem>>, vector<16xf32>,
    %parallel_loop3A_717 = arith.constant 0 : i32
    %parallel_loop3A_718 = arith.constant 128 : i32
    %parallel_loop3A_719 = arith.constant 1 : i32
    scf.for %parallel_loop3A_961 = %parallel_loop3A_717 to %parallel_loop3A_718 step %parallel_loop3A_719  : i32 {
      %parallel_loop3A_962 = arith.constant 256 : i32
      %parallel_loop3A_963 = arith.addi %parallel_loop3A_962, %parallel_loop3A_961 : i32
      %parallel_loop3A_964 = vector.broadcast %parallel_loop3A_963 : i32 to vector<16xi32>
      %parallel_loop3A_965 = tpu.vector_load_idx %arg11[%parallel_loop3A_964] : memref<512xf32, #tpu.memory_space<vmem>>[vector<16xi32>], vector<16xf32>,
      %parallel_loop3A_966 = arith.mulf %parallel_loop3A_965, %get3A_624 : vector<16xf32>
      %parallel_loop3A_967 = arith.addf %parallel_loop3A_966, %get3A_656 : vector<16xf32>
      %parallel_loop3A_968 = arith.constant 0.000000e+00 : f32
      %parallel_loop3A_969 = vector.broadcast %parallel_loop3A_968 : f32 to vector<16xf32>
      %parallel_loop3A_970 = arith.maximumf %parallel_loop3A_967, %parallel_loop3A_969 : vector<16xf32>
      %parallel_loop3A_971 = arith.addf %parallel_loop3A_970, %get3A_688 : vector<16xf32>
      %parallel_loop3A_972 = arith.index_cast %parallel_loop3A_961 : i32 to index
      %parallel_loop3A_973 = arith.constant 128 : index
      %parallel_loop3A_974 = tpu.vector_load %arg15[%parallel_loop3A_972, %parallel_loop3A_973] {strides = array<i32>} : memref<128x256xf32, #tpu.memory_space<vmem>>, vector<16xf32>,
      %parallel_loop3A_975 = arith.addf %parallel_loop3A_974, %parallel_loop3A_971 : vector<16xf32>
      %parallel_loop3A_976 = arith.index_cast %parallel_loop3A_961 : i32 to index
      %parallel_loop3A_977 = arith.constant 128 : index
      %parallel_loop3A_978 = tpu.vector_load %arg15[%parallel_loop3A_976, %parallel_loop3A_977] {strides = array<i32>} : memref<128x256xf32, #tpu.memory_space<vmem>>, vector<16xf32>,
      tpu.vector_store %arg15[%parallel_loop3A_976, %parallel_loop3A_977], %parallel_loop3A_975 {strides = array<i32>} : memref<128x256xf32, #tpu.memory_space<vmem>>, vector<16xf32>,
      %parallel_loop3A_979 = arith.mulf %parallel_loop3A_965, %get3A_628 : vector<16xf32>
      %parallel_loop3A_980 = arith.addf %parallel_loop3A_979, %get3A_660 : vector<16xf32>
      %parallel_loop3A_981 = arith.constant 0.000000e+00 : f32
      %parallel_loop3A_982 = vector.broadcast %parallel_loop3A_981 : f32 to vector<16xf32>
      %parallel_loop3A_983 = arith.maximumf %parallel_loop3A_980, %parallel_loop3A_982 : vector<16xf32>
      %parallel_loop3A_984 = arith.addf %parallel_loop3A_983, %get3A_692 : vector<16xf32>
      %parallel_loop3A_985 = arith.index_cast %parallel_loop3A_961 : i32 to index
      %parallel_loop3A_986 = arith.constant 144 : index
      %parallel_loop3A_987 = tpu.vector_load %arg15[%parallel_loop3A_985, %parallel_loop3A_986] {strides = array<i32>} : memref<128x256xf32, #tpu.memory_space<vmem>>, vector<16xf32>,
      %parallel_loop3A_988 = arith.addf %parallel_loop3A_987, %parallel_loop3A_984 : vector<16xf32>
      %parallel_loop3A_989 = arith.index_cast %parallel_loop3A_961 : i32 to index
      %parallel_loop3A_990 = arith.constant 144 : index
      %parallel_loop3A_991 = tpu.vector_load %arg15[%parallel_loop3A_989, %parallel_loop3A_990] {strides = array<i32>} : memref<128x256xf32, #tpu.memory_space<vmem>>, vector<16xf32>,
      tpu.vector_store %arg15[%parallel_loop3A_989, %parallel_loop3A_990], %parallel_loop3A_988 {strides = array<i32>} : memref<128x256xf32, #tpu.memory_space<vmem>>, vector<16xf32>,
      %parallel_loop3A_992 = arith.mulf %parallel_loop3A_965, %get3A_632 : vector<16xf32>
      %parallel_loop3A_993 = arith.addf %parallel_loop3A_992, %get3A_664 : vector<16xf32>
      %parallel_loop3A_994 = arith.constant 0.000000e+00 : f32
      %parallel_loop3A_995 = vector.broadcast %parallel_loop3A_994 : f32 to vector<16xf32>
      %parallel_loop3A_996 = arith.maximumf %parallel_loop3A_993, %parallel_loop3A_995 : vector<16xf32>
      %parallel_loop3A_997 = arith.addf %parallel_loop3A_996, %get3A_696 : vector<16xf32>
      %parallel_loop3A_998 = arith.index_cast %parallel_loop3A_961 : i32 to index
      %parallel_loop3A_999 = arith.constant 160 : index
      %parallel_loop3A_1000 = tpu.vector_load %arg15[%parallel_loop3A_998, %parallel_loop3A_999] {strides = array<i32>} : memref<128x256xf32, #tpu.memory_space<vmem>>, vector<16xf32>,
      %parallel_loop3A_1001 = arith.addf %parallel_loop3A_1000, %parallel_loop3A_997 : vector<16xf32>
      %parallel_loop3A_1002 = arith.index_cast %parallel_loop3A_961 : i32 to index
      %parallel_loop3A_1003 = arith.constant 160 : index
      %parallel_loop3A_1004 = tpu.vector_load %arg15[%parallel_loop3A_1002, %parallel_loop3A_1003] {strides = array<i32>} : memref<128x256xf32, #tpu.memory_space<vmem>>, vector<16xf32>,
      tpu.vector_store %arg15[%parallel_loop3A_1002, %parallel_loop3A_1003], %parallel_loop3A_1001 {strides = array<i32>} : memref<128x256xf32, #tpu.memory_space<vmem>>, vector<16xf32>,
      %parallel_loop3A_1005 = arith.mulf %parallel_loop3A_965, %get3A_636 : vector<16xf32>
      %parallel_loop3A_1006 = arith.addf %parallel_loop3A_1005, %get3A_668 : vector<16xf32>
      %parallel_loop3A_1007 = arith.constant 0.000000e+00 : f32
      %parallel_loop3A_1008 = vector.broadcast %parallel_loop3A_1007 : f32 to vector<16xf32>
      %parallel_loop3A_1009 = arith.maximumf %parallel_loop3A_1006, %parallel_loop3A_1008 : vector<16xf32>
      %parallel_loop3A_1010 = arith.addf %parallel_loop3A_1009, %get3A_700 : vector<16xf32>
      %parallel_loop3A_1011 = arith.index_cast %parallel_loop3A_961 : i32 to index
      %parallel_loop3A_1012 = arith.constant 176 : index
      %parallel_loop3A_1013 = tpu.vector_load %arg15[%parallel_loop3A_1011, %parallel_loop3A_1012] {strides = array<i32>} : memref<128x256xf32, #tpu.memory_space<vmem>>, vector<16xf32>,
      %parallel_loop3A_1014 = arith.addf %parallel_loop3A_1013, %parallel_loop3A_1010 : vector<16xf32>
      %parallel_loop3A_1015 = arith.index_cast %parallel_loop3A_961 : i32 to index
      %parallel_loop3A_1016 = arith.constant 176 : index
      %parallel_loop3A_1017 = tpu.vector_load %arg15[%parallel_loop3A_1015, %parallel_loop3A_1016] {strides = array<i32>} : memref<128x256xf32, #tpu.memory_space<vmem>>, vector<16xf32>,
      tpu.vector_store %arg15[%parallel_loop3A_1015, %parallel_loop3A_1016], %parallel_loop3A_1014 {strides = array<i32>} : memref<128x256xf32, #tpu.memory_space<vmem>>, vector<16xf32>,
      %parallel_loop3A_1018 = arith.mulf %parallel_loop3A_965, %get3A_640 : vector<16xf32>
      %parallel_loop3A_1019 = arith.addf %parallel_loop3A_1018, %get3A_672 : vector<16xf32>
      %parallel_loop3A_1020 = arith.constant 0.000000e+00 : f32
      %parallel_loop3A_1021 = vector.broadcast %parallel_loop3A_1020 : f32 to vector<16xf32>
      %parallel_loop3A_1022 = arith.maximumf %parallel_loop3A_1019, %parallel_loop3A_1021 : vector<16xf32>
      %parallel_loop3A_1023 = arith.addf %parallel_loop3A_1022, %get3A_704 : vector<16xf32>
      %parallel_loop3A_1024 = arith.index_cast %parallel_loop3A_961 : i32 to index
      %parallel_loop3A_1025 = arith.constant 192 : index
      %parallel_loop3A_1026 = tpu.vector_load %arg15[%parallel_loop3A_1024, %parallel_loop3A_1025] {strides = array<i32>} : memref<128x256xf32, #tpu.memory_space<vmem>>, vector<16xf32>,
      %parallel_loop3A_1027 = arith.addf %parallel_loop3A_1026, %parallel_loop3A_1023 : vector<16xf32>
      %parallel_loop3A_1028 = arith.index_cast %parallel_loop3A_961 : i32 to index
      %parallel_loop3A_1029 = arith.constant 192 : index
      %parallel_loop3A_1030 = tpu.vector_load %arg15[%parallel_loop3A_1028, %parallel_loop3A_1029] {strides = array<i32>} : memref<128x256xf32, #tpu.memory_space<vmem>>, vector<16xf32>,
      tpu.vector_store %arg15[%parallel_loop3A_1028, %parallel_loop3A_1029], %parallel_loop3A_1027 {strides = array<i32>} : memref<128x256xf32, #tpu.memory_space<vmem>>, vector<16xf32>,
      %parallel_loop3A_1031 = arith.mulf %parallel_loop3A_965, %get3A_644 : vector<16xf32>
      %parallel_loop3A_1032 = arith.addf %parallel_loop3A_1031, %get3A_676 : vector<16xf32>
      %parallel_loop3A_1033 = arith.constant 0.000000e+00 : f32
      %parallel_loop3A_1034 = vector.broadcast %parallel_loop3A_1033 : f32 to vector<16xf32>
      %parallel_loop3A_1035 = arith.maximumf %parallel_loop3A_1032, %parallel_loop3A_1034 : vector<16xf32>
      %parallel_loop3A_1036 = arith.addf %parallel_loop3A_1035, %get3A_708 : vector<16xf32>
      %parallel_loop3A_1037 = arith.index_cast %parallel_loop3A_961 : i32 to index
      %parallel_loop3A_1038 = arith.constant 208 : index
      %parallel_loop3A_1039 = tpu.vector_load %arg15[%parallel_loop3A_1037, %parallel_loop3A_1038] {strides = array<i32>} : memref<128x256xf32, #tpu.memory_space<vmem>>, vector<16xf32>,
      %parallel_loop3A_1040 = arith.addf %parallel_loop3A_1039, %parallel_loop3A_1036 : vector<16xf32>
      %parallel_loop3A_1041 = arith.index_cast %parallel_loop3A_961 : i32 to index
      %parallel_loop3A_1042 = arith.constant 208 : index
      %parallel_loop3A_1043 = tpu.vector_load %arg15[%parallel_loop3A_1041, %parallel_loop3A_1042] {strides = array<i32>} : memref<128x256xf32, #tpu.memory_space<vmem>>, vector<16xf32>,
      tpu.vector_store %arg15[%parallel_loop3A_1041, %parallel_loop3A_1042], %parallel_loop3A_1040 {strides = array<i32>} : memref<128x256xf32, #tpu.memory_space<vmem>>, vector<16xf32>,
      %parallel_loop3A_1044 = arith.mulf %parallel_loop3A_965, %get3A_648 : vector<16xf32>
      %parallel_loop3A_1045 = arith.addf %parallel_loop3A_1044, %get3A_680 : vector<16xf32>
      %parallel_loop3A_1046 = arith.constant 0.000000e+00 : f32
      %parallel_loop3A_1047 = vector.broadcast %parallel_loop3A_1046 : f32 to vector<16xf32>
      %parallel_loop3A_1048 = arith.maximumf %parallel_loop3A_1045, %parallel_loop3A_1047 : vector<16xf32>
      %parallel_loop3A_1049 = arith.addf %parallel_loop3A_1048, %get3A_712 : vector<16xf32>
      %parallel_loop3A_1050 = arith.index_cast %parallel_loop3A_961 : i32 to index
      %parallel_loop3A_1051 = arith.constant 224 : index
      %parallel_loop3A_1052 = tpu.vector_load %arg15[%parallel_loop3A_1050, %parallel_loop3A_1051] {strides = array<i32>} : memref<128x256xf32, #tpu.memory_space<vmem>>, vector<16xf32>,
      %parallel_loop3A_1053 = arith.addf %parallel_loop3A_1052, %parallel_loop3A_1049 : vector<16xf32>
      %parallel_loop3A_1054 = arith.index_cast %parallel_loop3A_961 : i32 to index
      %parallel_loop3A_1055 = arith.constant 224 : index
      %parallel_loop3A_1056 = tpu.vector_load %arg15[%parallel_loop3A_1054, %parallel_loop3A_1055] {strides = array<i32>} : memref<128x256xf32, #tpu.memory_space<vmem>>, vector<16xf32>,
      tpu.vector_store %arg15[%parallel_loop3A_1054, %parallel_loop3A_1055], %parallel_loop3A_1053 {strides = array<i32>} : memref<128x256xf32, #tpu.memory_space<vmem>>, vector<16xf32>,
      %parallel_loop3A_1057 = arith.mulf %parallel_loop3A_965, %get3A_652 : vector<16xf32>
      %parallel_loop3A_1058 = arith.addf %parallel_loop3A_1057, %get3A_684 : vector<16xf32>
      %parallel_loop3A_1059 = arith.constant 0.000000e+00 : f32
      %parallel_loop3A_1060 = vector.broadcast %parallel_loop3A_1059 : f32 to vector<16xf32>
      %parallel_loop3A_1061 = arith.maximumf %parallel_loop3A_1058, %parallel_loop3A_1060 : vector<16xf32>
      %parallel_loop3A_1062 = arith.addf %parallel_loop3A_1061, %get3A_716 : vector<16xf32>
      %parallel_loop3A_1063 = arith.index_cast %parallel_loop3A_961 : i32 to index
      %parallel_loop3A_1064 = arith.constant 240 : index
      %parallel_loop3A_1065 = tpu.vector_load %arg15[%parallel_loop3A_1063, %parallel_loop3A_1064] {strides = array<i32>} : memref<128x256xf32, #tpu.memory_space<vmem>>, vector<16xf32>,
      %parallel_loop3A_1066 = arith.addf %parallel_loop3A_1065, %parallel_loop3A_1062 : vector<16xf32>
      %parallel_loop3A_1067 = arith.index_cast %parallel_loop3A_961 : i32 to index
      %parallel_loop3A_1068 = arith.constant 240 : index
      %parallel_loop3A_1069 = tpu.vector_load %arg15[%parallel_loop3A_1067, %parallel_loop3A_1068] {strides = array<i32>} : memref<128x256xf32, #tpu.memory_space<vmem>>, vector<16xf32>,
      tpu.vector_store %arg15[%parallel_loop3A_1067, %parallel_loop3A_1068], %parallel_loop3A_1066 {strides = array<i32>} : memref<128x256xf32, #tpu.memory_space<vmem>>, vector<16xf32>,
    } {sc.loop_unroll_factor = 3 : i64, sc.parallel_access}
    %add3A_720 = arith.constant 1 : i32
    %add3A_721 = arith.addi %add3A_720, %multiple_of3A : i32
    %add3A_722 = arith.constant 256 : i32
    %add3A_723 = arith.addi %add3A_721, %add3A_722 : i32
    %dma_start3A_724 = tpu.memref_reshape %arg9 : memref<16385x1x256xf32, #tpu.memory_space<hbm>> -> memref<16385x256xf32, #tpu.memory_space<hbm>>
    %dma_start3A_725 = arith.constant 0 : i32
    %dma_start3A_726 = tpu.memref_slice %dma_start3A_724[%add3A_723, %dma_start3A_725] : memref<16385x256xf32, #tpu.memory_space<hbm>> -> memref<128x256xf32, #tpu.memory_space<hbm>>
    %dma_start3A_727 = tpu.memref_reshape %arg9 : memref<16385x1x256xf32, #tpu.memory_space<hbm>> -> memref<16385x256xf32, #tpu.memory_space<hbm>>
    %dma_start3A_728 = arith.constant 0 : i32
    %dma_start3A_729 = tpu.memref_slice %dma_start3A_727[%add3A_723, %dma_start3A_728] : memref<16385x256xf32, #tpu.memory_space<hbm>> -> memref<128x256xf32, #tpu.memory_space<hbm>>
    tpu.enqueue_dma source(%arg15 : memref<128x256xf32, #tpu.memory_space<vmem>>) target(%dma_start3A_729 : memref<128x256xf32, #tpu.memory_space<hbm>>) target_semaphore(%arg22 : memref<!tpu.dma_semaphore, #tpu.memory_space<semaphore_mem>>)
    %dma_wait3A_730 = arith.constant 384 : i32
    %dma_wait3A_731 = tpu.memref_slice %arg10[%dma_wait3A_730] : memref<512xi32, #tpu.memory_space<vmem>> -> memref<128xi32, #tpu.memory_space<vmem>>
    %dma_wait3A_732 = arith.constant 0 : i32
    %dma_wait3A_733 = arith.constant 0 : i32
    %dma_wait3A_734 = tpu.memref_slice %arg2[%dma_wait3A_732, %dma_wait3A_733] : memref<100000x256xf32, #tpu.memory_space<hbm>> -> memref<100000x256xf32, #tpu.memory_space<hbm>>
    tpu.wait_indirect_dma semaphore(%arg17 : memref<!tpu.dma_semaphore, #tpu.memory_space<semaphore_mem>>) src(%dma_wait3A_734 : memref<100000x256xf32, #tpu.memory_space<hbm>>) dst(%arg13 : memref<128x256xf32, #tpu.memory_space<vmem>>)
    %get3A_735 = arith.constant 0 : i32
    %get3A_736 = arith.index_cast %get3A_735 : i32 to index
    %get3A_737 = arith.constant 0 : index
    %get3A_738 = tpu.vector_load %arg12[%get3A_736, %get3A_737] {strides = array<i32>} : memref<4x256xf32, #tpu.memory_space<vmem>>, vector<16xf32>,
    %get3A_739 = arith.constant 0 : i32
    %get3A_740 = arith.index_cast %get3A_739 : i32 to index
    %get3A_741 = arith.constant 16 : index
    %get3A_742 = tpu.vector_load %arg12[%get3A_740, %get3A_741] {strides = array<i32>} : memref<4x256xf32, #tpu.memory_space<vmem>>, vector<16xf32>,
    %get3A_743 = arith.constant 0 : i32
    %get3A_744 = arith.index_cast %get3A_743 : i32 to index
    %get3A_745 = arith.constant 32 : index
    %get3A_746 = tpu.vector_load %arg12[%get3A_744, %get3A_745] {strides = array<i32>} : memref<4x256xf32, #tpu.memory_space<vmem>>, vector<16xf32>,
    %get3A_747 = arith.constant 0 : i32
    %get3A_748 = arith.index_cast %get3A_747 : i32 to index
    %get3A_749 = arith.constant 48 : index
    %get3A_750 = tpu.vector_load %arg12[%get3A_748, %get3A_749] {strides = array<i32>} : memref<4x256xf32, #tpu.memory_space<vmem>>, vector<16xf32>,
    %get3A_751 = arith.constant 0 : i32
    %get3A_752 = arith.index_cast %get3A_751 : i32 to index
    %get3A_753 = arith.constant 64 : index
    %get3A_754 = tpu.vector_load %arg12[%get3A_752, %get3A_753] {strides = array<i32>} : memref<4x256xf32, #tpu.memory_space<vmem>>, vector<16xf32>,
    %get3A_755 = arith.constant 0 : i32
    %get3A_756 = arith.index_cast %get3A_755 : i32 to index
    %get3A_757 = arith.constant 80 : index
    %get3A_758 = tpu.vector_load %arg12[%get3A_756, %get3A_757] {strides = array<i32>} : memref<4x256xf32, #tpu.memory_space<vmem>>, vector<16xf32>,
    %get3A_759 = arith.constant 0 : i32
    %get3A_760 = arith.index_cast %get3A_759 : i32 to index
    %get3A_761 = arith.constant 96 : index
    %get3A_762 = tpu.vector_load %arg12[%get3A_760, %get3A_761] {strides = array<i32>} : memref<4x256xf32, #tpu.memory_space<vmem>>, vector<16xf32>,
    %get3A_763 = arith.constant 0 : i32
    %get3A_764 = arith.index_cast %get3A_763 : i32 to index
    %get3A_765 = arith.constant 112 : index
    %get3A_766 = tpu.vector_load %arg12[%get3A_764, %get3A_765] {strides = array<i32>} : memref<4x256xf32, #tpu.memory_space<vmem>>, vector<16xf32>,
    %get3A_767 = arith.constant 1 : i32
    %get3A_768 = arith.index_cast %get3A_767 : i32 to index
    %get3A_769 = arith.constant 0 : index
    %get3A_770 = tpu.vector_load %arg12[%get3A_768, %get3A_769] {strides = array<i32>} : memref<4x256xf32, #tpu.memory_space<vmem>>, vector<16xf32>,
    %get3A_771 = arith.constant 1 : i32
    %get3A_772 = arith.index_cast %get3A_771 : i32 to index
    %get3A_773 = arith.constant 16 : index
    %get3A_774 = tpu.vector_load %arg12[%get3A_772, %get3A_773] {strides = array<i32>} : memref<4x256xf32, #tpu.memory_space<vmem>>, vector<16xf32>,
    %get3A_775 = arith.constant 1 : i32
    %get3A_776 = arith.index_cast %get3A_775 : i32 to index
    %get3A_777 = arith.constant 32 : index
    %get3A_778 = tpu.vector_load %arg12[%get3A_776, %get3A_777] {strides = array<i32>} : memref<4x256xf32, #tpu.memory_space<vmem>>, vector<16xf32>,
    %get3A_779 = arith.constant 1 : i32
    %get3A_780 = arith.index_cast %get3A_779 : i32 to index
    %get3A_781 = arith.constant 48 : index
    %get3A_782 = tpu.vector_load %arg12[%get3A_780, %get3A_781] {strides = array<i32>} : memref<4x256xf32, #tpu.memory_space<vmem>>, vector<16xf32>,
    %get3A_783 = arith.constant 1 : i32
    %get3A_784 = arith.index_cast %get3A_783 : i32 to index
    %get3A_785 = arith.constant 64 : index
    %get3A_786 = tpu.vector_load %arg12[%get3A_784, %get3A_785] {strides = array<i32>} : memref<4x256xf32, #tpu.memory_space<vmem>>, vector<16xf32>,
    %get3A_787 = arith.constant 1 : i32
    %get3A_788 = arith.index_cast %get3A_787 : i32 to index
    %get3A_789 = arith.constant 80 : index
    %get3A_790 = tpu.vector_load %arg12[%get3A_788, %get3A_789] {strides = array<i32>} : memref<4x256xf32, #tpu.memory_space<vmem>>, vector<16xf32>,
    %get3A_791 = arith.constant 1 : i32
    %get3A_792 = arith.index_cast %get3A_791 : i32 to index
    %get3A_793 = arith.constant 96 : index
    %get3A_794 = tpu.vector_load %arg12[%get3A_792, %get3A_793] {strides = array<i32>} : memref<4x256xf32, #tpu.memory_space<vmem>>, vector<16xf32>,
    %get3A_795 = arith.constant 1 : i32
    %get3A_796 = arith.index_cast %get3A_795 : i32 to index
    %get3A_797 = arith.constant 112 : index
    %get3A_798 = tpu.vector_load %arg12[%get3A_796, %get3A_797] {strides = array<i32>} : memref<4x256xf32, #tpu.memory_space<vmem>>, vector<16xf32>,
    %get3A_799 = arith.constant 2 : i32
    %get3A_800 = arith.index_cast %get3A_799 : i32 to index
    %get3A_801 = arith.constant 0 : index
    %get3A_802 = tpu.vector_load %arg12[%get3A_800, %get3A_801] {strides = array<i32>} : memref<4x256xf32, #tpu.memory_space<vmem>>, vector<16xf32>,
    %get3A_803 = arith.constant 2 : i32
    %get3A_804 = arith.index_cast %get3A_803 : i32 to index
    %get3A_805 = arith.constant 16 : index
    %get3A_806 = tpu.vector_load %arg12[%get3A_804, %get3A_805] {strides = array<i32>} : memref<4x256xf32, #tpu.memory_space<vmem>>, vector<16xf32>,
    %get3A_807 = arith.constant 2 : i32
    %get3A_808 = arith.index_cast %get3A_807 : i32 to index
    %get3A_809 = arith.constant 32 : index
    %get3A_810 = tpu.vector_load %arg12[%get3A_808, %get3A_809] {strides = array<i32>} : memref<4x256xf32, #tpu.memory_space<vmem>>, vector<16xf32>,
    %get3A_811 = arith.constant 2 : i32
    %get3A_812 = arith.index_cast %get3A_811 : i32 to index
    %get3A_813 = arith.constant 48 : index
    %get3A_814 = tpu.vector_load %arg12[%get3A_812, %get3A_813] {strides = array<i32>} : memref<4x256xf32, #tpu.memory_space<vmem>>, vector<16xf32>,
    %get3A_815 = arith.constant 2 : i32
    %get3A_816 = arith.index_cast %get3A_815 : i32 to index
    %get3A_817 = arith.constant 64 : index
    %get3A_818 = tpu.vector_load %arg12[%get3A_816, %get3A_817] {strides = array<i32>} : memref<4x256xf32, #tpu.memory_space<vmem>>, vector<16xf32>,
    %get3A_819 = arith.constant 2 : i32
    %get3A_820 = arith.index_cast %get3A_819 : i32 to index
    %get3A_821 = arith.constant 80 : index
    %get3A_822 = tpu.vector_load %arg12[%get3A_820, %get3A_821] {strides = array<i32>} : memref<4x256xf32, #tpu.memory_space<vmem>>, vector<16xf32>,
    %get3A_823 = arith.constant 2 : i32
    %get3A_824 = arith.index_cast %get3A_823 : i32 to index
    %get3A_825 = arith.constant 96 : index
    %get3A_826 = tpu.vector_load %arg12[%get3A_824, %get3A_825] {strides = array<i32>} : memref<4x256xf32, #tpu.memory_space<vmem>>, vector<16xf32>,
    %get3A_827 = arith.constant 2 : i32
    %get3A_828 = arith.index_cast %get3A_827 : i32 to index
    %get3A_829 = arith.constant 112 : index
    %get3A_830 = tpu.vector_load %arg12[%get3A_828, %get3A_829] {strides = array<i32>} : memref<4x256xf32, #tpu.memory_space<vmem>>, vector<16xf32>,
    %parallel_loop3A_831 = arith.constant 0 : i32
    %parallel_loop3A_832 = arith.constant 128 : i32
    %parallel_loop3A_833 = arith.constant 1 : i32
    scf.for %parallel_loop3A_961 = %parallel_loop3A_831 to %parallel_loop3A_832 step %parallel_loop3A_833  : i32 {
      %parallel_loop3A_962 = arith.constant 384 : i32
      %parallel_loop3A_963 = arith.addi %parallel_loop3A_962, %parallel_loop3A_961 : i32
      %parallel_loop3A_964 = vector.broadcast %parallel_loop3A_963 : i32 to vector<16xi32>
      %parallel_loop3A_965 = tpu.vector_load_idx %arg11[%parallel_loop3A_964] : memref<512xf32, #tpu.memory_space<vmem>>[vector<16xi32>], vector<16xf32>,
      %parallel_loop3A_966 = arith.mulf %parallel_loop3A_965, %get3A_738 : vector<16xf32>
      %parallel_loop3A_967 = arith.addf %parallel_loop3A_966, %get3A_770 : vector<16xf32>
      %parallel_loop3A_968 = arith.constant 0.000000e+00 : f32
      %parallel_loop3A_969 = vector.broadcast %parallel_loop3A_968 : f32 to vector<16xf32>
      %parallel_loop3A_970 = arith.maximumf %parallel_loop3A_967, %parallel_loop3A_969 : vector<16xf32>
      %parallel_loop3A_971 = arith.addf %parallel_loop3A_970, %get3A_802 : vector<16xf32>
      %parallel_loop3A_972 = arith.index_cast %parallel_loop3A_961 : i32 to index
      %parallel_loop3A_973 = arith.constant 0 : index
      %parallel_loop3A_974 = tpu.vector_load %arg13[%parallel_loop3A_972, %parallel_loop3A_973] {strides = array<i32>} : memref<128x256xf32, #tpu.memory_space<vmem>>, vector<16xf32>,
      %parallel_loop3A_975 = arith.addf %parallel_loop3A_974, %parallel_loop3A_971 : vector<16xf32>
      %parallel_loop3A_976 = arith.index_cast %parallel_loop3A_961 : i32 to index
      %parallel_loop3A_977 = arith.constant 0 : index
      %parallel_loop3A_978 = tpu.vector_load %arg13[%parallel_loop3A_976, %parallel_loop3A_977] {strides = array<i32>} : memref<128x256xf32, #tpu.memory_space<vmem>>, vector<16xf32>,
      tpu.vector_store %arg13[%parallel_loop3A_976, %parallel_loop3A_977], %parallel_loop3A_975 {strides = array<i32>} : memref<128x256xf32, #tpu.memory_space<vmem>>, vector<16xf32>,
      %parallel_loop3A_979 = arith.mulf %parallel_loop3A_965, %get3A_742 : vector<16xf32>
      %parallel_loop3A_980 = arith.addf %parallel_loop3A_979, %get3A_774 : vector<16xf32>
      %parallel_loop3A_981 = arith.constant 0.000000e+00 : f32
      %parallel_loop3A_982 = vector.broadcast %parallel_loop3A_981 : f32 to vector<16xf32>
      %parallel_loop3A_983 = arith.maximumf %parallel_loop3A_980, %parallel_loop3A_982 : vector<16xf32>
      %parallel_loop3A_984 = arith.addf %parallel_loop3A_983, %get3A_806 : vector<16xf32>
      %parallel_loop3A_985 = arith.index_cast %parallel_loop3A_961 : i32 to index
      %parallel_loop3A_986 = arith.constant 16 : index
      %parallel_loop3A_987 = tpu.vector_load %arg13[%parallel_loop3A_985, %parallel_loop3A_986] {strides = array<i32>} : memref<128x256xf32, #tpu.memory_space<vmem>>, vector<16xf32>,
      %parallel_loop3A_988 = arith.addf %parallel_loop3A_987, %parallel_loop3A_984 : vector<16xf32>
      %parallel_loop3A_989 = arith.index_cast %parallel_loop3A_961 : i32 to index
      %parallel_loop3A_990 = arith.constant 16 : index
      %parallel_loop3A_991 = tpu.vector_load %arg13[%parallel_loop3A_989, %parallel_loop3A_990] {strides = array<i32>} : memref<128x256xf32, #tpu.memory_space<vmem>>, vector<16xf32>,
      tpu.vector_store %arg13[%parallel_loop3A_989, %parallel_loop3A_990], %parallel_loop3A_988 {strides = array<i32>} : memref<128x256xf32, #tpu.memory_space<vmem>>, vector<16xf32>,
      %parallel_loop3A_992 = arith.mulf %parallel_loop3A_965, %get3A_746 : vector<16xf32>
      %parallel_loop3A_993 = arith.addf %parallel_loop3A_992, %get3A_778 : vector<16xf32>
      %parallel_loop3A_994 = arith.constant 0.000000e+00 : f32
      %parallel_loop3A_995 = vector.broadcast %parallel_loop3A_994 : f32 to vector<16xf32>
      %parallel_loop3A_996 = arith.maximumf %parallel_loop3A_993, %parallel_loop3A_995 : vector<16xf32>
      %parallel_loop3A_997 = arith.addf %parallel_loop3A_996, %get3A_810 : vector<16xf32>
      %parallel_loop3A_998 = arith.index_cast %parallel_loop3A_961 : i32 to index
      %parallel_loop3A_999 = arith.constant 32 : index
      %parallel_loop3A_1000 = tpu.vector_load %arg13[%parallel_loop3A_998, %parallel_loop3A_999] {strides = array<i32>} : memref<128x256xf32, #tpu.memory_space<vmem>>, vector<16xf32>,
      %parallel_loop3A_1001 = arith.addf %parallel_loop3A_1000, %parallel_loop3A_997 : vector<16xf32>
      %parallel_loop3A_1002 = arith.index_cast %parallel_loop3A_961 : i32 to index
      %parallel_loop3A_1003 = arith.constant 32 : index
      %parallel_loop3A_1004 = tpu.vector_load %arg13[%parallel_loop3A_1002, %parallel_loop3A_1003] {strides = array<i32>} : memref<128x256xf32, #tpu.memory_space<vmem>>, vector<16xf32>,
      tpu.vector_store %arg13[%parallel_loop3A_1002, %parallel_loop3A_1003], %parallel_loop3A_1001 {strides = array<i32>} : memref<128x256xf32, #tpu.memory_space<vmem>>, vector<16xf32>,
      %parallel_loop3A_1005 = arith.mulf %parallel_loop3A_965, %get3A_750 : vector<16xf32>
      %parallel_loop3A_1006 = arith.addf %parallel_loop3A_1005, %get3A_782 : vector<16xf32>
      %parallel_loop3A_1007 = arith.constant 0.000000e+00 : f32
      %parallel_loop3A_1008 = vector.broadcast %parallel_loop3A_1007 : f32 to vector<16xf32>
      %parallel_loop3A_1009 = arith.maximumf %parallel_loop3A_1006, %parallel_loop3A_1008 : vector<16xf32>
      %parallel_loop3A_1010 = arith.addf %parallel_loop3A_1009, %get3A_814 : vector<16xf32>
      %parallel_loop3A_1011 = arith.index_cast %parallel_loop3A_961 : i32 to index
      %parallel_loop3A_1012 = arith.constant 48 : index
      %parallel_loop3A_1013 = tpu.vector_load %arg13[%parallel_loop3A_1011, %parallel_loop3A_1012] {strides = array<i32>} : memref<128x256xf32, #tpu.memory_space<vmem>>, vector<16xf32>,
      %parallel_loop3A_1014 = arith.addf %parallel_loop3A_1013, %parallel_loop3A_1010 : vector<16xf32>
      %parallel_loop3A_1015 = arith.index_cast %parallel_loop3A_961 : i32 to index
      %parallel_loop3A_1016 = arith.constant 48 : index
      %parallel_loop3A_1017 = tpu.vector_load %arg13[%parallel_loop3A_1015, %parallel_loop3A_1016] {strides = array<i32>} : memref<128x256xf32, #tpu.memory_space<vmem>>, vector<16xf32>,
      tpu.vector_store %arg13[%parallel_loop3A_1015, %parallel_loop3A_1016], %parallel_loop3A_1014 {strides = array<i32>} : memref<128x256xf32, #tpu.memory_space<vmem>>, vector<16xf32>,
      %parallel_loop3A_1018 = arith.mulf %parallel_loop3A_965, %get3A_754 : vector<16xf32>
      %parallel_loop3A_1019 = arith.addf %parallel_loop3A_1018, %get3A_786 : vector<16xf32>
      %parallel_loop3A_1020 = arith.constant 0.000000e+00 : f32
      %parallel_loop3A_1021 = vector.broadcast %parallel_loop3A_1020 : f32 to vector<16xf32>
      %parallel_loop3A_1022 = arith.maximumf %parallel_loop3A_1019, %parallel_loop3A_1021 : vector<16xf32>
      %parallel_loop3A_1023 = arith.addf %parallel_loop3A_1022, %get3A_818 : vector<16xf32>
      %parallel_loop3A_1024 = arith.index_cast %parallel_loop3A_961 : i32 to index
      %parallel_loop3A_1025 = arith.constant 64 : index
      %parallel_loop3A_1026 = tpu.vector_load %arg13[%parallel_loop3A_1024, %parallel_loop3A_1025] {strides = array<i32>} : memref<128x256xf32, #tpu.memory_space<vmem>>, vector<16xf32>,
      %parallel_loop3A_1027 = arith.addf %parallel_loop3A_1026, %parallel_loop3A_1023 : vector<16xf32>
      %parallel_loop3A_1028 = arith.index_cast %parallel_loop3A_961 : i32 to index
      %parallel_loop3A_1029 = arith.constant 64 : index
      %parallel_loop3A_1030 = tpu.vector_load %arg13[%parallel_loop3A_1028, %parallel_loop3A_1029] {strides = array<i32>} : memref<128x256xf32, #tpu.memory_space<vmem>>, vector<16xf32>,
      tpu.vector_store %arg13[%parallel_loop3A_1028, %parallel_loop3A_1029], %parallel_loop3A_1027 {strides = array<i32>} : memref<128x256xf32, #tpu.memory_space<vmem>>, vector<16xf32>,
      %parallel_loop3A_1031 = arith.mulf %parallel_loop3A_965, %get3A_758 : vector<16xf32>
      %parallel_loop3A_1032 = arith.addf %parallel_loop3A_1031, %get3A_790 : vector<16xf32>
      %parallel_loop3A_1033 = arith.constant 0.000000e+00 : f32
      %parallel_loop3A_1034 = vector.broadcast %parallel_loop3A_1033 : f32 to vector<16xf32>
      %parallel_loop3A_1035 = arith.maximumf %parallel_loop3A_1032, %parallel_loop3A_1034 : vector<16xf32>
      %parallel_loop3A_1036 = arith.addf %parallel_loop3A_1035, %get3A_822 : vector<16xf32>
      %parallel_loop3A_1037 = arith.index_cast %parallel_loop3A_961 : i32 to index
      %parallel_loop3A_1038 = arith.constant 80 : index
      %parallel_loop3A_1039 = tpu.vector_load %arg13[%parallel_loop3A_1037, %parallel_loop3A_1038] {strides = array<i32>} : memref<128x256xf32, #tpu.memory_space<vmem>>, vector<16xf32>,
      %parallel_loop3A_1040 = arith.addf %parallel_loop3A_1039, %parallel_loop3A_1036 : vector<16xf32>
      %parallel_loop3A_1041 = arith.index_cast %parallel_loop3A_961 : i32 to index
      %parallel_loop3A_1042 = arith.constant 80 : index
      %parallel_loop3A_1043 = tpu.vector_load %arg13[%parallel_loop3A_1041, %parallel_loop3A_1042] {strides = array<i32>} : memref<128x256xf32, #tpu.memory_space<vmem>>, vector<16xf32>,
      tpu.vector_store %arg13[%parallel_loop3A_1041, %parallel_loop3A_1042], %parallel_loop3A_1040 {strides = array<i32>} : memref<128x256xf32, #tpu.memory_space<vmem>>, vector<16xf32>,
      %parallel_loop3A_1044 = arith.mulf %parallel_loop3A_965, %get3A_762 : vector<16xf32>
      %parallel_loop3A_1045 = arith.addf %parallel_loop3A_1044, %get3A_794 : vector<16xf32>
      %parallel_loop3A_1046 = arith.constant 0.000000e+00 : f32
      %parallel_loop3A_1047 = vector.broadcast %parallel_loop3A_1046 : f32 to vector<16xf32>
      %parallel_loop3A_1048 = arith.maximumf %parallel_loop3A_1045, %parallel_loop3A_1047 : vector<16xf32>
      %parallel_loop3A_1049 = arith.addf %parallel_loop3A_1048, %get3A_826 : vector<16xf32>
      %parallel_loop3A_1050 = arith.index_cast %parallel_loop3A_961 : i32 to index
      %parallel_loop3A_1051 = arith.constant 96 : index
      %parallel_loop3A_1052 = tpu.vector_load %arg13[%parallel_loop3A_1050, %parallel_loop3A_1051] {strides = array<i32>} : memref<128x256xf32, #tpu.memory_space<vmem>>, vector<16xf32>,
      %parallel_loop3A_1053 = arith.addf %parallel_loop3A_1052, %parallel_loop3A_1049 : vector<16xf32>
      %parallel_loop3A_1054 = arith.index_cast %parallel_loop3A_961 : i32 to index
      %parallel_loop3A_1055 = arith.constant 96 : index
      %parallel_loop3A_1056 = tpu.vector_load %arg13[%parallel_loop3A_1054, %parallel_loop3A_1055] {strides = array<i32>} : memref<128x256xf32, #tpu.memory_space<vmem>>, vector<16xf32>,
      tpu.vector_store %arg13[%parallel_loop3A_1054, %parallel_loop3A_1055], %parallel_loop3A_1053 {strides = array<i32>} : memref<128x256xf32, #tpu.memory_space<vmem>>, vector<16xf32>,
      %parallel_loop3A_1057 = arith.mulf %parallel_loop3A_965, %get3A_766 : vector<16xf32>
      %parallel_loop3A_1058 = arith.addf %parallel_loop3A_1057, %get3A_798 : vector<16xf32>
      %parallel_loop3A_1059 = arith.constant 0.000000e+00 : f32
      %parallel_loop3A_1060 = vector.broadcast %parallel_loop3A_1059 : f32 to vector<16xf32>
      %parallel_loop3A_1061 = arith.maximumf %parallel_loop3A_1058, %parallel_loop3A_1060 : vector<16xf32>
      %parallel_loop3A_1062 = arith.addf %parallel_loop3A_1061, %get3A_830 : vector<16xf32>
      %parallel_loop3A_1063 = arith.index_cast %parallel_loop3A_961 : i32 to index
      %parallel_loop3A_1064 = arith.constant 112 : index
      %parallel_loop3A_1065 = tpu.vector_load %arg13[%parallel_loop3A_1063, %parallel_loop3A_1064] {strides = array<i32>} : memref<128x256xf32, #tpu.memory_space<vmem>>, vector<16xf32>,
      %parallel_loop3A_1066 = arith.addf %parallel_loop3A_1065, %parallel_loop3A_1062 : vector<16xf32>
      %parallel_loop3A_1067 = arith.index_cast %parallel_loop3A_961 : i32 to index
      %parallel_loop3A_1068 = arith.constant 112 : index
      %parallel_loop3A_1069 = tpu.vector_load %arg13[%parallel_loop3A_1067, %parallel_loop3A_1068] {strides = array<i32>} : memref<128x256xf32, #tpu.memory_space<vmem>>, vector<16xf32>,
      tpu.vector_store %arg13[%parallel_loop3A_1067, %parallel_loop3A_1068], %parallel_loop3A_1066 {strides = array<i32>} : memref<128x256xf32, #tpu.memory_space<vmem>>, vector<16xf32>,
    } {sc.loop_unroll_factor = 3 : i64, sc.parallel_access}
    %get3A_834 = arith.constant 0 : i32
    %get3A_835 = arith.index_cast %get3A_834 : i32 to index
    %get3A_836 = arith.constant 128 : index
    %get3A_837 = tpu.vector_load %arg12[%get3A_835, %get3A_836] {strides = array<i32>} : memref<4x256xf32, #tpu.memory_space<vmem>>, vector<16xf32>,
    %get3A_838 = arith.constant 0 : i32
    %get3A_839 = arith.index_cast %get3A_838 : i32 to index
    %get3A_840 = arith.constant 144 : index
    %get3A_841 = tpu.vector_load %arg12[%get3A_839, %get3A_840] {strides = array<i32>} : memref<4x256xf32, #tpu.memory_space<vmem>>, vector<16xf32>,
    %get3A_842 = arith.constant 0 : i32
    %get3A_843 = arith.index_cast %get3A_842 : i32 to index
    %get3A_844 = arith.constant 160 : index
    %get3A_845 = tpu.vector_load %arg12[%get3A_843, %get3A_844] {strides = array<i32>} : memref<4x256xf32, #tpu.memory_space<vmem>>, vector<16xf32>,
    %get3A_846 = arith.constant 0 : i32
    %get3A_847 = arith.index_cast %get3A_846 : i32 to index
    %get3A_848 = arith.constant 176 : index
    %get3A_849 = tpu.vector_load %arg12[%get3A_847, %get3A_848] {strides = array<i32>} : memref<4x256xf32, #tpu.memory_space<vmem>>, vector<16xf32>,
    %get3A_850 = arith.constant 0 : i32
    %get3A_851 = arith.index_cast %get3A_850 : i32 to index
    %get3A_852 = arith.constant 192 : index
    %get3A_853 = tpu.vector_load %arg12[%get3A_851, %get3A_852] {strides = array<i32>} : memref<4x256xf32, #tpu.memory_space<vmem>>, vector<16xf32>,
    %get3A_854 = arith.constant 0 : i32
    %get3A_855 = arith.index_cast %get3A_854 : i32 to index
    %get3A_856 = arith.constant 208 : index
    %get3A_857 = tpu.vector_load %arg12[%get3A_855, %get3A_856] {strides = array<i32>} : memref<4x256xf32, #tpu.memory_space<vmem>>, vector<16xf32>,
    %get3A_858 = arith.constant 0 : i32
    %get3A_859 = arith.index_cast %get3A_858 : i32 to index
    %get3A_860 = arith.constant 224 : index
    %get3A_861 = tpu.vector_load %arg12[%get3A_859, %get3A_860] {strides = array<i32>} : memref<4x256xf32, #tpu.memory_space<vmem>>, vector<16xf32>,
    %get3A_862 = arith.constant 0 : i32
    %get3A_863 = arith.index_cast %get3A_862 : i32 to index
    %get3A_864 = arith.constant 240 : index
    %get3A_865 = tpu.vector_load %arg12[%get3A_863, %get3A_864] {strides = array<i32>} : memref<4x256xf32, #tpu.memory_space<vmem>>, vector<16xf32>,
    %get3A_866 = arith.constant 1 : i32
    %get3A_867 = arith.index_cast %get3A_866 : i32 to index
    %get3A_868 = arith.constant 128 : index
    %get3A_869 = tpu.vector_load %arg12[%get3A_867, %get3A_868] {strides = array<i32>} : memref<4x256xf32, #tpu.memory_space<vmem>>, vector<16xf32>,
    %get3A_870 = arith.constant 1 : i32
    %get3A_871 = arith.index_cast %get3A_870 : i32 to index
    %get3A_872 = arith.constant 144 : index
    %get3A_873 = tpu.vector_load %arg12[%get3A_871, %get3A_872] {strides = array<i32>} : memref<4x256xf32, #tpu.memory_space<vmem>>, vector<16xf32>,
    %get3A_874 = arith.constant 1 : i32
    %get3A_875 = arith.index_cast %get3A_874 : i32 to index
    %get3A_876 = arith.constant 160 : index
    %get3A_877 = tpu.vector_load %arg12[%get3A_875, %get3A_876] {strides = array<i32>} : memref<4x256xf32, #tpu.memory_space<vmem>>, vector<16xf32>,
    %get3A_878 = arith.constant 1 : i32
    %get3A_879 = arith.index_cast %get3A_878 : i32 to index
    %get3A_880 = arith.constant 176 : index
    %get3A_881 = tpu.vector_load %arg12[%get3A_879, %get3A_880] {strides = array<i32>} : memref<4x256xf32, #tpu.memory_space<vmem>>, vector<16xf32>,
    %get3A_882 = arith.constant 1 : i32
    %get3A_883 = arith.index_cast %get3A_882 : i32 to index
    %get3A_884 = arith.constant 192 : index
    %get3A_885 = tpu.vector_load %arg12[%get3A_883, %get3A_884] {strides = array<i32>} : memref<4x256xf32, #tpu.memory_space<vmem>>, vector<16xf32>,
    %get3A_886 = arith.constant 1 : i32
    %get3A_887 = arith.index_cast %get3A_886 : i32 to index
    %get3A_888 = arith.constant 208 : index
    %get3A_889 = tpu.vector_load %arg12[%get3A_887, %get3A_888] {strides = array<i32>} : memref<4x256xf32, #tpu.memory_space<vmem>>, vector<16xf32>,
    %get3A_890 = arith.constant 1 : i32
    %get3A_891 = arith.index_cast %get3A_890 : i32 to index
    %get3A_892 = arith.constant 224 : index
    %get3A_893 = tpu.vector_load %arg12[%get3A_891, %get3A_892] {strides = array<i32>} : memref<4x256xf32, #tpu.memory_space<vmem>>, vector<16xf32>,
    %get3A_894 = arith.constant 1 : i32
    %get3A_895 = arith.index_cast %get3A_894 : i32 to index
    %get3A_896 = arith.constant 240 : index
    %get3A_897 = tpu.vector_load %arg12[%get3A_895, %get3A_896] {strides = array<i32>} : memref<4x256xf32, #tpu.memory_space<vmem>>, vector<16xf32>,
    %get3A_898 = arith.constant 2 : i32
    %get3A_899 = arith.index_cast %get3A_898 : i32 to index
    %get3A_900 = arith.constant 128 : index
    %get3A_901 = tpu.vector_load %arg12[%get3A_899, %get3A_900] {strides = array<i32>} : memref<4x256xf32, #tpu.memory_space<vmem>>, vector<16xf32>,
    %get3A_902 = arith.constant 2 : i32
    %get3A_903 = arith.index_cast %get3A_902 : i32 to index
    %get3A_904 = arith.constant 144 : index
    %get3A_905 = tpu.vector_load %arg12[%get3A_903, %get3A_904] {strides = array<i32>} : memref<4x256xf32, #tpu.memory_space<vmem>>, vector<16xf32>,
    %get3A_906 = arith.constant 2 : i32
    %get3A_907 = arith.index_cast %get3A_906 : i32 to index
    %get3A_908 = arith.constant 160 : index
    %get3A_909 = tpu.vector_load %arg12[%get3A_907, %get3A_908] {strides = array<i32>} : memref<4x256xf32, #tpu.memory_space<vmem>>, vector<16xf32>,
    %get3A_910 = arith.constant 2 : i32
    %get3A_911 = arith.index_cast %get3A_910 : i32 to index
    %get3A_912 = arith.constant 176 : index
    %get3A_913 = tpu.vector_load %arg12[%get3A_911, %get3A_912] {strides = array<i32>} : memref<4x256xf32, #tpu.memory_space<vmem>>, vector<16xf32>,
    %get3A_914 = arith.constant 2 : i32
    %get3A_915 = arith.index_cast %get3A_914 : i32 to index
    %get3A_916 = arith.constant 192 : index
    %get3A_917 = tpu.vector_load %arg12[%get3A_915, %get3A_916] {strides = array<i32>} : memref<4x256xf32, #tpu.memory_space<vmem>>, vector<16xf32>,
    %get3A_918 = arith.constant 2 : i32
    %get3A_919 = arith.index_cast %get3A_918 : i32 to index
    %get3A_920 = arith.constant 208 : index
    %get3A_921 = tpu.vector_load %arg12[%get3A_919, %get3A_920] {strides = array<i32>} : memref<4x256xf32, #tpu.memory_space<vmem>>, vector<16xf32>,
    %get3A_922 = arith.constant 2 : i32
    %get3A_923 = arith.index_cast %get3A_922 : i32 to index
    %get3A_924 = arith.constant 224 : index
    %get3A_925 = tpu.vector_load %arg12[%get3A_923, %get3A_924] {strides = array<i32>} : memref<4x256xf32, #tpu.memory_space<vmem>>, vector<16xf32>,
    %get3A_926 = arith.constant 2 : i32
    %get3A_927 = arith.index_cast %get3A_926 : i32 to index
    %get3A_928 = arith.constant 240 : index
    %get3A_929 = tpu.vector_load %arg12[%get3A_927, %get3A_928] {strides = array<i32>} : memref<4x256xf32, #tpu.memory_space<vmem>>, vector<16xf32>,
    %parallel_loop3A_930 = arith.constant 0 : i32
    %parallel_loop3A_931 = arith.constant 128 : i32
    %parallel_loop3A_932 = arith.constant 1 : i32
    scf.for %parallel_loop3A_961 = %parallel_loop3A_930 to %parallel_loop3A_931 step %parallel_loop3A_932  : i32 {
      %parallel_loop3A_962 = arith.constant 384 : i32
      %parallel_loop3A_963 = arith.addi %parallel_loop3A_962, %parallel_loop3A_961 : i32
      %parallel_loop3A_964 = vector.broadcast %parallel_loop3A_963 : i32 to vector<16xi32>
      %parallel_loop3A_965 = tpu.vector_load_idx %arg11[%parallel_loop3A_964] : memref<512xf32, #tpu.memory_space<vmem>>[vector<16xi32>], vector<16xf32>,
      %parallel_loop3A_966 = arith.mulf %parallel_loop3A_965, %get3A_837 : vector<16xf32>
      %parallel_loop3A_967 = arith.addf %parallel_loop3A_966, %get3A_869 : vector<16xf32>
      %parallel_loop3A_968 = arith.constant 0.000000e+00 : f32
      %parallel_loop3A_969 = vector.broadcast %parallel_loop3A_968 : f32 to vector<16xf32>
      %parallel_loop3A_970 = arith.maximumf %parallel_loop3A_967, %parallel_loop3A_969 : vector<16xf32>
      %parallel_loop3A_971 = arith.addf %parallel_loop3A_970, %get3A_901 : vector<16xf32>
      %parallel_loop3A_972 = arith.index_cast %parallel_loop3A_961 : i32 to index
      %parallel_loop3A_973 = arith.constant 128 : index
      %parallel_loop3A_974 = tpu.vector_load %arg13[%parallel_loop3A_972, %parallel_loop3A_973] {strides = array<i32>} : memref<128x256xf32, #tpu.memory_space<vmem>>, vector<16xf32>,
      %parallel_loop3A_975 = arith.addf %parallel_loop3A_974, %parallel_loop3A_971 : vector<16xf32>
      %parallel_loop3A_976 = arith.index_cast %parallel_loop3A_961 : i32 to index
      %parallel_loop3A_977 = arith.constant 128 : index
      %parallel_loop3A_978 = tpu.vector_load %arg13[%parallel_loop3A_976, %parallel_loop3A_977] {strides = array<i32>} : memref<128x256xf32, #tpu.memory_space<vmem>>, vector<16xf32>,
      tpu.vector_store %arg13[%parallel_loop3A_976, %parallel_loop3A_977], %parallel_loop3A_975 {strides = array<i32>} : memref<128x256xf32, #tpu.memory_space<vmem>>, vector<16xf32>,
      %parallel_loop3A_979 = arith.mulf %parallel_loop3A_965, %get3A_841 : vector<16xf32>
      %parallel_loop3A_980 = arith.addf %parallel_loop3A_979, %get3A_873 : vector<16xf32>
      %parallel_loop3A_981 = arith.constant 0.000000e+00 : f32
      %parallel_loop3A_982 = vector.broadcast %parallel_loop3A_981 : f32 to vector<16xf32>
      %parallel_loop3A_983 = arith.maximumf %parallel_loop3A_980, %parallel_loop3A_982 : vector<16xf32>
      %parallel_loop3A_984 = arith.addf %parallel_loop3A_983, %get3A_905 : vector<16xf32>
      %parallel_loop3A_985 = arith.index_cast %parallel_loop3A_961 : i32 to index
      %parallel_loop3A_986 = arith.constant 144 : index
      %parallel_loop3A_987 = tpu.vector_load %arg13[%parallel_loop3A_985, %parallel_loop3A_986] {strides = array<i32>} : memref<128x256xf32, #tpu.memory_space<vmem>>, vector<16xf32>,
      %parallel_loop3A_988 = arith.addf %parallel_loop3A_987, %parallel_loop3A_984 : vector<16xf32>
      %parallel_loop3A_989 = arith.index_cast %parallel_loop3A_961 : i32 to index
      %parallel_loop3A_990 = arith.constant 144 : index
      %parallel_loop3A_991 = tpu.vector_load %arg13[%parallel_loop3A_989, %parallel_loop3A_990] {strides = array<i32>} : memref<128x256xf32, #tpu.memory_space<vmem>>, vector<16xf32>,
      tpu.vector_store %arg13[%parallel_loop3A_989, %parallel_loop3A_990], %parallel_loop3A_988 {strides = array<i32>} : memref<128x256xf32, #tpu.memory_space<vmem>>, vector<16xf32>,
      %parallel_loop3A_992 = arith.mulf %parallel_loop3A_965, %get3A_845 : vector<16xf32>
      %parallel_loop3A_993 = arith.addf %parallel_loop3A_992, %get3A_877 : vector<16xf32>
      %parallel_loop3A_994 = arith.constant 0.000000e+00 : f32
      %parallel_loop3A_995 = vector.broadcast %parallel_loop3A_994 : f32 to vector<16xf32>
      %parallel_loop3A_996 = arith.maximumf %parallel_loop3A_993, %parallel_loop3A_995 : vector<16xf32>
      %parallel_loop3A_997 = arith.addf %parallel_loop3A_996, %get3A_909 : vector<16xf32>
      %parallel_loop3A_998 = arith.index_cast %parallel_loop3A_961 : i32 to index
      %parallel_loop3A_999 = arith.constant 160 : index
      %parallel_loop3A_1000 = tpu.vector_load %arg13[%parallel_loop3A_998, %parallel_loop3A_999] {strides = array<i32>} : memref<128x256xf32, #tpu.memory_space<vmem>>, vector<16xf32>,
      %parallel_loop3A_1001 = arith.addf %parallel_loop3A_1000, %parallel_loop3A_997 : vector<16xf32>
      %parallel_loop3A_1002 = arith.index_cast %parallel_loop3A_961 : i32 to index
      %parallel_loop3A_1003 = arith.constant 160 : index
      %parallel_loop3A_1004 = tpu.vector_load %arg13[%parallel_loop3A_1002, %parallel_loop3A_1003] {strides = array<i32>} : memref<128x256xf32, #tpu.memory_space<vmem>>, vector<16xf32>,
      tpu.vector_store %arg13[%parallel_loop3A_1002, %parallel_loop3A_1003], %parallel_loop3A_1001 {strides = array<i32>} : memref<128x256xf32, #tpu.memory_space<vmem>>, vector<16xf32>,
      %parallel_loop3A_1005 = arith.mulf %parallel_loop3A_965, %get3A_849 : vector<16xf32>
      %parallel_loop3A_1006 = arith.addf %parallel_loop3A_1005, %get3A_881 : vector<16xf32>
      %parallel_loop3A_1007 = arith.constant 0.000000e+00 : f32
      %parallel_loop3A_1008 = vector.broadcast %parallel_loop3A_1007 : f32 to vector<16xf32>
      %parallel_loop3A_1009 = arith.maximumf %parallel_loop3A_1006, %parallel_loop3A_1008 : vector<16xf32>
      %parallel_loop3A_1010 = arith.addf %parallel_loop3A_1009, %get3A_913 : vector<16xf32>
      %parallel_loop3A_1011 = arith.index_cast %parallel_loop3A_961 : i32 to index
      %parallel_loop3A_1012 = arith.constant 176 : index
      %parallel_loop3A_1013 = tpu.vector_load %arg13[%parallel_loop3A_1011, %parallel_loop3A_1012] {strides = array<i32>} : memref<128x256xf32, #tpu.memory_space<vmem>>, vector<16xf32>,
      %parallel_loop3A_1014 = arith.addf %parallel_loop3A_1013, %parallel_loop3A_1010 : vector<16xf32>
      %parallel_loop3A_1015 = arith.index_cast %parallel_loop3A_961 : i32 to index
      %parallel_loop3A_1016 = arith.constant 176 : index
      %parallel_loop3A_1017 = tpu.vector_load %arg13[%parallel_loop3A_1015, %parallel_loop3A_1016] {strides = array<i32>} : memref<128x256xf32, #tpu.memory_space<vmem>>, vector<16xf32>,
      tpu.vector_store %arg13[%parallel_loop3A_1015, %parallel_loop3A_1016], %parallel_loop3A_1014 {strides = array<i32>} : memref<128x256xf32, #tpu.memory_space<vmem>>, vector<16xf32>,
      %parallel_loop3A_1018 = arith.mulf %parallel_loop3A_965, %get3A_853 : vector<16xf32>
      %parallel_loop3A_1019 = arith.addf %parallel_loop3A_1018, %get3A_885 : vector<16xf32>
      %parallel_loop3A_1020 = arith.constant 0.000000e+00 : f32
      %parallel_loop3A_1021 = vector.broadcast %parallel_loop3A_1020 : f32 to vector<16xf32>
      %parallel_loop3A_1022 = arith.maximumf %parallel_loop3A_1019, %parallel_loop3A_1021 : vector<16xf32>
      %parallel_loop3A_1023 = arith.addf %parallel_loop3A_1022, %get3A_917 : vector<16xf32>
      %parallel_loop3A_1024 = arith.index_cast %parallel_loop3A_961 : i32 to index
      %parallel_loop3A_1025 = arith.constant 192 : index
      %parallel_loop3A_1026 = tpu.vector_load %arg13[%parallel_loop3A_1024, %parallel_loop3A_1025] {strides = array<i32>} : memref<128x256xf32, #tpu.memory_space<vmem>>, vector<16xf32>,
      %parallel_loop3A_1027 = arith.addf %parallel_loop3A_1026, %parallel_loop3A_1023 : vector<16xf32>
      %parallel_loop3A_1028 = arith.index_cast %parallel_loop3A_961 : i32 to index
      %parallel_loop3A_1029 = arith.constant 192 : index
      %parallel_loop3A_1030 = tpu.vector_load %arg13[%parallel_loop3A_1028, %parallel_loop3A_1029] {strides = array<i32>} : memref<128x256xf32, #tpu.memory_space<vmem>>, vector<16xf32>,
      tpu.vector_store %arg13[%parallel_loop3A_1028, %parallel_loop3A_1029], %parallel_loop3A_1027 {strides = array<i32>} : memref<128x256xf32, #tpu.memory_space<vmem>>, vector<16xf32>,
      %parallel_loop3A_1031 = arith.mulf %parallel_loop3A_965, %get3A_857 : vector<16xf32>
      %parallel_loop3A_1032 = arith.addf %parallel_loop3A_1031, %get3A_889 : vector<16xf32>
      %parallel_loop3A_1033 = arith.constant 0.000000e+00 : f32
      %parallel_loop3A_1034 = vector.broadcast %parallel_loop3A_1033 : f32 to vector<16xf32>
      %parallel_loop3A_1035 = arith.maximumf %parallel_loop3A_1032, %parallel_loop3A_1034 : vector<16xf32>
      %parallel_loop3A_1036 = arith.addf %parallel_loop3A_1035, %get3A_921 : vector<16xf32>
      %parallel_loop3A_1037 = arith.index_cast %parallel_loop3A_961 : i32 to index
      %parallel_loop3A_1038 = arith.constant 208 : index
      %parallel_loop3A_1039 = tpu.vector_load %arg13[%parallel_loop3A_1037, %parallel_loop3A_1038] {strides = array<i32>} : memref<128x256xf32, #tpu.memory_space<vmem>>, vector<16xf32>,
      %parallel_loop3A_1040 = arith.addf %parallel_loop3A_1039, %parallel_loop3A_1036 : vector<16xf32>
      %parallel_loop3A_1041 = arith.index_cast %parallel_loop3A_961 : i32 to index
      %parallel_loop3A_1042 = arith.constant 208 : index
      %parallel_loop3A_1043 = tpu.vector_load %arg13[%parallel_loop3A_1041, %parallel_loop3A_1042] {strides = array<i32>} : memref<128x256xf32, #tpu.memory_space<vmem>>, vector<16xf32>,
      tpu.vector_store %arg13[%parallel_loop3A_1041, %parallel_loop3A_1042], %parallel_loop3A_1040 {strides = array<i32>} : memref<128x256xf32, #tpu.memory_space<vmem>>, vector<16xf32>,
      %parallel_loop3A_1044 = arith.mulf %parallel_loop3A_965, %get3A_861 : vector<16xf32>
      %parallel_loop3A_1045 = arith.addf %parallel_loop3A_1044, %get3A_893 : vector<16xf32>
      %parallel_loop3A_1046 = arith.constant 0.000000e+00 : f32
      %parallel_loop3A_1047 = vector.broadcast %parallel_loop3A_1046 : f32 to vector<16xf32>
      %parallel_loop3A_1048 = arith.maximumf %parallel_loop3A_1045, %parallel_loop3A_1047 : vector<16xf32>
      %parallel_loop3A_1049 = arith.addf %parallel_loop3A_1048, %get3A_925 : vector<16xf32>
      %parallel_loop3A_1050 = arith.index_cast %parallel_loop3A_961 : i32 to index
      %parallel_loop3A_1051 = arith.constant 224 : index
      %parallel_loop3A_1052 = tpu.vector_load %arg13[%parallel_loop3A_1050, %parallel_loop3A_1051] {strides = array<i32>} : memref<128x256xf32, #tpu.memory_space<vmem>>, vector<16xf32>,
      %parallel_loop3A_1053 = arith.addf %parallel_loop3A_1052, %parallel_loop3A_1049 : vector<16xf32>
      %parallel_loop3A_1054 = arith.index_cast %parallel_loop3A_961 : i32 to index
      %parallel_loop3A_1055 = arith.constant 224 : index
      %parallel_loop3A_1056 = tpu.vector_load %arg13[%parallel_loop3A_1054, %parallel_loop3A_1055] {strides = array<i32>} : memref<128x256xf32, #tpu.memory_space<vmem>>, vector<16xf32>,
      tpu.vector_store %arg13[%parallel_loop3A_1054, %parallel_loop3A_1055], %parallel_loop3A_1053 {strides = array<i32>} : memref<128x256xf32, #tpu.memory_space<vmem>>, vector<16xf32>,
      %parallel_loop3A_1057 = arith.mulf %parallel_loop3A_965, %get3A_865 : vector<16xf32>
      %parallel_loop3A_1058 = arith.addf %parallel_loop3A_1057, %get3A_897 : vector<16xf32>
      %parallel_loop3A_1059 = arith.constant 0.000000e+00 : f32
      %parallel_loop3A_1060 = vector.broadcast %parallel_loop3A_1059 : f32 to vector<16xf32>
      %parallel_loop3A_1061 = arith.maximumf %parallel_loop3A_1058, %parallel_loop3A_1060 : vector<16xf32>
      %parallel_loop3A_1062 = arith.addf %parallel_loop3A_1061, %get3A_929 : vector<16xf32>
      %parallel_loop3A_1063 = arith.index_cast %parallel_loop3A_961 : i32 to index
      %parallel_loop3A_1064 = arith.constant 240 : index
      %parallel_loop3A_1065 = tpu.vector_load %arg13[%parallel_loop3A_1063, %parallel_loop3A_1064] {strides = array<i32>} : memref<128x256xf32, #tpu.memory_space<vmem>>, vector<16xf32>,
      %parallel_loop3A_1066 = arith.addf %parallel_loop3A_1065, %parallel_loop3A_1062 : vector<16xf32>
      %parallel_loop3A_1067 = arith.index_cast %parallel_loop3A_961 : i32 to index
      %parallel_loop3A_1068 = arith.constant 240 : index
      %parallel_loop3A_1069 = tpu.vector_load %arg13[%parallel_loop3A_1067, %parallel_loop3A_1068] {strides = array<i32>} : memref<128x256xf32, #tpu.memory_space<vmem>>, vector<16xf32>,
      tpu.vector_store %arg13[%parallel_loop3A_1067, %parallel_loop3A_1068], %parallel_loop3A_1066 {strides = array<i32>} : memref<128x256xf32, #tpu.memory_space<vmem>>, vector<16xf32>,
    } {sc.loop_unroll_factor = 3 : i64, sc.parallel_access}
    %add3A_933 = arith.constant 1 : i32
    %add3A_934 = arith.addi %add3A_933, %multiple_of3A : i32
    %add3A_935 = arith.constant 384 : i32
    %add3A_936 = arith.addi %add3A_934, %add3A_935 : i32
    %dma_start3A_937 = tpu.memref_reshape %arg9 : memref<16385x1x256xf32, #tpu.memory_space<hbm>> -> memref<16385x256xf32, #tpu.memory_space<hbm>>
    %dma_start3A_938 = arith.constant 0 : i32
    %dma_start3A_939 = tpu.memref_slice %dma_start3A_937[%add3A_936, %dma_start3A_938] : memref<16385x256xf32, #tpu.memory_space<hbm>> -> memref<128x256xf32, #tpu.memory_space<hbm>>
    %dma_start3A_940 = tpu.memref_reshape %arg9 : memref<16385x1x256xf32, #tpu.memory_space<hbm>> -> memref<16385x256xf32, #tpu.memory_space<hbm>>
    %dma_start3A_941 = arith.constant 0 : i32
    %dma_start3A_942 = tpu.memref_slice %dma_start3A_940[%add3A_936, %dma_start3A_941] : memref<16385x256xf32, #tpu.memory_space<hbm>> -> memref<128x256xf32, #tpu.memory_space<hbm>>
    tpu.enqueue_dma source(%arg13 : memref<128x256xf32, #tpu.memory_space<vmem>>) target(%dma_start3A_942 : memref<128x256xf32, #tpu.memory_space<hbm>>) target_semaphore(%arg20 : memref<!tpu.dma_semaphore, #tpu.memory_space<semaphore_mem>>)
    %dma_wait3A_943 = tpu.memref_reshape %arg9 : memref<16385x1x256xf32, #tpu.memory_space<hbm>> -> memref<16385x256xf32, #tpu.memory_space<hbm>>
    %dma_wait3A_944 = arith.constant 0 : i32
    %dma_wait3A_945 = tpu.memref_slice %dma_wait3A_943[%add3A_936, %dma_wait3A_944] : memref<16385x256xf32, #tpu.memory_space<hbm>> -> memref<128x256xf32, #tpu.memory_space<hbm>>
    %dma_wait3A_946 = tpu.memref_reshape %arg9 : memref<16385x1x256xf32, #tpu.memory_space<hbm>> -> memref<16385x256xf32, #tpu.memory_space<hbm>>
    %dma_wait3A_947 = arith.constant 0 : i32
    %dma_wait3A_948 = tpu.memref_slice %dma_wait3A_946[%add3A_936, %dma_wait3A_947] : memref<16385x256xf32, #tpu.memory_space<hbm>> -> memref<128x256xf32, #tpu.memory_space<hbm>>
    tpu.wait_dma2 semaphore(%arg20 : memref<!tpu.dma_semaphore, #tpu.memory_space<semaphore_mem>>) src(%arg13 : memref<128x256xf32, #tpu.memory_space<vmem>>) dst(%dma_wait3A_948 : memref<128x256xf32, #tpu.memory_space<hbm>>)
    %dma_wait3A_949 = tpu.memref_reshape %arg9 : memref<16385x1x256xf32, #tpu.memory_space<hbm>> -> memref<16385x256xf32, #tpu.memory_space<hbm>>
    %dma_wait3A_950 = arith.constant 0 : i32
    %dma_wait3A_951 = tpu.memref_slice %dma_wait3A_949[%add3A_499, %dma_wait3A_950] : memref<16385x256xf32, #tpu.memory_space<hbm>> -> memref<128x256xf32, #tpu.memory_space<hbm>>
    %dma_wait3A_952 = tpu.memref_reshape %arg9 : memref<16385x1x256xf32, #tpu.memory_space<hbm>> -> memref<16385x256xf32, #tpu.memory_space<hbm>>
    %dma_wait3A_953 = arith.constant 0 : i32
    %dma_wait3A_954 = tpu.memref_slice %dma_wait3A_952[%add3A_499, %dma_wait3A_953] : memref<16385x256xf32, #tpu.memory_space<hbm>> -> memref<128x256xf32, #tpu.memory_space<hbm>>
    tpu.wait_dma2 semaphore(%arg21 : memref<!tpu.dma_semaphore, #tpu.memory_space<semaphore_mem>>) src(%arg14 : memref<128x256xf32, #tpu.memory_space<vmem>>) dst(%dma_wait3A_954 : memref<128x256xf32, #tpu.memory_space<hbm>>)
    %dma_wait3A_955 = tpu.memref_reshape %arg9 : memref<16385x1x256xf32, #tpu.memory_space<hbm>> -> memref<16385x256xf32, #tpu.memory_space<hbm>>
    %dma_wait3A_956 = arith.constant 0 : i32
    %dma_wait3A_957 = tpu.memref_slice %dma_wait3A_955[%add3A_723, %dma_wait3A_956] : memref<16385x256xf32, #tpu.memory_space<hbm>> -> memref<128x256xf32, #tpu.memory_space<hbm>>
    %dma_wait3A_958 = tpu.memref_reshape %arg9 : memref<16385x1x256xf32, #tpu.memory_space<hbm>> -> memref<16385x256xf32, #tpu.memory_space<hbm>>
    %dma_wait3A_959 = arith.constant 0 : i32
    %dma_wait3A_960 = tpu.memref_slice %dma_wait3A_958[%add3A_723, %dma_wait3A_959] : memref<16385x256xf32, #tpu.memory_space<hbm>> -> memref<128x256xf32, #tpu.memory_space<hbm>>
    tpu.wait_dma2 semaphore(%arg22 : memref<!tpu.dma_semaphore, #tpu.memory_space<semaphore_mem>>) src(%arg15 : memref<128x256xf32, #tpu.memory_space<vmem>>) dst(%dma_wait3A_960 : memref<128x256xf32, #tpu.memory_space<hbm>>)
    return
  }
}

</mosaic_0001>

<sc_bundles>
// kernel: _sc_tokenize.3.cloned.1.call-start
scs
__scs_entry_jumppad:
0x0: {  	(pc) =	sbr.rel $0x88, $3  }
0x1: {  	(tag) =	ssettag $0x0;
	lr =	simm.s32 $0x1  }
0x2: {  	[smem:$0x3F9A] =	sst lr;
	_ =	strace $0xD0000000  }
0x3: {  	_ = 	snop  }
0x4: {  	_ = 	snop  }
0x5: {  	_ = 	snop  }
0x6: {  	_ = 	snop  }
0x7: {  	_ = 	snop  }
__scs_overlays_trampoline_lowered:
0x8: {  	[smem:$0x3FA9] =	sst s0  }
0x9: {  	[smem:$0x3FAA] =	sst s1  }
0xa: {  	[smem:$0x3FAB] =	sst s2  }
0xb: {  	[smem:$0x3FAC] =	sst s3  }
0xc: {  	[smem:$0x3FAD] =	sst s4  }
0xd: {  	[smem:$0x3FAE] =	sst s5  }
0xe: {  	[smem:$0x3FAF] =	sst s6  }
0xf: {  	[smem:$0x3FB0] =	sst s7  }
0x10: {  	[smem:$0x3FB1] =	sst s8  }
0x11: {  	[smem:$0x3FB2] =	sst s9;
	s0 =	simm.s32 @!p0 $0x0  }
0x12: {  	s1 =	sld [smem:$0x3F98];
	s0 =	simm.s32 @p0 $0x1  }
0x13: {  	[smem:$0x3FB3] =	sst s0;
	s0 =	simm.s32 @!p1 $0x0  }
0x14: {  	s2 =	sld [smem:$0x3F97];
	s0 =	simm.s32 @p1 $0x1  }
0x15: {  	[smem:$0x3FB4] =	sst s0;
	s0 =	simm.s32 @!p2 $0x0  }
0x16: {  	s3 =	sld [smem:$0x3FDB];
	s0 =	simm.s32 @p2 $0x1  }
0x17: {  	s4 =	simm.s32 $0x1BF5;
	[smem:$0x3FB6] =	sst s0  }
0x18: {  	s0 =	sld [smem:$0x3F99];
	_ =	swait.ge [sflag:s4], $0x0  }
0x19: {  	s7 =	sld [smem:$0x3F9A]  }
0x1a: {  	s8 =	sadd.s32 $0xFFFFE003, lr  }
0x1b: {  	s9 =	sadd.s32 $0xFFFFFEF7, lr;
	s5 =	simm.s32 $0xFFFFFFFF;
	p2 =	slt.u32 s8, $0xFFFFF086  }
0x1c: {  	p1 =	slt.u32 s9, $0xF7A;
	s5 =	simm.s32 @!p2 $0x0  }
0x1d: {  	s5 =	simm.s32 @p1 $0x1;
	p0 =	seq.s32 s7, s2  }
0x1e: {  	s7 =	smul.u32 @!p0 $0xF7A, s2;
	p2 =	seq.s32 @!p0 s5, $0x0  }
0x1f: {  	s9 =	smul.u32 $0xF7A, s1;
	s8 =	simm.s32 @!p0 $0x1BF5;
	p2 =	por !p2, p0  }
0x20: {  	[sflag:s8] =	ssyncset.s32 @!p0 $0xFFFFF086;
	s6 =	sadd.s32 @!p0 s3, s7;
	s7 =	simm.s32 @!p0 $0x108  }
0x21: {  	s3 =	sadd.s32 s3, s9;
	s6 =	sadd.s32 @!p0 $0x88, s6;
	s7 =	simm.s32 @p2 $0x1082  }
0x22: {  	[simem:s7], [sflag:s8] =	dma.local @!p0 [hbm:s6], $0xF7A  }
0x23: {  	s9 =	sor.u32 $0xD0000000, s2;
	s6 =	simm.s32 $0x108;
	_ =	swait.ge @!p0 [sflag:s8], $0x0  }
0x24: {  	s3 =	sadd.s32 $0x88, s3;
	s6 =	simm.s32 @!p1 $0x1082;
	[sflag:s4] =	ssyncset.s32 $0xFFFFF086  }
0x25: {  	[simem:s6], [sflag:s4] =	dma.local [hbm:s3], $0xF7A  }
0x26: {  	[smem:$0x3F9A] =	sst s1;
	(tag) =	ssettag s2;
	_ =	strace s9  }
0x27: {  	s1 =	sld [smem:$0x3FAA]  }
0x28: {  	s2 =	sld [smem:$0x3FAB]  }
0x29: {  	s4 =	sld [smem:$0x3FAD]  }
0x2a: {  	p0 =	seq.s32 s5, $0x0;
	s5 =	sld [smem:$0x3FAE]  }
0x2b: {  	s6 =	sld [smem:$0x3FAF]  }
0x2c: {  	s7 =	sld [smem:$0x3FB0]  }
0x2d: {  	s3 =	simm.s32 $0x108;
	s8 =	sld [smem:$0x3FB1]  }
0x2e: {  	s3 =	simm.s32 @!p0 $0x1082;
	s9 =	sld [smem:$0x3FB2]  }
0x2f: {  	lr =	sadd.s32 s0, s3;
	s0 =	sld [smem:$0x3FA9]  }
0x30: {  	s3 =	sld [smem:$0x3FAC]  }
0x31: {  	[smem:$0x3FB5] =	sst s10  }
0x32: {  	s10 =	sld [smem:$0x3FB3];
	_ =	sdelay $0x3  }
0x33: {  	p0 =	seq.s32 s10, $0x1;
	s10 =	sld [smem:$0x3FB5];
	_ =	sdelay $0x3  }
0x34: {  	[smem:$0x3FB5] =	sst s10  }
0x35: {  	s10 =	sld [smem:$0x3FB4];
	_ =	sdelay $0x3  }
0x36: {  	p1 =	seq.s32 s10, $0x1;
	s10 =	sld [smem:$0x3FB5];
	_ =	sdelay $0x3  }
0x37: {  	[smem:$0x3FB5] =	sst s10  }
0x38: {  	s10 =	sld [smem:$0x3FB6]  }
0x39: {  	_ = 	snop;
	(pc) =	sbr.ind lr, $3  }
0x3a: {  	_ = 	snop  }
0x3b: {  	_ = 	snop  }
0x3c: {  	p2 =	seq.s32 s10, $0x1;
	s10 =	sld [smem:$0x3FB5]  }
0x3d: {  	_ =	shalt  }
0x3e: {  	_ =	shalt  }
0x3f: {  	_ =	shalt  }
0x40: {  	_ =	shalt  }
0x41: {  	_ =	shalt  }
0x42: {  	_ =	shalt  }
0x43: {  	_ =	shalt  }
0x44: {  	_ =	shalt  }
0x45: {  	_ =	shalt  }
0x46: {  	_ =	shalt  }
0x47: {  	_ =	shalt  }
0x48: {  	_ =	shalt  }
0x49: {  	_ =	shalt  }
0x4a: {  	_ =	shalt  }
0x4b: {  	_ =	shalt  }
0x4c: {  	_ =	shalt  }
0x4d: {  	_ =	shalt  }
0x4e: {  	_ =	shalt  }
0x4f: {  	_ =	shalt  }
0x50: {  	_ =	shalt  }
0x51: {  	_ =	shalt  }
0x52: {  	_ =	shalt  }
0x53: {  	_ =	shalt  }
0x54: {  	_ =	shalt  }
0x55: {  	_ =	shalt  }
0x56: {  	_ =	shalt  }
0x57: {  	_ =	shalt  }
0x58: {  	_ =	shalt  }
0x59: {  	_ =	shalt  }
0x5a: {  	_ =	shalt  }
0x5b: {  	_ =	shalt  }
0x5c: {  	_ =	shalt  }
0x5d: {  	_ =	shalt  }
0x5e: {  	_ =	shalt  }
0x5f: {  	_ =	shalt  }
0x60: {  	_ =	shalt  }
0x61: {  	_ =	shalt  }
0x62: {  	_ =	shalt  }
0x63: {  	_ =	shalt  }
0x64: {  	_ =	shalt  }
0x65: {  	_ =	shalt  }
0x66: {  	_ =	shalt  }
0x67: {  	_ =	shalt  }
0x68: {  	_ =	shalt  }
0x69: {  	_ =	shalt  }
0x6a: {  	_ =	shalt  }
0x6b: {  	_ =	shalt  }
0x6c: {  	_ =	shalt  }
0x6d: {  	_ =	shalt  }
0x6e: {  	_ =	shalt  }
0x6f: {  	_ =	shalt  }
0x70: {  	_ =	shalt  }
0x71: {  	_ =	shalt  }
0x72: {  	_ =	shalt  }
0x73: {  	_ =	shalt  }
0x74: {  	_ =	shalt  }
0x75: {  	_ =	shalt  }
0x76: {  	_ =	shalt  }
0x77: {  	_ =	shalt  }
0x78: {  	_ =	shalt  }
0x79: {  	_ =	shalt  }
0x7a: {  	_ =	shalt  }
0x7b: {  	_ =	shalt  }
0x7c: {  	_ =	shalt  }
0x7d: {  	_ =	shalt  }
0x7e: {  	_ =	shalt  }
0x7f: {  	_ =	shalt  }
0x80: {  	_ =	shalt  }
0x81: {  	_ =	shalt  }
0x82: {  	_ =	shalt  }
0x83: {  	_ =	shalt  }
0x84: {  	_ =	shalt  }
0x85: {  	_ =	shalt  }
0x86: {  	_ =	shalt  }
0x87: {  	_ =	shalt  }
.Lfunc_end0:
.L_simem_size_0:
called_computation_lowered:
.L_overlay_start_0:
0x88: {  	s2 =	sld [smem:$0x3FD9]  }
0x89: {  	s3 =	sld [smem:$0x3FFE];
	_ =	sdelay $0x1  }
0x8a: {  	s1 =	srdreg.scid  }
0x8b: {  	s0 =	sand.u32 $0x1, s1  }
0x8c: {  	s18 =	sshll.u32 s0, $0xA;
	s2 =	sadd.s32 s3, s2  }
0x8d: {  	s2 =	sadd.s32 s2, s18  }
0x8e: {  	[smem:$0x3FC1] =	sst s2  }
0x8f: {  	_ = 	snop  }
0x90: {  	s2 =	sld [smem:$0x3FC9]  }
0x91: {  	s19 =	sld [smem:$0x3FC8]  }
0x92: {  	s4 =	sld [smem:$0x3FC7]  }
0x93: {  	s5 =	sld [smem:$0x3FC6]  }
0x94: {  	s6 =	sld [smem:$0x3FC5]  }
0x95: {  	s7 =	sld [smem:$0x3FC4]  }
0x96: {  	s8 =	sld [smem:$0x3FC3]  }
0x97: {  	s9 =	sld [smem:$0x3FD0];
	(tm) =	ssettm $0x1  }
0x98: {  	s10 =	sld [smem:$0x3FFB];
	_ =	sdelay $0x3  }
0x99: {  	_ =	strace s10  }
0x9a: {  	s10 =	sld [smem:$0x3FFC];
	_ =	sdelay $0x3  }
0x9b: {  	_ =	strace s10  }
0x9c: {  	s10 =	sld [smem:$0x3FFD];
	_ =	sdelay $0x3  }
0x9d: {  	_ =	strace s10  }
0x9e: {  	_ =	strace $0x8FFFFFFF  }
0x9f: {  	s20 =	sld [smem:$0x3FDB];
	_ =	sdelay $0x1  }
0xa0: {  	s11 =	simm.s32 $_scs_section_size  }
0xa1: {  	s12 =	simm.s32 $_size__tile_overlayer_lowered;
	s13 =	simm.s32 $_tile_overlayer_lowered  }
0xa2: {  	s23 =	simm.s32 $0x1BFF;
	s22 =	sshll.u32 s13, $0x1;
	s10 =	sadd.s32 s11, s20  }
0xa3: {  	s14 =	simm.s32 $0x0;
	s21 =	sshll.u32 s12, $0x1;
	s12 =	sadd.s32 s22, s10  }
0xa4: {  	[timem:s14], [sflag:s23] =	dma.local [hbm:s12], s21  }
0xa5: {  	_ =	swait.ge [sflag:s23], s21  }
0xa6: {  	s11 =	ssub.s32 $0x0, s21;
	[sflag:s23] =	ssyncset.done $0x0  }
0xa7: {  	[sflag:s23] =	ssyncadd.s32 s11;
	_ =	sdelay $0x1  }
0xa8: {  	s24 =	simm.s32 $0x1B8B  }
0xa9: {  	_ =	swait.ge [sflag:s24], $0x1  }
0xaa: {  	[sflag:s24] =	ssyncset.done $0x0  }
0xab: {  	s25 =	simm.s32 $0x1B8E;
	[sflag:s24] =	ssyncadd.s32 $0xFFFFFFFF  }
0xac: {  	s26 =	simm.s32 $execute0_lowered;
	[smem:$0x3FD2] =	sst s25  }
0xad: {  	s11 =	sshll.u32 s26, $0x1;
	_ =	strace $0x80000046;
	[dreg:$0x1] =	wrdreg $0xFFFFFFFF  }
0xae: {  	s28 =	simm.s32 $_size_execute0_lowered;
	s10 =	sadd.s32 s10, s11;
	[dreg:$0x0] =	wrdreg $0x0  }
0xaf: {  	s11 =	sshll.u32 s28, $0x1;
	[dreg:$0x2] =	wrdreg s10  }
0xb0: {  	[dreg:$0x3] =	wrdreg s11  }
0xb1: {  	[dreg:$0x4] =	wrdreg $0xC0  }
0xb2: {  	_ =	task [dreg:s14], $0x5FFFF  }
0xb3: {  	[dreg:$0x1] =	wrdreg $0xFFFFFFFF  }
0xb4: {  	[dreg:$0x0] =	wrdreg $0x60  }
0xb5: {  	[dreg:$0x2] =	wrdreg s2  }
0xb6: {  	[dreg:$0x3] =	wrdreg s19  }
0xb7: {  	[dreg:$0x4] =	wrdreg s4  }
0xb8: {  	[dreg:$0x5] =	wrdreg s5  }
0xb9: {  	[dreg:$0x6] =	wrdreg s6  }
0xba: {  	[dreg:$0x7] =	wrdreg s7  }
0xbb: {  	[dreg:$0x8] =	wrdreg s8  }
0xbc: {  	[dreg:$0x9] =	wrdreg s9  }
0xbd: {  	[dreg:$0xa] =	wrdreg $0x9  }
0xbe: {  	_ =	task.clear_ibuf [dreg:s14], $0xBFFFF;
	_ =	strace $0x90000046  }
0xbf: {  	s29 =	simm.s32 $0x9;
	_ =	strace $0x80000048  }
0xc0: {  	_ =	swait.ge [sflag:s29], $0x1  }
0xc1: {  	[sflag:s29] =	ssyncadd.s32 $0xFFFFFFFF  }
0xc2: {  	_ =	strace $0x90000048  }
0xc3: {  	_ =	sfence  }
0xc4: {  	s30 =	sld [smem:$0x0];
	_ =	sdelay $0x2  }
0xc5: {  	s31 =	sshll.u32 s1, $0xD;
	s1 =	sshrl.u32 s1, $0x2  }
0xc6: {  	s3 =	sand.u32 $0x4000, s31;
	s1 =	sadd.s32 s1, s30  }
0xc7: {  	s0 =	sor.u32 s3, s0;
	s1 =	sshll.u32 s1, $0x11  }
0xc8: {  	s0 =	sor.u32 s1, s0  }
0xc9: {  	s0 =	sadd.s32 $0x8F2B, s0  }
0xca: {  	[sflag:s0] =	ssyncadd.remote.s32 $0x1  }
0xcb: {  	_ =	sfence.sel $0xFFFF  }
0xcc: {  	[dreg:$0x0] =	wrdreg $0xFFFFFFFF;
	(pc) =	sbr.abs _section_cstart, $3  }
0xcd: {  	[dreg:$0x1] =	wrdreg $0xFFFFFFFF  }
0xce: {  	_ =	task.clear_ibuf [dreg:s14], $0x2FFFF;
	_ =	strace $0x9FFFFFFF  }
0xcf: {  	(tm) =	ssettm $0x7FFFFFFF  }
tec
execute0_lowered:
.L_overlay_start_1:
0x0: {  	(tag) =	ssettag $0x1  }
0x1: {  	s0 =	rddreg [dreg:$0x0]  }
0x2: {  	s1 =	rddreg [dreg:$0x1]  }
0x3: {  	s2 =	rddreg [dreg:$0x2]  }
0x4: {  	s7 =	rddreg [dreg:$0x3]  }
0x5: {  	s9 =	rddreg [dreg:$0x4]  }
0x6: {  	s10 =	rddreg [dreg:$0x5]  }
0x7: {  	s19 =	rddreg [dreg:$0x6]  }
0x8: {  	s11 =	rddreg [dreg:$0x7];
	s3 =	srdreg.scid;
	s8 =	simm.s32 $0x0  }
0x9: {  	s5 =	stileid.u32;
	s20 =	simm.s32 $0x4;
	s21 =	simm.s32 $0x200  }
0xa: {  	s31 =	simm.s32 $0x5;
	s22 =	simm.s32 $0x100;
	s23 =	simm.s32 $0x2  }
0xb: {  	s24 =	simm.s32 $0x3;
	s25 =	simm.s32 $0x0;
	s3 =	sand.u32 $0x1, s3  }
0xc: {  	[smem:$0x7FF] =	sst s8;
	s5 =	sshll.u32 s5, $0x1;
	s16 =	sadd.s32 $0x10, s7  }
0xd: {  	s17 =	sadd.s32 $0x10, s9;
	s18 =	sadd.s32 $0x10, s10;
	s19 =	sadd.s32 $0x10, s19  }
0xe: {  	s7 =	simm.s32 $0x80;
	s4 =	ssub.s32 $0x2, s3;
	s3 =	sor.u32 s3, s5  }
0xf: {  	_ =	strace $0x80000047;
	s6 =	sshrl.u32 s4, $0x1;
	s5 =	sshll.u32 s3, $0x6  }
0x10: {  	v2 =	vlaneseq.u32;
	s28 =	sshll.u32 s3, $0xE;
	p0 =	sne.s32 s3, $0x0;
	s1 =	sadd.s32 s1, s5  }
0x11: {  	v63 =	vand.u32 $0x7, v2;
	v1 =	vshrl.u32 v2, $0x3;
	s4 =	ssub.s32 s4, s6;
	s29 =	sadd.s32 s2, s5;
	[dreg:$0x9] =	wrdreg s1  }
0x12: {  	v0 =	vmul.u32 $0x8, v1;
	v1 =	vor.u32 $0x8, v2;
	[tilespmem:$0x1FFD0] =	vst v63;
	s30 =	sadd.s32 s28, s11;
	s6 =	simm.s32 $0x1;
	[dreg:$0xa] =	wrdreg s29  }
0x13: {  	[tilespmem:$0x1FFF0] =	vst v1;
	s11 =	sadd.s32 $0x20, s30;
	s12 =	sadd.s32 $0x1020, s30;
	s13 =	sadd.s32 $0x2020, s30  }
0x14: {  	vm0 =	vmmov $0xffff;
	[tilespmem:$0x1FFE0] =	vst v0;
	s14 =	sadd.s32 $0x3020, s30;
	s15 =	smax.u32 s4, $0x1;
	s1 =	simm.s32 $0x6  }
.LBB2_1:
0x15: {  	s2 =	rddreg [dreg:$0x9]  }
0x16: {  	[tilespmem:s8], [sflag:$0x4] =	stream.linear.gather [hbm4b:s2+s8], $0x200, $0x38;
	[tilespmem:$0x18900] =	vst v63  }
0x17: {  	_ =	swait.ge [sflag:s20], $0x200  }
0x18: {  	[sflag:s20] =	ssyncset.done $0x0  }
0x19: {  	s29 =	rddreg [dreg:$0xa];
	[sflag:s20] =	ssyncadd.s32 $0xFFFFFE00  }
0x1a: {  	[tilespmem:s21], [sflag:$0x5] =	stream.linear.gather [hbm4b:s29+s8], $0x200, $0x38;
	[tilespmem:$0x18900] =	vst v63  }
0x1b: {  	s3 =	simm.s32 $0x400;
	s30 =	rddreg [dreg:$0x3]  }
0x1c: {  	[tilespmem:s3], [sflag:$0x6] =	stream.linear.gather [hbm4b:s30+s8], $0x80, $0x38;
	[tilespmem:$0x18900] =	vst v63  }
0x1d: {  	s3 =	simm.s32 $0x600  }
0x1e: {  	[tilespmem:s3], [sflag:$0x6] =	stream.linear.gather [hbm4b:s16+s8], $0x80, $0x38;
	[tilespmem:$0x18900] =	vst v63  }
0x1f: {  	s5 =	simm.s32 $0x480;
	s4 =	rddreg [dreg:$0x4]  }
0x20: {  	[tilespmem:s5], [sflag:$0x6] =	stream.linear.gather [hbm4b:s4+s8], $0x80, $0x38;
	[tilespmem:$0x18900] =	vst v63  }
0x21: {  	s9 =	simm.s32 $0x680  }
0x22: {  	[tilespmem:s9], [sflag:$0x6] =	stream.linear.gather [hbm4b:s17+s8], $0x80, $0x38;
	[tilespmem:$0x18900] =	vst v63  }
0x23: {  	s26 =	simm.s32 $0x500;
	s10 =	rddreg [dreg:$0x5]  }
0x24: {  	[tilespmem:s26], [sflag:$0x6] =	stream.linear.gather [hbm4b:s10+s8], $0x80, $0x38;
	[tilespmem:$0x18900] =	vst v63  }
0x25: {  	s28 =	simm.s32 $0x700  }
0x26: {  	[tilespmem:s28], [sflag:$0x6] =	stream.linear.gather [hbm4b:s18+s8], $0x80, $0x38;
	[tilespmem:$0x18900] =	vst v63  }
0x27: {  	s29 =	rddreg [dreg:$0x6];
	s30 =	simm.s32 $0x580  }
0x28: {  	[tilespmem:s30], [sflag:$0x6] =	stream.linear.gather [hbm4b:s29+s8], $0x80, $0x38;
	[tilespmem:$0x18900] =	vst v63  }
0x29: {  	s4 =	simm.s32 $0x780  }
0x2a: {  	[tilespmem:s4], [sflag:$0x6] =	stream.linear.gather [hbm4b:s19+s8], $0x80, $0x38;
	[tilespmem:$0x18900] =	vst v63  }
0x2b: {  	v3 =	vld [tilespmem:$0x0];
	_ =	sdelay $0x4  }
0x2c: {  	v4 =	vshll.u32 v3, $0x1  }
0x2d: {  	v3 =	vand.u32 $0x7, v3;
	v4 =	vand.u32 $0xFFFFFFF0, v4  }
0x2e: {  	v3 =	vor.u32 v3, v4  }
0x2f: {  	v4 =	vperm.xlane v3, v63;
	_ =	sdelay $0x1  }
0x30: {  	v3 =	vperm.xlane v3, v1;
	v4 =	vadd.s32 v0, v4;
	_ =	sdelay $0x1  }
0x31: {  	v3 =	vadd.s32 v0, v3;
	_ =	sdelay $0x1  }
0x32: {  	s5 =	simm.s32 $0x800  }
0x33: {  	[tilespmem:s5], [sflag:$0x1] =	stream.indirect_vreg.gather [hbm4b:s0+s8], $0x80, v4, vm0, $0xb8;
	[tilespmem:$0x18900] =	vst v63  }
0x34: {  	s9 =	simm.s32 $0x1000  }
0x35: {  	[tilespmem:s9], [sflag:$0x1] =	stream.indirect_vreg.gather [hbm4b:s0+s8], $0x80, v3, vm0, $0xb8;
	[tilespmem:$0x18900] =	vst v63  }
0x36: {  	v3 =	vld [tilespmem:$0x10];
	_ =	sdelay $0x4  }
0x37: {  	v56 =	vshll.u32 v3, $0x1  }
0x38: {  	v3 =	vand.u32 $0x7, v3;
	v4 =	vand.u32 $0xFFFFFFF0, v56  }
0x39: {  	v3 =	vor.u32 v3, v4  }
0x3a: {  	v4 =	vperm.xlane v3, v63;
	_ =	sdelay $0x1  }
0x3b: {  	v3 =	vperm.xlane v3, v1;
	v4 =	vadd.s32 v0, v4;
	_ =	sdelay $0x1  }
0x3c: {  	v3 =	vadd.s32 v0, v3;
	_ =	sdelay $0x1  }
0x3d: {  	s10 =	simm.s32 $0x1800  }
0x3e: {  	[tilespmem:s10], [sflag:$0x1] =	stream.indirect_vreg.gather [hbm4b:s0+s8], $0x80, v4, vm0, $0xb8;
	[tilespmem:$0x18900] =	vst v63  }
0x3f: {  	s26 =	simm.s32 $0x2000  }
0x40: {  	[tilespmem:s26], [sflag:$0x1] =	stream.indirect_vreg.gather [hbm4b:s0+s8], $0x80, v3, vm0, $0xb8;
	[tilespmem:$0x18900] =	vst v63  }
0x41: {  	v3 =	vld [tilespmem:$0x20];
	_ =	sdelay $0x4  }
0x42: {  	v57 =	vshll.u32 v3, $0x1  }
0x43: {  	v3 =	vand.u32 $0x7, v3;
	v4 =	vand.u32 $0xFFFFFFF0, v57  }
0x44: {  	v3 =	vor.u32 v3, v4  }
0x45: {  	v4 =	vperm.xlane v3, v63;
	_ =	sdelay $0x1  }
0x46: {  	v3 =	vperm.xlane v3, v1;
	v4 =	vadd.s32 v0, v4;
	_ =	sdelay $0x1  }
0x47: {  	v3 =	vadd.s32 v0, v3;
	_ =	sdelay $0x1  }
0x48: {  	s28 =	simm.s32 $0x2800  }
0x49: {  	[tilespmem:s28], [sflag:$0x1] =	stream.indirect_vreg.gather [hbm4b:s0+s8], $0x80, v4, vm0, $0xb8;
	[tilespmem:$0x18900] =	vst v63  }
0x4a: {  	s29 =	simm.s32 $0x3000  }
0x4b: {  	[tilespmem:s29], [sflag:$0x1] =	stream.indirect_vreg.gather [hbm4b:s0+s8], $0x80, v3, vm0, $0xb8;
	[tilespmem:$0x18900] =	vst v63  }
0x4c: {  	v3 =	vld [tilespmem:$0x30];
	_ =	sdelay $0x4  }
0x4d: {  	v58 =	vshll.u32 v3, $0x1  }
0x4e: {  	v3 =	vand.u32 $0x7, v3;
	v4 =	vand.u32 $0xFFFFFFF0, v58  }
0x4f: {  	v3 =	vor.u32 v3, v4  }
0x50: {  	v4 =	vperm.xlane v3, v63;
	_ =	sdelay $0x1  }
0x51: {  	v3 =	vperm.xlane v3, v1;
	v4 =	vadd.s32 v0, v4;
	_ =	sdelay $0x1  }
0x52: {  	v3 =	vadd.s32 v0, v3;
	_ =	sdelay $0x1  }
0x53: {  	s30 =	simm.s32 $0x3800  }
0x54: {  	[tilespmem:s30], [sflag:$0x1] =	stream.indirect_vreg.gather [hbm4b:s0+s8], $0x80, v4, vm0, $0xb8;
	[tilespmem:$0x18900] =	vst v63  }
0x55: {  	s3 =	simm.s32 $0x4000  }
0x56: {  	[tilespmem:s3], [sflag:$0x1] =	stream.indirect_vreg.gather [hbm4b:s0+s8], $0x80, v3, vm0, $0xb8;
	[tilespmem:$0x18900] =	vst v63  }
0x57: {  	v3 =	vld [tilespmem:$0x40];
	_ =	sdelay $0x4  }
0x58: {  	v59 =	vshll.u32 v3, $0x1  }
0x59: {  	v3 =	vand.u32 $0x7, v3;
	v4 =	vand.u32 $0xFFFFFFF0, v59  }
0x5a: {  	v3 =	vor.u32 v3, v4  }
0x5b: {  	v4 =	vperm.xlane v3, v63;
	_ =	sdelay $0x1  }
0x5c: {  	v3 =	vperm.xlane v3, v1;
	v4 =	vadd.s32 v0, v4;
	_ =	sdelay $0x1  }
0x5d: {  	v3 =	vadd.s32 v0, v3;
	_ =	sdelay $0x1  }
0x5e: {  	s4 =	simm.s32 $0x4800  }
0x5f: {  	[tilespmem:s4], [sflag:$0x1] =	stream.indirect_vreg.gather [hbm4b:s0+s8], $0x80, v4, vm0, $0xb8;
	[tilespmem:$0x18900] =	vst v63  }
0x60: {  	s5 =	simm.s32 $0x5000  }
0x61: {  	[tilespmem:s5], [sflag:$0x1] =	stream.indirect_vreg.gather [hbm4b:s0+s8], $0x80, v3, vm0, $0xb8;
	[tilespmem:$0x18900] =	vst v63  }
0x62: {  	v3 =	vld [tilespmem:$0x50];
	_ =	sdelay $0x4  }
0x63: {  	v60 =	vshll.u32 v3, $0x1  }
0x64: {  	v3 =	vand.u32 $0x7, v3;
	v4 =	vand.u32 $0xFFFFFFF0, v60  }
0x65: {  	v3 =	vor.u32 v3, v4  }
0x66: {  	v4 =	vperm.xlane v3, v63;
	_ =	sdelay $0x1  }
0x67: {  	v3 =	vperm.xlane v3, v1;
	v4 =	vadd.s32 v0, v4;
	_ =	sdelay $0x1  }
0x68: {  	v3 =	vadd.s32 v0, v3;
	_ =	sdelay $0x1  }
0x69: {  	s9 =	simm.s32 $0x5800  }
0x6a: {  	[tilespmem:s9], [sflag:$0x1] =	stream.indirect_vreg.gather [hbm4b:s0+s8], $0x80, v4, vm0, $0xb8;
	[tilespmem:$0x18900] =	vst v63  }
0x6b: {  	s10 =	simm.s32 $0x6000  }
0x6c: {  	[tilespmem:s10], [sflag:$0x1] =	stream.indirect_vreg.gather [hbm4b:s0+s8], $0x80, v3, vm0, $0xb8;
	[tilespmem:$0x18900] =	vst v63  }
0x6d: {  	v3 =	vld [tilespmem:$0x60];
	_ =	sdelay $0x4  }
0x6e: {  	v61 =	vshll.u32 v3, $0x1  }
0x6f: {  	v3 =	vand.u32 $0x7, v3;
	v4 =	vand.u32 $0xFFFFFFF0, v61  }
0x70: {  	v3 =	vor.u32 v3, v4  }
0x71: {  	v4 =	vperm.xlane v3, v63;
	_ =	sdelay $0x1  }
0x72: {  	v3 =	vperm.xlane v3, v1;
	v4 =	vadd.s32 v0, v4;
	_ =	sdelay $0x1  }
0x73: {  	v3 =	vadd.s32 v0, v3;
	_ =	sdelay $0x1  }
0x74: {  	s26 =	simm.s32 $0x6800  }
0x75: {  	[tilespmem:s26], [sflag:$0x1] =	stream.indirect_vreg.gather [hbm4b:s0+s8], $0x80, v4, vm0, $0xb8;
	[tilespmem:$0x18900] =	vst v63  }
0x76: {  	s28 =	simm.s32 $0x7000  }
0x77: {  	[tilespmem:s28], [sflag:$0x1] =	stream.indirect_vreg.gather [hbm4b:s0+s8], $0x80, v3, vm0, $0xb8;
	[tilespmem:$0x18900] =	vst v63  }
0x78: {  	v3 =	vld [tilespmem:$0x70];
	_ =	sdelay $0x4  }
0x79: {  	v62 =	vshll.u32 v3, $0x1  }
0x7a: {  	v3 =	vand.u32 $0x7, v3;
	v4 =	vand.u32 $0xFFFFFFF0, v62  }
0x7b: {  	v3 =	vor.u32 v3, v4  }
0x7c: {  	v4 =	vperm.xlane v3, v63;
	_ =	sdelay $0x1  }
0x7d: {  	v3 =	vperm.xlane v3, v1;
	v4 =	vadd.s32 v0, v4;
	_ =	sdelay $0x1  }
0x7e: {  	v3 =	vadd.s32 v0, v3;
	_ =	sdelay $0x1  }
0x7f: {  	s29 =	simm.s32 $0x7800  }
0x80: {  	[tilespmem:s29], [sflag:$0x1] =	stream.indirect_vreg.gather [hbm4b:s0+s8], $0x80, v4, vm0, $0xb8;
	[tilespmem:$0x18900] =	vst v63  }
0x81: {  	s30 =	simm.s32 $0x8000  }
0x82: {  	[tilespmem:s30], [sflag:$0x1] =	stream.indirect_vreg.gather [hbm4b:s0+s8], $0x80, v3, vm0, $0xb8;
	[tilespmem:$0x18900] =	vst v63  }
0x83: {  	_ =	swait.ge [sflag:s31], $0x200  }
0x84: {  	[sflag:s31] =	ssyncset.done $0x0  }
0x85: {  	[sflag:s31] =	ssyncadd.s32 $0xFFFFFE00  }
0x86: {  	_ =	swait.ge [sflag:s1], $0x100  }
0x87: {  	[sflag:s1] =	ssyncset.done $0x0  }
0x88: {  	[sflag:s1] =	ssyncadd.s32 $0xFFFFFF00  }
0x89: {  	_ =	swait.ge [sflag:s1], $0x100  }
0x8a: {  	[sflag:s1] =	ssyncset.done $0x0  }
0x8b: {  	[sflag:s1] =	ssyncadd.s32 $0xFFFFFF00  }
0x8c: {  	_ =	swait.ge [sflag:s1], $0x100  }
.Ltmp0:
0x8d: {  	[sflag:s1] =	ssyncset.done $0x0;
	(pc) =	sbr.rel @p0 .LBB2_3-.Ltmp0, $4  }
0x8e: {  	[sflag:s1] =	ssyncadd.s32 $0xFFFFFF00  }
0x8f: {  	_ =	swait.ge [sflag:s1], $0x100  }
0x90: {  	[sflag:s1] =	ssyncset.done $0x0  }
0x91: {  	[sflag:s1] =	ssyncadd.s32 $0xFFFFFF00  }
0x92: {  	v3 =	vld [tilespmem:$0x500]  }
0x93: {  	v4 =	vld [tilespmem:$0x580]  }
0x94: {  	v5 =	vld [tilespmem:$0x510]  }
0x95: {  	v6 =	vld [tilespmem:$0x590]  }
0x96: {  	v7 =	vld [tilespmem:$0x520]  }
0x97: {  	v8 =	vld [tilespmem:$0x5A0]  }
0x98: {  	v9 =	vld [tilespmem:$0x530]  }
0x99: {  	v10 =	vld [tilespmem:$0x5B0]  }
0x9a: {  	v11 =	vld [tilespmem:$0x540]  }
0x9b: {  	v12 =	vld [tilespmem:$0x5C0]  }
0x9c: {  	v13 =	vld [tilespmem:$0x550]  }
0x9d: {  	v14 =	vld [tilespmem:$0x5D0]  }
0x9e: {  	v15 =	vld [tilespmem:$0x560]  }
0x9f: {  	v16 =	vld [tilespmem:$0x5E0]  }
0xa0: {  	v17 =	vld [tilespmem:$0x570]  }
0xa1: {  	v18 =	vld [tilespmem:$0x5F0]  }
0xa2: {  	v19 =	vld [tilespmem:$0x700]  }
0xa3: {  	v20 =	vld [tilespmem:$0x780]  }
0xa4: {  	v21 =	vld [tilespmem:$0x710]  }
0xa5: {  	v22 =	vld [tilespmem:$0x790]  }
0xa6: {  	v23 =	vld [tilespmem:$0x720]  }
0xa7: {  	v46 =	vld [tilespmem:$0x7A0];
	v3 =	vadd.f32 v4, v3  }
0xa8: {  	v47 =	vld [tilespmem:$0x730];
	v5 =	vadd.f32 v6, v5  }
0xa9: {  	v48 =	vld [tilespmem:$0x7B0];
	v49 =	vadd.f32 v10, v9;
	[tilespmem:$0x18800] =	vst v3  }
0xaa: {  	v50 =	vld [tilespmem:$0x740];
	v3 =	vadd.f32 v8, v7;
	[tilespmem:$0x18810] =	vst v5  }
0xab: {  	v51 =	vld [tilespmem:$0x7C0];
	v52 =	vadd.f32 v14, v13;
	[tilespmem:$0x18830] =	vst v49  }
0xac: {  	v53 =	vld [tilespmem:$0x750];
	[tilespmem:$0x18820] =	vst v3;
	v3 =	vadd.f32 v12, v11  }
0xad: {  	v54 =	vld [tilespmem:$0x7D0];
	v55 =	vadd.f32 v18, v17;
	[tilespmem:$0x18850] =	vst v52  }
0xae: {  	v56 =	vld [tilespmem:$0x760];
	[tilespmem:$0x18840] =	vst v3;
	v3 =	vadd.f32 v16, v15  }
0xaf: {  	v59 =	vld [tilespmem:$0x770];
	v58 =	vadd.f32 v22, v21;
	[tilespmem:$0x18870] =	vst v55  }
0xb0: {  	v60 =	vld [tilespmem:$0x7F0];
	[tilespmem:$0x18860] =	vst v3;
	v3 =	vadd.f32 v20, v19  }
0xb1: {  	v57 =	vld [tilespmem:$0x7E0];
	v61 =	vadd.f32 v48, v47;
	[tilespmem:$0x18890] =	vst v58  }
0xb2: {  	[tilespmem:$0x18880] =	vst v3;
	v3 =	vadd.f32 v46, v23  }
0xb3: {  	v62 =	vadd.f32 v54, v53;
	[tilespmem:$0x188B0] =	vst v61  }
0xb4: {  	[tilespmem:$0x188A0] =	vst v3;
	v3 =	vadd.f32 v51, v50  }
0xb5: {  	v4 =	vadd.f32 v60, v59;
	[tilespmem:$0x188D0] =	vst v62  }
0xb6: {  	[tilespmem:$0x188C0] =	vst v3;
	v3 =	vadd.f32 v57, v56  }
0xb7: {  	[tilespmem:$0x188F0] =	vst v4  }
0xb8: {  	s2 =	rddreg [dreg:$0x7];
	s3 =	simm.s32 $0x18800;
	s30 =	simm.s32 $0x7;
	[tilespmem:$0x188E0] =	vst v3  }
0xb9: {  	[hbm4b:s2+s8] =	stream.linear.scatter [tilespmem:s3], [sflag:$0x7], $0x100, $0x38;
	[tilespmem:$0x18900] =	vst v63  }
0xba: {  	_ =	swait.ge [sflag:s30], $0x100  }
0xbb: {  	[sflag:s30] =	ssyncset.done $0x0  }
0xbc: {  	[sflag:s30] =	ssyncadd.s32 $0xFFFFFF00  }
.LBB2_3:
0xbd: {  	_ =	swait.ge [sflag:s6], $0x8000  }
0xbe: {  	[sflag:s6] =	ssyncset.done $0x0  }
0xbf: {  	[sflag:s6] =	ssyncadd.s32 $0xFFFF8000  }
0xc0: {  	v3 =	vld [tilespmem:$0x80];
	_ =	sdelay $0x4  }
0xc1: {  	v4 =	vshll.u32 v3, $0x1  }
0xc2: {  	v3 =	vand.u32 $0x7, v3;
	v4 =	vand.u32 $0xFFFFFFF0, v4  }
0xc3: {  	v3 =	vor.u32 v3, v4  }
0xc4: {  	v4 =	vperm.xlane v3, v63;
	_ =	sdelay $0x1  }
0xc5: {  	v3 =	vperm.xlane v3, v1;
	v4 =	vadd.s32 v0, v4;
	_ =	sdelay $0x1  }
0xc6: {  	v3 =	vadd.s32 v0, v3;
	_ =	sdelay $0x1  }
0xc7: {  	s26 =	simm.s32 $0x0;
	s2 =	simm.s32 $0x8800  }
0xc8: {  	[tilespmem:s2], [sflag:$0x2] =	stream.indirect_vreg.gather [hbm4b:s0+s26], $0x80, v4, vm0, $0xb8;
	[tilespmem:$0x18900] =	vst v63  }
0xc9: {  	s3 =	simm.s32 $0x9000  }
0xca: {  	[tilespmem:s3], [sflag:$0x2] =	stream.indirect_vreg.gather [hbm4b:s0+s26], $0x80, v3, vm0, $0xb8;
	[tilespmem:$0x18900] =	vst v63  }
0xcb: {  	v3 =	vld [tilespmem:$0x90];
	_ =	sdelay $0x4  }
0xcc: {  	v4 =	vshll.u32 v3, $0x1  }
0xcd: {  	v3 =	vand.u32 $0x7, v3;
	v4 =	vand.u32 $0xFFFFFFF0, v4  }
0xce: {  	v3 =	vor.u32 v3, v4  }
0xcf: {  	v4 =	vperm.xlane v3, v63;
	_ =	sdelay $0x1  }
0xd0: {  	v3 =	vperm.xlane v3, v1;
	v4 =	vadd.s32 v0, v4;
	_ =	sdelay $0x1  }
0xd1: {  	v3 =	vadd.s32 v0, v3;
	_ =	sdelay $0x1  }
0xd2: {  	s4 =	simm.s32 $0x9800  }
0xd3: {  	[tilespmem:s4], [sflag:$0x2] =	stream.indirect_vreg.gather [hbm4b:s0+s26], $0x80, v4, vm0, $0xb8;
	[tilespmem:$0x18900] =	vst v63  }
0xd4: {  	s5 =	simm.s32 $0xA000  }
0xd5: {  	[tilespmem:s5], [sflag:$0x2] =	stream.indirect_vreg.gather [hbm4b:s0+s26], $0x80, v3, vm0, $0xb8;
	[tilespmem:$0x18900] =	vst v63  }
0xd6: {  	v3 =	vld [tilespmem:$0xA0];
	_ =	sdelay $0x4  }
0xd7: {  	v4 =	vshll.u32 v3, $0x1  }
0xd8: {  	v3 =	vand.u32 $0x7, v3;
	v4 =	vand.u32 $0xFFFFFFF0, v4  }
0xd9: {  	v3 =	vor.u32 v3, v4  }
0xda: {  	v4 =	vperm.xlane v3, v63;
	_ =	sdelay $0x1  }
0xdb: {  	v3 =	vperm.xlane v3, v1;
	v4 =	vadd.s32 v0, v4;
	_ =	sdelay $0x1  }
0xdc: {  	v3 =	vadd.s32 v0, v3;
	_ =	sdelay $0x1  }
0xdd: {  	s9 =	simm.s32 $0xA800  }
0xde: {  	[tilespmem:s9], [sflag:$0x2] =	stream.indirect_vreg.gather [hbm4b:s0+s26], $0x80, v4, vm0, $0xb8;
	[tilespmem:$0x18900] =	vst v63  }
0xdf: {  	s10 =	simm.s32 $0xB000  }
0xe0: {  	[tilespmem:s10], [sflag:$0x2] =	stream.indirect_vreg.gather [hbm4b:s0+s26], $0x80, v3, vm0, $0xb8;
	[tilespmem:$0x18900] =	vst v63  }
0xe1: {  	v3 =	vld [tilespmem:$0xB0];
	_ =	sdelay $0x4  }
0xe2: {  	v4 =	vshll.u32 v3, $0x1  }
0xe3: {  	v3 =	vand.u32 $0x7, v3;
	v4 =	vand.u32 $0xFFFFFFF0, v4  }
0xe4: {  	v3 =	vor.u32 v3, v4  }
0xe5: {  	v4 =	vperm.xlane v3, v63;
	_ =	sdelay $0x1  }
0xe6: {  	v3 =	vperm.xlane v3, v1;
	v4 =	vadd.s32 v0, v4;
	_ =	sdelay $0x1  }
0xe7: {  	v3 =	vadd.s32 v0, v3;
	_ =	sdelay $0x1  }
0xe8: {  	s3 =	simm.s32 $0xB800  }
0xe9: {  	[tilespmem:s3], [sflag:$0x2] =	stream.indirect_vreg.gather [hbm4b:s0+s26], $0x80, v4, vm0, $0xb8;
	[tilespmem:$0x18900] =	vst v63  }
0xea: {  	s4 =	simm.s32 $0xC000  }
0xeb: {  	[tilespmem:s4], [sflag:$0x2] =	stream.indirect_vreg.gather [hbm4b:s0+s26], $0x80, v3, vm0, $0xb8;
	[tilespmem:$0x18900] =	vst v63  }
0xec: {  	v3 =	vld [tilespmem:$0xC0];
	_ =	sdelay $0x4  }
0xed: {  	v4 =	vshll.u32 v3, $0x1  }
0xee: {  	v3 =	vand.u32 $0x7, v3;
	v4 =	vand.u32 $0xFFFFFFF0, v4  }
0xef: {  	v3 =	vor.u32 v3, v4  }
0xf0: {  	v4 =	vperm.xlane v3, v63;
	_ =	sdelay $0x1  }
0xf1: {  	v3 =	vperm.xlane v3, v1;
	v4 =	vadd.s32 v0, v4;
	_ =	sdelay $0x1  }
0xf2: {  	v3 =	vadd.s32 v0, v3;
	_ =	sdelay $0x1  }
0xf3: {  	s5 =	simm.s32 $0xC800  }
0xf4: {  	[tilespmem:s5], [sflag:$0x2] =	stream.indirect_vreg.gather [hbm4b:s0+s26], $0x80, v4, vm0, $0xb8;
	[tilespmem:$0x18900] =	vst v63  }
0xf5: {  	s9 =	simm.s32 $0xD000  }
0xf6: {  	[tilespmem:s9], [sflag:$0x2] =	stream.indirect_vreg.gather [hbm4b:s0+s26], $0x80, v3, vm0, $0xb8;
	[tilespmem:$0x18900] =	vst v63  }
0xf7: {  	v3 =	vld [tilespmem:$0xD0];
	_ =	sdelay $0x4  }
0xf8: {  	v4 =	vshll.u32 v3, $0x1  }
0xf9: {  	v3 =	vand.u32 $0x7, v3;
	v4 =	vand.u32 $0xFFFFFFF0, v4  }
0xfa: {  	v3 =	vor.u32 v3, v4  }
0xfb: {  	v4 =	vperm.xlane v3, v63;
	_ =	sdelay $0x1  }
0xfc: {  	v3 =	vperm.xlane v3, v1;
	v4 =	vadd.s32 v0, v4;
	_ =	sdelay $0x1  }
0xfd: {  	v3 =	vadd.s32 v0, v3;
	_ =	sdelay $0x1  }
0xfe: {  	s10 =	simm.s32 $0xD800  }
0xff: {  	[tilespmem:s10], [sflag:$0x2] =	stream.indirect_vreg.gather [hbm4b:s0+s26], $0x80, v4, vm0, $0xb8;
	[tilespmem:$0x18900] =	vst v63  }
0x100: {  	s3 =	simm.s32 $0xE000  }
0x101: {  	[tilespmem:s3], [sflag:$0x2] =	stream.indirect_vreg.gather [hbm4b:s0+s26], $0x80, v3, vm0, $0xb8;
	[tilespmem:$0x18900] =	vst v63  }
0x102: {  	v3 =	vld [tilespmem:$0xE0];
	_ =	sdelay $0x4  }
0x103: {  	v4 =	vshll.u32 v3, $0x1  }
0x104: {  	v3 =	vand.u32 $0x7, v3;
	v4 =	vand.u32 $0xFFFFFFF0, v4  }
0x105: {  	v3 =	vor.u32 v3, v4  }
0x106: {  	v4 =	vperm.xlane v3, v63;
	_ =	sdelay $0x1  }
0x107: {  	v3 =	vperm.xlane v3, v1;
	v4 =	vadd.s32 v0, v4;
	_ =	sdelay $0x1  }
0x108: {  	v3 =	vadd.s32 v0, v3;
	_ =	sdelay $0x1  }
0x109: {  	s4 =	simm.s32 $0xE800  }
0x10a: {  	[tilespmem:s4], [sflag:$0x2] =	stream.indirect_vreg.gather [hbm4b:s0+s26], $0x80, v4, vm0, $0xb8;
	[tilespmem:$0x18900] =	vst v63  }
0x10b: {  	s5 =	simm.s32 $0xF000  }
0x10c: {  	[tilespmem:s5], [sflag:$0x2] =	stream.indirect_vreg.gather [hbm4b:s0+s26], $0x80, v3, vm0, $0xb8;
	[tilespmem:$0x18900] =	vst v63  }
0x10d: {  	v3 =	vld [tilespmem:$0xF0];
	_ =	sdelay $0x4  }
0x10e: {  	v4 =	vshll.u32 v3, $0x1  }
0x10f: {  	v3 =	vand.u32 $0x7, v3;
	v4 =	vand.u32 $0xFFFFFFF0, v4  }
0x110: {  	v3 =	vor.u32 v3, v4  }
0x111: {  	v4 =	vperm.xlane v3, v63;
	_ =	sdelay $0x1  }
0x112: {  	v3 =	vperm.xlane v3, v1;
	v4 =	vadd.s32 v0, v4;
	_ =	sdelay $0x1  }
0x113: {  	v3 =	vadd.s32 v0, v3;
	_ =	sdelay $0x1  }
0x114: {  	s9 =	simm.s32 $0xF800  }
0x115: {  	[tilespmem:s9], [sflag:$0x2] =	stream.indirect_vreg.gather [hbm4b:s0+s26], $0x80, v4, vm0, $0xb8;
	[tilespmem:$0x18900] =	vst v63  }
0x116: {  	s10 =	simm.s32 $0x10000  }
0x117: {  	[tilespmem:s10], [sflag:$0x2] =	stream.indirect_vreg.gather [hbm4b:s0+s26], $0x80, v3, vm0, $0xb8;
	[tilespmem:$0x18900] =	vst v63  }
0x118: {  	v3 =	vld [tilespmem:$0x400]  }
0x119: {  	v4 =	vld [tilespmem:$0x410]  }
0x11a: {  	v5 =	vld [tilespmem:$0x420]  }
0x11b: {  	v12 =	vmov s26;
	v6 =	vld [tilespmem:$0x430]  }
0x11c: {  	v7 =	vld [tilespmem:$0x440]  }
0x11d: {  	v8 =	vld [tilespmem:$0x450]  }
0x11e: {  	s3 =	simm.s32 $0x1;
	v9 =	vld [tilespmem:$0x460]  }
0x11f: {  	v15 =	vmov s3;
	v10 =	vld [tilespmem:$0x470]  }
0x120: {  	v19 =	vld.idx.msk [tilespmem:v12+s21+$0x0], $0xffff  }
0x121: {  	v11 =	vld [tilespmem:$0x480]  }
0x122: {  	s4 =	simm.s32 $0x2;
	v12 =	vld [tilespmem:$0x490]  }
0x123: {  	v39 =	vmov s4;
	v13 =	vld [tilespmem:$0x4A0]  }
0x124: {  	v24 =	vld.idx.msk [tilespmem:v15+s21+$0x0], $0xffff  }
0x125: {  	v14 =	vld [tilespmem:$0x4B0];
	v20 =	vmul.f32 v19, v3  }
0x126: {  	v15 =	vld [tilespmem:$0x4C0];
	v21 =	vmul.f32 v19, v4;
	v22 =	vmul.f32 v19, v5  }
0x127: {  	v16 =	vld [tilespmem:$0x4D0];
	v23 =	vmul.f32 v19, v6;
	v25 =	vmul.f32 v19, v7  }
0x128: {  	v60 =	vld.idx.msk [tilespmem:v39+s21+$0x0], $0xffff;
	v26 =	vmul.f32 v19, v8;
	v27 =	vmul.f32 v19, v9  }
0x129: {  	s5 =	simm.s32 $0x3;
	v17 =	vld [tilespmem:$0x4E0];
	v29 =	vmul.f32 v19, v10;
	v31 =	vmul.f32 v24, v3  }
0x12a: {  	v43 =	vmov s5;
	v18 =	vld [tilespmem:$0x4F0];
	v32 =	vmul.f32 v24, v4;
	v35 =	vmul.f32 v24, v5  }
0x12b: {  	v38 =	vmul.f32 v24, v8;
	v58 =	vmul.f32 v24, v9;
	v28 =	vadd.f32 v20, v11  }
0x12c: {  	s4 =	simm.s32 $0x0;
	s5 =	simm.s32 $0x0;
	v59 =	vmul.f32 v24, v10;
	v30 =	vadd.f32 v21, v12;
	v33 =	vadd.f32 v22, v13  }
0x12d: {  	s4 =	sand.u32 $0x7800, s4;
	s5 =	sand.u32 $0x380, s5;
	v48 =	vmul.f32 v60, v10;
	v34 =	vadd.f32 v23, v14;
	v36 =	vadd.f32 v25, v15  }
0x12e: {  	s30 =	sor.u32 s5, s4;
	v49 =	vmul.f32 v60, v5;
	v37 =	vadd.f32 v26, v16;
	v27 =	vadd.f32 v27, v17  }
0x12f: {  	v55 =	vld [tilespmem:s30+$0x800];
	v50 =	vmul.f32 v60, v6;
	v29 =	vadd.f32 v29, v18;
	v31 =	vadd.f32 v31, v11  }
0x130: {  	v56 =	vld [tilespmem:s30+$0x810];
	v51 =	vmul.f32 v60, v7;
	v40 =	vadd.f32 v32, v12;
	v41 =	vadd.f32 v35, v13  }
0x131: {  	v19 =	vld [tilespmem:$0x500];
	v54 =	vmul.f32 v60, v8;
	v38 =	vadd.f32 v38, v16;
	v46 =	vadd.f32 v58, v17  }
0x132: {  	v25 =	vmul.f32 v24, v6;
	v20 =	vld [tilespmem:$0x510];
	v32 =	vadd.f32 v59, v18;
	v48 =	vadd.f32 v48, v18  }
0x133: {  	s9 =	simm.s32 $0x4;
	v26 =	vmul.f32 v24, v7;
	v21 =	vld [tilespmem:$0x520];
	v49 =	vadd.f32 v49, v13;
	v50 =	vadd.f32 v50, v14  }
0x134: {  	v45 =	vmov s9;
	v22 =	vld [tilespmem:$0x530];
	v51 =	vadd.f32 v51, v15;
	v54 =	vadd.f32 v54, v16  }
0x135: {  	v23 =	vld [tilespmem:$0x540];
	v35 =	vmul.f32 v60, v9;
	v42 =	vadd.f32 v25, v14;
	v44 =	vadd.f32 v26, v15  }
0x136: {  	v24 =	vld [tilespmem:$0x550];
	v28 =	vmax.f32 v28, $0.0e+00;
	v30 =	vmax.f32 v30, $0.0e+00;
	v33 =	vmax.f32 v33, $0.0e+00  }
0x137: {  	v57 =	vld [tilespmem:s30+$0x820];
	v34 =	vmax.f32 v34, $0.0e+00;
	v36 =	vmax.f32 v36, $0.0e+00;
	v37 =	vmax.f32 v37, $0.0e+00  }
0x138: {  	v61 =	vld [tilespmem:s30+$0x860];
	v27 =	vmax.f32 v27, $0.0e+00;
	v35 =	vadd.f32 v35, v17;
	v28 =	vadd.f32 v28, v19  }
0x139: {  	s28 =	simm.s32 $0x100;
	s29 =	simm.s32 $0x200;
	v25 =	vld [tilespmem:$0x560];
	v49 =	vmax.f32 v49, $0.0e+00;
	v30 =	vadd.f32 v30, v20;
	v33 =	vadd.f32 v33, v21  }
0x13a: {  	s3 =	sand.u32 $0x380, s28;
	s10 =	sand.u32 $0xF800, s29;
	v26 =	vld [tilespmem:$0x570];
	v50 =	vmax.f32 v50, $0.0e+00;
	v34 =	vadd.f32 v34, v22;
	v36 =	vadd.f32 v36, v23  }
0x13b: {  	s2 =	sor.u32 s3, s10;
	v62 =	vld [tilespmem:s30+$0x870];
	v51 =	vmax.f32 v51, $0.0e+00;
	v37 =	vadd.f32 v37, v24;
	v49 =	vadd.f32 v49, v21  }
0x13c: {  	s9 =	simm.s32 $0x100;
	s10 =	simm.s32 $0x80;
	v52 =	vld [tilespmem:s2+$0x870];
	v54 =	vmax.f32 v54, $0.0e+00;
	v50 =	vadd.f32 v50, v22;
	v51 =	vadd.f32 v51, v23  }
0x13d: {  	s3 =	sand.u32 $0xF800, s9;
	v53 =	vld [tilespmem:s2+$0x800];
	s4 =	sand.u32 $0x380, s10;
	v42 =	vmax.f32 v42, $0.0e+00;
	v28 =	vadd.f32 v28, v55;
	v54 =	vadd.f32 v54, v24  }
0x13e: {  	s3 =	sor.u32 s4, s3;
	v59 =	vld [tilespmem:s30+$0x850];
	v48 =	vmax.f32 v48, $0.0e+00;
	v42 =	vadd.f32 v42, v22;
	v39 =	vadd.f32 v27, v25  }
0x13f: {  	v63 =	vld [tilespmem:s3+$0x800];
	v27 =	vmax.f32 v29, $0.0e+00;
	v29 =	vmax.f32 v40, $0.0e+00;
	v48 =	vadd.f32 v48, v26  }
0x140: {  	v40 =	vld.idx.msk [tilespmem:v43+s21+$0x0], $0xffff;
	v47 =	vadd.f32 v27, v26;
	v27 =	vmax.f32 v31, $0.0e+00;
	v31 =	vmul.f32 v60, v3  }
0x141: {  	v33 =	vadd.f32 v57, v33;
	v57 =	vld [tilespmem:s3+$0x810];
	v43 =	vadd.f32 v27, v19  }
0x142: {  	v27 =	vld.idx.msk [tilespmem:v45+s21+$0x0], $0xffff;
	v45 =	vadd.f32 v29, v20;
	v29 =	vmul.f32 v60, v4;
	v31 =	vadd.f32 v31, v11  }
0x143: {  	v58 =	vld [tilespmem:s30+$0x830];
	v56 =	vadd.f32 v30, v56;
	v30 =	vadd.f32 v59, v37  }
0x144: {  	v48 =	vadd.f32 v52, v48;
	v52 =	vld [tilespmem:s30+$0x840];
	v29 =	vadd.f32 v29, v12;
	v31 =	vmax.f32 v31, $0.0e+00  }
0x145: {  	v38 =	vmax.f32 v38, $0.0e+00;
	[tilespmem:s30+$0x800] =	vst v28;
	v37 =	vld [tilespmem:s3+$0x830];
	v28 =	vadd.f32 v62, v47;
	v31 =	vadd.f32 v31, v19  }
0x146: {  	v62 =	vadd.f32 v43, v63;
	v63 =	vadd.f32 v45, v57;
	v29 =	vmax.f32 v29, $0.0e+00  }
0x147: {  	[tilespmem:s30+$0x810] =	vst v56;
	v43 =	vld [tilespmem:s3+$0x850];
	v60 =	vadd.f32 v29, v20;
	v29 =	vmax.f32 v35, $0.0e+00;
	v31 =	vadd.f32 v31, v53  }
0x148: {  	[tilespmem:s3+$0x800] =	vst v62;
	v35 =	vadd.f32 v29, v25;
	v29 =	vadd.f32 v61, v39;
	v61 =	vmax.f32 v41, $0.0e+00;
	v41 =	vld [tilespmem:s3+$0x840]  }
0x149: {  	v32 =	vmax.f32 v32, $0.0e+00;
	v34 =	vadd.f32 v58, v34;
	[tilespmem:s2+$0x800] =	vst v31;
	v31 =	vadd.f32 v52, v36;
	v36 =	vld [tilespmem:s3+$0x820]  }
0x14a: {  	v44 =	vmax.f32 v44, $0.0e+00;
	v45 =	vld [tilespmem:s3+$0x860];
	v62 =	vadd.f32 v37, v42;
	[tilespmem:s3+$0x810] =	vst v63;
	v63 =	vadd.f32 v38, v24  }
0x14b: {  	v59 =	vmax.f32 v46, $0.0e+00;
	v32 =	vadd.f32 v32, v26;
	[tilespmem:s30+$0x820] =	vst v33;
	v39 =	vadd.f32 v61, v21  }
0x14c: {  	v55 =	vmul.f32 v40, v4;
	[tilespmem:s3+$0x830] =	vst v62;
	v61 =	vadd.f32 v44, v23;
	v62 =	vadd.f32 v43, v63;
	v63 =	vld [tilespmem:s2+$0x830]  }
0x14d: {  	[tilespmem:s2+$0x870] =	vst v48;
	v48 =	vmul.f32 v40, v5;
	v58 =	vmul.f32 v40, v6;
	v38 =	vadd.f32 v59, v25;
	v44 =	vld [tilespmem:s2+$0x810]  }
0x14e: {  	[tilespmem:s30+$0x830] =	vst v34;
	v56 =	vmul.f32 v40, v8;
	v61 =	vadd.f32 v41, v61;
	v41 =	vld [tilespmem:s2+$0x820];
	v57 =	vadd.f32 v36, v39  }
0x14f: {  	v53 =	vmul.f32 v40, v3;
	v52 =	vmul.f32 v40, v7;
	v46 =	vadd.f32 v45, v38;
	[tilespmem:s3+$0x850] =	vst v62;
	v39 =	vld [tilespmem:s3+$0x870]  }
0x150: {  	v43 =	vadd.f32 v55, v12;
	v36 =	vmul.f32 v40, v10;
	[tilespmem:s3+$0x820] =	vst v57;
	v57 =	vmul.f32 v40, v9;
	v40 =	vld [tilespmem:s2+$0x840]  }
0x151: {  	v37 =	vmul.f32 v27, v3;
	v59 =	vld [tilespmem:s2+$0x850];
	v42 =	vadd.f32 v53, v11;
	[tilespmem:s3+$0x860] =	vst v46;
	v63 =	vadd.f32 v63, v50  }
0x152: {  	v47 =	vmul.f32 v27, v6;
	v45 =	vadd.f32 v48, v13;
	v46 =	vld [tilespmem:s2+$0x860];
	[tilespmem:s3+$0x840] =	vst v61;
	v61 =	vadd.f32 v60, v44  }
0x153: {  	v38 =	vmul.f32 v27, v4;
	v34 =	vadd.f32 v52, v15;
	[tilespmem:s2+$0x830] =	vst v63;
	v62 =	vadd.f32 v41, v49  }
0x154: {  	v48 =	vmul.f32 v27, v7;
	v44 =	vadd.f32 v58, v14;
	[tilespmem:s2+$0x810] =	vst v61;
	v32 =	vadd.f32 v39, v32  }
0x155: {  	v49 =	vmul.f32 v27, v8;
	v33 =	vadd.f32 v57, v17;
	[tilespmem:s2+$0x820] =	vst v62;
	v41 =	vadd.f32 v40, v51  }
0x156: {  	s4 =	simm.s32 $0x5;
	v39 =	vmul.f32 v27, v5;
	[tilespmem:s3+$0x870] =	vst v32;
	v32 =	vadd.f32 v56, v16;
	v40 =	vadd.f32 v59, v54;
	s3 =	simm.s32 $0x6  }
.LBB2_4:
0x157: {  	p1 =	slt.u32 s3, $0x7B;
	v50 =	vadd.f32 v36, v18;
	v51 =	vmov s4;
	[tilespmem:s2+$0x840] =	vst v41;
	v35 =	vadd.f32 v46, v35  }
0x158: {  	v46 =	vadd.f32 v37, v11;
	v52 =	vadd.f32 v38, v12;
	v36 =	vmul.f32 v27, v9;
	[tilespmem:s2+$0x850] =	vst v40  }
0x159: {  	v41 =	vadd.f32 v39, v13;
	v39 =	vadd.f32 v47, v14;
	v27 =	vmul.f32 v27, v10;
	[tilespmem:s2+$0x860] =	vst v35  }
0x15a: {  	v40 =	vadd.f32 v48, v15;
	v38 =	vadd.f32 v49, v16;
	v35 =	vmov s3;
	s2 =	sadd.s32 $0x1, s3;
	[tilespmem:s30+$0x840] =	vst v31  }
0x15b: {  	v37 =	vadd.f32 v36, v17;
	v36 =	vadd.f32 v27, v18;
	v31 =	vmov s2;
	[tilespmem:s30+$0x850] =	vst v30  }
0x15c: {  	v27 =	vmax.f32 v42, $0.0e+00;
	v42 =	vmax.f32 v45, $0.0e+00;
	v30 =	vmax.f32 v43, $0.0e+00;
	v43 =	vld.idx.msk [tilespmem:v51+s21+$0x0], $0xffff;
	[tilespmem:s30+$0x860] =	vst v29  }
0x15d: {  	v34 =	vmax.f32 v34, $0.0e+00;
	v29 =	vadd.f32 v27, v19;
	v27 =	vmax.f32 v44, $0.0e+00;
	[tilespmem:s30+$0x870] =	vst v28  }
0x15e: {  	v32 =	vmax.f32 v32, $0.0e+00;
	v28 =	vadd.f32 v30, v20;
	v30 =	vadd.f32 v42, v21  }
0x15f: {  	v34 =	vadd.f32 v34, v23;
	v42 =	vadd.f32 v27, v22;
	v27 =	vmax.f32 v33, $0.0e+00  }
0x160: {  	v33 =	vadd.f32 v32, v24;
	v44 =	vadd.f32 v27, v25;
	v27 =	vmax.f32 v50, $0.0e+00  }
0x161: {  	s28 =	sadd.s32 $0x180, s28;
	s29 =	sadd.s32 $0x300, s29;
	v45 =	vadd.f32 v27, v26;
	v27 =	vmax.f32 v46, $0.0e+00;
	v46 =	vmax.f32 v52, $0.0e+00  }
0x162: {  	s4 =	sadd.s32 $0xFFFFFE00, s29;
	s5 =	sand.u32 $0x380, s28;
	s2 =	sand.u32 $0xF800, s29;
	v47 =	vadd.f32 v27, v19;
	v48 =	vmul.f32 v43, v10;
	v32 =	vld.idx.msk [tilespmem:v35+s21+$0x0], $0xffff;
	v35 =	vmul.f32 v43, v3  }
0x163: {  	s9 =	sadd.s32 $0xFFFFFF00, s29;
	s2 =	sor.u32 s5, s2;
	s30 =	sadd.s32 $0xFFFFFF00, s28;
	v46 =	vadd.f32 v46, v20;
	v49 =	vmul.f32 v43, v5;
	v27 =	vld.idx.msk [tilespmem:v31+s21+$0x0], $0xffff;
	v31 =	vmul.f32 v43, v4  }
0x164: {  	s10 =	sadd.s32 $0xFFFFFF80, s28;
	s4 =	sand.u32 $0x7800, s4;
	s5 =	sand.u32 $0x380, s30;
	v50 =	vmul.f32 v43, v6;
	v51 =	vmul.f32 v43, v7;
	v48 =	vadd.f32 v48, v18;
	v52 =	vld [tilespmem:s2+$0x870]  }
0x165: {  	s30 =	sor.u32 s5, s4;
	s4 =	sand.u32 $0xF800, s9;
	s5 =	sand.u32 $0x380, s10;
	v54 =	vmul.f32 v43, v8;
	v43 =	vmul.f32 v43, v9;
	v35 =	vadd.f32 v35, v11;
	v53 =	vld [tilespmem:s2+$0x800]  }
0x166: {  	s4 =	sor.u32 s5, s4;
	v49 =	vadd.f32 v49, v13;
	v31 =	vadd.f32 v31, v12;
	v48 =	vmax.f32 v48, $0.0e+00;
	v55 =	vld [tilespmem:s30+$0x800]  }
0x167: {  	v50 =	vadd.f32 v50, v14;
	v35 =	vmax.f32 v35, $0.0e+00;
	v48 =	vadd.f32 v48, v26;
	v56 =	vld [tilespmem:s30+$0x810]  }
0x168: {  	v51 =	vadd.f32 v51, v15;
	v54 =	vadd.f32 v54, v16;
	v31 =	vmax.f32 v31, $0.0e+00;
	v57 =	vld [tilespmem:s30+$0x820]  }
0x169: {  	v49 =	vmax.f32 v49, $0.0e+00;
	v43 =	vadd.f32 v43, v17;
	v58 =	vld [tilespmem:s30+$0x830];
	v48 =	vadd.f32 v52, v48  }
0x16a: {  	v50 =	vmax.f32 v50, $0.0e+00;
	v51 =	vmax.f32 v51, $0.0e+00;
	v54 =	vmax.f32 v54, $0.0e+00;
	v52 =	vld [tilespmem:s30+$0x840]  }
0x16b: {  	v35 =	vadd.f32 v35, v19;
	v60 =	vadd.f32 v31, v20;
	v31 =	vmax.f32 v43, $0.0e+00;
	v59 =	vld [tilespmem:s30+$0x850];
	[tilespmem:s2+$0x870] =	vst v48  }
0x16c: {  	v49 =	vadd.f32 v49, v21;
	v50 =	vadd.f32 v50, v22;
	v43 =	vmul.f32 v32, v3;
	v48 =	vld [tilespmem:s30+$0x860]  }
0x16d: {  	v51 =	vadd.f32 v51, v23;
	v54 =	vadd.f32 v54, v24;
	v61 =	vmul.f32 v32, v4;
	v62 =	vld [tilespmem:s30+$0x870]  }
0x16e: {  	v63 =	vmul.f32 v32, v5;
	v53 =	vadd.f32 v35, v53;
	v35 =	vadd.f32 v31, v25;
	v0 =	vld [tilespmem:s4+$0x800]  }
0x16f: {  	v2 =	vmul.f32 v32, v6;
	v29 =	vadd.f32 v29, v55;
	v28 =	vadd.f32 v28, v56;
	v55 =	vld [tilespmem:s4+$0x810]  }
0x170: {  	v56 =	vmul.f32 v32, v7;
	v57 =	vadd.f32 v57, v30;
	v42 =	vadd.f32 v58, v42;
	v58 =	vld [tilespmem:s4+$0x820];
	[tilespmem:s2+$0x800] =	vst v53  }
0x171: {  	v31 =	vadd.f32 v52, v34;
	v53 =	vmul.f32 v32, v8;
	v30 =	vadd.f32 v59, v33;
	[tilespmem:s30+$0x800] =	vst v29;
	v33 =	vld [tilespmem:s4+$0x830]  }
0x172: {  	v34 =	vmax.f32 v41, $0.0e+00;
	v29 =	vadd.f32 v48, v44;
	[tilespmem:s30+$0x810] =	vst v28;
	v28 =	vadd.f32 v62, v45;
	v41 =	vld [tilespmem:s4+$0x840]  }
0x173: {  	v39 =	vmax.f32 v39, $0.0e+00;
	v34 =	vadd.f32 v34, v21;
	[tilespmem:s30+$0x820] =	vst v57;
	v0 =	vadd.f32 v47, v0;
	v44 =	vld [tilespmem:s4+$0x850]  }
0x174: {  	v39 =	vadd.f32 v39, v22;
	v40 =	vmax.f32 v40, $0.0e+00;
	[tilespmem:s30+$0x830] =	vst v42;
	v42 =	vadd.f32 v46, v55;
	v45 =	vld [tilespmem:s4+$0x860]  }
0x175: {  	v38 =	vmax.f32 v38, $0.0e+00;
	[tilespmem:s4+$0x800] =	vst v0;
	v0 =	vadd.f32 v58, v34;
	v34 =	vadd.f32 v40, v23;
	v40 =	vld [tilespmem:s4+$0x870]  }
0x176: {  	v38 =	vadd.f32 v38, v24;
	v37 =	vmax.f32 v37, $0.0e+00;
	[tilespmem:s4+$0x810] =	vst v42;
	v33 =	vadd.f32 v33, v39;
	v39 =	vld [tilespmem:s2+$0x810]  }
0x177: {  	v36 =	vmax.f32 v36, $0.0e+00;
	[tilespmem:s4+$0x820] =	vst v0;
	v0 =	vadd.f32 v41, v34;
	v34 =	vadd.f32 v37, v25;
	v41 =	vld [tilespmem:s2+$0x820]  }
0x178: {  	v52 =	vmul.f32 v32, v9;
	[tilespmem:s4+$0x830] =	vst v33;
	v33 =	vadd.f32 v44, v38;
	v38 =	vadd.f32 v36, v26;
	v48 =	vld [tilespmem:s2+$0x830]  }
0x179: {  	v42 =	vadd.f32 v43, v11;
	v36 =	vmul.f32 v32, v10;
	[tilespmem:s4+$0x840] =	vst v0;
	v0 =	vadd.f32 v45, v34;
	v55 =	vld [tilespmem:s2+$0x840]  }
0x17a: {  	v43 =	vadd.f32 v61, v12;
	v37 =	vmul.f32 v27, v3;
	[tilespmem:s4+$0x850] =	vst v33;
	v32 =	vadd.f32 v40, v38;
	v40 =	vld [tilespmem:s2+$0x850]  }
.Ltmp1:
0x17b: {  	v45 =	vadd.f32 v63, v13;
	v38 =	vmul.f32 v27, v4;
	[tilespmem:s4+$0x860] =	vst v0;
	v0 =	vadd.f32 v60, v39;
	v46 =	vld [tilespmem:s2+$0x860];
	(pc) =	sbr.rel @p1 .LBB2_4-.Ltmp1, $4  }
0x17c: {  	v44 =	vadd.f32 v2, v14;
	v39 =	vmul.f32 v27, v5;
	[tilespmem:s4+$0x870] =	vst v32;
	v2 =	vadd.f32 v41, v49  }
0x17d: {  	v47 =	vmul.f32 v27, v6;
	v34 =	vadd.f32 v56, v15;
	[tilespmem:s2+$0x810] =	vst v0;
	v0 =	vadd.f32 v48, v50  }
0x17e: {  	v32 =	vadd.f32 v53, v16;
	v48 =	vmul.f32 v27, v7;
	[tilespmem:s2+$0x820] =	vst v2;
	v41 =	vadd.f32 v55, v51  }
0x17f: {  	v33 =	vadd.f32 v52, v17;
	v49 =	vmul.f32 v27, v8;
	s4 =	sadd.s32 $0x2, s3;
	s3 =	sadd.s32 $0x3, s3;
	[tilespmem:s2+$0x830] =	vst v0;
	v40 =	vadd.f32 v40, v54  }
0x180: {  	v0 =	vmov s4;
	s5 =	sadd.s32 $0x180, s28;
	s9 =	sadd.s32 $0x300, s29  }
0x181: {  	v36 =	vadd.f32 v36, v18;
	v2 =	vadd.f32 v46, v35;
	s10 =	sadd.s32 $0xFFFFFE00, s9;
	s28 =	sadd.s32 $0xFFFFFF00, s5  }
0x182: {  	v55 =	vadd.f32 v37, v11;
	v56 =	vadd.f32 v38, v12;
	v57 =	vmul.f32 v27, v9;
	s10 =	sand.u32 $0x7800, s10;
	s4 =	sand.u32 $0x380, s28  }
0x183: {  	v39 =	vadd.f32 v39, v13;
	v46 =	vadd.f32 v47, v14;
	v27 =	vmul.f32 v27, v10;
	s4 =	sor.u32 s4, s10  }
0x184: {  	v47 =	vadd.f32 v48, v15;
	v42 =	vmax.f32 v42, $0.0e+00;
	[tilespmem:s2+$0x860] =	vst v2;
	v2 =	vmax.f32 v56, $0.0e+00;
	v56 =	vld [tilespmem:s4+$0x800]  }
0x185: {  	v43 =	vmax.f32 v43, $0.0e+00;
	v45 =	vmax.f32 v45, $0.0e+00;
	v48 =	vadd.f32 v49, v16;
	v0 =	vld.idx.msk [tilespmem:v0+s21+$0x0], $0xffff  }
0x186: {  	v59 =	vmax.f32 v44, $0.0e+00;
	v42 =	vadd.f32 v42, v19;
	v43 =	vadd.f32 v43, v20;
	v51 =	vld [tilespmem:s4+$0x810]  }
0x187: {  	s3 =	sand.u32 $0xF800, s9;
	s29 =	sand.u32 $0x380, s5;
	v44 =	vadd.f32 v45, v21;
	[tilespmem:s2+$0x850] =	vst v40;
	v40 =	vadd.f32 v59, v22  }
0x188: {  	s5 =	sadd.s32 $0xFFFFFF80, s5;
	v38 =	vadd.f32 v57, v17;
	v27 =	vadd.f32 v27, v18;
	s3 =	sor.u32 s29, s3;
	v35 =	vmax.f32 v55, $0.0e+00;
	s29 =	sadd.s32 $0xFFFFFF00, s9;
	v52 =	vld [tilespmem:s4+$0x820]  }
0x189: {  	[tilespmem:s2+$0x840] =	vst v41;
	s5 =	sand.u32 $0x380, s5;
	v39 =	vmax.f32 v39, $0.0e+00;
	v35 =	vadd.f32 v35, v19;
	v2 =	vadd.f32 v2, v20;
	s2 =	sand.u32 $0xF800, s29  }
0x18a: {  	v63 =	vld [tilespmem:s3+$0x800];
	v39 =	vadd.f32 v39, v21;
	s2 =	sor.u32 s5, s2;
	v58 =	vmul.f32 v0, v10;
	v50 =	vmul.f32 v0, v3  }
0x18b: {  	v37 =	vadd.f32 v42, v56;
	v43 =	vadd.f32 v43, v51;
	v51 =	vld [tilespmem:s2+$0x820];
	v59 =	vmul.f32 v0, v6  }
0x18c: {  	[tilespmem:s30+$0x840] =	vst v31;
	v53 =	vld [tilespmem:s4+$0x830];
	v60 =	vadd.f32 v58, v18;
	v62 =	vadd.f32 v50, v11  }
0x18d: {  	[tilespmem:s30+$0x860] =	vst v29;
	v61 =	vld [tilespmem:s3+$0x870];
	v44 =	vadd.f32 v52, v44;
	v29 =	vadd.f32 v59, v14  }
0x18e: {  	[tilespmem:s30+$0x850] =	vst v30;
	v45 =	vmax.f32 v60, $0.0e+00;
	v41 =	vmax.f32 v62, $0.0e+00;
	v60 =	vmul.f32 v0, v7  }
0x18f: {  	[tilespmem:s30+$0x870] =	vst v28;
	v45 =	vadd.f32 v45, v26;
	v41 =	vadd.f32 v41, v19  }
0x190: {  	v55 =	vmax.f32 v46, $0.0e+00;
	[tilespmem:s4+$0x800] =	vst v37;
	v28 =	vadd.f32 v60, v15;
	v60 =	vadd.f32 v51, v39;
	v51 =	vld [tilespmem:s3+$0x830]  }
0x191: {  	v38 =	vmax.f32 v38, $0.0e+00;
	v40 =	vadd.f32 v53, v40;
	[tilespmem:s4+$0x810] =	vst v43;
	v41 =	vadd.f32 v41, v63;
	v63 =	vld [tilespmem:s2+$0x810]  }
0x192: {  	v57 =	vmul.f32 v0, v4;
	[tilespmem:s4+$0x820] =	vst v44;
	v29 =	vmax.f32 v29, $0.0e+00;
	v45 =	vadd.f32 v61, v45;
	v61 =	vld [tilespmem:s2+$0x800]  }
0x193: {  	v38 =	vadd.f32 v38, v25;
	v52 =	vld [tilespmem:s2+$0x830];
	[tilespmem:s4+$0x830] =	vst v40;
	v58 =	vmul.f32 v0, v5;
	v29 =	vadd.f32 v29, v22  }
0x194: {  	v54 =	vld [tilespmem:s2+$0x840];
	v31 =	vadd.f32 v57, v12;
	v57 =	vadd.f32 v55, v22;
	v62 =	vmul.f32 v0, v8;
	[tilespmem:s2+$0x820] =	vst v60  }
0x195: {  	v56 =	vld [tilespmem:s2+$0x850];
	v30 =	vadd.f32 v58, v13;
	v58 =	vmax.f32 v47, $0.0e+00;
	[tilespmem:s3+$0x870] =	vst v45;
	v29 =	vadd.f32 v51, v29  }
0x196: {  	[tilespmem:s3+$0x800] =	vst v41;
	v41 =	vadd.f32 v62, v16;
	v62 =	vmax.f32 v48, $0.0e+00;
	v48 =	vld [tilespmem:s3+$0x810];
	v2 =	vadd.f32 v2, v63  }
0x197: {  	v27 =	vmax.f32 v27, $0.0e+00;
	v35 =	vadd.f32 v35, v61;
	v61 =	vadd.f32 v58, v23;
	v63 =	vld [tilespmem:s2+$0x870];
	[tilespmem:s3+$0x830] =	vst v29  }
0x198: {  	v59 =	vld [tilespmem:s2+$0x860];
	v31 =	vmax.f32 v31, $0.0e+00;
	v47 =	vadd.f32 v62, v24;
	[tilespmem:s2+$0x810] =	vst v2;
	v2 =	vadd.f32 v52, v57  }
0x199: {  	v50 =	vld [tilespmem:s3+$0x820];
	v0 =	vmul.f32 v0, v9;
	v31 =	vadd.f32 v31, v20;
	[tilespmem:s2+$0x800] =	vst v35;
	v49 =	vadd.f32 v54, v61  }
0x19a: {  	v27 =	vadd.f32 v27, v26;
	v55 =	vld [tilespmem:s4+$0x840];
	[tilespmem:s2+$0x830] =	vst v2;
	v2 =	vadd.f32 v56, v47  }
0x19b: {  	v53 =	vld [tilespmem:s3+$0x840];
	v0 =	vadd.f32 v0, v17;
	v30 =	vmax.f32 v30, $0.0e+00;
	v31 =	vadd.f32 v31, v48;
	[tilespmem:s2+$0x840] =	vst v49  }
0x19c: {  	v30 =	vadd.f32 v30, v21;
	v58 =	vmax.f32 v34, $0.0e+00;
	[tilespmem:s2+$0x850] =	vst v2;
	v2 =	vadd.f32 v63, v27;
	v27 =	vld [tilespmem:s3+$0x850]  }
0x19d: {  	v28 =	vmax.f32 v28, $0.0e+00;
	v52 =	vadd.f32 v59, v38;
	v54 =	vld [tilespmem:s3+$0x860];
	[tilespmem:s3+$0x810] =	vst v31;
	v31 =	vadd.f32 v58, v23  }
0x19e: {  	v28 =	vadd.f32 v28, v23;
	v41 =	vmax.f32 v41, $0.0e+00;
	v56 =	vld [tilespmem:s4+$0x850];
	[tilespmem:s2+$0x870] =	vst v2;
	v2 =	vadd.f32 v50, v30  }
0x19f: {  	v0 =	vmax.f32 v0, $0.0e+00;
	v57 =	vadd.f32 v41, v24;
	v59 =	vld [tilespmem:s4+$0x860];
	[tilespmem:s2+$0x860] =	vst v52;
	v31 =	vadd.f32 v55, v31  }
0x1a0: {  	v60 =	vmax.f32 v32, $0.0e+00;
	v0 =	vadd.f32 v0, v25;
	v61 =	vld [tilespmem:s4+$0x870];
	[tilespmem:s3+$0x820] =	vst v2;
	v2 =	vadd.f32 v53, v28  }
0x1a1: {  	v62 =	vmax.f32 v33, $0.0e+00;
	[tilespmem:s4+$0x840] =	vst v31;
	v28 =	vadd.f32 v60, v24;
	v27 =	vadd.f32 v27, v57  }
0x1a2: {  	v63 =	vmax.f32 v36, $0.0e+00;
	v0 =	vadd.f32 v54, v0;
	[tilespmem:s3+$0x840] =	vst v2;
	v2 =	vadd.f32 v62, v25  }
0x1a3: {  	v28 =	vadd.f32 v56, v28;
	[tilespmem:s3+$0x850] =	vst v27;
	v27 =	vadd.f32 v63, v26  }
0x1a4: {  	[tilespmem:s3+$0x860] =	vst v0;
	v0 =	vadd.f32 v59, v2  }
0x1a5: {  	[tilespmem:s4+$0x850] =	vst v28;
	v2 =	vadd.f32 v61, v27  }
0x1a6: {  	[tilespmem:s4+$0x860] =	vst v0  }
0x1a7: {  	s2 =	simm.s32 $0x7E;
	[tilespmem:s4+$0x870] =	vst v2  }
.LBB2_6:
0x1a8: {  	v0 =	vmov s2;
	_ =	sdelay $0x4  }
0x1a9: {  	v0 =	vld.idx.msk [tilespmem:v0+s21+$0x0], $0xffff;
	_ =	sdelay $0x4  }
0x1aa: {  	v2 =	vmul.f32 v0, v3  }
0x1ab: {  	v27 =	vmul.f32 v0, v4;
	v29 =	vmul.f32 v0, v5  }
0x1ac: {  	v32 =	vmul.f32 v0, v6;
	v56 =	vmul.f32 v0, v7  }
0x1ad: {  	s3 =	sshra.s32 s26, $0x2;
	v33 =	vmul.f32 v0, v8;
	v34 =	vmul.f32 v0, v9;
	v2 =	vadd.f32 v2, v11  }
0x1ae: {  	v28 =	vld [tilespmem:s3+$0x8300];
	v0 =	vmul.f32 v0, v10;
	v27 =	vadd.f32 v27, v12;
	v29 =	vadd.f32 v29, v13  }
0x1af: {  	v30 =	vld [tilespmem:s3+$0x8310];
	v57 =	vadd.f32 v32, v14;
	v33 =	vadd.f32 v33, v16  }
0x1b0: {  	v31 =	vld [tilespmem:s3+$0x8320];
	v34 =	vadd.f32 v34, v17;
	v0 =	vadd.f32 v0, v18;
	v2 =	vmax.f32 v2, $0.0e+00  }
0x1b1: {  	v61 =	vld [tilespmem:s3+$0x8370];
	v27 =	vmax.f32 v27, $0.0e+00;
	v29 =	vmax.f32 v29, $0.0e+00;
	v2 =	vadd.f32 v2, v19  }
0x1b2: {  	v58 =	vld [tilespmem:s3+$0x8330];
	v27 =	vadd.f32 v27, v20;
	v55 =	vadd.f32 v29, v21  }
0x1b3: {  	v59 =	vld [tilespmem:s3+$0x8340];
	v0 =	vmax.f32 v0, $0.0e+00;
	v29 =	vadd.f32 v56, v15;
	v2 =	vadd.f32 v2, v28  }
0x1b4: {  	v35 =	vld [tilespmem:s3+$0x8350];
	v0 =	vadd.f32 v0, v26;
	v27 =	vadd.f32 v27, v30;
	v30 =	vmax.f32 v57, $0.0e+00  }
0x1b5: {  	v36 =	vld [tilespmem:s3+$0x8360];
	v28 =	vadd.f32 v31, v55;
	v29 =	vmax.f32 v29, $0.0e+00;
	v30 =	vadd.f32 v30, v22;
	[tilespmem:s3+$0x8300] =	vst v2  }
0x1b6: {  	v60 =	vmax.f32 v33, $0.0e+00;
	v0 =	vadd.f32 v61, v0;
	v2 =	vadd.f32 v29, v23;
	[tilespmem:s3+$0x8310] =	vst v27  }
0x1b7: {  	p1 =	sne.s32 s26, $0x200;
	v62 =	vmax.f32 v34, $0.0e+00;
	v29 =	vadd.f32 v60, v24;
	[tilespmem:s3+$0x8320] =	vst v28;
	v27 =	vadd.f32 v58, v30  }
.Ltmp2:
0x1b8: {  	v63 =	vadd.f32 v62, v25;
	[tilespmem:s3+$0x8370] =	vst v0;
	v2 =	vadd.f32 v59, v2;
	(pc) =	sbr.rel @p1 .LBB2_6-.Ltmp2, $4  }
0x1b9: {  	[tilespmem:s3+$0x8330] =	vst v27;
	v27 =	vadd.f32 v35, v29  }
0x1ba: {  	[tilespmem:s3+$0x8340] =	vst v2;
	v2 =	vadd.f32 v36, v63  }
0x1bb: {  	[tilespmem:s3+$0x8350] =	vst v27  }
0x1bc: {  	s2 =	sadd.s32 $0x1, s2;
	s26 =	sadd.s32 $0x200, s26;
	[tilespmem:s3+$0x8360] =	vst v2  }
0x1bd: {  	v3 =	vld [tilespmem:$0x600]  }
0x1be: {  	v4 =	vld [tilespmem:$0x610]  }
0x1bf: {  	v5 =	vld [tilespmem:$0x620]  }
0x1c0: {  	v6 =	vld [tilespmem:$0x630];
	s26 =	simm.s32 $0x0  }
0x1c1: {  	v7 =	vld [tilespmem:$0x640];
	v0 =	vmov s26  }
0x1c2: {  	v8 =	vld [tilespmem:$0x650]  }
0x1c3: {  	v9 =	vld [tilespmem:$0x660]  }
0x1c4: {  	v10 =	vld [tilespmem:$0x670];
	s2 =	simm.s32 $0x1  }
0x1c5: {  	v11 =	vld [tilespmem:$0x680];
	v2 =	vmov s2  }
0x1c6: {  	v0 =	vld.idx.msk [tilespmem:v0+s21+$0x0], $0xffff  }
0x1c7: {  	v12 =	vld [tilespmem:$0x690]  }
0x1c8: {  	v13 =	vld [tilespmem:$0x6A0]  }
0x1c9: {  	v14 =	vld [tilespmem:$0x6B0]  }
0x1ca: {  	v2 =	vld.idx.msk [tilespmem:v2+s21+$0x0], $0xffff  }
0x1cb: {  	v15 =	vld [tilespmem:$0x6C0];
	v19 =	vmul.f32 v0, v3;
	v20 =	vmul.f32 v0, v4  }
0x1cc: {  	v16 =	vld [tilespmem:$0x6D0];
	v21 =	vmul.f32 v0, v5;
	v22 =	vmul.f32 v0, v6  }
0x1cd: {  	v17 =	vld [tilespmem:$0x6E0];
	s4 =	simm.s32 $0x2;
	v23 =	vmul.f32 v0, v7;
	v24 =	vmul.f32 v0, v8  }
0x1ce: {  	v18 =	vld [tilespmem:$0x6F0];
	s5 =	simm.s32 $0x3;
	v38 =	vmov s4;
	v25 =	vmul.f32 v0, v9;
	v0 =	vmul.f32 v0, v10  }
0x1cf: {  	v41 =	vmov s5;
	v26 =	vmul.f32 v2, v3;
	v30 =	vmul.f32 v2, v4  }
0x1d0: {  	v32 =	vmul.f32 v2, v5;
	v27 =	vadd.f32 v19, v11;
	v28 =	vadd.f32 v20, v12  }
0x1d1: {  	v34 =	vmul.f32 v2, v6;
	v29 =	vadd.f32 v21, v13;
	v31 =	vadd.f32 v22, v14  }
0x1d2: {  	v36 =	vmul.f32 v2, v7;
	v19 =	vld [tilespmem:$0x700];
	v33 =	vadd.f32 v23, v15;
	v35 =	vadd.f32 v24, v16  }
0x1d3: {  	v20 =	vld [tilespmem:$0x710];
	v37 =	vadd.f32 v25, v17;
	v25 =	vmul.f32 v2, v8;
	v0 =	vadd.f32 v0, v18  }
0x1d4: {  	v21 =	vld [tilespmem:$0x720];
	v39 =	vadd.f32 v26, v11;
	v30 =	vadd.f32 v30, v12;
	v26 =	vmul.f32 v2, v9  }
0x1d5: {  	s9 =	simm.s32 $0x4;
	v22 =	vld [tilespmem:$0x730];
	v40 =	vadd.f32 v32, v13;
	v34 =	vadd.f32 v34, v14;
	v2 =	vmul.f32 v2, v10  }
0x1d6: {  	v43 =	vmov s9;
	v23 =	vld [tilespmem:$0x740];
	v36 =	vadd.f32 v36, v15;
	v42 =	vadd.f32 v25, v16  }
0x1d7: {  	v24 =	vld [tilespmem:$0x750];
	v44 =	vadd.f32 v26, v17;
	v32 =	vadd.f32 v2, v18;
	v2 =	vmax.f32 v27, $0.0e+00  }
0x1d8: {  	v25 =	vld [tilespmem:$0x760];
	v27 =	vmax.f32 v28, $0.0e+00;
	v28 =	vmax.f32 v29, $0.0e+00;
	v31 =	vmax.f32 v31, $0.0e+00  }
0x1d9: {  	s4 =	simm.s32 $0x0;
	s5 =	simm.s32 $0x0;
	v26 =	vld [tilespmem:$0x770];
	v33 =	vmax.f32 v33, $0.0e+00;
	v62 =	vmax.f32 v37, $0.0e+00;
	v0 =	vmax.f32 v0, $0.0e+00  }
0x1da: {  	s4 =	sand.u32 $0x7800, s4;
	s5 =	sand.u32 $0x380, s5;
	v29 =	vld.idx.msk [tilespmem:v38+s21+$0x0], $0xffff;
	v30 =	vmax.f32 v30, $0.0e+00;
	v34 =	vmax.f32 v34, $0.0e+00;
	v2 =	vadd.f32 v2, v19  }
0x1db: {  	s30 =	sor.u32 s5, s4;
	v36 =	vmax.f32 v36, $0.0e+00;
	v38 =	vadd.f32 v27, v20;
	v28 =	vadd.f32 v28, v21  }
0x1dc: {  	v53 =	vld [tilespmem:s30+$0xC00];
	v32 =	vmax.f32 v32, $0.0e+00;
	v31 =	vadd.f32 v31, v22;
	v33 =	vadd.f32 v33, v23  }
0x1dd: {  	v27 =	vmax.f32 v35, $0.0e+00;
	v34 =	vadd.f32 v34, v22;
	v36 =	vadd.f32 v36, v23  }
0x1de: {  	s28 =	simm.s32 $0x100;
	s29 =	simm.s32 $0x200;
	v37 =	vadd.f32 v27, v24;
	v27 =	vmax.f32 v39, $0.0e+00;
	v45 =	vadd.f32 v62, v25  }
0x1df: {  	s10 =	sand.u32 $0xF800, s29;
	s3 =	sand.u32 $0x380, s28;
	v39 =	vld.idx.msk [tilespmem:v41+s21+$0x0], $0xffff;
	v0 =	vadd.f32 v0, v26;
	v41 =	vadd.f32 v27, v19;
	v63 =	vmul.f32 v29, v3  }
0x1e0: {  	s2 =	sor.u32 s3, s10;
	v46 =	vmul.f32 v29, v10;
	v27 =	vld.idx.msk [tilespmem:v43+s21+$0x0], $0xffff;
	v43 =	vadd.f32 v30, v20;
	v30 =	vmul.f32 v29, v4  }
0x1e1: {  	v50 =	vld [tilespmem:s2+$0xC70];
	v47 =	vmul.f32 v29, v5;
	v48 =	vmul.f32 v29, v6;
	v2 =	vadd.f32 v2, v53  }
0x1e2: {  	v51 =	vld [tilespmem:s2+$0xC00];
	v49 =	vmul.f32 v29, v7;
	v32 =	vadd.f32 v32, v26;
	v46 =	vadd.f32 v46, v18  }
0x1e3: {  	v54 =	vld [tilespmem:s30+$0xC10];
	v52 =	vmul.f32 v29, v8;
	v35 =	vadd.f32 v63, v11;
	v30 =	vadd.f32 v30, v12  }
0x1e4: {  	v55 =	vld [tilespmem:s30+$0xC20];
	v29 =	vmul.f32 v29, v9;
	v47 =	vadd.f32 v47, v13;
	v48 =	vadd.f32 v48, v14  }
0x1e5: {  	v56 =	vld [tilespmem:s30+$0xC30];
	v49 =	vadd.f32 v49, v15;
	v52 =	vadd.f32 v52, v16  }
0x1e6: {  	v57 =	vld [tilespmem:s30+$0xC50];
	v29 =	vadd.f32 v29, v17;
	v46 =	vmax.f32 v46, $0.0e+00;
	v35 =	vmax.f32 v35, $0.0e+00  }
0x1e7: {  	s9 =	simm.s32 $0x100;
	s10 =	simm.s32 $0x80;
	v60 =	vld [tilespmem:s30+$0xC60];
	v30 =	vmax.f32 v30, $0.0e+00;
	v47 =	vmax.f32 v47, $0.0e+00;
	v46 =	vadd.f32 v46, v26  }
0x1e8: {  	s3 =	sand.u32 $0xF800, s9;
	s4 =	sand.u32 $0x380, s10;
	v62 =	vld [tilespmem:s30+$0xC70];
	v48 =	vmax.f32 v48, $0.0e+00;
	v35 =	vadd.f32 v35, v19;
	v58 =	vadd.f32 v30, v20  }
0x1e9: {  	s3 =	sor.u32 s4, s3;
	v49 =	vmax.f32 v49, $0.0e+00;
	v47 =	vadd.f32 v47, v21;
	v46 =	vadd.f32 v50, v46;
	v50 =	vld [tilespmem:s30+$0xC40]  }
0x1ea: {  	[tilespmem:s30+$0xC00] =	vst v2;
	v2 =	vld [tilespmem:s3+$0xC30];
	v29 =	vmax.f32 v29, $0.0e+00;
	v48 =	vadd.f32 v48, v22;
	v30 =	vadd.f32 v35, v51  }
0x1eb: {  	v52 =	vmax.f32 v52, $0.0e+00;
	v51 =	vld [tilespmem:s3+$0xC00];
	v35 =	vadd.f32 v29, v25;
	v29 =	vadd.f32 v38, v54  }
0x1ec: {  	v59 =	vmul.f32 v39, v3;
	v54 =	vadd.f32 v55, v28;
	v55 =	vadd.f32 v56, v31;
	v56 =	vld [tilespmem:s3+$0xC20];
	[tilespmem:s2+$0xC70] =	vst v46  }
0x1ed: {  	v61 =	vmul.f32 v39, v4;
	v49 =	vadd.f32 v49, v23;
	v52 =	vadd.f32 v52, v24;
	v38 =	vld [tilespmem:s3+$0xC10];
	[tilespmem:s2+$0xC00] =	vst v30  }
0x1ee: {  	v28 =	vadd.f32 v62, v0;
	v0 =	vmax.f32 v40, $0.0e+00;
	[tilespmem:s30+$0xC10] =	vst v29;
	v31 =	vadd.f32 v50, v33;
	v50 =	vld [tilespmem:s3+$0xC40]  }
0x1ef: {  	v63 =	vmul.f32 v39, v5;
	v2 =	vadd.f32 v2, v34;
	v0 =	vadd.f32 v0, v21;
	[tilespmem:s30+$0xC20] =	vst v54;
	v54 =	vld [tilespmem:s3+$0xC50]  }
0x1f0: {  	v53 =	vmul.f32 v39, v7;
	v30 =	vadd.f32 v57, v37;
	[tilespmem:s30+$0xC30] =	vst v55;
	v51 =	vadd.f32 v41, v51;
	v41 =	vld [tilespmem:s3+$0xC60]  }
0x1f1: {  	v29 =	vadd.f32 v60, v45;
	v45 =	vld [tilespmem:s3+$0xC70];
	[tilespmem:s3+$0xC30] =	vst v2;
	v0 =	vadd.f32 v56, v0;
	v56 =	vmax.f32 v42, $0.0e+00  }
0x1f2: {  	v60 =	vmax.f32 v44, $0.0e+00;
	v44 =	vld [tilespmem:s2+$0xC10];
	v38 =	vadd.f32 v43, v38;
	v57 =	vadd.f32 v56, v24;
	[tilespmem:s3+$0xC00] =	vst v51  }
0x1f3: {  	v1 =	vmul.f32 v39, v8;
	v62 =	vadd.f32 v60, v25;
	[tilespmem:s3+$0xC20] =	vst v0;
	v0 =	vadd.f32 v50, v36;
	v50 =	vld [tilespmem:s2+$0xC20]  }
0x1f4: {  	v34 =	vadd.f32 v53, v15;
	v46 =	vmul.f32 v39, v6;
	[tilespmem:s3+$0xC10] =	vst v38;
	v2 =	vadd.f32 v54, v57;
	v57 =	vld [tilespmem:s2+$0xC30]  }
0x1f5: {  	v60 =	vld [tilespmem:s2+$0xC40];
	v42 =	vadd.f32 v59, v11;
	v51 =	vmul.f32 v39, v9;
	[tilespmem:s3+$0xC40] =	vst v0;
	v0 =	vadd.f32 v41, v62  }
0x1f6: {  	v37 =	vmul.f32 v27, v3;
	v43 =	vadd.f32 v61, v12;
	[tilespmem:s3+$0xC50] =	vst v2;
	v2 =	vadd.f32 v45, v32;
	v62 =	vld [tilespmem:s2+$0xC50]  }
0x1f7: {  	v40 =	vld [tilespmem:s2+$0xC60];
	v38 =	vmul.f32 v27, v4;
	v33 =	vadd.f32 v51, v17;
	[tilespmem:s3+$0xC60] =	vst v0;
	v0 =	vadd.f32 v58, v44  }
0x1f8: {  	v36 =	vmul.f32 v39, v10;
	v45 =	vadd.f32 v63, v13;
	[tilespmem:s3+$0xC70] =	vst v2;
	v2 =	vadd.f32 v50, v47  }
0x1f9: {  	v39 =	vmul.f32 v27, v5;
	v32 =	vadd.f32 v1, v16;
	[tilespmem:s2+$0xC10] =	vst v0;
	v0 =	vadd.f32 v57, v48  }
0x1fa: {  	v44 =	vadd.f32 v46, v14;
	v46 =	vmul.f32 v27, v6;
	v48 =	vadd.f32 v60, v49;
	[tilespmem:s2+$0xC20] =	vst v2  }
0x1fb: {  	s4 =	simm.s32 $0x5;
	s3 =	simm.s32 $0x6;
	v47 =	vmul.f32 v27, v7;
	v49 =	vmul.f32 v27, v8;
	v41 =	vadd.f32 v62, v52;
	[tilespmem:s2+$0xC30] =	vst v0  }
.LBB2_8:
0x1fc: {  	p1 =	slt.u32 s3, $0x7B;
	v0 =	vadd.f32 v36, v18;
	v1 =	vmov s4;
	[tilespmem:s2+$0xC40] =	vst v48;
	v2 =	vadd.f32 v40, v35  }
0x1fd: {  	v35 =	vadd.f32 v37, v11;
	v48 =	vadd.f32 v38, v12;
	v36 =	vmul.f32 v27, v9;
	[tilespmem:s2+$0xC50] =	vst v41  }
0x1fe: {  	v27 =	vmul.f32 v27, v10;
	v41 =	vadd.f32 v39, v13;
	v39 =	vadd.f32 v46, v14;
	[tilespmem:s2+$0xC60] =	vst v2  }
0x1ff: {  	v40 =	vadd.f32 v47, v15;
	v38 =	vadd.f32 v49, v16;
	v2 =	vmov s3;
	s2 =	sadd.s32 $0x1, s3;
	[tilespmem:s30+$0xC40] =	vst v31  }
0x200: {  	v37 =	vadd.f32 v36, v17;
	v36 =	vadd.f32 v27, v18;
	v31 =	vmov s2;
	[tilespmem:s30+$0xC50] =	vst v30  }
0x201: {  	v27 =	vmax.f32 v42, $0.0e+00;
	v42 =	vmax.f32 v45, $0.0e+00;
	v30 =	vmax.f32 v43, $0.0e+00;
	v1 =	vld.idx.msk [tilespmem:v1+s21+$0x0], $0xffff;
	[tilespmem:s30+$0xC60] =	vst v29  }
0x202: {  	v34 =	vmax.f32 v34, $0.0e+00;
	v29 =	vadd.f32 v27, v19;
	v27 =	vmax.f32 v44, $0.0e+00;
	[tilespmem:s30+$0xC70] =	vst v28  }
0x203: {  	v32 =	vmax.f32 v32, $0.0e+00;
	v28 =	vadd.f32 v30, v20;
	v30 =	vadd.f32 v42, v21  }
0x204: {  	v34 =	vadd.f32 v34, v23;
	v42 =	vadd.f32 v27, v22;
	v27 =	vmax.f32 v33, $0.0e+00  }
0x205: {  	v0 =	vmax.f32 v0, $0.0e+00;
	v33 =	vadd.f32 v32, v24;
	v43 =	vadd.f32 v27, v25  }
0x206: {  	s28 =	sadd.s32 $0x180, s28;
	s29 =	sadd.s32 $0x300, s29;
	v0 =	vadd.f32 v0, v26;
	v27 =	vmax.f32 v35, $0.0e+00;
	v35 =	vmax.f32 v48, $0.0e+00  }
0x207: {  	s4 =	sadd.s32 $0xFFFFFE00, s29;
	s5 =	sand.u32 $0x380, s28;
	s2 =	sand.u32 $0xF800, s29;
	v44 =	vmul.f32 v1, v3;
	v45 =	vmul.f32 v1, v10;
	v32 =	vld.idx.msk [tilespmem:v2+s21+$0x0], $0xffff;
	v2 =	vadd.f32 v27, v19  }
0x208: {  	s9 =	sadd.s32 $0xFFFFFF00, s28;
	s10 =	sadd.s32 $0xFFFFFF00, s29;
	s2 =	sor.u32 s5, s2;
	v46 =	vadd.f32 v35, v20;
	v35 =	vmul.f32 v1, v5;
	v27 =	vld.idx.msk [tilespmem:v31+s21+$0x0], $0xffff;
	v31 =	vmul.f32 v1, v4  }
0x209: {  	s4 =	sand.u32 $0x7800, s4;
	s5 =	sand.u32 $0x380, s9;
	s9 =	sadd.s32 $0xFFFFFF80, s28;
	v47 =	vmul.f32 v1, v6;
	v48 =	vmul.f32 v1, v7;
	v45 =	vadd.f32 v45, v18;
	v49 =	vld [tilespmem:s2+$0xC70]  }
0x20a: {  	s30 =	sor.u32 s5, s4;
	s4 =	sand.u32 $0xF800, s10;
	s5 =	sand.u32 $0x380, s9;
	v51 =	vmul.f32 v1, v8;
	v44 =	vadd.f32 v44, v11;
	v1 =	vmul.f32 v1, v9;
	v50 =	vld [tilespmem:s2+$0xC00]  }
0x20b: {  	s4 =	sor.u32 s5, s4;
	v35 =	vadd.f32 v35, v13;
	v31 =	vadd.f32 v31, v12;
	v45 =	vmax.f32 v45, $0.0e+00;
	v52 =	vld [tilespmem:s30+$0xC00]  }
0x20c: {  	v47 =	vadd.f32 v47, v14;
	v44 =	vmax.f32 v44, $0.0e+00;
	v45 =	vadd.f32 v45, v26;
	v53 =	vld [tilespmem:s30+$0xC10]  }
0x20d: {  	v48 =	vadd.f32 v48, v15;
	v51 =	vadd.f32 v51, v16;
	v31 =	vmax.f32 v31, $0.0e+00;
	v54 =	vld [tilespmem:s30+$0xC20]  }
0x20e: {  	v35 =	vmax.f32 v35, $0.0e+00;
	v1 =	vadd.f32 v1, v17;
	v55 =	vld [tilespmem:s30+$0xC30];
	v45 =	vadd.f32 v49, v45  }
0x20f: {  	v47 =	vmax.f32 v47, $0.0e+00;
	v48 =	vmax.f32 v48, $0.0e+00;
	v51 =	vmax.f32 v51, $0.0e+00;
	v49 =	vld [tilespmem:s30+$0xC40]  }
0x210: {  	v44 =	vadd.f32 v44, v19;
	v1 =	vmax.f32 v1, $0.0e+00;
	v57 =	vadd.f32 v31, v20;
	v56 =	vld [tilespmem:s30+$0xC50];
	[tilespmem:s2+$0xC70] =	vst v45  }
0x211: {  	v59 =	vadd.f32 v35, v21;
	v47 =	vadd.f32 v47, v22;
	v45 =	vmul.f32 v32, v3;
	v58 =	vld [tilespmem:s30+$0xC60]  }
0x212: {  	v48 =	vadd.f32 v48, v23;
	v51 =	vadd.f32 v51, v24;
	v60 =	vmul.f32 v32, v4;
	v61 =	vld [tilespmem:s30+$0xC70]  }
0x213: {  	v62 =	vmul.f32 v32, v5;
	v35 =	vadd.f32 v1, v25;
	v31 =	vadd.f32 v44, v50;
	v63 =	vld [tilespmem:s4+$0xC00]  }
0x214: {  	v1 =	vmul.f32 v32, v6;
	v29 =	vadd.f32 v29, v52;
	v28 =	vadd.f32 v28, v53;
	v44 =	vld [tilespmem:s4+$0xC10]  }
0x215: {  	v50 =	vmul.f32 v32, v7;
	v52 =	vadd.f32 v54, v30;
	v42 =	vadd.f32 v55, v42;
	v53 =	vld [tilespmem:s4+$0xC20];
	[tilespmem:s2+$0xC00] =	vst v31  }
0x216: {  	v54 =	vmul.f32 v32, v8;
	v31 =	vadd.f32 v49, v34;
	v30 =	vadd.f32 v56, v33;
	[tilespmem:s30+$0xC00] =	vst v29;
	v33 =	vld [tilespmem:s4+$0xC30]  }
0x217: {  	v29 =	vadd.f32 v58, v43;
	[tilespmem:s30+$0xC10] =	vst v28;
	v28 =	vadd.f32 v61, v0;
	v0 =	vmax.f32 v41, $0.0e+00;
	v34 =	vld [tilespmem:s4+$0xC40]  }
0x218: {  	v39 =	vmax.f32 v39, $0.0e+00;
	[tilespmem:s30+$0xC20] =	vst v52;
	v2 =	vadd.f32 v2, v63;
	v0 =	vadd.f32 v0, v21;
	v41 =	vld [tilespmem:s4+$0xC50]  }
0x219: {  	v40 =	vmax.f32 v40, $0.0e+00;
	v39 =	vadd.f32 v39, v22;
	[tilespmem:s30+$0xC30] =	vst v42;
	v42 =	vadd.f32 v46, v44;
	v43 =	vld [tilespmem:s4+$0xC60]  }
0x21a: {  	v38 =	vmax.f32 v38, $0.0e+00;
	[tilespmem:s4+$0xC00] =	vst v2;
	v0 =	vadd.f32 v53, v0;
	v2 =	vadd.f32 v40, v23;
	v40 =	vld [tilespmem:s4+$0xC70]  }
0x21b: {  	v38 =	vadd.f32 v38, v24;
	v37 =	vmax.f32 v37, $0.0e+00;
	[tilespmem:s4+$0xC10] =	vst v42;
	v33 =	vadd.f32 v33, v39;
	v39 =	vld [tilespmem:s2+$0xC10]  }
0x21c: {  	[tilespmem:s4+$0xC20] =	vst v0;
	v0 =	vadd.f32 v34, v2;
	v2 =	vadd.f32 v37, v25;
	v34 =	vmax.f32 v36, $0.0e+00;
	v46 =	vld [tilespmem:s2+$0xC20]  }
0x21d: {  	v49 =	vmul.f32 v32, v9;
	[tilespmem:s4+$0xC30] =	vst v33;
	v33 =	vadd.f32 v41, v38;
	v34 =	vadd.f32 v34, v26;
	v41 =	vld [tilespmem:s2+$0xC30]  }
0x21e: {  	v42 =	vadd.f32 v45, v11;
	v36 =	vmul.f32 v32, v10;
	[tilespmem:s4+$0xC40] =	vst v0;
	v0 =	vadd.f32 v43, v2;
	v2 =	vld [tilespmem:s2+$0xC40]  }
0x21f: {  	v37 =	vmul.f32 v27, v3;
	v43 =	vadd.f32 v60, v12;
	[tilespmem:s4+$0xC50] =	vst v33;
	v32 =	vadd.f32 v40, v34;
	v52 =	vld [tilespmem:s2+$0xC50]  }
.Ltmp3:
0x220: {  	v45 =	vadd.f32 v62, v13;
	v38 =	vmul.f32 v27, v4;
	[tilespmem:s4+$0xC60] =	vst v0;
	v0 =	vadd.f32 v57, v39;
	v40 =	vld [tilespmem:s2+$0xC60];
	(pc) =	sbr.rel @p1 .LBB2_8-.Ltmp3, $4  }
0x221: {  	v44 =	vadd.f32 v1, v14;
	v39 =	vmul.f32 v27, v5;
	[tilespmem:s4+$0xC70] =	vst v32;
	v1 =	vadd.f32 v46, v59  }
0x222: {  	v34 =	vadd.f32 v50, v15;
	v46 =	vmul.f32 v27, v6;
	[tilespmem:s2+$0xC10] =	vst v0;
	v0 =	vadd.f32 v41, v47  }
0x223: {  	v32 =	vadd.f32 v54, v16;
	v47 =	vmul.f32 v27, v7;
	[tilespmem:s2+$0xC20] =	vst v1;
	v48 =	vadd.f32 v2, v48  }
0x224: {  	v33 =	vadd.f32 v49, v17;
	v49 =	vmul.f32 v27, v8;
	s4 =	sadd.s32 $0x2, s3;
	s3 =	sadd.s32 $0x3, s3;
	[tilespmem:s2+$0xC30] =	vst v0;
	v41 =	vadd.f32 v52, v51  }
0x225: {  	v0 =	vmov s4;
	v36 =	vadd.f32 v36, v18;
	v1 =	vadd.f32 v40, v35  }
0x226: {  	v2 =	vadd.f32 v37, v11;
	v53 =	vadd.f32 v38, v12  }
0x227: {  	v54 =	vmul.f32 v27, v9;
	v38 =	vadd.f32 v39, v13;
	v39 =	vadd.f32 v46, v14  }
0x228: {  	v27 =	vmul.f32 v27, v10;
	v40 =	vadd.f32 v47, v15;
	v42 =	vmax.f32 v42, $0.0e+00;
	s5 =	sadd.s32 $0x180, s28;
	s9 =	sadd.s32 $0x300, s29  }
0x229: {  	v43 =	vmax.f32 v43, $0.0e+00;
	v45 =	vmax.f32 v45, $0.0e+00;
	v46 =	vadd.f32 v49, v16;
	s10 =	sadd.s32 $0xFFFFFE00, s9;
	s28 =	sadd.s32 $0xFFFFFF00, s5  }
0x22a: {  	v44 =	vmax.f32 v44, $0.0e+00;
	v42 =	vadd.f32 v42, v19;
	v43 =	vadd.f32 v43, v20;
	s10 =	sand.u32 $0x7800, s10;
	s4 =	sand.u32 $0x380, s28;
	v0 =	vld.idx.msk [tilespmem:v0+s21+$0x0], $0xffff  }
0x22b: {  	v45 =	vadd.f32 v45, v21;
	[tilespmem:s2+$0xC50] =	vst v41;
	v41 =	vadd.f32 v44, v22;
	s4 =	sor.u32 s4, s10  }
0x22c: {  	v37 =	vadd.f32 v54, v17;
	v27 =	vadd.f32 v27, v18;
	v60 =	vld [tilespmem:s4+$0xC00]  }
0x22d: {  	v2 =	vmax.f32 v2, $0.0e+00;
	[tilespmem:s2+$0xC60] =	vst v1;
	v1 =	vmax.f32 v53, $0.0e+00;
	v38 =	vmax.f32 v38, $0.0e+00;
	v50 =	vld [tilespmem:s4+$0xC10]  }
0x22e: {  	v39 =	vmax.f32 v39, $0.0e+00;
	v2 =	vadd.f32 v2, v19;
	v1 =	vadd.f32 v1, v20;
	v51 =	vld [tilespmem:s4+$0xC20]  }
0x22f: {  	s3 =	sand.u32 $0xF800, s9;
	s29 =	sand.u32 $0x380, s5;
	v38 =	vadd.f32 v38, v21;
	v52 =	vld [tilespmem:s4+$0xC30];
	v37 =	vmax.f32 v37, $0.0e+00;
	v55 =	vmul.f32 v0, v10  }
0x230: {  	[tilespmem:s2+$0xC40] =	vst v48;
	s5 =	sadd.s32 $0xFFFFFF80, s5;
	s3 =	sor.u32 s29, s3;
	s29 =	sadd.s32 $0xFFFFFF00, s9;
	v39 =	vadd.f32 v39, v22;
	v27 =	vmax.f32 v27, $0.0e+00;
	v37 =	vadd.f32 v37, v25  }
0x231: {  	[tilespmem:s30+$0xC40] =	vst v31;
	s5 =	sand.u32 $0x380, s5;
	v57 =	vld [tilespmem:s3+$0xC70];
	s2 =	sand.u32 $0xF800, s29;
	v27 =	vadd.f32 v27, v26;
	v56 =	vmul.f32 v0, v3;
	v47 =	vadd.f32 v55, v18  }
0x232: {  	[tilespmem:s30+$0xC50] =	vst v30;
	s2 =	sor.u32 s5, s2;
	v35 =	vadd.f32 v42, v60;
	v43 =	vadd.f32 v43, v50  }
0x233: {  	[tilespmem:s30+$0xC60] =	vst v29;
	v45 =	vadd.f32 v51, v45;
	v58 =	vadd.f32 v56, v11;
	v55 =	vld [tilespmem:s2+$0xC00];
	v47 =	vmax.f32 v47, $0.0e+00  }
0x234: {  	[tilespmem:s30+$0xC70] =	vst v28;
	v59 =	vld [tilespmem:s3+$0xC00];
	v41 =	vadd.f32 v52, v41;
	v61 =	vmul.f32 v0, v4;
	v47 =	vadd.f32 v47, v26  }
0x235: {  	v62 =	vmul.f32 v0, v5;
	v63 =	vmul.f32 v0, v6;
	[tilespmem:s4+$0xC00] =	vst v35;
	v44 =	vmax.f32 v58, $0.0e+00;
	v58 =	vld [tilespmem:s2+$0xC20]  }
0x236: {  	v54 =	vmul.f32 v0, v7;
	[tilespmem:s4+$0xC10] =	vst v43;
	v31 =	vadd.f32 v61, v12;
	v47 =	vadd.f32 v57, v47;
	v57 =	vld [tilespmem:s2+$0xC10]  }
0x237: {  	[tilespmem:s4+$0xC20] =	vst v45;
	v56 =	vmul.f32 v0, v8;
	v0 =	vmul.f32 v0, v9;
	v61 =	vld [tilespmem:s2+$0xC40];
	v44 =	vadd.f32 v44, v19  }
0x238: {  	v60 =	vld [tilespmem:s2+$0xC30];
	[tilespmem:s4+$0xC30] =	vst v41;
	v30 =	vadd.f32 v62, v13;
	v2 =	vadd.f32 v2, v55  }
0x239: {  	v40 =	vmax.f32 v40, $0.0e+00;
	v0 =	vadd.f32 v0, v17;
	v44 =	vadd.f32 v44, v59;
	v55 =	vld [tilespmem:s3+$0xC60];
	[tilespmem:s3+$0xC70] =	vst v47  }
0x23a: {  	v62 =	vld [tilespmem:s2+$0xC50];
	[tilespmem:s2+$0xC00] =	vst v2;
	v2 =	vadd.f32 v58, v38;
	v47 =	vadd.f32 v40, v23  }
0x23b: {  	v29 =	vadd.f32 v63, v14;
	v63 =	vld [tilespmem:s2+$0xC60];
	v0 =	vmax.f32 v0, $0.0e+00;
	[tilespmem:s3+$0xC00] =	vst v44;
	v1 =	vadd.f32 v1, v57  }
0x23c: {  	v48 =	vmax.f32 v46, $0.0e+00;
	v49 =	vld [tilespmem:s2+$0xC70];
	v0 =	vadd.f32 v0, v25;
	[tilespmem:s2+$0xC20] =	vst v2;
	v2 =	vadd.f32 v61, v47  }
0x23d: {  	v50 =	vadd.f32 v48, v24;
	v51 =	vld [tilespmem:s3+$0xC10];
	[tilespmem:s2+$0xC10] =	vst v1;
	v1 =	vadd.f32 v60, v39  }
0x23e: {  	v52 =	vld [tilespmem:s3+$0xC20];
	v28 =	vadd.f32 v54, v15;
	v31 =	vmax.f32 v31, $0.0e+00;
	v0 =	vadd.f32 v55, v0;
	[tilespmem:s2+$0xC40] =	vst v2  }
0x23f: {  	v53 =	vld [tilespmem:s3+$0xC30];
	v30 =	vmax.f32 v30, $0.0e+00;
	v31 =	vadd.f32 v31, v20;
	[tilespmem:s2+$0xC30] =	vst v1;
	v1 =	vadd.f32 v62, v50  }
0x240: {  	v54 =	vld [tilespmem:s3+$0xC40];
	v30 =	vadd.f32 v30, v21;
	v2 =	vadd.f32 v63, v37;
	[tilespmem:s3+$0xC60] =	vst v0  }
0x241: {  	v29 =	vmax.f32 v29, $0.0e+00;
	v59 =	vadd.f32 v56, v16;
	[tilespmem:s2+$0xC50] =	vst v1;
	v1 =	vadd.f32 v49, v27;
	v27 =	vld [tilespmem:s3+$0xC50]  }
0x242: {  	v28 =	vmax.f32 v28, $0.0e+00;
	v29 =	vadd.f32 v29, v22;
	v56 =	vld [tilespmem:s4+$0xC40];
	[tilespmem:s2+$0xC60] =	vst v2;
	v2 =	vadd.f32 v31, v51  }
0x243: {  	v28 =	vadd.f32 v28, v23;
	v58 =	vld [tilespmem:s4+$0xC50];
	v57 =	vmax.f32 v59, $0.0e+00;
	[tilespmem:s2+$0xC70] =	vst v1;
	v1 =	vadd.f32 v52, v30  }
0x244: {  	v61 =	vld [tilespmem:s4+$0xC60];
	v59 =	vadd.f32 v57, v24;
	v60 =	vmax.f32 v34, $0.0e+00;
	[tilespmem:s3+$0xC10] =	vst v2;
	v2 =	vadd.f32 v53, v29  }
0x245: {  	v63 =	vld [tilespmem:s4+$0xC70];
	v62 =	vmax.f32 v32, $0.0e+00;
	v29 =	vadd.f32 v60, v23;
	[tilespmem:s3+$0xC20] =	vst v1;
	v1 =	vadd.f32 v54, v28  }
0x246: {  	[tilespmem:s3+$0xC30] =	vst v2;
	v28 =	vadd.f32 v62, v24;
	v2 =	vadd.f32 v27, v59;
	v27 =	vmax.f32 v33, $0.0e+00  }
0x247: {  	v29 =	vadd.f32 v56, v29;
	[tilespmem:s3+$0xC40] =	vst v1;
	v1 =	vadd.f32 v27, v25;
	v27 =	vmax.f32 v36, $0.0e+00  }
0x248: {  	[tilespmem:s3+$0xC50] =	vst v2;
	v2 =	vadd.f32 v27, v26;
	v27 =	vadd.f32 v58, v28  }
0x249: {  	[tilespmem:s4+$0xC40] =	vst v29;
	v0 =	vadd.f32 v61, v1  }
0x24a: {  	v1 =	vadd.f32 v63, v2;
	[tilespmem:s4+$0xC50] =	vst v27  }
0x24b: {  	[tilespmem:s4+$0xC60] =	vst v0  }
0x24c: {  	s2 =	simm.s32 $0x7E;
	[tilespmem:s4+$0xC70] =	vst v1  }
.LBB2_10:
0x24d: {  	v0 =	vmov s2;
	_ =	sdelay $0x4  }
0x24e: {  	v0 =	vld.idx.msk [tilespmem:v0+s21+$0x0], $0xffff;
	_ =	sdelay $0x4  }
0x24f: {  	v1 =	vmul.f32 v0, v3;
	v2 =	vmul.f32 v0, v4  }
0x250: {  	v28 =	vmul.f32 v0, v5;
	v31 =	vmul.f32 v0, v6  }
0x251: {  	s3 =	sshra.s32 s26, $0x2;
	v57 =	vmul.f32 v0, v7;
	v32 =	vmul.f32 v0, v8  }
0x252: {  	v27 =	vld [tilespmem:s3+$0x8700];
	v33 =	vmul.f32 v0, v9;
	v0 =	vmul.f32 v0, v10;
	v1 =	vadd.f32 v1, v11  }
0x253: {  	v2 =	vadd.f32 v2, v12  }
0x254: {  	v29 =	vld [tilespmem:s3+$0x8710];
	v28 =	vadd.f32 v28, v13;
	v0 =	vadd.f32 v0, v18;
	v1 =	vmax.f32 v1, $0.0e+00  }
0x255: {  	v62 =	vld [tilespmem:s3+$0x8770];
	v58 =	vadd.f32 v31, v14;
	v2 =	vmax.f32 v2, $0.0e+00;
	v1 =	vadd.f32 v1, v19  }
0x256: {  	v30 =	vld [tilespmem:s3+$0x8720];
	v32 =	vadd.f32 v32, v16;
	v0 =	vmax.f32 v0, $0.0e+00;
	v2 =	vadd.f32 v2, v20  }
0x257: {  	v59 =	vld [tilespmem:s3+$0x8730];
	v28 =	vmax.f32 v28, $0.0e+00;
	v0 =	vadd.f32 v0, v26;
	v1 =	vadd.f32 v1, v27  }
0x258: {  	v60 =	vld [tilespmem:s3+$0x8740];
	v27 =	vadd.f32 v28, v21;
	v28 =	vadd.f32 v57, v15  }
0x259: {  	v34 =	vld [tilespmem:s3+$0x8750];
	v33 =	vadd.f32 v33, v17;
	v2 =	vadd.f32 v2, v29;
	v29 =	vmax.f32 v58, $0.0e+00  }
0x25a: {  	v35 =	vld [tilespmem:s3+$0x8760];
	v0 =	vadd.f32 v62, v0;
	v29 =	vadd.f32 v29, v22;
	v28 =	vmax.f32 v28, $0.0e+00;
	[tilespmem:s3+$0x8700] =	vst v1  }
0x25b: {  	v61 =	vmax.f32 v32, $0.0e+00;
	v27 =	vadd.f32 v30, v27;
	[tilespmem:s3+$0x8710] =	vst v2;
	v1 =	vadd.f32 v28, v23  }
0x25c: {  	p1 =	sne.s32 s26, $0x200;
	v63 =	vmax.f32 v33, $0.0e+00;
	[tilespmem:s3+$0x8770] =	vst v0;
	v2 =	vadd.f32 v59, v29;
	v28 =	vadd.f32 v61, v24  }
.Ltmp4:
0x25d: {  	[tilespmem:s3+$0x8720] =	vst v27;
	v27 =	vadd.f32 v63, v25;
	v1 =	vadd.f32 v60, v1;
	(pc) =	sbr.rel @p1 .LBB2_10-.Ltmp4, $4  }
0x25e: {  	[tilespmem:s3+$0x8730] =	vst v2;
	v2 =	vadd.f32 v34, v28  }
0x25f: {  	[tilespmem:s3+$0x8740] =	vst v1;
	v1 =	vadd.f32 v35, v27  }
0x260: {  	[tilespmem:s3+$0x8750] =	vst v2  }
0x261: {  	s2 =	sadd.s32 $0x1, s2;
	s26 =	sadd.s32 $0x200, s26;
	[tilespmem:s3+$0x8760] =	vst v1  }
0x262: {  	s2 =	simm.s32 $0x800;
	s3 =	sadd.s32 $0x0, s11;
	s4 =	simm.s32 $0xC00  }
0x263: {  	[hbm4b:s3+s7] =	stream.strided.scatter [tilespmem:s2], [sflag:$0x4], $0x400, s22, s7, $0x38;
	[tilespmem:$0x18900] =	vst v63  }
0x264: {  	v63 =	vld [tilespmem:$0x1FFD0];
	s2 =	simm.s32 $0x100;
	s5 =	sadd.s32 $0x10, s3;
	s3 =	simm.s32 $0x1000  }
.LBB2_12:
0x265: {  	[hbm4b:s5+s7] =	stream.strided.scatter [tilespmem:s4], [sflag:$0x4], $0x400, s22, s7, $0x38;
	[tilespmem:$0x18900] =	vst v63  }
0x266: {  	s4 =	smov.u32 s2;
	p1 =	sne.s32 s2, $0xF00  }
.Ltmp5:
0x267: {  	s2 =	sadd.s32 $0x100, s2;
	(pc) =	sbr.rel @p1 .LBB2_12-.Ltmp5, $4  }
0x268: {  	_ = 	snop  }
0x269: {  	s5 =	sadd.s32 s4, s11  }
0x26a: {  	[hbm4b:s5+s7] =	stream.strided.scatter [tilespmem:s3], [sflag:$0x4], $0x400, s22, s7, $0x38;
	[tilespmem:$0x18900] =	vst v63  }
0x26b: {  	s4 =	sadd.s32 $0x400, s3;
	s5 =	sadd.s32 $0x10, s5;
	s3 =	sadd.s32 $0x800, s3  }
0x26c: {  	[hbm4b:s5+s7] =	stream.strided.scatter [tilespmem:s4], [sflag:$0x4], $0x400, s22, s7, $0x38;
	[tilespmem:$0x18900] =	vst v63  }
0x26d: {  	_ =	swait.ge [sflag:s23], $0x8000  }
0x26e: {  	[sflag:s23] =	ssyncset.done $0x0  }
0x26f: {  	[sflag:s23] =	ssyncadd.s32 $0xFFFF8000  }
0x270: {  	v0 =	vld [tilespmem:$0x100];
	_ =	sdelay $0x3  }
0x271: {  	v2 =	vld [tilespmem:$0x1FFE0]  }
0x272: {  	v3 =	vld [tilespmem:$0x1FFF0];
	v1 =	vshll.u32 v0, $0x1  }
0x273: {  	v0 =	vand.u32 $0x7, v0;
	v1 =	vand.u32 $0xFFFFFFF0, v1  }
0x274: {  	v0 =	vor.u32 v0, v1  }
0x275: {  	v1 =	vperm.xlane v0, v63;
	_ =	sdelay $0x1  }
0x276: {  	v0 =	vperm.xlane v0, v3;
	v1 =	vadd.s32 v2, v1;
	_ =	sdelay $0x1  }
0x277: {  	v0 =	vadd.s32 v2, v0;
	_ =	sdelay $0x1  }
0x278: {  	s2 =	simm.s32 $0x10800  }
0x279: {  	[tilespmem:s2], [sflag:$0x3] =	stream.indirect_vreg.gather [hbm4b:s0+s8], $0x80, v1, vm0, $0xb8;
	[tilespmem:$0x18900] =	vst v63  }
0x27a: {  	s10 =	simm.s32 $0x11000  }
0x27b: {  	[tilespmem:s10], [sflag:$0x3] =	stream.indirect_vreg.gather [hbm4b:s0+s8], $0x80, v0, vm0, $0xb8;
	[tilespmem:$0x18900] =	vst v63  }
0x27c: {  	v0 =	vld [tilespmem:$0x110];
	_ =	sdelay $0x4  }
0x27d: {  	v1 =	vshll.u32 v0, $0x1  }
0x27e: {  	v0 =	vand.u32 $0x7, v0;
	v1 =	vand.u32 $0xFFFFFFF0, v1  }
0x27f: {  	v0 =	vor.u32 v0, v1  }
0x280: {  	v1 =	vperm.xlane v0, v63;
	_ =	sdelay $0x1  }
0x281: {  	v0 =	vperm.xlane v0, v3;
	v1 =	vadd.s32 v2, v1;
	_ =	sdelay $0x1  }
0x282: {  	v0 =	vadd.s32 v2, v0;
	_ =	sdelay $0x1  }
0x283: {  	s26 =	simm.s32 $0x11800  }
0x284: {  	[tilespmem:s26], [sflag:$0x3] =	stream.indirect_vreg.gather [hbm4b:s0+s8], $0x80, v1, vm0, $0xb8;
	[tilespmem:$0x18900] =	vst v63  }
0x285: {  	s30 =	simm.s32 $0x12000  }
0x286: {  	[tilespmem:s30], [sflag:$0x3] =	stream.indirect_vreg.gather [hbm4b:s0+s8], $0x80, v0, vm0, $0xb8;
	[tilespmem:$0x18900] =	vst v63  }
0x287: {  	v0 =	vld [tilespmem:$0x120];
	_ =	sdelay $0x4  }
0x288: {  	v1 =	vshll.u32 v0, $0x1  }
0x289: {  	v0 =	vand.u32 $0x7, v0;
	v1 =	vand.u32 $0xFFFFFFF0, v1  }
0x28a: {  	v0 =	vor.u32 v0, v1  }
0x28b: {  	v1 =	vperm.xlane v0, v63;
	_ =	sdelay $0x1  }
0x28c: {  	v0 =	vperm.xlane v0, v3;
	v1 =	vadd.s32 v2, v1;
	_ =	sdelay $0x1  }
0x28d: {  	v0 =	vadd.s32 v2, v0;
	_ =	sdelay $0x1  }
0x28e: {  	s3 =	simm.s32 $0x12800  }
0x28f: {  	[tilespmem:s3], [sflag:$0x3] =	stream.indirect_vreg.gather [hbm4b:s0+s8], $0x80, v1, vm0, $0xb8;
	[tilespmem:$0x18900] =	vst v63  }
0x290: {  	s4 =	simm.s32 $0x13000  }
0x291: {  	[tilespmem:s4], [sflag:$0x3] =	stream.indirect_vreg.gather [hbm4b:s0+s8], $0x80, v0, vm0, $0xb8;
	[tilespmem:$0x18900] =	vst v63  }
0x292: {  	v0 =	vld [tilespmem:$0x130];
	_ =	sdelay $0x4  }
0x293: {  	v1 =	vshll.u32 v0, $0x1  }
0x294: {  	v0 =	vand.u32 $0x7, v0;
	v1 =	vand.u32 $0xFFFFFFF0, v1  }
0x295: {  	v0 =	vor.u32 v0, v1  }
0x296: {  	v1 =	vperm.xlane v0, v63;
	_ =	sdelay $0x1  }
0x297: {  	v0 =	vperm.xlane v0, v3;
	v1 =	vadd.s32 v2, v1;
	_ =	sdelay $0x1  }
0x298: {  	v0 =	vadd.s32 v2, v0;
	_ =	sdelay $0x1  }
0x299: {  	s5 =	simm.s32 $0x13800  }
0x29a: {  	[tilespmem:s5], [sflag:$0x3] =	stream.indirect_vreg.gather [hbm4b:s0+s8], $0x80, v1, vm0, $0xb8;
	[tilespmem:$0x18900] =	vst v63  }
0x29b: {  	s9 =	simm.s32 $0x14000  }
0x29c: {  	[tilespmem:s9], [sflag:$0x3] =	stream.indirect_vreg.gather [hbm4b:s0+s8], $0x80, v0, vm0, $0xb8;
	[tilespmem:$0x18900] =	vst v63  }
0x29d: {  	v0 =	vld [tilespmem:$0x140];
	_ =	sdelay $0x4  }
0x29e: {  	v1 =	vshll.u32 v0, $0x1  }
0x29f: {  	v0 =	vand.u32 $0x7, v0;
	v1 =	vand.u32 $0xFFFFFFF0, v1  }
0x2a0: {  	v0 =	vor.u32 v0, v1  }
0x2a1: {  	v1 =	vperm.xlane v0, v63;
	_ =	sdelay $0x1  }
0x2a2: {  	v0 =	vperm.xlane v0, v3;
	v1 =	vadd.s32 v2, v1;
	_ =	sdelay $0x1  }
0x2a3: {  	v0 =	vadd.s32 v2, v0;
	_ =	sdelay $0x1  }
0x2a4: {  	s10 =	simm.s32 $0x14800  }
0x2a5: {  	[tilespmem:s10], [sflag:$0x3] =	stream.indirect_vreg.gather [hbm4b:s0+s8], $0x80, v1, vm0, $0xb8;
	[tilespmem:$0x18900] =	vst v63  }
0x2a6: {  	s26 =	simm.s32 $0x15000  }
0x2a7: {  	[tilespmem:s26], [sflag:$0x3] =	stream.indirect_vreg.gather [hbm4b:s0+s8], $0x80, v0, vm0, $0xb8;
	[tilespmem:$0x18900] =	vst v63  }
0x2a8: {  	v0 =	vld [tilespmem:$0x150];
	_ =	sdelay $0x4  }
0x2a9: {  	v1 =	vshll.u32 v0, $0x1  }
0x2aa: {  	v0 =	vand.u32 $0x7, v0;
	v1 =	vand.u32 $0xFFFFFFF0, v1  }
0x2ab: {  	v0 =	vor.u32 v0, v1  }
0x2ac: {  	v1 =	vperm.xlane v0, v63;
	_ =	sdelay $0x1  }
0x2ad: {  	v0 =	vperm.xlane v0, v3;
	v1 =	vadd.s32 v2, v1;
	_ =	sdelay $0x1  }
0x2ae: {  	v0 =	vadd.s32 v2, v0;
	_ =	sdelay $0x1  }
0x2af: {  	s30 =	simm.s32 $0x15800  }
0x2b0: {  	[tilespmem:s30], [sflag:$0x3] =	stream.indirect_vreg.gather [hbm4b:s0+s8], $0x80, v1, vm0, $0xb8;
	[tilespmem:$0x18900] =	vst v63  }
0x2b1: {  	s3 =	simm.s32 $0x16000  }
0x2b2: {  	[tilespmem:s3], [sflag:$0x3] =	stream.indirect_vreg.gather [hbm4b:s0+s8], $0x80, v0, vm0, $0xb8;
	[tilespmem:$0x18900] =	vst v63  }
0x2b3: {  	v0 =	vld [tilespmem:$0x160];
	_ =	sdelay $0x4  }
0x2b4: {  	v1 =	vshll.u32 v0, $0x1  }
0x2b5: {  	v0 =	vand.u32 $0x7, v0;
	v1 =	vand.u32 $0xFFFFFFF0, v1  }
0x2b6: {  	v0 =	vor.u32 v0, v1  }
0x2b7: {  	v1 =	vperm.xlane v0, v63;
	_ =	sdelay $0x1  }
0x2b8: {  	v0 =	vperm.xlane v0, v3;
	v1 =	vadd.s32 v2, v1;
	_ =	sdelay $0x1  }
0x2b9: {  	v0 =	vadd.s32 v2, v0;
	_ =	sdelay $0x1  }
0x2ba: {  	s4 =	simm.s32 $0x16800  }
0x2bb: {  	[tilespmem:s4], [sflag:$0x3] =	stream.indirect_vreg.gather [hbm4b:s0+s8], $0x80, v1, vm0, $0xb8;
	[tilespmem:$0x18900] =	vst v63  }
0x2bc: {  	s5 =	simm.s32 $0x17000  }
0x2bd: {  	[tilespmem:s5], [sflag:$0x3] =	stream.indirect_vreg.gather [hbm4b:s0+s8], $0x80, v0, vm0, $0xb8;
	[tilespmem:$0x18900] =	vst v63  }
0x2be: {  	v0 =	vld [tilespmem:$0x170];
	_ =	sdelay $0x4  }
0x2bf: {  	v1 =	vshll.u32 v0, $0x1  }
0x2c0: {  	v0 =	vand.u32 $0x7, v0;
	v1 =	vand.u32 $0xFFFFFFF0, v1  }
0x2c1: {  	v0 =	vor.u32 v0, v1  }
0x2c2: {  	v1 =	vperm.xlane v0, v63;
	_ =	sdelay $0x1  }
0x2c3: {  	v0 =	vperm.xlane v0, v3;
	v1 =	vadd.s32 v2, v1;
	_ =	sdelay $0x1  }
0x2c4: {  	v0 =	vadd.s32 v2, v0;
	_ =	sdelay $0x1  }
0x2c5: {  	s9 =	simm.s32 $0x17800  }
0x2c6: {  	[tilespmem:s9], [sflag:$0x3] =	stream.indirect_vreg.gather [hbm4b:s0+s8], $0x80, v1, vm0, $0xb8;
	[tilespmem:$0x18900] =	vst v63  }
0x2c7: {  	s10 =	simm.s32 $0x18000  }
0x2c8: {  	[tilespmem:s10], [sflag:$0x3] =	stream.indirect_vreg.gather [hbm4b:s0+s8], $0x80, v0, vm0, $0xb8;
	[tilespmem:$0x18900] =	vst v63  }
0x2c9: {  	v3 =	vld [tilespmem:$0x400]  }
0x2ca: {  	v4 =	vld [tilespmem:$0x410]  }
0x2cb: {  	s30 =	simm.s32 $0x81;
	v5 =	vld [tilespmem:$0x420]  }
0x2cc: {  	v1 =	vmov s30;
	v6 =	vld [tilespmem:$0x430]  }
0x2cd: {  	v7 =	vld [tilespmem:$0x440]  }
0x2ce: {  	s26 =	simm.s32 $0x80;
	v8 =	vld [tilespmem:$0x450]  }
0x2cf: {  	v0 =	vmov s26;
	v9 =	vld [tilespmem:$0x460]  }
0x2d0: {  	v10 =	vld [tilespmem:$0x470]  }
0x2d1: {  	v1 =	vld.idx.msk [tilespmem:v1+s21+$0x0], $0xffff  }
0x2d2: {  	v11 =	vld [tilespmem:$0x480]  }
0x2d3: {  	v12 =	vld [tilespmem:$0x490]  }
0x2d4: {  	v0 =	vld.idx.msk [tilespmem:v0+s21+$0x0], $0xffff  }
0x2d5: {  	v13 =	vld [tilespmem:$0x4A0]  }
0x2d6: {  	v14 =	vld [tilespmem:$0x4B0];
	v25 =	vmul.f32 v1, v3;
	v26 =	vmul.f32 v1, v4  }
0x2d7: {  	v15 =	vld [tilespmem:$0x4C0];
	v28 =	vmul.f32 v1, v5;
	v32 =	vmul.f32 v1, v6  }
0x2d8: {  	s5 =	simm.s32 $0x84;
	s9 =	simm.s32 $0x0;
	s30 =	simm.s32 $0x0;
	v16 =	vld [tilespmem:$0x4D0];
	v34 =	vmul.f32 v1, v7;
	v36 =	vmul.f32 v1, v8  }
0x2d9: {  	s3 =	simm.s32 $0x82;
	v42 =	vmov s5;
	s2 =	sand.u32 $0x7800, s9;
	s5 =	sand.u32 $0x380, s30;
	v17 =	vld [tilespmem:$0x4E0];
	v2 =	vmul.f32 v0, v3;
	v19 =	vmul.f32 v0, v4  }
0x2da: {  	v37 =	vmov s3;
	s2 =	sor.u32 s5, s2;
	v18 =	vld [tilespmem:$0x4F0];
	v20 =	vmul.f32 v0, v5;
	v21 =	vmul.f32 v0, v6  }
0x2db: {  	v51 =	vld [tilespmem:s2+$0x8800];
	v22 =	vmul.f32 v0, v7;
	v38 =	vadd.f32 v25, v11;
	v39 =	vadd.f32 v26, v12  }
0x2dc: {  	v23 =	vmul.f32 v0, v8;
	v40 =	vadd.f32 v28, v13;
	v32 =	vadd.f32 v32, v14;
	v25 =	vld [tilespmem:$0x560]  }
0x2dd: {  	v24 =	vmul.f32 v0, v9;
	v34 =	vadd.f32 v34, v15;
	v27 =	vadd.f32 v19, v12;
	v19 =	vld [tilespmem:$0x500]  }
0x2de: {  	v0 =	vmul.f32 v0, v10;
	v36 =	vadd.f32 v36, v16;
	v29 =	vadd.f32 v20, v13;
	v20 =	vld [tilespmem:$0x510]  }
0x2df: {  	v26 =	vmul.f32 v1, v9;
	v2 =	vadd.f32 v2, v11;
	v30 =	vadd.f32 v21, v14;
	v21 =	vld [tilespmem:$0x520]  }
0x2e0: {  	s4 =	simm.s32 $0x83;
	v1 =	vmul.f32 v1, v10;
	v31 =	vadd.f32 v22, v15;
	v33 =	vadd.f32 v23, v16;
	v22 =	vld [tilespmem:$0x530]  }
0x2e1: {  	v41 =	vmov s4;
	v35 =	vadd.f32 v24, v17;
	v0 =	vadd.f32 v0, v18;
	v23 =	vld [tilespmem:$0x540]  }
0x2e2: {  	v24 =	vld [tilespmem:$0x550];
	v43 =	vadd.f32 v26, v17;
	v28 =	vadd.f32 v1, v18;
	v60 =	vmax.f32 v39, $0.0e+00  }
0x2e3: {  	v26 =	vld [tilespmem:$0x570];
	v1 =	vmax.f32 v2, $0.0e+00;
	v2 =	vmax.f32 v27, $0.0e+00;
	v27 =	vmax.f32 v29, $0.0e+00  }
0x2e4: {  	v29 =	vld.idx.msk [tilespmem:v37+s21+$0x0], $0xffff;
	v30 =	vmax.f32 v30, $0.0e+00;
	v31 =	vmax.f32 v31, $0.0e+00;
	v35 =	vmax.f32 v35, $0.0e+00  }
0x2e5: {  	v52 =	vld [tilespmem:s2+$0x8810];
	v33 =	vmax.f32 v33, $0.0e+00;
	v35 =	vadd.f32 v35, v25;
	v1 =	vadd.f32 v1, v19  }
0x2e6: {  	v53 =	vld [tilespmem:s2+$0x8820];
	v0 =	vmax.f32 v0, $0.0e+00;
	v2 =	vadd.f32 v2, v20;
	v37 =	vadd.f32 v27, v21  }
0x2e7: {  	v55 =	vld [tilespmem:s2+$0x8850];
	v28 =	vmax.f32 v28, $0.0e+00;
	v30 =	vadd.f32 v30, v22;
	v31 =	vadd.f32 v31, v23  }
0x2e8: {  	v57 =	vld [tilespmem:s2+$0x8870];
	v33 =	vadd.f32 v33, v24;
	v27 =	vmax.f32 v38, $0.0e+00;
	v0 =	vadd.f32 v0, v26  }
0x2e9: {  	v38 =	vadd.f32 v60, v20;
	v28 =	vadd.f32 v28, v26;
	v44 =	vmul.f32 v29, v3  }
0x2ea: {  	v39 =	vld.idx.msk [tilespmem:v41+s21+$0x0], $0xffff;
	v41 =	vadd.f32 v27, v19;
	v45 =	vmul.f32 v29, v10;
	v61 =	vmul.f32 v29, v4  }
0x2eb: {  	v46 =	vmul.f32 v29, v5;
	v1 =	vadd.f32 v1, v51;
	v2 =	vadd.f32 v2, v52  }
0x2ec: {  	v62 =	vld [tilespmem:s2+$0x8840];
	v47 =	vmul.f32 v29, v6;
	v37 =	vadd.f32 v53, v37;
	v33 =	vadd.f32 v55, v33  }
0x2ed: {  	v56 =	vld [tilespmem:s2+$0x8860];
	v48 =	vmul.f32 v29, v7;
	v0 =	vadd.f32 v57, v0;
	v45 =	vadd.f32 v45, v18  }
0x2ee: {  	v27 =	vld.idx.msk [tilespmem:v42+s21+$0x0], $0xffff;
	v50 =	vmul.f32 v29, v8;
	v44 =	vadd.f32 v44, v11;
	v42 =	vadd.f32 v61, v12  }
0x2ef: {  	s29 =	simm.s32 $0x200;
	s26 =	simm.s32 $0x100;
	v29 =	vmul.f32 v29, v9;
	v46 =	vadd.f32 v46, v13;
	v47 =	vadd.f32 v47, v14  }
0x2f0: {  	s3 =	sand.u32 $0xF800, s29;
	s10 =	sand.u32 $0x380, s26;
	v48 =	vadd.f32 v48, v15;
	v50 =	vadd.f32 v50, v16  }
0x2f1: {  	s9 =	simm.s32 $0x100;
	s28 =	sor.u32 s10, s3;
	s10 =	simm.s32 $0x80;
	v58 =	vmul.f32 v39, v3;
	v29 =	vadd.f32 v29, v17;
	[tilespmem:s2+$0x8800] =	vst v1;
	v1 =	vadd.f32 v62, v31  }
0x2f2: {  	v54 =	vld [tilespmem:s2+$0x8830];
	s3 =	sand.u32 $0xF800, s9;
	s4 =	sand.u32 $0x380, s10;
	v31 =	vmul.f32 v39, v6;
	[tilespmem:s2+$0x8810] =	vst v2;
	v2 =	vadd.f32 v56, v35;
	v62 =	vmax.f32 v40, $0.0e+00  }
0x2f3: {  	v49 =	vld [tilespmem:s28+$0x8870];
	s3 =	sor.u32 s4, s3;
	[tilespmem:s2+$0x8820] =	vst v37;
	v35 =	vadd.f32 v58, v11;
	v37 =	vadd.f32 v62, v21;
	v45 =	vmax.f32 v45, $0.0e+00  }
0x2f4: {  	v60 =	vld [tilespmem:s3+$0x8820];
	v44 =	vmax.f32 v44, $0.0e+00;
	v42 =	vmax.f32 v42, $0.0e+00;
	v46 =	vmax.f32 v46, $0.0e+00  }
0x2f5: {  	v51 =	vld [tilespmem:s28+$0x8800];
	v47 =	vmax.f32 v47, $0.0e+00;
	v45 =	vadd.f32 v45, v26;
	v44 =	vadd.f32 v44, v19  }
0x2f6: {  	v53 =	vld [tilespmem:s3+$0x8800];
	v48 =	vmax.f32 v48, $0.0e+00;
	v42 =	vadd.f32 v42, v20;
	v46 =	vadd.f32 v46, v21  }
0x2f7: {  	v61 =	vld [tilespmem:s3+$0x8830];
	v29 =	vmax.f32 v29, $0.0e+00;
	v47 =	vadd.f32 v47, v22;
	v48 =	vadd.f32 v48, v23  }
0x2f8: {  	v50 =	vmax.f32 v50, $0.0e+00;
	v59 =	vadd.f32 v29, v25;
	v29 =	vadd.f32 v54, v30;
	v30 =	vld [tilespmem:s3+$0x8810]  }
0x2f9: {  	v32 =	vmax.f32 v32, $0.0e+00;
	[tilespmem:s2+$0x8850] =	vst v33;
	v40 =	vld [tilespmem:s28+$0x8820];
	v50 =	vadd.f32 v50, v24;
	v57 =	vadd.f32 v60, v37  }
0x2fa: {  	v52 =	vmul.f32 v39, v4;
	v56 =	vld [tilespmem:s3+$0x8860];
	[tilespmem:s2+$0x8870] =	vst v0;
	v37 =	vadd.f32 v31, v14;
	v45 =	vadd.f32 v49, v45  }
0x2fb: {  	v36 =	vmax.f32 v36, $0.0e+00;
	v60 =	vld [tilespmem:s3+$0x8870];
	v51 =	vadd.f32 v44, v51;
	[tilespmem:s2+$0x8830] =	vst v29;
	v29 =	vadd.f32 v41, v53  }
0x2fc: {  	v44 =	vld [tilespmem:s3+$0x8840];
	v53 =	vmax.f32 v34, $0.0e+00;
	v34 =	vadd.f32 v52, v12;
	[tilespmem:s3+$0x8820] =	vst v57;
	v57 =	vmul.f32 v27, v3  }
0x2fd: {  	v55 =	vmul.f32 v39, v8;
	v62 =	vld [tilespmem:s28+$0x8810];
	[tilespmem:s2+$0x8840] =	vst v1;
	v1 =	vadd.f32 v38, v30;
	v30 =	vadd.f32 v32, v22  }
0x2fe: {  	v54 =	vmul.f32 v39, v7;
	v41 =	vld [tilespmem:s3+$0x8850];
	[tilespmem:s3+$0x8800] =	vst v29;
	v29 =	vadd.f32 v40, v46;
	v46 =	vadd.f32 v57, v11  }
0x2ff: {  	[tilespmem:s2+$0x8860] =	vst v2;
	v32 =	vadd.f32 v53, v23;
	v2 =	vadd.f32 v61, v30;
	v61 =	vmax.f32 v43, $0.0e+00  }
0x300: {  	[tilespmem:s28+$0x8870] =	vst v45;
	v45 =	vmul.f32 v39, v5;
	v58 =	vadd.f32 v60, v28;
	v60 =	vld [tilespmem:s28+$0x8850];
	v53 =	vadd.f32 v61, v25  }
0x301: {  	[tilespmem:s28+$0x8800] =	vst v51;
	v30 =	vadd.f32 v36, v24;
	v0 =	vadd.f32 v44, v32;
	v43 =	vmul.f32 v39, v9;
	v44 =	vld [tilespmem:s28+$0x8830]  }
0x302: {  	[tilespmem:s3+$0x8810] =	vst v1;
	v1 =	vmul.f32 v39, v10;
	v36 =	vadd.f32 v45, v13;
	v32 =	vadd.f32 v56, v53;
	v56 =	vld [tilespmem:s28+$0x8840]  }
0x303: {  	v31 =	vmul.f32 v27, v6;
	[tilespmem:s3+$0x8870] =	vst v58;
	v61 =	vadd.f32 v42, v62;
	v62 =	vld [tilespmem:s28+$0x8860];
	v41 =	vadd.f32 v41, v30  }
0x304: {  	[tilespmem:s3+$0x8830] =	vst v2;
	v2 =	vmul.f32 v27, v4;
	v43 =	vadd.f32 v43, v17;
	v45 =	vadd.f32 v1, v18  }
0x305: {  	v49 =	vmul.f32 v27, v9;
	v40 =	vadd.f32 v60, v50;
	[tilespmem:s3+$0x8850] =	vst v41;
	v41 =	vadd.f32 v54, v15  }
0x306: {  	s30 =	simm.s32 $0x85;
	[tilespmem:s3+$0x8840] =	vst v0;
	v30 =	vmul.f32 v27, v5;
	v38 =	vadd.f32 v2, v12;
	v28 =	vadd.f32 v44, v47  }
0x307: {  	[tilespmem:s28+$0x8810] =	vst v61;
	v44 =	vadd.f32 v55, v16;
	v39 =	vadd.f32 v56, v48;
	v48 =	vmov s30  }
0x308: {  	s2 =	simm.s32 $0x3;
	[tilespmem:s3+$0x8860] =	vst v32;
	v32 =	vmul.f32 v27, v7;
	v47 =	vmul.f32 v27, v8;
	v42 =	vadd.f32 v62, v59  }
.LBB2_14:
0x309: {  	s3 =	sadd.s32 $0x83, s2;
	v33 =	vadd.f32 v30, v13;
	v31 =	vadd.f32 v31, v14;
	v0 =	vmul.f32 v27, v10;
	[tilespmem:s28+$0x8820] =	vst v29  }
0x30a: {  	v32 =	vadd.f32 v32, v15;
	v30 =	vadd.f32 v47, v16;
	v1 =	vmov s3;
	s3 =	sadd.s32 $0x84, s2;
	[tilespmem:s28+$0x8830] =	vst v28  }
0x30b: {  	v29 =	vadd.f32 v49, v17;
	v2 =	vmov s3;
	v28 =	vadd.f32 v0, v18;
	[tilespmem:s28+$0x8840] =	vst v39  }
0x30c: {  	v27 =	vmax.f32 v34, $0.0e+00;
	v34 =	vmax.f32 v36, $0.0e+00;
	v0 =	vmax.f32 v35, $0.0e+00;
	v35 =	vld.idx.msk [tilespmem:v48+s21+$0x0], $0xffff;
	[tilespmem:s28+$0x8850] =	vst v40  }
0x30d: {  	v36 =	vmax.f32 v37, $0.0e+00;
	v37 =	vmax.f32 v41, $0.0e+00;
	v39 =	vmax.f32 v44, $0.0e+00;
	[tilespmem:s28+$0x8860] =	vst v42  }
0x30e: {  	v0 =	vadd.f32 v0, v19;
	v40 =	vadd.f32 v27, v20;
	v27 =	vmax.f32 v43, $0.0e+00  }
0x30f: {  	v41 =	vadd.f32 v34, v21;
	v36 =	vadd.f32 v36, v22;
	v34 =	vmax.f32 v45, $0.0e+00  }
0x310: {  	v37 =	vadd.f32 v37, v23;
	v39 =	vadd.f32 v39, v24;
	v42 =	vmax.f32 v46, $0.0e+00  }
0x311: {  	s26 =	sadd.s32 $0x180, s26;
	s29 =	sadd.s32 $0x300, s29;
	v38 =	vmax.f32 v38, $0.0e+00;
	v44 =	vadd.f32 v34, v26;
	v43 =	vadd.f32 v27, v25  }
0x312: {  	s4 =	sand.u32 $0xF800, s29;
	s5 =	sand.u32 $0x380, s26;
	s3 =	sadd.s32 $0xFFFFFE00, s29;
	v45 =	vmul.f32 v35, v10;
	v34 =	vld.idx.msk [tilespmem:v1+s21+$0x0], $0xffff;
	v1 =	vadd.f32 v42, v19;
	v42 =	vmul.f32 v35, v3  }
0x313: {  	s9 =	sadd.s32 $0xFFFFFF00, s26;
	s10 =	sadd.s32 $0xFFFFFF00, s29;
	s28 =	sor.u32 s5, s4;
	v46 =	vmul.f32 v35, v5;
	v27 =	vld.idx.msk [tilespmem:v2+s21+$0x0], $0xffff;
	v2 =	vadd.f32 v38, v20;
	v38 =	vmul.f32 v35, v4  }
0x314: {  	s3 =	sand.u32 $0x7800, s3;
	s4 =	sand.u32 $0x380, s9;
	s5 =	sadd.s32 $0xFFFFFF80, s26;
	v47 =	vmul.f32 v35, v6;
	v48 =	vmul.f32 v35, v7;
	v45 =	vadd.f32 v45, v18;
	v49 =	vld [tilespmem:s28+$0x8870]  }
0x315: {  	s4 =	sor.u32 s4, s3;
	s3 =	sand.u32 $0xF800, s10;
	s5 =	sand.u32 $0x380, s5;
	v51 =	vmul.f32 v35, v8;
	v35 =	vmul.f32 v35, v9;
	v42 =	vadd.f32 v42, v11;
	v50 =	vld [tilespmem:s28+$0x8800]  }
0x316: {  	s3 =	sor.u32 s5, s3;
	v46 =	vadd.f32 v46, v13;
	v38 =	vadd.f32 v38, v12;
	v45 =	vmax.f32 v45, $0.0e+00;
	v52 =	vld [tilespmem:s4+$0x8800]  }
0x317: {  	v47 =	vadd.f32 v47, v14;
	v42 =	vmax.f32 v42, $0.0e+00;
	v45 =	vadd.f32 v45, v26;
	v53 =	vld [tilespmem:s4+$0x8810]  }
0x318: {  	v48 =	vadd.f32 v48, v15;
	v51 =	vadd.f32 v51, v16;
	v38 =	vmax.f32 v38, $0.0e+00;
	v54 =	vld [tilespmem:s4+$0x8820]  }
0x319: {  	v46 =	vmax.f32 v46, $0.0e+00;
	v35 =	vadd.f32 v35, v17;
	v55 =	vld [tilespmem:s4+$0x8830];
	v45 =	vadd.f32 v49, v45  }
0x31a: {  	v47 =	vmax.f32 v47, $0.0e+00;
	v48 =	vmax.f32 v48, $0.0e+00;
	v51 =	vmax.f32 v51, $0.0e+00;
	v49 =	vld [tilespmem:s4+$0x8840]  }
0x31b: {  	v42 =	vadd.f32 v42, v19;
	v35 =	vmax.f32 v35, $0.0e+00;
	v38 =	vadd.f32 v38, v20;
	v56 =	vld [tilespmem:s4+$0x8850];
	[tilespmem:s28+$0x8870] =	vst v45  }
0x31c: {  	v46 =	vadd.f32 v46, v21;
	v47 =	vadd.f32 v47, v22;
	v45 =	vmul.f32 v34, v3;
	v57 =	vld [tilespmem:s4+$0x8860]  }
0x31d: {  	v48 =	vadd.f32 v48, v23;
	v51 =	vadd.f32 v51, v24;
	v58 =	vmul.f32 v34, v4;
	v59 =	vld [tilespmem:s4+$0x8870]  }
0x31e: {  	v60 =	vmul.f32 v34, v5;
	v61 =	vadd.f32 v35, v25;
	v0 =	vadd.f32 v0, v52;
	v52 =	vld [tilespmem:s3+$0x8800]  }
0x31f: {  	v62 =	vmul.f32 v34, v6;
	v35 =	vadd.f32 v40, v53;
	v40 =	vadd.f32 v54, v41;
	v41 =	vld [tilespmem:s3+$0x8810]  }
0x320: {  	v53 =	vmul.f32 v34, v7;
	[tilespmem:s4+$0x8800] =	vst v0;
	v0 =	vadd.f32 v55, v36;
	v36 =	vadd.f32 v49, v37;
	v37 =	vld [tilespmem:s3+$0x8820]  }
0x321: {  	v49 =	vmul.f32 v34, v8;
	[tilespmem:s4+$0x8810] =	vst v35;
	v35 =	vadd.f32 v56, v39;
	v39 =	vadd.f32 v57, v43;
	v43 =	vld [tilespmem:s3+$0x8830]  }
0x322: {  	v33 =	vmax.f32 v33, $0.0e+00;
	v42 =	vadd.f32 v42, v50;
	[tilespmem:s4+$0x8820] =	vst v40;
	v40 =	vadd.f32 v59, v44;
	v44 =	vld [tilespmem:s3+$0x8840]  }
0x323: {  	v31 =	vmax.f32 v31, $0.0e+00;
	[tilespmem:s4+$0x8830] =	vst v0;
	v0 =	vadd.f32 v1, v52;
	v1 =	vadd.f32 v33, v21;
	v33 =	vld [tilespmem:s3+$0x8850]  }
0x324: {  	v32 =	vmax.f32 v32, $0.0e+00;
	v31 =	vadd.f32 v31, v22;
	[tilespmem:s4+$0x8840] =	vst v36;
	v2 =	vadd.f32 v2, v41;
	v36 =	vld [tilespmem:s3+$0x8860]  }
0x325: {  	v30 =	vmax.f32 v30, $0.0e+00;
	v32 =	vadd.f32 v32, v23;
	[tilespmem:s4+$0x8850] =	vst v35;
	v1 =	vadd.f32 v37, v1;
	v37 =	vld [tilespmem:s3+$0x8870]  }
0x326: {  	v30 =	vadd.f32 v30, v24;
	v29 =	vmax.f32 v29, $0.0e+00;
	[tilespmem:s4+$0x8860] =	vst v39;
	v31 =	vadd.f32 v43, v31;
	v39 =	vld [tilespmem:s28+$0x8810]  }
0x327: {  	v29 =	vadd.f32 v29, v25;
	v28 =	vmax.f32 v28, $0.0e+00;
	[tilespmem:s4+$0x8870] =	vst v40;
	v32 =	vadd.f32 v44, v32;
	v40 =	vld [tilespmem:s28+$0x8820]  }
0x328: {  	v28 =	vadd.f32 v28, v26;
	v43 =	vmul.f32 v34, v9;
	[tilespmem:s3+$0x8800] =	vst v0;
	v0 =	vadd.f32 v33, v30;
	v33 =	vld [tilespmem:s28+$0x8830]  }
0x329: {  	v35 =	vadd.f32 v45, v11;
	v45 =	vmul.f32 v34, v10;
	[tilespmem:s3+$0x8810] =	vst v2;
	v2 =	vadd.f32 v36, v29;
	v50 =	vld [tilespmem:s28+$0x8840]  }
0x32a: {  	v52 =	vmul.f32 v27, v3;
	v34 =	vadd.f32 v58, v12;
	[tilespmem:s3+$0x8820] =	vst v1;
	v1 =	vadd.f32 v37, v28;
	v54 =	vld [tilespmem:s28+$0x8850]  }
0x32b: {  	v55 =	vmul.f32 v27, v4;
	s4 =	sadd.s32 $0x85, s2;
	s2 =	sadd.s32 $0x3, s2;
	v36 =	vadd.f32 v60, v13;
	[tilespmem:s3+$0x8830] =	vst v31;
	v56 =	vadd.f32 v38, v39;
	v38 =	vld [tilespmem:s28+$0x8860]  }
0x32c: {  	v30 =	vmul.f32 v27, v5;
	p1 =	slt.u32 s2, $0x7B;
	v37 =	vadd.f32 v62, v14;
	[tilespmem:s3+$0x8840] =	vst v32;
	v29 =	vadd.f32 v40, v46  }
.Ltmp6:
0x32d: {  	v41 =	vadd.f32 v53, v15;
	v31 =	vmul.f32 v27, v6;
	[tilespmem:s3+$0x8850] =	vst v0;
	v28 =	vadd.f32 v33, v47;
	(pc) =	sbr.rel @p1 .LBB2_14-.Ltmp6, $4  }
0x32e: {  	v44 =	vadd.f32 v49, v16;
	v32 =	vmul.f32 v27, v7;
	[tilespmem:s3+$0x8860] =	vst v2;
	v39 =	vadd.f32 v50, v48  }
0x32f: {  	v43 =	vadd.f32 v43, v17;
	v47 =	vmul.f32 v27, v8;
	[tilespmem:s3+$0x8870] =	vst v1;
	v40 =	vadd.f32 v54, v51  }
0x330: {  	v45 =	vadd.f32 v45, v18;
	v48 =	vmov s4;
	[tilespmem:s28+$0x8800] =	vst v42;
	v42 =	vadd.f32 v38, v61  }
0x331: {  	v49 =	vmul.f32 v27, v9;
	v46 =	vadd.f32 v52, v11;
	v38 =	vadd.f32 v55, v12;
	[tilespmem:s28+$0x8810] =	vst v56  }
0x332: {  	v1 =	vadd.f32 v30, v13;
	v2 =	vadd.f32 v31, v14  }
0x333: {  	v27 =	vmul.f32 v27, v10;
	v30 =	vadd.f32 v32, v15;
	v31 =	vadd.f32 v47, v16;
	s4 =	sadd.s32 $0x300, s29;
	s5 =	sadd.s32 $0x180, s26  }
0x334: {  	v33 =	vmax.f32 v35, $0.0e+00;
	v34 =	vmax.f32 v34, $0.0e+00;
	v50 =	vmax.f32 v36, $0.0e+00;
	s3 =	sadd.s32 $0xFFFFFE00, s4;
	s10 =	sadd.s32 $0xFFFFFF00, s5  }
0x335: {  	v37 =	vmax.f32 v37, $0.0e+00;
	v41 =	vmax.f32 v41, $0.0e+00;
	v32 =	vadd.f32 v49, v17;
	s3 =	sand.u32 $0x7800, s3;
	s30 =	sand.u32 $0x380, s10  }
0x336: {  	v0 =	vld.idx.msk [tilespmem:v48+s21+$0x0], $0xffff;
	v44 =	vmax.f32 v44, $0.0e+00;
	v33 =	vadd.f32 v33, v19;
	v34 =	vadd.f32 v34, v20;
	s3 =	sor.u32 s30, s3  }
0x337: {  	v43 =	vmax.f32 v43, $0.0e+00;
	[tilespmem:s28+$0x8820] =	vst v29;
	v35 =	vadd.f32 v50, v21;
	v37 =	vadd.f32 v37, v22;
	v53 =	vld [tilespmem:s3+$0x8800]  }
0x338: {  	v54 =	vmax.f32 v45, $0.0e+00;
	[tilespmem:s28+$0x8830] =	vst v28;
	v41 =	vadd.f32 v41, v23;
	v28 =	vadd.f32 v44, v24;
	v55 =	vld [tilespmem:s3+$0x8810]  }
0x339: {  	[tilespmem:s28+$0x8840] =	vst v39;
	v56 =	vmax.f32 v46, $0.0e+00;
	v39 =	vadd.f32 v43, v25;
	v29 =	vadd.f32 v54, v26;
	v57 =	vld [tilespmem:s3+$0x8820]  }
0x33a: {  	[tilespmem:s28+$0x8850] =	vst v40;
	s2 =	sand.u32 $0xF800, s4;
	v38 =	vmax.f32 v38, $0.0e+00;
	v27 =	vadd.f32 v27, v18;
	v40 =	vadd.f32 v56, v19;
	v58 =	vld [tilespmem:s3+$0x8830]  }
0x33b: {  	s9 =	sand.u32 $0x380, s5;
	s4 =	sadd.s32 $0xFFFFFF00, s4;
	s5 =	sadd.s32 $0xFFFFFF80, s5;
	v38 =	vadd.f32 v38, v20;
	v1 =	vmax.f32 v1, $0.0e+00;
	v2 =	vmax.f32 v2, $0.0e+00;
	v60 =	vld [tilespmem:s3+$0x8840]  }
0x33c: {  	s4 =	sand.u32 $0xF800, s4;
	s5 =	sand.u32 $0x380, s5;
	v1 =	vadd.f32 v1, v21;
	v2 =	vadd.f32 v2, v22;
	v62 =	vld [tilespmem:s3+$0x8850]  }
0x33d: {  	s4 =	sor.u32 s5, s4;
	v32 =	vmax.f32 v32, $0.0e+00;
	v50 =	vld [tilespmem:s3+$0x8870];
	v51 =	vmul.f32 v0, v10;
	v33 =	vadd.f32 v33, v53  }
0x33e: {  	[tilespmem:s28+$0x8860] =	vst v42;
	s2 =	sor.u32 s9, s2;
	v56 =	vld [tilespmem:s4+$0x8800];
	v32 =	vadd.f32 v32, v25;
	v59 =	vmul.f32 v0, v3;
	v34 =	vadd.f32 v34, v55  }
0x33f: {  	v52 =	vld [tilespmem:s2+$0x8870];
	v61 =	vmul.f32 v0, v4;
	v36 =	vadd.f32 v51, v18;
	v35 =	vadd.f32 v57, v35;
	[tilespmem:s3+$0x8800] =	vst v33  }
0x340: {  	v49 =	vld [tilespmem:s4+$0x8860];
	v44 =	vadd.f32 v59, v11;
	v37 =	vadd.f32 v58, v37;
	[tilespmem:s3+$0x8810] =	vst v34  }
0x341: {  	v30 =	vmax.f32 v30, $0.0e+00;
	v47 =	vld [tilespmem:s4+$0x8850];
	v42 =	vadd.f32 v61, v12;
	v41 =	vadd.f32 v60, v41;
	[tilespmem:s3+$0x8820] =	vst v35  }
0x342: {  	v59 =	vld [tilespmem:s4+$0x8820];
	v51 =	vmax.f32 v31, $0.0e+00;
	v28 =	vadd.f32 v62, v28;
	v29 =	vadd.f32 v50, v29;
	[tilespmem:s3+$0x8830] =	vst v37  }
0x343: {  	v61 =	vld [tilespmem:s4+$0x8840];
	v36 =	vmax.f32 v36, $0.0e+00;
	v62 =	vadd.f32 v40, v56;
	v50 =	vadd.f32 v30, v23;
	[tilespmem:s3+$0x8840] =	vst v41  }
0x344: {  	v53 =	vld [tilespmem:s3+$0x8860];
	v30 =	vadd.f32 v51, v24;
	v36 =	vadd.f32 v36, v26;
	[tilespmem:s3+$0x8850] =	vst v28  }
0x345: {  	v27 =	vmax.f32 v27, $0.0e+00;
	v54 =	vmul.f32 v0, v6;
	v60 =	vld [tilespmem:s4+$0x8830];
	v32 =	vadd.f32 v49, v32;
	[tilespmem:s3+$0x8870] =	vst v29  }
0x346: {  	[tilespmem:s4+$0x8800] =	vst v62;
	v30 =	vadd.f32 v47, v30;
	v36 =	vadd.f32 v52, v36;
	v52 =	vmul.f32 v0, v5  }
0x347: {  	v27 =	vadd.f32 v27, v26;
	v43 =	vadd.f32 v54, v14;
	v55 =	vmul.f32 v0, v7;
	v58 =	vld [tilespmem:s4+$0x8810];
	[tilespmem:s4+$0x8860] =	vst v32  }
0x348: {  	v57 =	vmul.f32 v0, v8;
	v1 =	vadd.f32 v59, v1;
	[tilespmem:s4+$0x8850] =	vst v30;
	v46 =	vadd.f32 v52, v13;
	v52 =	vld [tilespmem:s4+$0x8870]  }
0x349: {  	v0 =	vmul.f32 v0, v9;
	v29 =	vadd.f32 v61, v50;
	[tilespmem:s2+$0x8870] =	vst v36;
	v36 =	vadd.f32 v53, v39;
	v53 =	vld [tilespmem:s2+$0x8800]  }
0x34a: {  	v54 =	vld [tilespmem:s2+$0x8810];
	v33 =	vadd.f32 v55, v15;
	v2 =	vadd.f32 v60, v2;
	[tilespmem:s4+$0x8820] =	vst v1  }
0x34b: {  	v34 =	vadd.f32 v57, v16;
	v55 =	vld [tilespmem:s2+$0x8820];
	v0 =	vadd.f32 v0, v17;
	v1 =	vmax.f32 v44, $0.0e+00;
	[tilespmem:s4+$0x8840] =	vst v29  }
0x34c: {  	v62 =	vld [tilespmem:s2+$0x8860];
	v48 =	vadd.f32 v38, v58;
	v1 =	vadd.f32 v1, v19;
	[tilespmem:s4+$0x8830] =	vst v2;
	v2 =	vmax.f32 v42, $0.0e+00  }
0x34d: {  	v58 =	vld [tilespmem:s2+$0x8840];
	[tilespmem:s3+$0x8860] =	vst v36;
	v57 =	vmax.f32 v46, $0.0e+00;
	v2 =	vadd.f32 v2, v20;
	v27 =	vadd.f32 v52, v27  }
0x34e: {  	v56 =	vld [tilespmem:s2+$0x8830];
	[tilespmem:s4+$0x8810] =	vst v48;
	v0 =	vmax.f32 v0, $0.0e+00;
	v29 =	vadd.f32 v57, v21;
	v1 =	vadd.f32 v1, v53  }
0x34f: {  	v61 =	vmax.f32 v33, $0.0e+00;
	v60 =	vld [tilespmem:s2+$0x8850];
	v0 =	vadd.f32 v0, v25;
	v2 =	vadd.f32 v2, v54;
	[tilespmem:s4+$0x8870] =	vst v27  }
0x350: {  	v59 =	vmax.f32 v43, $0.0e+00;
	v31 =	vadd.f32 v61, v23;
	v29 =	vadd.f32 v55, v29;
	[tilespmem:s2+$0x8800] =	vst v1  }
0x351: {  	v30 =	vadd.f32 v59, v22;
	v0 =	vadd.f32 v62, v0;
	v27 =	vmax.f32 v34, $0.0e+00;
	[tilespmem:s2+$0x8810] =	vst v2  }
0x352: {  	v2 =	vadd.f32 v58, v31;
	[tilespmem:s2+$0x8820] =	vst v29;
	v1 =	vadd.f32 v27, v24  }
0x353: {  	[tilespmem:s2+$0x8860] =	vst v0;
	v27 =	vadd.f32 v56, v30  }
0x354: {  	[tilespmem:s2+$0x8840] =	vst v2;
	v1 =	vadd.f32 v60, v1  }
0x355: {  	[tilespmem:s2+$0x8830] =	vst v27  }
0x356: {  	s3 =	simm.s32 $0x0;
	s4 =	simm.s32 $0xFE;
	[tilespmem:s2+$0x8850] =	vst v1  }
.LBB2_16:
0x357: {  	v0 =	vmov s4;
	_ =	sdelay $0x4  }
0x358: {  	v0 =	vld.idx.msk [tilespmem:v0+s21+$0x0], $0xffff;
	_ =	sdelay $0x4  }
0x359: {  	v1 =	vmul.f32 v0, v3;
	v2 =	vmul.f32 v0, v4  }
0x35a: {  	v28 =	vmul.f32 v0, v5;
	v31 =	vmul.f32 v0, v6  }
0x35b: {  	s2 =	sshra.s32 s3, $0x2;
	v56 =	vmul.f32 v0, v7;
	v32 =	vmul.f32 v0, v8  }
0x35c: {  	v27 =	vld [tilespmem:s2+$0x10300];
	v33 =	vmul.f32 v0, v9;
	v0 =	vmul.f32 v0, v10;
	v1 =	vadd.f32 v1, v11  }
0x35d: {  	v2 =	vadd.f32 v2, v12  }
0x35e: {  	v29 =	vld [tilespmem:s2+$0x10310];
	v28 =	vadd.f32 v28, v13;
	v0 =	vadd.f32 v0, v18;
	v1 =	vmax.f32 v1, $0.0e+00  }
0x35f: {  	v61 =	vld [tilespmem:s2+$0x10370];
	v57 =	vadd.f32 v31, v14;
	v2 =	vmax.f32 v2, $0.0e+00;
	v1 =	vadd.f32 v1, v19  }
0x360: {  	v30 =	vld [tilespmem:s2+$0x10320];
	v32 =	vadd.f32 v32, v16;
	v0 =	vmax.f32 v0, $0.0e+00;
	v2 =	vadd.f32 v2, v20  }
0x361: {  	v58 =	vld [tilespmem:s2+$0x10330];
	v28 =	vmax.f32 v28, $0.0e+00;
	v0 =	vadd.f32 v0, v26;
	v1 =	vadd.f32 v1, v27  }
0x362: {  	v59 =	vld [tilespmem:s2+$0x10340];
	v27 =	vadd.f32 v28, v21;
	v28 =	vadd.f32 v56, v15  }
0x363: {  	v34 =	vld [tilespmem:s2+$0x10350];
	v33 =	vadd.f32 v33, v17;
	v2 =	vadd.f32 v2, v29;
	v29 =	vmax.f32 v57, $0.0e+00  }
0x364: {  	v35 =	vld [tilespmem:s2+$0x10360];
	v0 =	vadd.f32 v61, v0;
	v29 =	vadd.f32 v29, v22;
	v28 =	vmax.f32 v28, $0.0e+00;
	[tilespmem:s2+$0x10300] =	vst v1  }
0x365: {  	v60 =	vmax.f32 v32, $0.0e+00;
	v27 =	vadd.f32 v30, v27;
	[tilespmem:s2+$0x10310] =	vst v2;
	v1 =	vadd.f32 v28, v23  }
0x366: {  	p1 =	sne.s32 s3, $0x200;
	v62 =	vmax.f32 v33, $0.0e+00;
	[tilespmem:s2+$0x10370] =	vst v0;
	v2 =	vadd.f32 v58, v29;
	v28 =	vadd.f32 v60, v24  }
.Ltmp7:
0x367: {  	[tilespmem:s2+$0x10320] =	vst v27;
	v27 =	vadd.f32 v62, v25;
	v1 =	vadd.f32 v59, v1;
	(pc) =	sbr.rel @p1 .LBB2_16-.Ltmp7, $4  }
0x368: {  	[tilespmem:s2+$0x10330] =	vst v2;
	v2 =	vadd.f32 v34, v28  }
0x369: {  	[tilespmem:s2+$0x10340] =	vst v1;
	v1 =	vadd.f32 v35, v27  }
0x36a: {  	[tilespmem:s2+$0x10350] =	vst v2  }
0x36b: {  	s4 =	sadd.s32 $0x1, s4;
	s3 =	sadd.s32 $0x200, s3;
	[tilespmem:s2+$0x10360] =	vst v1  }
0x36c: {  	v3 =	vld [tilespmem:$0x600]  }
0x36d: {  	v4 =	vld [tilespmem:$0x610]  }
0x36e: {  	v5 =	vld [tilespmem:$0x620]  }
0x36f: {  	v6 =	vld [tilespmem:$0x630];
	s2 =	simm.s32 $0x80  }
0x370: {  	v7 =	vld [tilespmem:$0x640];
	v0 =	vmov s2  }
0x371: {  	v8 =	vld [tilespmem:$0x650]  }
0x372: {  	v9 =	vld [tilespmem:$0x660]  }
0x373: {  	v10 =	vld [tilespmem:$0x670];
	s5 =	simm.s32 $0x81  }
0x374: {  	v11 =	vld [tilespmem:$0x680];
	v1 =	vmov s5  }
0x375: {  	v0 =	vld.idx.msk [tilespmem:v0+s21+$0x0], $0xffff  }
0x376: {  	v12 =	vld [tilespmem:$0x690]  }
0x377: {  	v13 =	vld [tilespmem:$0x6A0]  }
0x378: {  	v14 =	vld [tilespmem:$0x6B0]  }
0x379: {  	v1 =	vld.idx.msk [tilespmem:v1+s21+$0x0], $0xffff  }
0x37a: {  	v15 =	vld [tilespmem:$0x6C0];
	v2 =	vmul.f32 v0, v3;
	v19 =	vmul.f32 v0, v4  }
0x37b: {  	v16 =	vld [tilespmem:$0x6D0];
	v20 =	vmul.f32 v0, v5;
	v21 =	vmul.f32 v0, v6  }
0x37c: {  	v17 =	vld [tilespmem:$0x6E0];
	s9 =	simm.s32 $0x82;
	v22 =	vmul.f32 v0, v7;
	v23 =	vmul.f32 v0, v8  }
0x37d: {  	v18 =	vld [tilespmem:$0x6F0];
	s26 =	simm.s32 $0x84;
	s29 =	simm.s32 $0x200;
	s4 =	simm.s32 $0x0;
	v37 =	vmov s9;
	v24 =	vmul.f32 v0, v9;
	v0 =	vmul.f32 v0, v10  }
0x37e: {  	v42 =	vmov s26;
	s26 =	simm.s32 $0x100;
	s30 =	sand.u32 $0xF800, s29;
	s5 =	simm.s32 $0x0;
	v25 =	vmul.f32 v1, v3;
	v26 =	vmul.f32 v1, v4  }
0x37f: {  	s4 =	sand.u32 $0x7800, s4;
	s3 =	sand.u32 $0x380, s26;
	s5 =	sand.u32 $0x380, s5;
	v28 =	vmul.f32 v1, v5;
	v2 =	vadd.f32 v2, v11;
	v27 =	vadd.f32 v19, v12  }
0x380: {  	s28 =	sor.u32 s3, s30;
	s3 =	sor.u32 s5, s4;
	v32 =	vmul.f32 v1, v6;
	v29 =	vadd.f32 v20, v13;
	v30 =	vadd.f32 v21, v14  }
0x381: {  	v52 =	vld [tilespmem:s3+$0x8C00];
	v34 =	vmul.f32 v1, v7;
	v31 =	vadd.f32 v22, v15;
	v33 =	vadd.f32 v23, v16  }
0x382: {  	v36 =	vmul.f32 v1, v8;
	v19 =	vld [tilespmem:$0x700];
	v35 =	vadd.f32 v24, v17;
	v0 =	vadd.f32 v0, v18  }
0x383: {  	v20 =	vld [tilespmem:$0x710];
	v38 =	vadd.f32 v25, v11;
	v39 =	vadd.f32 v26, v12;
	v26 =	vmul.f32 v1, v9  }
0x384: {  	v21 =	vld [tilespmem:$0x720];
	v40 =	vadd.f32 v28, v13;
	v32 =	vadd.f32 v32, v14;
	v1 =	vmul.f32 v1, v10  }
0x385: {  	s10 =	simm.s32 $0x83;
	v22 =	vld [tilespmem:$0x730];
	v34 =	vadd.f32 v34, v15;
	v36 =	vadd.f32 v36, v16  }
0x386: {  	v41 =	vmov s10;
	v23 =	vld [tilespmem:$0x740];
	v43 =	vadd.f32 v26, v17;
	v28 =	vadd.f32 v1, v18  }
0x387: {  	v24 =	vld [tilespmem:$0x750];
	v1 =	vmax.f32 v2, $0.0e+00;
	v2 =	vmax.f32 v27, $0.0e+00;
	v27 =	vmax.f32 v29, $0.0e+00  }
0x388: {  	v25 =	vld [tilespmem:$0x760];
	v30 =	vmax.f32 v30, $0.0e+00;
	v31 =	vmax.f32 v31, $0.0e+00;
	v33 =	vmax.f32 v33, $0.0e+00  }
0x389: {  	v29 =	vld.idx.msk [tilespmem:v37+s21+$0x0], $0xffff;
	v35 =	vmax.f32 v35, $0.0e+00;
	v0 =	vmax.f32 v0, $0.0e+00;
	v61 =	vmax.f32 v39, $0.0e+00  }
0x38a: {  	v26 =	vld [tilespmem:$0x770];
	v32 =	vmax.f32 v32, $0.0e+00;
	v1 =	vadd.f32 v1, v19;
	v2 =	vadd.f32 v2, v20  }
0x38b: {  	v53 =	vld [tilespmem:s3+$0x8C10];
	v34 =	vmax.f32 v34, $0.0e+00;
	v37 =	vadd.f32 v27, v21;
	v30 =	vadd.f32 v30, v22  }
0x38c: {  	v54 =	vld [tilespmem:s3+$0x8C20];
	v28 =	vmax.f32 v28, $0.0e+00;
	v31 =	vadd.f32 v31, v23;
	v33 =	vadd.f32 v33, v24  }
0x38d: {  	v27 =	vmax.f32 v38, $0.0e+00;
	v35 =	vadd.f32 v35, v25;
	v38 =	vadd.f32 v61, v20  }
0x38e: {  	v39 =	vld.idx.msk [tilespmem:v41+s21+$0x0], $0xffff;
	v32 =	vadd.f32 v32, v22;
	v41 =	vadd.f32 v27, v19;
	v44 =	vmul.f32 v29, v3  }
0x38f: {  	v55 =	vld [tilespmem:s3+$0x8C30];
	v0 =	vadd.f32 v0, v26;
	v45 =	vmul.f32 v29, v10;
	v62 =	vmul.f32 v29, v4  }
0x390: {  	v56 =	vld [tilespmem:s3+$0x8C50];
	v46 =	vmul.f32 v29, v5;
	v47 =	vmul.f32 v29, v6;
	v1 =	vadd.f32 v1, v52  }
0x391: {  	v58 =	vld [tilespmem:s3+$0x8C60];
	v48 =	vmul.f32 v29, v7;
	v2 =	vadd.f32 v2, v53;
	v37 =	vadd.f32 v54, v37  }
0x392: {  	v60 =	vld [tilespmem:s3+$0x8C70];
	v51 =	vmul.f32 v29, v8;
	v28 =	vadd.f32 v28, v26;
	v45 =	vadd.f32 v45, v18  }
0x393: {  	v27 =	vld.idx.msk [tilespmem:v42+s21+$0x0], $0xffff;
	v29 =	vmul.f32 v29, v9;
	v44 =	vadd.f32 v44, v11;
	v42 =	vadd.f32 v62, v12  }
0x394: {  	v49 =	vld [tilespmem:s28+$0x8C70];
	v57 =	vmul.f32 v39, v3;
	v46 =	vadd.f32 v46, v13;
	v47 =	vadd.f32 v47, v14  }
0x395: {  	s9 =	simm.s32 $0x100;
	s10 =	simm.s32 $0x80;
	v59 =	vmul.f32 v39, v4;
	v48 =	vadd.f32 v48, v15;
	v51 =	vadd.f32 v51, v16  }
0x396: {  	s2 =	sand.u32 $0xF800, s9;
	s4 =	sand.u32 $0x380, s10;
	v29 =	vadd.f32 v29, v17;
	[tilespmem:s3+$0x8C00] =	vst v1;
	v1 =	vadd.f32 v55, v30;
	v45 =	vmax.f32 v45, $0.0e+00  }
0x397: {  	s2 =	sor.u32 s4, s2;
	v61 =	vmul.f32 v39, v5;
	[tilespmem:s3+$0x8C10] =	vst v2;
	v2 =	vadd.f32 v56, v33;
	v45 =	vadd.f32 v45, v26  }
0x398: {  	v52 =	vld [tilespmem:s2+$0x8C00];
	v55 =	vadd.f32 v58, v35;
	v0 =	vadd.f32 v60, v0;
	v60 =	vmax.f32 v40, $0.0e+00  }
0x399: {  	v58 =	vmax.f32 v36, $0.0e+00;
	v35 =	vadd.f32 v57, v11;
	v45 =	vadd.f32 v49, v45;
	v49 =	vld [tilespmem:s3+$0x8C40]  }
0x39a: {  	v50 =	vld [tilespmem:s28+$0x8C00];
	[tilespmem:s3+$0x8C20] =	vst v37;
	v36 =	vadd.f32 v61, v13;
	v37 =	vadd.f32 v60, v21;
	v44 =	vmax.f32 v44, $0.0e+00  }
0x39b: {  	v56 =	vld [tilespmem:s2+$0x8C30];
	v42 =	vmax.f32 v42, $0.0e+00;
	v46 =	vmax.f32 v46, $0.0e+00;
	[tilespmem:s3+$0x8C60] =	vst v55;
	v55 =	vadd.f32 v58, v24  }
0x39c: {  	v54 =	vld [tilespmem:s2+$0x8C60];
	v47 =	vmax.f32 v47, $0.0e+00;
	v44 =	vadd.f32 v44, v19;
	v42 =	vadd.f32 v42, v20  }
0x39d: {  	v48 =	vmax.f32 v48, $0.0e+00;
	[tilespmem:s3+$0x8C30] =	vst v1;
	v46 =	vadd.f32 v46, v21;
	v1 =	vadd.f32 v41, v52;
	v52 =	vld [tilespmem:s2+$0x8C50]  }
0x39e: {  	v51 =	vmax.f32 v51, $0.0e+00;
	v47 =	vadd.f32 v47, v22;
	v30 =	vadd.f32 v49, v31;
	v31 =	vld [tilespmem:s2+$0x8C20]  }
0x39f: {  	v29 =	vmax.f32 v29, $0.0e+00;
	v48 =	vadd.f32 v48, v23;
	v51 =	vadd.f32 v51, v24;
	[tilespmem:s28+$0x8C70] =	vst v45;
	v45 =	vld [tilespmem:s2+$0x8C10]  }
0x3a0: {  	v40 =	vld [tilespmem:s2+$0x8C40];
	[tilespmem:s3+$0x8C50] =	vst v2;
	v32 =	vadd.f32 v56, v32;
	v56 =	vmax.f32 v43, $0.0e+00;
	v43 =	vmul.f32 v39, v9  }
0x3a1: {  	v53 =	vmul.f32 v39, v7;
	v33 =	vld [tilespmem:s28+$0x8C30];
	[tilespmem:s3+$0x8C70] =	vst v0;
	v62 =	vadd.f32 v29, v25;
	v50 =	vadd.f32 v44, v50  }
0x3a2: {  	v61 =	vld [tilespmem:s28+$0x8C60];
	v29 =	vmul.f32 v39, v6;
	[tilespmem:s2+$0x8C00] =	vst v1;
	v43 =	vadd.f32 v43, v17;
	v1 =	vadd.f32 v52, v55  }
0x3a3: {  	v60 =	vld [tilespmem:s2+$0x8C70];
	[tilespmem:s2+$0x8C30] =	vst v32;
	v49 =	vmul.f32 v39, v8;
	v2 =	vadd.f32 v31, v37;
	v31 =	vadd.f32 v34, v23  }
0x3a4: {  	v58 =	vld [tilespmem:s28+$0x8C10];
	[tilespmem:s3+$0x8C40] =	vst v30;
	v30 =	vadd.f32 v38, v45;
	v45 =	vmul.f32 v39, v10;
	v39 =	vadd.f32 v53, v15  }
0x3a5: {  	v41 =	vld [tilespmem:s28+$0x8C40];
	v32 =	vmul.f32 v27, v7;
	[tilespmem:s28+$0x8C00] =	vst v50;
	v0 =	vadd.f32 v40, v31;
	v31 =	vadd.f32 v56, v25  }
0x3a6: {  	v52 =	vmul.f32 v27, v3;
	[tilespmem:s2+$0x8C50] =	vst v1;
	v44 =	vadd.f32 v49, v16;
	v45 =	vadd.f32 v45, v18;
	v40 =	vld [tilespmem:s28+$0x8C20]  }
0x3a7: {  	v55 =	vmul.f32 v27, v4;
	[tilespmem:s2+$0x8C10] =	vst v30;
	v34 =	vadd.f32 v59, v12;
	v38 =	vadd.f32 v54, v31;
	v54 =	vld [tilespmem:s28+$0x8C50]  }
0x3a8: {  	v49 =	vmul.f32 v27, v9;
	v37 =	vadd.f32 v29, v14;
	[tilespmem:s2+$0x8C20] =	vst v2;
	v2 =	vadd.f32 v60, v28  }
0x3a9: {  	v30 =	vmul.f32 v27, v5;
	v60 =	vadd.f32 v42, v58;
	v28 =	vadd.f32 v33, v47;
	[tilespmem:s2+$0x8C40] =	vst v0  }
0x3aa: {  	s30 =	simm.s32 $0x85;
	v42 =	vadd.f32 v61, v62;
	v31 =	vmul.f32 v27, v6;
	[tilespmem:s2+$0x8C60] =	vst v38;
	v38 =	vadd.f32 v55, v12  }
0x3ab: {  	[tilespmem:s2+$0x8C70] =	vst v2;
	v29 =	vadd.f32 v40, v46;
	v40 =	vadd.f32 v41, v48;
	v48 =	vmov s30  }
0x3ac: {  	v47 =	vmul.f32 v27, v8;
	[tilespmem:s28+$0x8C10] =	vst v60;
	s2 =	simm.s32 $0x3;
	v46 =	vadd.f32 v52, v11;
	v41 =	vadd.f32 v54, v51  }
.LBB2_18:
0x3ad: {  	s3 =	sadd.s32 $0x83, s2;
	v33 =	vadd.f32 v30, v13;
	v31 =	vadd.f32 v31, v14;
	v0 =	vmul.f32 v27, v10;
	[tilespmem:s28+$0x8C20] =	vst v29  }
0x3ae: {  	v32 =	vadd.f32 v32, v15;
	v30 =	vadd.f32 v47, v16;
	v1 =	vmov s3;
	s3 =	sadd.s32 $0x84, s2;
	[tilespmem:s28+$0x8C30] =	vst v28  }
0x3af: {  	v29 =	vadd.f32 v49, v17;
	v2 =	vmov s3;
	v28 =	vadd.f32 v0, v18;
	[tilespmem:s28+$0x8C40] =	vst v40  }
0x3b0: {  	v27 =	vmax.f32 v34, $0.0e+00;
	v34 =	vmax.f32 v36, $0.0e+00;
	v0 =	vmax.f32 v35, $0.0e+00;
	v35 =	vld.idx.msk [tilespmem:v48+s21+$0x0], $0xffff;
	[tilespmem:s28+$0x8C50] =	vst v41  }
0x3b1: {  	v36 =	vmax.f32 v37, $0.0e+00;
	v37 =	vmax.f32 v39, $0.0e+00;
	v39 =	vmax.f32 v44, $0.0e+00;
	[tilespmem:s28+$0x8C60] =	vst v42  }
0x3b2: {  	v40 =	vadd.f32 v27, v20;
	v27 =	vmax.f32 v43, $0.0e+00;
	v0 =	vadd.f32 v0, v19  }
0x3b3: {  	v36 =	vadd.f32 v36, v22;
	v41 =	vadd.f32 v34, v21;
	v34 =	vmax.f32 v45, $0.0e+00  }
0x3b4: {  	v37 =	vadd.f32 v37, v23;
	v39 =	vadd.f32 v39, v24;
	v42 =	vmax.f32 v46, $0.0e+00  }
0x3b5: {  	s26 =	sadd.s32 $0x180, s26;
	s29 =	sadd.s32 $0x300, s29;
	v38 =	vmax.f32 v38, $0.0e+00;
	v43 =	vadd.f32 v27, v25;
	v44 =	vadd.f32 v34, v26  }
0x3b6: {  	s4 =	sand.u32 $0xF800, s29;
	s5 =	sand.u32 $0x380, s26;
	s3 =	sadd.s32 $0xFFFFFE00, s29;
	v45 =	vmul.f32 v35, v10;
	v34 =	vld.idx.msk [tilespmem:v1+s21+$0x0], $0xffff;
	v1 =	vadd.f32 v42, v19;
	v42 =	vmul.f32 v35, v3  }
0x3b7: {  	s9 =	sadd.s32 $0xFFFFFF00, s26;
	s10 =	sadd.s32 $0xFFFFFF00, s29;
	s28 =	sor.u32 s5, s4;
	v46 =	vmul.f32 v35, v5;
	v27 =	vld.idx.msk [tilespmem:v2+s21+$0x0], $0xffff;
	v2 =	vadd.f32 v38, v20;
	v38 =	vmul.f32 v35, v4  }
0x3b8: {  	s3 =	sand.u32 $0x7800, s3;
	s4 =	sand.u32 $0x380, s9;
	s5 =	sadd.s32 $0xFFFFFF80, s26;
	v47 =	vmul.f32 v35, v6;
	v48 =	vmul.f32 v35, v7;
	v45 =	vadd.f32 v45, v18;
	v49 =	vld [tilespmem:s28+$0x8C70]  }
0x3b9: {  	s4 =	sor.u32 s4, s3;
	s3 =	sand.u32 $0xF800, s10;
	s5 =	sand.u32 $0x380, s5;
	v51 =	vmul.f32 v35, v8;
	v35 =	vmul.f32 v35, v9;
	v42 =	vadd.f32 v42, v11;
	v50 =	vld [tilespmem:s28+$0x8C00]  }
0x3ba: {  	s3 =	sor.u32 s5, s3;
	v46 =	vadd.f32 v46, v13;
	v38 =	vadd.f32 v38, v12;
	v45 =	vmax.f32 v45, $0.0e+00;
	v52 =	vld [tilespmem:s4+$0x8C00]  }
0x3bb: {  	v47 =	vadd.f32 v47, v14;
	v42 =	vmax.f32 v42, $0.0e+00;
	v45 =	vadd.f32 v45, v26;
	v53 =	vld [tilespmem:s4+$0x8C10]  }
0x3bc: {  	v48 =	vadd.f32 v48, v15;
	v51 =	vadd.f32 v51, v16;
	v38 =	vmax.f32 v38, $0.0e+00;
	v54 =	vld [tilespmem:s4+$0x8C20]  }
0x3bd: {  	v46 =	vmax.f32 v46, $0.0e+00;
	v35 =	vadd.f32 v35, v17;
	v55 =	vld [tilespmem:s4+$0x8C30];
	v45 =	vadd.f32 v49, v45  }
0x3be: {  	v47 =	vmax.f32 v47, $0.0e+00;
	v48 =	vmax.f32 v48, $0.0e+00;
	v51 =	vmax.f32 v51, $0.0e+00;
	v49 =	vld [tilespmem:s4+$0x8C40]  }
0x3bf: {  	v42 =	vadd.f32 v42, v19;
	v35 =	vmax.f32 v35, $0.0e+00;
	v38 =	vadd.f32 v38, v20;
	v56 =	vld [tilespmem:s4+$0x8C50];
	[tilespmem:s28+$0x8C70] =	vst v45  }
0x3c0: {  	v46 =	vadd.f32 v46, v21;
	v47 =	vadd.f32 v47, v22;
	v45 =	vmul.f32 v34, v3;
	v57 =	vld [tilespmem:s4+$0x8C60]  }
0x3c1: {  	v48 =	vadd.f32 v48, v23;
	v51 =	vadd.f32 v51, v24;
	v58 =	vmul.f32 v34, v4;
	v59 =	vld [tilespmem:s4+$0x8C70]  }
0x3c2: {  	v60 =	vmul.f32 v34, v5;
	v61 =	vadd.f32 v35, v25;
	v0 =	vadd.f32 v0, v52;
	v52 =	vld [tilespmem:s3+$0x8C00]  }
0x3c3: {  	v62 =	vmul.f32 v34, v6;
	v35 =	vadd.f32 v40, v53;
	v40 =	vadd.f32 v54, v41;
	v41 =	vld [tilespmem:s3+$0x8C10]  }
0x3c4: {  	v53 =	vmul.f32 v34, v7;
	[tilespmem:s4+$0x8C00] =	vst v0;
	v0 =	vadd.f32 v55, v36;
	v36 =	vadd.f32 v49, v37;
	v37 =	vld [tilespmem:s3+$0x8C20]  }
0x3c5: {  	v49 =	vmul.f32 v34, v8;
	[tilespmem:s4+$0x8C10] =	vst v35;
	v35 =	vadd.f32 v56, v39;
	v39 =	vadd.f32 v57, v43;
	v43 =	vld [tilespmem:s3+$0x8C30]  }
0x3c6: {  	v33 =	vmax.f32 v33, $0.0e+00;
	v42 =	vadd.f32 v42, v50;
	[tilespmem:s4+$0x8C20] =	vst v40;
	v40 =	vadd.f32 v59, v44;
	v44 =	vld [tilespmem:s3+$0x8C40]  }
0x3c7: {  	v31 =	vmax.f32 v31, $0.0e+00;
	[tilespmem:s4+$0x8C30] =	vst v0;
	v0 =	vadd.f32 v1, v52;
	v1 =	vadd.f32 v33, v21;
	v33 =	vld [tilespmem:s3+$0x8C50]  }
0x3c8: {  	v32 =	vmax.f32 v32, $0.0e+00;
	v31 =	vadd.f32 v31, v22;
	[tilespmem:s4+$0x8C40] =	vst v36;
	v2 =	vadd.f32 v2, v41;
	v36 =	vld [tilespmem:s3+$0x8C60]  }
0x3c9: {  	v30 =	vmax.f32 v30, $0.0e+00;
	v32 =	vadd.f32 v32, v23;
	[tilespmem:s4+$0x8C50] =	vst v35;
	v1 =	vadd.f32 v37, v1;
	v37 =	vld [tilespmem:s3+$0x8C70]  }
0x3ca: {  	v30 =	vadd.f32 v30, v24;
	v29 =	vmax.f32 v29, $0.0e+00;
	[tilespmem:s4+$0x8C60] =	vst v39;
	v31 =	vadd.f32 v43, v31;
	v39 =	vld [tilespmem:s28+$0x8C10]  }
0x3cb: {  	v29 =	vadd.f32 v29, v25;
	v28 =	vmax.f32 v28, $0.0e+00;
	[tilespmem:s4+$0x8C70] =	vst v40;
	v32 =	vadd.f32 v44, v32;
	v40 =	vld [tilespmem:s28+$0x8C20]  }
0x3cc: {  	v28 =	vadd.f32 v28, v26;
	v41 =	vmul.f32 v34, v9;
	[tilespmem:s3+$0x8C00] =	vst v0;
	v0 =	vadd.f32 v33, v30;
	v33 =	vld [tilespmem:s28+$0x8C30]  }
0x3cd: {  	v35 =	vadd.f32 v45, v11;
	v45 =	vmul.f32 v34, v10;
	[tilespmem:s3+$0x8C10] =	vst v2;
	v2 =	vadd.f32 v36, v29;
	v43 =	vld [tilespmem:s28+$0x8C40]  }
0x3ce: {  	v50 =	vmul.f32 v27, v3;
	v34 =	vadd.f32 v58, v12;
	[tilespmem:s3+$0x8C20] =	vst v1;
	v1 =	vadd.f32 v37, v28;
	v52 =	vld [tilespmem:s28+$0x8C50]  }
0x3cf: {  	v54 =	vmul.f32 v27, v4;
	s4 =	sadd.s32 $0x85, s2;
	s2 =	sadd.s32 $0x3, s2;
	v36 =	vadd.f32 v60, v13;
	[tilespmem:s3+$0x8C30] =	vst v31;
	v55 =	vadd.f32 v38, v39;
	v38 =	vld [tilespmem:s28+$0x8C60]  }
0x3d0: {  	v30 =	vmul.f32 v27, v5;
	p1 =	slt.u32 s2, $0x7B;
	v37 =	vadd.f32 v62, v14;
	[tilespmem:s3+$0x8C40] =	vst v32;
	v29 =	vadd.f32 v40, v46  }
.Ltmp8:
0x3d1: {  	v39 =	vadd.f32 v53, v15;
	v31 =	vmul.f32 v27, v6;
	[tilespmem:s3+$0x8C50] =	vst v0;
	v28 =	vadd.f32 v33, v47;
	(pc) =	sbr.rel @p1 .LBB2_18-.Ltmp8, $4  }
0x3d2: {  	v44 =	vadd.f32 v49, v16;
	v32 =	vmul.f32 v27, v7;
	[tilespmem:s3+$0x8C60] =	vst v2;
	v40 =	vadd.f32 v43, v48  }
0x3d3: {  	v47 =	vmul.f32 v27, v8;
	v43 =	vadd.f32 v41, v17;
	[tilespmem:s3+$0x8C70] =	vst v1;
	v41 =	vadd.f32 v52, v51  }
0x3d4: {  	v45 =	vadd.f32 v45, v18;
	v48 =	vmov s4;
	[tilespmem:s28+$0x8C00] =	vst v42;
	v42 =	vadd.f32 v38, v61  }
0x3d5: {  	v49 =	vmul.f32 v27, v9;
	v46 =	vadd.f32 v50, v11;
	v38 =	vadd.f32 v54, v12;
	[tilespmem:s28+$0x8C10] =	vst v55  }
0x3d6: {  	v1 =	vadd.f32 v30, v13;
	v2 =	vadd.f32 v31, v14  }
0x3d7: {  	v27 =	vmul.f32 v27, v10;
	v30 =	vadd.f32 v32, v15;
	v31 =	vadd.f32 v47, v16;
	s4 =	sadd.s32 $0x300, s29;
	s5 =	sadd.s32 $0x180, s26  }
0x3d8: {  	v33 =	vmax.f32 v35, $0.0e+00;
	v34 =	vmax.f32 v34, $0.0e+00;
	v50 =	vmax.f32 v36, $0.0e+00;
	s3 =	sadd.s32 $0xFFFFFE00, s4;
	s10 =	sadd.s32 $0xFFFFFF00, s5  }
0x3d9: {  	v37 =	vmax.f32 v37, $0.0e+00;
	v39 =	vmax.f32 v39, $0.0e+00;
	v32 =	vadd.f32 v49, v17;
	s3 =	sand.u32 $0x7800, s3;
	s30 =	sand.u32 $0x380, s10  }
0x3da: {  	v0 =	vld.idx.msk [tilespmem:v48+s21+$0x0], $0xffff;
	v44 =	vmax.f32 v44, $0.0e+00;
	v33 =	vadd.f32 v33, v19;
	v34 =	vadd.f32 v34, v20;
	s3 =	sor.u32 s30, s3  }
0x3db: {  	v43 =	vmax.f32 v43, $0.0e+00;
	[tilespmem:s28+$0x8C20] =	vst v29;
	v35 =	vadd.f32 v50, v21;
	v37 =	vadd.f32 v37, v22;
	v53 =	vld [tilespmem:s3+$0x8C00]  }
0x3dc: {  	v54 =	vmax.f32 v45, $0.0e+00;
	[tilespmem:s28+$0x8C30] =	vst v28;
	v39 =	vadd.f32 v39, v23;
	v28 =	vadd.f32 v44, v24;
	v55 =	vld [tilespmem:s3+$0x8C10]  }
0x3dd: {  	[tilespmem:s28+$0x8C40] =	vst v40;
	v56 =	vmax.f32 v46, $0.0e+00;
	v40 =	vadd.f32 v43, v25;
	v29 =	vadd.f32 v54, v26;
	v57 =	vld [tilespmem:s3+$0x8C20]  }
0x3de: {  	[tilespmem:s28+$0x8C50] =	vst v41;
	s2 =	sand.u32 $0xF800, s4;
	v38 =	vmax.f32 v38, $0.0e+00;
	v27 =	vadd.f32 v27, v18;
	v41 =	vadd.f32 v56, v19;
	v58 =	vld [tilespmem:s3+$0x8C30]  }
0x3df: {  	s9 =	sand.u32 $0x380, s5;
	s4 =	sadd.s32 $0xFFFFFF00, s4;
	s5 =	sadd.s32 $0xFFFFFF80, s5;
	v38 =	vadd.f32 v38, v20;
	v1 =	vmax.f32 v1, $0.0e+00;
	v2 =	vmax.f32 v2, $0.0e+00;
	v60 =	vld [tilespmem:s3+$0x8C40]  }
0x3e0: {  	s4 =	sand.u32 $0xF800, s4;
	s5 =	sand.u32 $0x380, s5;
	v1 =	vadd.f32 v1, v21;
	v2 =	vadd.f32 v2, v22;
	v62 =	vld [tilespmem:s3+$0x8C50]  }
0x3e1: {  	s4 =	sor.u32 s5, s4;
	v32 =	vmax.f32 v32, $0.0e+00;
	v50 =	vld [tilespmem:s3+$0x8C70];
	v51 =	vmul.f32 v0, v10;
	v33 =	vadd.f32 v33, v53  }
0x3e2: {  	[tilespmem:s28+$0x8C60] =	vst v42;
	s2 =	sor.u32 s9, s2;
	v56 =	vld [tilespmem:s4+$0x8C00];
	v32 =	vadd.f32 v32, v25;
	v59 =	vmul.f32 v0, v3;
	v34 =	vadd.f32 v34, v55  }
0x3e3: {  	v52 =	vld [tilespmem:s2+$0x8C70];
	v61 =	vmul.f32 v0, v4;
	v36 =	vadd.f32 v51, v18;
	v35 =	vadd.f32 v57, v35;
	[tilespmem:s3+$0x8C00] =	vst v33  }
0x3e4: {  	v49 =	vld [tilespmem:s4+$0x8C60];
	v44 =	vadd.f32 v59, v11;
	v37 =	vadd.f32 v58, v37;
	[tilespmem:s3+$0x8C10] =	vst v34  }
0x3e5: {  	v30 =	vmax.f32 v30, $0.0e+00;
	v47 =	vld [tilespmem:s4+$0x8C50];
	v42 =	vadd.f32 v61, v12;
	v39 =	vadd.f32 v60, v39;
	[tilespmem:s3+$0x8C20] =	vst v35  }
0x3e6: {  	v59 =	vld [tilespmem:s4+$0x8C20];
	v51 =	vmax.f32 v31, $0.0e+00;
	v28 =	vadd.f32 v62, v28;
	v29 =	vadd.f32 v50, v29;
	[tilespmem:s3+$0x8C30] =	vst v37  }
0x3e7: {  	v61 =	vld [tilespmem:s4+$0x8C40];
	v36 =	vmax.f32 v36, $0.0e+00;
	v62 =	vadd.f32 v41, v56;
	v50 =	vadd.f32 v30, v23;
	[tilespmem:s3+$0x8C40] =	vst v39  }
0x3e8: {  	v53 =	vld [tilespmem:s3+$0x8C60];
	v30 =	vadd.f32 v51, v24;
	v36 =	vadd.f32 v36, v26;
	[tilespmem:s3+$0x8C50] =	vst v28  }
0x3e9: {  	v27 =	vmax.f32 v27, $0.0e+00;
	v54 =	vmul.f32 v0, v6;
	v60 =	vld [tilespmem:s4+$0x8C30];
	v32 =	vadd.f32 v49, v32;
	[tilespmem:s3+$0x8C70] =	vst v29  }
0x3ea: {  	[tilespmem:s4+$0x8C00] =	vst v62;
	v30 =	vadd.f32 v47, v30;
	v36 =	vadd.f32 v52, v36;
	v52 =	vmul.f32 v0, v5  }
0x3eb: {  	v27 =	vadd.f32 v27, v26;
	v43 =	vadd.f32 v54, v14;
	v55 =	vmul.f32 v0, v7;
	v58 =	vld [tilespmem:s4+$0x8C10];
	[tilespmem:s4+$0x8C60] =	vst v32  }
0x3ec: {  	v57 =	vmul.f32 v0, v8;
	v1 =	vadd.f32 v59, v1;
	[tilespmem:s4+$0x8C50] =	vst v30;
	v46 =	vadd.f32 v52, v13;
	v52 =	vld [tilespmem:s4+$0x8C70]  }
0x3ed: {  	v0 =	vmul.f32 v0, v9;
	v29 =	vadd.f32 v61, v50;
	[tilespmem:s2+$0x8C70] =	vst v36;
	v36 =	vadd.f32 v53, v40;
	v53 =	vld [tilespmem:s2+$0x8C00]  }
0x3ee: {  	v54 =	vld [tilespmem:s2+$0x8C10];
	v33 =	vadd.f32 v55, v15;
	v2 =	vadd.f32 v60, v2;
	[tilespmem:s4+$0x8C20] =	vst v1  }
0x3ef: {  	v34 =	vadd.f32 v57, v16;
	v55 =	vld [tilespmem:s2+$0x8C20];
	v0 =	vadd.f32 v0, v17;
	v1 =	vmax.f32 v44, $0.0e+00;
	[tilespmem:s4+$0x8C40] =	vst v29  }
0x3f0: {  	v62 =	vld [tilespmem:s2+$0x8C60];
	v48 =	vadd.f32 v38, v58;
	v1 =	vadd.f32 v1, v19;
	[tilespmem:s4+$0x8C30] =	vst v2;
	v2 =	vmax.f32 v42, $0.0e+00  }
0x3f1: {  	v58 =	vld [tilespmem:s2+$0x8C40];
	[tilespmem:s3+$0x8C60] =	vst v36;
	v57 =	vmax.f32 v46, $0.0e+00;
	v2 =	vadd.f32 v2, v20;
	v27 =	vadd.f32 v52, v27  }
0x3f2: {  	v56 =	vld [tilespmem:s2+$0x8C30];
	[tilespmem:s4+$0x8C10] =	vst v48;
	v0 =	vmax.f32 v0, $0.0e+00;
	v29 =	vadd.f32 v57, v21;
	v1 =	vadd.f32 v1, v53  }
0x3f3: {  	v61 =	vmax.f32 v33, $0.0e+00;
	v60 =	vld [tilespmem:s2+$0x8C50];
	v0 =	vadd.f32 v0, v25;
	v2 =	vadd.f32 v2, v54;
	[tilespmem:s4+$0x8C70] =	vst v27  }
0x3f4: {  	v59 =	vmax.f32 v43, $0.0e+00;
	v31 =	vadd.f32 v61, v23;
	v29 =	vadd.f32 v55, v29;
	[tilespmem:s2+$0x8C00] =	vst v1  }
0x3f5: {  	v30 =	vadd.f32 v59, v22;
	v0 =	vadd.f32 v62, v0;
	v27 =	vmax.f32 v34, $0.0e+00;
	[tilespmem:s2+$0x8C10] =	vst v2  }
0x3f6: {  	v2 =	vadd.f32 v58, v31;
	[tilespmem:s2+$0x8C20] =	vst v29;
	v1 =	vadd.f32 v27, v24  }
0x3f7: {  	[tilespmem:s2+$0x8C60] =	vst v0;
	v27 =	vadd.f32 v56, v30  }
0x3f8: {  	[tilespmem:s2+$0x8C40] =	vst v2;
	v1 =	vadd.f32 v60, v1  }
0x3f9: {  	[tilespmem:s2+$0x8C30] =	vst v27  }
0x3fa: {  	s3 =	simm.s32 $0x0;
	s4 =	simm.s32 $0xFE;
	[tilespmem:s2+$0x8C50] =	vst v1  }
.LBB2_20:
0x3fb: {  	v0 =	vmov s4;
	_ =	sdelay $0x4  }
0x3fc: {  	v0 =	vld.idx.msk [tilespmem:v0+s21+$0x0], $0xffff;
	_ =	sdelay $0x4  }
0x3fd: {  	v1 =	vmul.f32 v0, v3;
	v2 =	vmul.f32 v0, v4  }
0x3fe: {  	v28 =	vmul.f32 v0, v5;
	v31 =	vmul.f32 v0, v6  }
0x3ff: {  	s2 =	sshra.s32 s3, $0x2;
	v56 =	vmul.f32 v0, v7;
	v32 =	vmul.f32 v0, v8  }
0x400: {  	v27 =	vld [tilespmem:s2+$0x10700];
	v33 =	vmul.f32 v0, v9;
	v0 =	vmul.f32 v0, v10;
	v1 =	vadd.f32 v1, v11  }
0x401: {  	v2 =	vadd.f32 v2, v12  }
0x402: {  	v29 =	vld [tilespmem:s2+$0x10710];
	v28 =	vadd.f32 v28, v13;
	v0 =	vadd.f32 v0, v18;
	v1 =	vmax.f32 v1, $0.0e+00  }
0x403: {  	v61 =	vld [tilespmem:s2+$0x10770];
	v57 =	vadd.f32 v31, v14;
	v2 =	vmax.f32 v2, $0.0e+00;
	v1 =	vadd.f32 v1, v19  }
0x404: {  	v30 =	vld [tilespmem:s2+$0x10720];
	v32 =	vadd.f32 v32, v16;
	v0 =	vmax.f32 v0, $0.0e+00;
	v2 =	vadd.f32 v2, v20  }
0x405: {  	v58 =	vld [tilespmem:s2+$0x10730];
	v28 =	vmax.f32 v28, $0.0e+00;
	v0 =	vadd.f32 v0, v26;
	v1 =	vadd.f32 v1, v27  }
0x406: {  	v59 =	vld [tilespmem:s2+$0x10740];
	v27 =	vadd.f32 v28, v21;
	v28 =	vadd.f32 v56, v15  }
0x407: {  	v34 =	vld [tilespmem:s2+$0x10750];
	v33 =	vadd.f32 v33, v17;
	v2 =	vadd.f32 v2, v29;
	v29 =	vmax.f32 v57, $0.0e+00  }
0x408: {  	v35 =	vld [tilespmem:s2+$0x10760];
	v0 =	vadd.f32 v61, v0;
	v29 =	vadd.f32 v29, v22;
	v28 =	vmax.f32 v28, $0.0e+00;
	[tilespmem:s2+$0x10700] =	vst v1  }
0x409: {  	v60 =	vmax.f32 v32, $0.0e+00;
	v27 =	vadd.f32 v30, v27;
	[tilespmem:s2+$0x10710] =	vst v2;
	v1 =	vadd.f32 v28, v23  }
0x40a: {  	p1 =	sne.s32 s3, $0x200;
	v62 =	vmax.f32 v33, $0.0e+00;
	[tilespmem:s2+$0x10770] =	vst v0;
	v2 =	vadd.f32 v58, v29;
	v28 =	vadd.f32 v60, v24  }
.Ltmp9:
0x40b: {  	[tilespmem:s2+$0x10720] =	vst v27;
	v27 =	vadd.f32 v62, v25;
	v1 =	vadd.f32 v59, v1;
	(pc) =	sbr.rel @p1 .LBB2_20-.Ltmp9, $4  }
0x40c: {  	[tilespmem:s2+$0x10730] =	vst v2;
	v2 =	vadd.f32 v34, v28  }
0x40d: {  	[tilespmem:s2+$0x10740] =	vst v1;
	v1 =	vadd.f32 v35, v27  }
0x40e: {  	[tilespmem:s2+$0x10750] =	vst v2  }
0x40f: {  	s4 =	sadd.s32 $0x1, s4;
	s3 =	sadd.s32 $0x200, s3;
	[tilespmem:s2+$0x10760] =	vst v1  }
0x410: {  	s2 =	simm.s32 $0x8800;
	s3 =	sadd.s32 $0x0, s12;
	s4 =	simm.s32 $0x8C00  }
0x411: {  	[hbm4b:s3+s7] =	stream.strided.scatter [tilespmem:s2], [sflag:$0x5], $0x400, s22, s7, $0x38;
	[tilespmem:$0x18900] =	vst v63  }
0x412: {  	s2 =	simm.s32 $0x100;
	s5 =	sadd.s32 $0x10, s3;
	s3 =	simm.s32 $0x9000  }
.LBB2_22:
0x413: {  	[hbm4b:s5+s7] =	stream.strided.scatter [tilespmem:s4], [sflag:$0x5], $0x400, s22, s7, $0x38;
	[tilespmem:$0x18900] =	vst v63  }
0x414: {  	s4 =	smov.u32 s2;
	p1 =	sne.s32 s2, $0xF00  }
.Ltmp10:
0x415: {  	s2 =	sadd.s32 $0x100, s2;
	(pc) =	sbr.rel @p1 .LBB2_22-.Ltmp10, $4  }
0x416: {  	_ = 	snop  }
0x417: {  	s5 =	sadd.s32 s4, s12  }
0x418: {  	[hbm4b:s5+s7] =	stream.strided.scatter [tilespmem:s3], [sflag:$0x5], $0x400, s22, s7, $0x38;
	[tilespmem:$0x18900] =	vst v63  }
0x419: {  	s4 =	sadd.s32 $0x400, s3;
	s5 =	sadd.s32 $0x10, s5;
	s3 =	sadd.s32 $0x800, s3  }
0x41a: {  	[hbm4b:s5+s7] =	stream.strided.scatter [tilespmem:s4], [sflag:$0x5], $0x400, s22, s7, $0x38;
	[tilespmem:$0x18900] =	vst v63  }
0x41b: {  	_ =	swait.ge [sflag:s24], $0x8000  }
0x41c: {  	[sflag:s24] =	ssyncset.done $0x0  }
0x41d: {  	[sflag:s24] =	ssyncadd.s32 $0xFFFF8000  }
0x41e: {  	_ =	swait.ge [sflag:s20], $0x8000  }
0x41f: {  	[sflag:s20] =	ssyncset.done $0x0  }
0x420: {  	[sflag:s20] =	ssyncadd.s32 $0xFFFF8000  }
0x421: {  	v0 =	vld [tilespmem:$0x180];
	_ =	sdelay $0x3  }
0x422: {  	v2 =	vld [tilespmem:$0x1FFE0]  }
0x423: {  	v3 =	vld [tilespmem:$0x1FFF0];
	v1 =	vshll.u32 v0, $0x1  }
0x424: {  	v0 =	vand.u32 $0x7, v0;
	v1 =	vand.u32 $0xFFFFFFF0, v1  }
0x425: {  	v0 =	vor.u32 v0, v1  }
0x426: {  	v1 =	vperm.xlane v0, v63;
	_ =	sdelay $0x1  }
0x427: {  	v0 =	vperm.xlane v0, v3;
	v1 =	vadd.s32 v2, v1;
	_ =	sdelay $0x1  }
0x428: {  	v0 =	vadd.s32 v2, v0;
	_ =	sdelay $0x1  }
0x429: {  	s2 =	simm.s32 $0x800  }
0x42a: {  	[tilespmem:s2], [sflag:$0x1] =	stream.indirect_vreg.gather [hbm4b:s0+s8], $0x80, v1, vm0, $0xb8;
	[tilespmem:$0x18900] =	vst v63  }
0x42b: {  	s9 =	simm.s32 $0x1000  }
0x42c: {  	[tilespmem:s9], [sflag:$0x1] =	stream.indirect_vreg.gather [hbm4b:s0+s8], $0x80, v0, vm0, $0xb8;
	[tilespmem:$0x18900] =	vst v63  }
0x42d: {  	v0 =	vld [tilespmem:$0x190];
	_ =	sdelay $0x4  }
0x42e: {  	v1 =	vshll.u32 v0, $0x1  }
0x42f: {  	v0 =	vand.u32 $0x7, v0;
	v1 =	vand.u32 $0xFFFFFFF0, v1  }
0x430: {  	v0 =	vor.u32 v0, v1  }
0x431: {  	v1 =	vperm.xlane v0, v63;
	_ =	sdelay $0x1  }
0x432: {  	v0 =	vperm.xlane v0, v3;
	v1 =	vadd.s32 v2, v1;
	_ =	sdelay $0x1  }
0x433: {  	v0 =	vadd.s32 v2, v0;
	_ =	sdelay $0x1  }
0x434: {  	s10 =	simm.s32 $0x1800  }
0x435: {  	[tilespmem:s10], [sflag:$0x1] =	stream.indirect_vreg.gather [hbm4b:s0+s8], $0x80, v1, vm0, $0xb8;
	[tilespmem:$0x18900] =	vst v63  }
0x436: {  	s26 =	simm.s32 $0x2000  }
0x437: {  	[tilespmem:s26], [sflag:$0x1] =	stream.indirect_vreg.gather [hbm4b:s0+s8], $0x80, v0, vm0, $0xb8;
	[tilespmem:$0x18900] =	vst v63  }
0x438: {  	v0 =	vld [tilespmem:$0x1A0];
	_ =	sdelay $0x4  }
0x439: {  	v1 =	vshll.u32 v0, $0x1  }
0x43a: {  	v0 =	vand.u32 $0x7, v0;
	v1 =	vand.u32 $0xFFFFFFF0, v1  }
0x43b: {  	v0 =	vor.u32 v0, v1  }
0x43c: {  	v1 =	vperm.xlane v0, v63;
	_ =	sdelay $0x1  }
0x43d: {  	v0 =	vperm.xlane v0, v3;
	v1 =	vadd.s32 v2, v1;
	_ =	sdelay $0x1  }
0x43e: {  	v0 =	vadd.s32 v2, v0;
	_ =	sdelay $0x1  }
0x43f: {  	s29 =	simm.s32 $0x2800  }
0x440: {  	[tilespmem:s29], [sflag:$0x1] =	stream.indirect_vreg.gather [hbm4b:s0+s8], $0x80, v1, vm0, $0xb8;
	[tilespmem:$0x18900] =	vst v63  }
0x441: {  	s30 =	simm.s32 $0x3000  }
0x442: {  	[tilespmem:s30], [sflag:$0x1] =	stream.indirect_vreg.gather [hbm4b:s0+s8], $0x80, v0, vm0, $0xb8;
	[tilespmem:$0x18900] =	vst v63  }
0x443: {  	v0 =	vld [tilespmem:$0x1B0];
	_ =	sdelay $0x4  }
0x444: {  	v1 =	vshll.u32 v0, $0x1  }
0x445: {  	v0 =	vand.u32 $0x7, v0;
	v1 =	vand.u32 $0xFFFFFFF0, v1  }
0x446: {  	v0 =	vor.u32 v0, v1  }
0x447: {  	v1 =	vperm.xlane v0, v63;
	_ =	sdelay $0x1  }
0x448: {  	v0 =	vperm.xlane v0, v3;
	v1 =	vadd.s32 v2, v1;
	_ =	sdelay $0x1  }
0x449: {  	v0 =	vadd.s32 v2, v0;
	_ =	sdelay $0x1  }
0x44a: {  	s3 =	simm.s32 $0x3800  }
0x44b: {  	[tilespmem:s3], [sflag:$0x1] =	stream.indirect_vreg.gather [hbm4b:s0+s8], $0x80, v1, vm0, $0xb8;
	[tilespmem:$0x18900] =	vst v63  }
0x44c: {  	s4 =	simm.s32 $0x4000  }
0x44d: {  	[tilespmem:s4], [sflag:$0x1] =	stream.indirect_vreg.gather [hbm4b:s0+s8], $0x80, v0, vm0, $0xb8;
	[tilespmem:$0x18900] =	vst v63  }
0x44e: {  	v0 =	vld [tilespmem:$0x1C0];
	_ =	sdelay $0x4  }
0x44f: {  	v1 =	vshll.u32 v0, $0x1  }
0x450: {  	v0 =	vand.u32 $0x7, v0;
	v1 =	vand.u32 $0xFFFFFFF0, v1  }
0x451: {  	v0 =	vor.u32 v0, v1  }
0x452: {  	v1 =	vperm.xlane v0, v63;
	_ =	sdelay $0x1  }
0x453: {  	v0 =	vperm.xlane v0, v3;
	v1 =	vadd.s32 v2, v1;
	_ =	sdelay $0x1  }
0x454: {  	v0 =	vadd.s32 v2, v0;
	_ =	sdelay $0x1  }
0x455: {  	s5 =	simm.s32 $0x4800  }
0x456: {  	[tilespmem:s5], [sflag:$0x1] =	stream.indirect_vreg.gather [hbm4b:s0+s8], $0x80, v1, vm0, $0xb8;
	[tilespmem:$0x18900] =	vst v63  }
0x457: {  	s9 =	simm.s32 $0x5000  }
0x458: {  	[tilespmem:s9], [sflag:$0x1] =	stream.indirect_vreg.gather [hbm4b:s0+s8], $0x80, v0, vm0, $0xb8;
	[tilespmem:$0x18900] =	vst v63  }
0x459: {  	v0 =	vld [tilespmem:$0x1D0];
	_ =	sdelay $0x4  }
0x45a: {  	v1 =	vshll.u32 v0, $0x1  }
0x45b: {  	v0 =	vand.u32 $0x7, v0;
	v1 =	vand.u32 $0xFFFFFFF0, v1  }
0x45c: {  	v0 =	vor.u32 v0, v1  }
0x45d: {  	v1 =	vperm.xlane v0, v63;
	_ =	sdelay $0x1  }
0x45e: {  	v0 =	vperm.xlane v0, v3;
	v1 =	vadd.s32 v2, v1;
	_ =	sdelay $0x1  }
0x45f: {  	v0 =	vadd.s32 v2, v0;
	_ =	sdelay $0x1  }
0x460: {  	s10 =	simm.s32 $0x5800  }
0x461: {  	[tilespmem:s10], [sflag:$0x1] =	stream.indirect_vreg.gather [hbm4b:s0+s8], $0x80, v1, vm0, $0xb8;
	[tilespmem:$0x18900] =	vst v63  }
0x462: {  	s26 =	simm.s32 $0x6000  }
0x463: {  	[tilespmem:s26], [sflag:$0x1] =	stream.indirect_vreg.gather [hbm4b:s0+s8], $0x80, v0, vm0, $0xb8;
	[tilespmem:$0x18900] =	vst v63  }
0x464: {  	v0 =	vld [tilespmem:$0x1E0];
	_ =	sdelay $0x4  }
0x465: {  	v1 =	vshll.u32 v0, $0x1  }
0x466: {  	v0 =	vand.u32 $0x7, v0;
	v1 =	vand.u32 $0xFFFFFFF0, v1  }
0x467: {  	v0 =	vor.u32 v0, v1  }
0x468: {  	v1 =	vperm.xlane v0, v63;
	_ =	sdelay $0x1  }
0x469: {  	v0 =	vperm.xlane v0, v3;
	v1 =	vadd.s32 v2, v1;
	_ =	sdelay $0x1  }
0x46a: {  	v0 =	vadd.s32 v2, v0;
	_ =	sdelay $0x1  }
0x46b: {  	s29 =	simm.s32 $0x6800  }
0x46c: {  	[tilespmem:s29], [sflag:$0x1] =	stream.indirect_vreg.gather [hbm4b:s0+s8], $0x80, v1, vm0, $0xb8;
	[tilespmem:$0x18900] =	vst v63  }
0x46d: {  	s30 =	simm.s32 $0x7000  }
0x46e: {  	[tilespmem:s30], [sflag:$0x1] =	stream.indirect_vreg.gather [hbm4b:s0+s8], $0x80, v0, vm0, $0xb8;
	[tilespmem:$0x18900] =	vst v63  }
0x46f: {  	v0 =	vld [tilespmem:$0x1F0];
	_ =	sdelay $0x4  }
0x470: {  	v1 =	vshll.u32 v0, $0x1  }
0x471: {  	v0 =	vand.u32 $0x7, v0;
	v1 =	vand.u32 $0xFFFFFFF0, v1  }
0x472: {  	v0 =	vor.u32 v0, v1  }
0x473: {  	v1 =	vperm.xlane v0, v63;
	_ =	sdelay $0x1  }
0x474: {  	v0 =	vperm.xlane v0, v3;
	v1 =	vadd.s32 v2, v1;
	_ =	sdelay $0x1  }
0x475: {  	v0 =	vadd.s32 v2, v0;
	_ =	sdelay $0x1  }
0x476: {  	s3 =	simm.s32 $0x7800  }
0x477: {  	[tilespmem:s3], [sflag:$0x1] =	stream.indirect_vreg.gather [hbm4b:s0+s8], $0x80, v1, vm0, $0xb8;
	[tilespmem:$0x18900] =	vst v63  }
0x478: {  	s4 =	simm.s32 $0x8000  }
0x479: {  	[tilespmem:s4], [sflag:$0x1] =	stream.indirect_vreg.gather [hbm4b:s0+s8], $0x80, v0, vm0, $0xb8;
	[tilespmem:$0x18900] =	vst v63  }
0x47a: {  	s9 =	simm.s32 $0x101;
	v3 =	vld [tilespmem:$0x410]  }
0x47b: {  	v1 =	vmov s9;
	v4 =	vld [tilespmem:$0x420]  }
0x47c: {  	v5 =	vld [tilespmem:$0x430]  }
0x47d: {  	s5 =	simm.s32 $0x100;
	v6 =	vld [tilespmem:$0x440]  }
0x47e: {  	v0 =	vmov s5;
	v7 =	vld [tilespmem:$0x450]  }
0x47f: {  	v8 =	vld [tilespmem:$0x460]  }
0x480: {  	v28 =	vld.idx.msk [tilespmem:v1+s21+$0x0], $0xffff  }
0x481: {  	v9 =	vld [tilespmem:$0x470]  }
0x482: {  	v10 =	vld [tilespmem:$0x490]  }
0x483: {  	v0 =	vld.idx.msk [tilespmem:v0+s21+$0x0], $0xffff  }
0x484: {  	v11 =	vld [tilespmem:$0x4A0]  }
0x485: {  	v12 =	vld [tilespmem:$0x4B0];
	v25 =	vmul.f32 v28, v3  }
0x486: {  	v13 =	vld [tilespmem:$0x4C0];
	v26 =	vmul.f32 v28, v4;
	v27 =	vmul.f32 v28, v5  }
0x487: {  	v17 =	vld [tilespmem:$0x400];
	v29 =	vmul.f32 v28, v6;
	v31 =	vmul.f32 v28, v7  }
0x488: {  	v14 =	vld [tilespmem:$0x4D0];
	v1 =	vmul.f32 v0, v3;
	v2 =	vmul.f32 v0, v4  }
0x489: {  	s29 =	simm.s32 $0x104;
	v15 =	vld [tilespmem:$0x4E0];
	v20 =	vmul.f32 v0, v5;
	v21 =	vmul.f32 v0, v6  }
0x48a: {  	v41 =	vmov s29;
	v16 =	vld [tilespmem:$0x4F0];
	v22 =	vmul.f32 v0, v7;
	v23 =	vmul.f32 v0, v8  }
0x48b: {  	v18 =	vld [tilespmem:$0x480];
	v24 =	vmul.f32 v0, v9;
	v40 =	vadd.f32 v25, v10;
	v37 =	vadd.f32 v26, v11  }
0x48c: {  	v19 =	vld [tilespmem:$0x510];
	v0 =	vmul.f32 v0, v17;
	v35 =	vadd.f32 v27, v12;
	v32 =	vadd.f32 v29, v13  }
0x48d: {  	s26 =	simm.s32 $0x103;
	v25 =	vmul.f32 v28, v17;
	v29 =	vadd.f32 v31, v14;
	v34 =	vadd.f32 v20, v12;
	v20 =	vld [tilespmem:$0x540]  }
0x48e: {  	s10 =	simm.s32 $0x102;
	v27 =	vmov s26;
	v1 =	vadd.f32 v1, v10;
	v30 =	vadd.f32 v21, v13;
	v21 =	vld [tilespmem:$0x550]  }
0x48f: {  	v36 =	vadd.f32 v2, v11;
	v2 =	vmov s10;
	v33 =	vadd.f32 v22, v14;
	v22 =	vld [tilespmem:$0x560]  }
0x490: {  	s30 =	simm.s32 $0x0;
	v38 =	vadd.f32 v23, v15;
	v39 =	vadd.f32 v24, v16;
	v24 =	vmul.f32 v28, v8;
	v23 =	vld [tilespmem:$0x570];
	s10 =	simm.s32 $0x0  }
0x491: {  	s2 =	sand.u32 $0x7800, s30;
	v0 =	vadd.f32 v0, v18;
	v42 =	vadd.f32 v25, v18;
	v25 =	vld [tilespmem:$0x520];
	v28 =	vmul.f32 v28, v9;
	s29 =	sand.u32 $0x380, s10  }
0x492: {  	v37 =	vmax.f32 v37, $0.0e+00;
	v29 =	vmax.f32 v29, $0.0e+00;
	v31 =	vadd.f32 v24, v15;
	v24 =	vld [tilespmem:$0x500];
	s10 =	sor.u32 s29, s2  }
0x493: {  	v1 =	vmax.f32 v1, $0.0e+00;
	v26 =	vmax.f32 v30, $0.0e+00;
	v30 =	vmax.f32 v33, $0.0e+00;
	v50 =	vld [tilespmem:s10+$0x10800];
	s29 =	sadd.s32 $0x10800, s10  }
0x494: {  	v56 =	vmax.f32 v38, $0.0e+00;
	v57 =	vmax.f32 v39, $0.0e+00;
	v28 =	vadd.f32 v28, v16;
	v53 =	vld [tilespmem:s29+$0x40]  }
0x495: {  	v0 =	vmax.f32 v0, $0.0e+00;
	v1 =	vadd.f32 v1, v19;
	v2 =	vld.idx.msk [tilespmem:v2+s21+$0x0], $0xffff;
	v39 =	vadd.f32 v26, v20  }
0x496: {  	s28 =	simm.s32 $0x200;
	s30 =	simm.s32 $0x80;
	s26 =	simm.s32 $0x100;
	v36 =	vmax.f32 v36, $0.0e+00;
	v55 =	vld [tilespmem:s29+$0x50];
	v43 =	vadd.f32 v30, v21;
	v44 =	vadd.f32 v56, v22  }
0x497: {  	s3 =	sand.u32 $0xF800, s28;
	s9 =	simm.s32 $0x100;
	s5 =	sand.u32 $0x380, s26;
	v58 =	vmax.f32 v42, $0.0e+00;
	v38 =	vadd.f32 v57, v23;
	v36 =	vadd.f32 v36, v25  }
0x498: {  	s4 =	sor.u32 s5, s3;
	s3 =	sand.u32 $0xF800, s9;
	s5 =	sand.u32 $0x380, s30;
	v31 =	vmax.f32 v31, $0.0e+00;
	v29 =	vadd.f32 v29, v21;
	v0 =	vadd.f32 v0, v24  }
0x499: {  	v45 =	vld [tilespmem:s4+$0x10800];
	s5 =	sor.u32 s5, s3;
	v34 =	vmax.f32 v34, $0.0e+00;
	v31 =	vadd.f32 v31, v22;
	v47 =	vadd.f32 v58, v24  }
0x49a: {  	v51 =	vld [tilespmem:s5+$0x10800];
	v0 =	vadd.f32 v0, v50;
	v39 =	vadd.f32 v53, v39;
	v30 =	vmul.f32 v2, v17  }
0x49b: {  	v26 =	vld [tilespmem:$0x530];
	v43 =	vadd.f32 v55, v43;
	v46 =	vmul.f32 v2, v3;
	v48 =	vmul.f32 v2, v6  }
0x49c: {  	v52 =	vmul.f32 v2, v8;
	v59 =	vadd.f32 v30, v18;
	v30 =	vld.idx.msk [tilespmem:v27+s21+$0x0], $0xffff;
	v27 =	vmul.f32 v2, v4  }
0x49d: {  	v56 =	vld [tilespmem:s29+$0x70];
	v49 =	vmul.f32 v2, v7;
	v46 =	vadd.f32 v46, v10;
	v48 =	vadd.f32 v48, v13  }
0x49e: {  	v60 =	vadd.f32 v52, v15;
	v52 =	vld [tilespmem:s29+$0x60];
	[tilespmem:s10+$0x10800] =	vst v0;
	v42 =	vmax.f32 v59, $0.0e+00;
	v27 =	vadd.f32 v27, v11  }
0x49f: {  	v54 =	vmul.f32 v2, v9;
	v49 =	vadd.f32 v49, v14;
	v58 =	vld [tilespmem:s29+$0x10];
	v42 =	vadd.f32 v42, v24  }
0x4a0: {  	v2 =	vmul.f32 v2, v5;
	v0 =	vadd.f32 v47, v51;
	v59 =	vld [tilespmem:s29+$0x20];
	v27 =	vmax.f32 v27, $0.0e+00  }
0x4a1: {  	v61 =	vmax.f32 v49, $0.0e+00;
	v42 =	vadd.f32 v42, v45;
	v50 =	vadd.f32 v27, v25;
	v27 =	vld.idx.msk [tilespmem:v41+s21+$0x0], $0xffff  }
0x4a2: {  	s30 =	sadd.s32 $0x10800, s5;
	v2 =	vadd.f32 v2, v12;
	[tilespmem:s5+$0x10800] =	vst v0;
	v45 =	vmax.f32 v46, $0.0e+00;
	v46 =	vmax.f32 v60, $0.0e+00;
	v60 =	vld [tilespmem:s29+$0x30]  }
0x4a3: {  	s2 =	sadd.s32 $0x10800, s4;
	v34 =	vadd.f32 v34, v26;
	v48 =	vmax.f32 v48, $0.0e+00;
	[tilespmem:s4+$0x10800] =	vst v42;
	v42 =	vadd.f32 v61, v21;
	v61 =	vld [tilespmem:s30+$0x10]  }
0x4a4: {  	v54 =	vadd.f32 v54, v16;
	v2 =	vmax.f32 v2, $0.0e+00;
	v41 =	vadd.f32 v48, v20;
	v62 =	vld [tilespmem:s2+$0x30]  }
0x4a5: {  	[tilespmem:s29+$0x40] =	vst v39;
	v2 =	vadd.f32 v2, v26;
	v44 =	vadd.f32 v52, v44;
	v48 =	vmax.f32 v40, $0.0e+00;
	v57 =	vld [tilespmem:s2+$0x10]  }
0x4a6: {  	v35 =	vmax.f32 v35, $0.0e+00;
	[tilespmem:s29+$0x50] =	vst v43;
	v1 =	vadd.f32 v1, v58;
	v39 =	vadd.f32 v48, v19  }
0x4a7: {  	v32 =	vmax.f32 v32, $0.0e+00;
	v45 =	vadd.f32 v45, v19;
	v36 =	vadd.f32 v59, v36;
	v59 =	vld [tilespmem:s30+$0x50];
	[tilespmem:s29+$0x60] =	vst v44  }
0x4a8: {  	s9 =	simm.s32 $0x105;
	v28 =	vmax.f32 v28, $0.0e+00;
	[tilespmem:s29+$0x10] =	vst v1;
	v1 =	vadd.f32 v60, v34;
	v60 =	vadd.f32 v39, v61;
	v61 =	vld [tilespmem:s30+$0x60]  }
0x4a9: {  	v33 =	vmov s9;
	v28 =	vadd.f32 v28, v23;
	[tilespmem:s29+$0x20] =	vst v36;
	v2 =	vadd.f32 v62, v2;
	v62 =	vld [tilespmem:s30+$0x20]  }
0x4aa: {  	v35 =	vadd.f32 v35, v26;
	v54 =	vmax.f32 v54, $0.0e+00;
	[tilespmem:s29+$0x30] =	vst v1;
	v45 =	vadd.f32 v45, v57;
	v57 =	vld [tilespmem:s30+$0x40]  }
0x4ab: {  	v47 =	vadd.f32 v54, v23;
	v51 =	vmul.f32 v30, v3;
	[tilespmem:s2+$0x30] =	vst v2;
	v2 =	vadd.f32 v56, v38;
	v56 =	vld [tilespmem:s2+$0x20]  }
0x4ac: {  	v0 =	vmul.f32 v30, v4;
	v46 =	vadd.f32 v46, v22;
	v58 =	vadd.f32 v37, v25;
	[tilespmem:s30+$0x10] =	vst v60;
	v38 =	vld [tilespmem:s30+$0x30]  }
0x4ad: {  	v49 =	vmul.f32 v30, v5;
	v40 =	vld [tilespmem:s2+$0x40];
	[tilespmem:s29+$0x70] =	vst v2;
	v2 =	vadd.f32 v32, v20;
	v31 =	vadd.f32 v61, v31  }
0x4ae: {  	v48 =	vmul.f32 v30, v7;
	v60 =	vmul.f32 v27, v3;
	[tilespmem:s2+$0x10] =	vst v45;
	v1 =	vadd.f32 v62, v58  }
0x4af: {  	v36 =	vmul.f32 v27, v6;
	v39 =	vadd.f32 v51, v10;
	v32 =	vld [tilespmem:s2+$0x50];
	v2 =	vadd.f32 v57, v2;
	[tilespmem:s30+$0x60] =	vst v31  }
0x4b0: {  	v45 =	vmul.f32 v30, v6;
	v62 =	vld [tilespmem:s30+$0x70];
	v31 =	vadd.f32 v60, v10;
	v55 =	vadd.f32 v56, v50;
	[tilespmem:s30+$0x20] =	vst v1  }
0x4b1: {  	v58 =	vmul.f32 v30, v9;
	v57 =	vld [tilespmem:s2+$0x60];
	v35 =	vadd.f32 v38, v35;
	v1 =	vadd.f32 v59, v29;
	[tilespmem:s30+$0x40] =	vst v2  }
0x4b2: {  	v44 =	vmul.f32 v27, v7;
	v59 =	vld [tilespmem:s2+$0x70];
	v29 =	vadd.f32 v0, v11;
	v0 =	vadd.f32 v40, v41;
	[tilespmem:s2+$0x20] =	vst v55  }
0x4b3: {  	v56 =	vmul.f32 v30, v8;
	v40 =	vadd.f32 v45, v13;
	v41 =	vadd.f32 v58, v16;
	[tilespmem:s30+$0x30] =	vst v35  }
0x4b4: {  	v45 =	vmul.f32 v27, v8;
	[tilespmem:s30+$0x50] =	vst v1;
	v1 =	vadd.f32 v32, v42;
	v42 =	vadd.f32 v48, v14  }
0x4b5: {  	v43 =	vadd.f32 v56, v15;
	[tilespmem:s2+$0x40] =	vst v0;
	v61 =	vadd.f32 v62, v28;
	v62 =	vmul.f32 v27, v4  }
0x4b6: {  	v35 =	vmul.f32 v27, v5;
	v28 =	vadd.f32 v49, v12;
	v34 =	vadd.f32 v57, v46;
	[tilespmem:s2+$0x50] =	vst v1  }
0x4b7: {  	s3 =	simm.s32 $0x3;
	v32 =	vmul.f32 v30, v17;
	[tilespmem:s30+$0x70] =	vst v61;
	v38 =	vadd.f32 v59, v47;
	v30 =	vadd.f32 v62, v11  }
.LBB2_24:
0x4b8: {  	s4 =	sadd.s32 $0x103, s3;
	v0 =	vmul.f32 v27, v17;
	v37 =	vadd.f32 v35, v12;
	v36 =	vadd.f32 v36, v13;
	[tilespmem:s2+$0x60] =	vst v34  }
0x4b9: {  	v35 =	vadd.f32 v44, v14;
	v34 =	vadd.f32 v45, v15;
	v1 =	vmov s4;
	s4 =	sadd.s32 $0x104, s3;
	v2 =	vld.idx.msk [tilespmem:v33+s21+$0x0], $0xffff;
	[tilespmem:s2+$0x70] =	vst v38  }
0x4ba: {  	v32 =	vadd.f32 v32, v18;
	v33 =	vmov s4;
	v0 =	vadd.f32 v0, v18  }
0x4bb: {  	v38 =	vmax.f32 v39, $0.0e+00;
	v39 =	vmax.f32 v40, $0.0e+00;
	v40 =	vmax.f32 v42, $0.0e+00  }
0x4bc: {  	v41 =	vmax.f32 v41, $0.0e+00;
	v42 =	vmax.f32 v43, $0.0e+00;
	v38 =	vadd.f32 v38, v19  }
0x4bd: {  	v39 =	vadd.f32 v39, v20;
	v40 =	vadd.f32 v40, v21;
	v32 =	vmax.f32 v32, $0.0e+00  }
0x4be: {  	s26 =	sadd.s32 $0x180, s26;
	s28 =	sadd.s32 $0x300, s28;
	v41 =	vadd.f32 v41, v23;
	v42 =	vadd.f32 v42, v22;
	v0 =	vmax.f32 v0, $0.0e+00  }
0x4bf: {  	s2 =	sadd.s32 $0xFFFFFE00, s28;
	s5 =	sand.u32 $0x380, s26;
	s4 =	sand.u32 $0xF800, s28;
	v43 =	vadd.f32 v32, v24;
	v44 =	vmul.f32 v2, v17;
	v45 =	vmul.f32 v2, v3  }
0x4c0: {  	s9 =	sadd.s32 $0xFFFFFF00, s26;
	s10 =	sadd.s32 $0xFFFFFF00, s28;
	s29 =	sor.u32 s5, s4;
	v0 =	vadd.f32 v0, v24;
	v46 =	vmul.f32 v2, v6;
	v32 =	vld.idx.msk [tilespmem:v1+s21+$0x0], $0xffff;
	v1 =	vmul.f32 v2, v4  }
0x4c1: {  	s2 =	sand.u32 $0x7800, s2;
	s4 =	sand.u32 $0x380, s9;
	s5 =	sadd.s32 $0xFFFFFF80, s26;
	v48 =	vmul.f32 v2, v7;
	v49 =	vmul.f32 v2, v8;
	v44 =	vadd.f32 v44, v18;
	v47 =	vld [tilespmem:s29+$0x10800]  }
0x4c2: {  	s9 =	sor.u32 s4, s2;
	s2 =	sand.u32 $0xF800, s10;
	s4 =	sand.u32 $0x380, s5;
	v50 =	vmul.f32 v2, v9;
	v45 =	vadd.f32 v45, v10;
	v33 =	vld.idx.msk [tilespmem:v33+s21+$0x0], $0xffff;
	v1 =	vadd.f32 v1, v11  }
0x4c3: {  	s5 =	sadd.s32 $0x10800, s9;
	s10 =	sor.u32 s4, s2;
	v46 =	vadd.f32 v46, v13;
	v48 =	vadd.f32 v48, v14;
	v44 =	vmax.f32 v44, $0.0e+00;
	v51 =	vld [tilespmem:s9+$0x10800]  }
0x4c4: {  	s4 =	sadd.s32 $0x10800, s10;
	v49 =	vadd.f32 v49, v15;
	v45 =	vmax.f32 v45, $0.0e+00;
	v44 =	vadd.f32 v44, v24;
	v52 =	vld [tilespmem:s10+$0x10800]  }
0x4c5: {  	v50 =	vadd.f32 v50, v16;
	v46 =	vmax.f32 v46, $0.0e+00;
	v1 =	vmax.f32 v1, $0.0e+00;
	v53 =	vld [tilespmem:s5+$0x40]  }
0x4c6: {  	v54 =	vld [tilespmem:s5+$0x50];
	v44 =	vadd.f32 v44, v47;
	v47 =	vmax.f32 v48, $0.0e+00;
	v48 =	vmax.f32 v49, $0.0e+00  }
0x4c7: {  	v2 =	vmul.f32 v2, v5;
	v50 =	vmax.f32 v50, $0.0e+00;
	v45 =	vadd.f32 v45, v19;
	v49 =	vld [tilespmem:s5+$0x60]  }
0x4c8: {  	s2 =	sadd.s32 $0x10800, s29;
	v55 =	vmul.f32 v32, v3;
	v1 =	vadd.f32 v1, v25;
	v43 =	vadd.f32 v43, v51;
	v51 =	vld [tilespmem:s5+$0x70];
	[tilespmem:s29+$0x10800] =	vst v44  }
0x4c9: {  	v2 =	vadd.f32 v2, v12;
	v44 =	vmul.f32 v32, v4;
	v0 =	vadd.f32 v0, v52;
	v52 =	vld [tilespmem:s2+$0x30]  }
0x4ca: {  	v46 =	vadd.f32 v46, v20;
	v56 =	vmul.f32 v32, v5;
	v47 =	vadd.f32 v47, v21;
	[tilespmem:s9+$0x10800] =	vst v43;
	v43 =	vld [tilespmem:s2+$0x10]  }
0x4cb: {  	v57 =	vld [tilespmem:s5+$0x10];
	[tilespmem:s10+$0x10800] =	vst v0;
	v0 =	vmax.f32 v2, $0.0e+00;
	v2 =	vadd.f32 v48, v22;
	v48 =	vadd.f32 v50, v23  }
0x4cc: {  	v39 =	vadd.f32 v53, v39;
	v50 =	vmul.f32 v32, v6;
	v58 =	vld [tilespmem:s5+$0x20];
	v0 =	vadd.f32 v0, v26  }
0x4cd: {  	v40 =	vadd.f32 v54, v40;
	v42 =	vadd.f32 v49, v42;
	v49 =	vmul.f32 v27, v9;
	v27 =	vmovc v33;
	v53 =	vld [tilespmem:s5+$0x30]  }
0x4ce: {  	v29 =	vmax.f32 v29, $0.0e+00;
	v33 =	vadd.f32 v51, v41;
	[tilespmem:s5+$0x40] =	vst v39;
	v39 =	vld [tilespmem:s4+$0x10];
	v0 =	vadd.f32 v52, v0  }
0x4cf: {  	v28 =	vmax.f32 v28, $0.0e+00;
	v29 =	vadd.f32 v29, v25;
	[tilespmem:s5+$0x50] =	vst v40;
	v40 =	vld [tilespmem:s4+$0x20];
	v41 =	vadd.f32 v45, v43  }
0x4d0: {  	v28 =	vadd.f32 v28, v26;
	v31 =	vmax.f32 v31, $0.0e+00;
	v38 =	vadd.f32 v38, v57;
	v43 =	vld [tilespmem:s4+$0x30];
	[tilespmem:s2+$0x30] =	vst v0  }
0x4d1: {  	v30 =	vmax.f32 v30, $0.0e+00;
	v0 =	vadd.f32 v58, v29;
	v29 =	vadd.f32 v31, v19;
	[tilespmem:s2+$0x10] =	vst v41;
	v31 =	vld [tilespmem:s2+$0x20]  }
0x4d2: {  	v30 =	vadd.f32 v30, v25;
	v37 =	vmax.f32 v37, $0.0e+00;
	[tilespmem:s5+$0x10] =	vst v38;
	v28 =	vadd.f32 v53, v28;
	v38 =	vld [tilespmem:s4+$0x40]  }
0x4d3: {  	v41 =	vmul.f32 v32, v7;
	[tilespmem:s5+$0x20] =	vst v0;
	v0 =	vadd.f32 v29, v39;
	v29 =	vadd.f32 v37, v26;
	v37 =	vld [tilespmem:s4+$0x50]  }
0x4d4: {  	v39 =	vadd.f32 v49, v16;
	[tilespmem:s5+$0x30] =	vst v28;
	v28 =	vadd.f32 v40, v30;
	v30 =	vmax.f32 v36, $0.0e+00;
	v36 =	vld [tilespmem:s4+$0x60]  }
0x4d5: {  	[tilespmem:s4+$0x10] =	vst v0;
	v0 =	vadd.f32 v43, v29;
	v29 =	vadd.f32 v30, v20;
	v30 =	vmax.f32 v35, $0.0e+00;
	v35 =	vld [tilespmem:s4+$0x70]  }
0x4d6: {  	[tilespmem:s4+$0x20] =	vst v28;
	v28 =	vadd.f32 v30, v21;
	v30 =	vmax.f32 v34, $0.0e+00;
	v1 =	vadd.f32 v31, v1;
	v31 =	vld [tilespmem:s2+$0x40]  }
0x4d7: {  	[tilespmem:s4+$0x30] =	vst v0;
	v0 =	vadd.f32 v38, v29;
	v29 =	vadd.f32 v30, v22;
	v30 =	vmax.f32 v39, $0.0e+00;
	v34 =	vld [tilespmem:s2+$0x50]  }
0x4d8: {  	v43 =	vmul.f32 v32, v8;
	v37 =	vadd.f32 v37, v28;
	v28 =	vadd.f32 v30, v23;
	[tilespmem:s2+$0x20] =	vst v1;
	v1 =	vld [tilespmem:s2+$0x60]  }
0x4d9: {  	v49 =	vmul.f32 v27, v3;
	v30 =	vmul.f32 v32, v9;
	[tilespmem:s5+$0x60] =	vst v42;
	v38 =	vadd.f32 v36, v29;
	v45 =	vld [tilespmem:s2+$0x70]  }
0x4da: {  	v51 =	vmul.f32 v27, v4;
	v39 =	vadd.f32 v55, v10;
	[tilespmem:s5+$0x70] =	vst v33;
	v52 =	vadd.f32 v35, v28;
	s5 =	sadd.s32 $0x105, s3;
	s3 =	sadd.s32 $0x3, s3  }
0x4db: {  	v29 =	vadd.f32 v44, v11;
	v35 =	vmul.f32 v27, v5;
	[tilespmem:s4+$0x40] =	vst v0;
	v0 =	vadd.f32 v31, v46;
	p1 =	slt.u32 s3, $0x7B  }
.Ltmp11:
0x4dc: {  	v36 =	vmul.f32 v27, v6;
	v28 =	vadd.f32 v56, v12;
	[tilespmem:s4+$0x50] =	vst v37;
	v37 =	vadd.f32 v34, v47;
	(pc) =	sbr.rel @p1 .LBB2_24-.Ltmp11, $4  }
0x4dd: {  	v40 =	vadd.f32 v50, v13;
	v33 =	vmov s5;
	[tilespmem:s4+$0x60] =	vst v38;
	v34 =	vadd.f32 v1, v2  }
0x4de: {  	v42 =	vadd.f32 v41, v14;
	v44 =	vmul.f32 v27, v7;
	[tilespmem:s4+$0x70] =	vst v52;
	v38 =	vadd.f32 v45, v48  }
0x4df: {  	v43 =	vadd.f32 v43, v15;
	v41 =	vadd.f32 v30, v16;
	v45 =	vmul.f32 v27, v8;
	[tilespmem:s2+$0x40] =	vst v0  }
0x4e0: {  	v32 =	vmul.f32 v32, v17;
	v30 =	vadd.f32 v51, v11;
	v31 =	vadd.f32 v49, v10;
	[tilespmem:s2+$0x50] =	vst v37  }
0x4e1: {  	_ =	sdelay $0x2  }
0x4e2: {  	s4 =	sadd.s32 $0x300, s28  }
0x4e3: {  	v0 =	vld.idx.msk [tilespmem:v33+s21+$0x0], $0xffff;
	v2 =	vadd.f32 v35, v12;
	s3 =	sadd.s32 $0x180, s26;
	v33 =	vadd.f32 v36, v13;
	s5 =	sadd.s32 $0xFFFFFE00, s4  }
0x4e4: {  	v1 =	vmul.f32 v27, v17;
	v35 =	vadd.f32 v44, v14;
	v37 =	vadd.f32 v45, v15;
	s9 =	sand.u32 $0xF800, s4;
	s10 =	sand.u32 $0x380, s3;
	s30 =	sadd.s32 $0xFFFFFF00, s3  }
0x4e5: {  	v39 =	vmax.f32 v39, $0.0e+00;
	v40 =	vmax.f32 v40, $0.0e+00;
	v42 =	vmax.f32 v42, $0.0e+00;
	s9 =	sor.u32 s10, s9;
	s5 =	sand.u32 $0x7800, s5;
	s10 =	sand.u32 $0x380, s30  }
0x4e6: {  	v43 =	vmax.f32 v43, $0.0e+00;
	v32 =	vadd.f32 v32, v18;
	v39 =	vadd.f32 v39, v19;
	s5 =	sor.u32 s10, s5  }
0x4e7: {  	v41 =	vmax.f32 v41, $0.0e+00;
	s4 =	sadd.s32 $0xFFFFFF00, s4;
	s3 =	sadd.s32 $0xFFFFFF80, s3;
	v40 =	vadd.f32 v40, v20;
	v42 =	vadd.f32 v42, v21;
	v59 =	vld [tilespmem:s5+$0x10800]  }
0x4e8: {  	v29 =	vmax.f32 v29, $0.0e+00;
	v43 =	vadd.f32 v43, v22;
	v41 =	vadd.f32 v41, v23;
	s4 =	sand.u32 $0xF800, s4;
	s3 =	sand.u32 $0x380, s3  }
0x4e9: {  	v29 =	vadd.f32 v29, v25;
	v58 =	vld [tilespmem:s9+$0x10800];
	s26 =	sor.u32 s3, s4;
	v32 =	vmax.f32 v32, $0.0e+00;
	v57 =	vmul.f32 v0, v17  }
0x4ea: {  	v28 =	vmax.f32 v28, $0.0e+00;
	v1 =	vadd.f32 v1, v18;
	s28 =	sadd.s32 $0x10800, s5;
	v46 =	vld [tilespmem:s26+$0x10800];
	v32 =	vadd.f32 v32, v24  }
0x4eb: {  	v27 =	vmul.f32 v27, v9;
	v28 =	vadd.f32 v28, v26;
	v47 =	vld [tilespmem:s28+$0x40];
	v36 =	vadd.f32 v57, v18  }
0x4ec: {  	v31 =	vmax.f32 v31, $0.0e+00;
	v1 =	vmax.f32 v1, $0.0e+00;
	v48 =	vld [tilespmem:s28+$0x50];
	v32 =	vadd.f32 v32, v59  }
0x4ed: {  	v31 =	vadd.f32 v31, v19;
	v1 =	vadd.f32 v1, v24;
	v49 =	vld [tilespmem:s28+$0x60];
	v36 =	vmax.f32 v36, $0.0e+00  }
0x4ee: {  	v2 =	vmax.f32 v2, $0.0e+00;
	v27 =	vadd.f32 v27, v16;
	v45 =	vld [tilespmem:s28+$0x70];
	v36 =	vadd.f32 v36, v24;
	[tilespmem:s5+$0x10800] =	vst v32  }
0x4ef: {  	v2 =	vadd.f32 v2, v26;
	v1 =	vadd.f32 v1, v46;
	v55 =	vld [tilespmem:s28+$0x10]  }
0x4f0: {  	[tilespmem:s2+$0x60] =	vst v34;
	v27 =	vmax.f32 v27, $0.0e+00;
	v60 =	vmul.f32 v0, v3;
	v36 =	vadd.f32 v36, v58;
	v58 =	vld [tilespmem:s28+$0x20]  }
0x4f1: {  	s30 =	sadd.s32 $0x10800, s26;
	v50 =	vmul.f32 v0, v5;
	v61 =	vmul.f32 v0, v7;
	v27 =	vadd.f32 v27, v23;
	[tilespmem:s26+$0x10800] =	vst v1;
	v1 =	vld [tilespmem:s28+$0x30]  }
0x4f2: {  	[tilespmem:s2+$0x70] =	vst v38;
	v51 =	vmul.f32 v0, v4;
	v44 =	vadd.f32 v60, v10;
	v40 =	vadd.f32 v47, v40;
	v59 =	vld [tilespmem:s30+$0x10]  }
0x4f3: {  	s29 =	sadd.s32 $0x10800, s9;
	v52 =	vmul.f32 v0, v6;
	v34 =	vadd.f32 v61, v14;
	v42 =	vadd.f32 v48, v42;
	v61 =	vld [tilespmem:s30+$0x30];
	[tilespmem:s9+$0x10800] =	vst v36  }
0x4f4: {  	v54 =	vmul.f32 v0, v8;
	v50 =	vadd.f32 v50, v12;
	v49 =	vadd.f32 v49, v43;
	[tilespmem:s28+$0x40] =	vst v40;
	v53 =	vld [tilespmem:s29+$0x30]  }
0x4f5: {  	v0 =	vmul.f32 v0, v9;
	v51 =	vadd.f32 v51, v11;
	[tilespmem:s28+$0x50] =	vst v42;
	v62 =	vld [tilespmem:s29+$0x10];
	v36 =	vadd.f32 v39, v55  }
0x4f6: {  	v56 =	vmax.f32 v50, $0.0e+00;
	v47 =	vadd.f32 v54, v15;
	v54 =	vld [tilespmem:s30+$0x70];
	[tilespmem:s28+$0x60] =	vst v49;
	v29 =	vadd.f32 v58, v29  }
0x4f7: {  	v57 =	vmax.f32 v44, $0.0e+00;
	v46 =	vadd.f32 v56, v26;
	v1 =	vadd.f32 v1, v28;
	[tilespmem:s28+$0x10] =	vst v36  }
0x4f8: {  	v38 =	vadd.f32 v57, v19;
	v60 =	vld [tilespmem:s30+$0x20];
	v44 =	vadd.f32 v31, v59;
	[tilespmem:s28+$0x20] =	vst v29  }
0x4f9: {  	v0 =	vadd.f32 v0, v16;
	v2 =	vadd.f32 v61, v2;
	[tilespmem:s28+$0x30] =	vst v1  }
0x4fa: {  	v30 =	vmax.f32 v30, $0.0e+00;
	[tilespmem:s30+$0x10] =	vst v44;
	v46 =	vadd.f32 v53, v46;
	v32 =	vadd.f32 v38, v62;
	v62 =	vld [tilespmem:s29+$0x20]  }
0x4fb: {  	v61 =	vld [tilespmem:s29+$0x70];
	v27 =	vadd.f32 v54, v27;
	v36 =	vadd.f32 v30, v25;
	[tilespmem:s30+$0x30] =	vst v2  }
0x4fc: {  	v39 =	vmax.f32 v51, $0.0e+00;
	v2 =	vadd.f32 v45, v41;
	[tilespmem:s29+$0x30] =	vst v46;
	v46 =	vld [tilespmem:s30+$0x40]  }
0x4fd: {  	v0 =	vmax.f32 v0, $0.0e+00;
	v48 =	vld [tilespmem:s30+$0x50];
	v30 =	vadd.f32 v39, v25;
	[tilespmem:s30+$0x70] =	vst v27;
	v1 =	vadd.f32 v60, v36  }
0x4fe: {  	v33 =	vmax.f32 v33, $0.0e+00;
	v52 =	vadd.f32 v52, v13;
	v0 =	vadd.f32 v0, v23;
	v58 =	vld [tilespmem:s29+$0x50];
	[tilespmem:s28+$0x70] =	vst v2  }
0x4ff: {  	v50 =	vld [tilespmem:s30+$0x60];
	v51 =	vadd.f32 v33, v20;
	v53 =	vmax.f32 v35, $0.0e+00;
	[tilespmem:s30+$0x20] =	vst v1;
	v1 =	vadd.f32 v62, v30  }
0x500: {  	v56 =	vld [tilespmem:s29+$0x40];
	v2 =	vmax.f32 v34, $0.0e+00;
	[tilespmem:s29+$0x10] =	vst v32;
	v32 =	vadd.f32 v53, v21;
	v0 =	vadd.f32 v61, v0  }
0x501: {  	v55 =	vmax.f32 v37, $0.0e+00;
	v60 =	vld [tilespmem:s29+$0x60];
	v2 =	vadd.f32 v2, v21;
	[tilespmem:s29+$0x20] =	vst v1;
	v1 =	vadd.f32 v46, v51  }
0x502: {  	v59 =	vmax.f32 v52, $0.0e+00;
	v57 =	vadd.f32 v55, v22;
	v28 =	vadd.f32 v48, v32;
	[tilespmem:s29+$0x70] =	vst v0  }
0x503: {  	v29 =	vadd.f32 v59, v20;
	v2 =	vadd.f32 v58, v2;
	[tilespmem:s30+$0x40] =	vst v1;
	v1 =	vmax.f32 v47, $0.0e+00  }
0x504: {  	v30 =	vadd.f32 v50, v57;
	[tilespmem:s30+$0x50] =	vst v28;
	v1 =	vadd.f32 v1, v22  }
0x505: {  	v62 =	vadd.f32 v56, v29;
	[tilespmem:s29+$0x50] =	vst v2  }
0x506: {  	[tilespmem:s30+$0x60] =	vst v30;
	v1 =	vadd.f32 v60, v1  }
0x507: {  	[tilespmem:s29+$0x40] =	vst v62  }
0x508: {  	s2 =	simm.s32 $0x0;
	s4 =	simm.s32 $0x17E;
	[tilespmem:s29+$0x60] =	vst v1  }
.LBB2_26:
0x509: {  	v0 =	vmov s4;
	_ =	sdelay $0x4  }
0x50a: {  	v0 =	vld.idx.msk [tilespmem:v0+s21+$0x0], $0xffff;
	_ =	sdelay $0x4  }
0x50b: {  	v1 =	vmul.f32 v0, v17;
	v2 =	vmul.f32 v0, v3  }
0x50c: {  	v28 =	vmul.f32 v0, v4;
	v31 =	vmul.f32 v0, v5  }
0x50d: {  	s3 =	sshra.s32 s2, $0x2;
	v56 =	vmul.f32 v0, v6;
	v32 =	vmul.f32 v0, v7  }
0x50e: {  	v27 =	vld [tilespmem:s3+$0x18300];
	v33 =	vmul.f32 v0, v8;
	v0 =	vmul.f32 v0, v9;
	v1 =	vadd.f32 v1, v18  }
0x50f: {  	v2 =	vadd.f32 v2, v10  }
0x510: {  	v29 =	vld [tilespmem:s3+$0x18310];
	v28 =	vadd.f32 v28, v11;
	v0 =	vadd.f32 v0, v16;
	v1 =	vmax.f32 v1, $0.0e+00  }
0x511: {  	v61 =	vld [tilespmem:s3+$0x18370];
	v57 =	vadd.f32 v31, v12;
	v2 =	vmax.f32 v2, $0.0e+00;
	v1 =	vadd.f32 v1, v24  }
0x512: {  	v30 =	vld [tilespmem:s3+$0x18320];
	v32 =	vadd.f32 v32, v14;
	v0 =	vmax.f32 v0, $0.0e+00;
	v2 =	vadd.f32 v2, v19  }
0x513: {  	v58 =	vld [tilespmem:s3+$0x18330];
	v28 =	vmax.f32 v28, $0.0e+00;
	v0 =	vadd.f32 v0, v23;
	v1 =	vadd.f32 v1, v27  }
0x514: {  	v59 =	vld [tilespmem:s3+$0x18340];
	v27 =	vadd.f32 v28, v25;
	v28 =	vadd.f32 v56, v13  }
0x515: {  	v34 =	vld [tilespmem:s3+$0x18350];
	v33 =	vadd.f32 v33, v15;
	v2 =	vadd.f32 v2, v29;
	v29 =	vmax.f32 v57, $0.0e+00  }
0x516: {  	v35 =	vld [tilespmem:s3+$0x18360];
	v0 =	vadd.f32 v61, v0;
	v29 =	vadd.f32 v29, v26;
	v28 =	vmax.f32 v28, $0.0e+00;
	[tilespmem:s3+$0x18300] =	vst v1  }
0x517: {  	v60 =	vmax.f32 v32, $0.0e+00;
	v27 =	vadd.f32 v30, v27;
	[tilespmem:s3+$0x18310] =	vst v2;
	v1 =	vadd.f32 v28, v20  }
0x518: {  	p1 =	sne.s32 s2, $0x200;
	v62 =	vmax.f32 v33, $0.0e+00;
	[tilespmem:s3+$0x18370] =	vst v0;
	v2 =	vadd.f32 v58, v29;
	v28 =	vadd.f32 v60, v21  }
.Ltmp12:
0x519: {  	[tilespmem:s3+$0x18320] =	vst v27;
	v27 =	vadd.f32 v62, v22;
	v1 =	vadd.f32 v59, v1;
	(pc) =	sbr.rel @p1 .LBB2_26-.Ltmp12, $4  }
0x51a: {  	[tilespmem:s3+$0x18330] =	vst v2;
	v2 =	vadd.f32 v34, v28  }
0x51b: {  	[tilespmem:s3+$0x18340] =	vst v1;
	v1 =	vadd.f32 v35, v27  }
0x51c: {  	[tilespmem:s3+$0x18350] =	vst v2  }
0x51d: {  	s4 =	sadd.s32 $0x1, s4;
	s2 =	sadd.s32 $0x200, s2;
	[tilespmem:s3+$0x18360] =	vst v1  }
0x51e: {  	v3 =	vld [tilespmem:$0x600]  }
0x51f: {  	v4 =	vld [tilespmem:$0x610]  }
0x520: {  	v5 =	vld [tilespmem:$0x620]  }
0x521: {  	v6 =	vld [tilespmem:$0x630];
	s2 =	simm.s32 $0x100  }
0x522: {  	v7 =	vld [tilespmem:$0x640];
	v0 =	vmov s2  }
0x523: {  	v8 =	vld [tilespmem:$0x650];
	s3 =	simm.s32 $0x102  }
0x524: {  	v9 =	vld [tilespmem:$0x660];
	s9 =	simm.s32 $0x101;
	v1 =	vmov s3  }
0x525: {  	v10 =	vld [tilespmem:$0x670];
	v2 =	vmov s9  }
0x526: {  	v11 =	vld [tilespmem:$0x680]  }
0x527: {  	v27 =	vld.idx.msk [tilespmem:v0+s21+$0x0], $0xffff  }
0x528: {  	v12 =	vld [tilespmem:$0x690]  }
0x529: {  	v0 =	vld.idx.msk [tilespmem:v1+s21+$0x0], $0xffff  }
0x52a: {  	v1 =	vld.idx.msk [tilespmem:v2+s21+$0x0], $0xffff  }
0x52b: {  	v13 =	vld [tilespmem:$0x6A0]  }
0x52c: {  	v14 =	vld [tilespmem:$0x6B0];
	v2 =	vmul.f32 v27, v3  }
0x52d: {  	v15 =	vld [tilespmem:$0x6C0];
	s10 =	simm.s32 $0x100;
	s26 =	simm.s32 $0x80;
	v19 =	vmul.f32 v27, v4;
	v20 =	vmul.f32 v27, v5  }
0x52e: {  	v16 =	vld [tilespmem:$0x6E0];
	s2 =	sand.u32 $0xF800, s10;
	s3 =	sand.u32 $0x380, s26;
	v21 =	vmul.f32 v0, v3;
	v22 =	vmul.f32 v27, v7  }
0x52f: {  	v17 =	vld [tilespmem:$0x6F0];
	s2 =	sor.u32 s3, s2;
	v23 =	vmul.f32 v1, v7;
	v24 =	vmul.f32 v27, v9  }
0x530: {  	v18 =	vld [tilespmem:$0x740];
	s4 =	simm.s32 $0x0;
	s5 =	simm.s32 $0x0;
	s26 =	sadd.s32 $0x10800, s2;
	v35 =	vmul.f32 v1, v3;
	v31 =	vmul.f32 v1, v5  }
0x531: {  	s3 =	sand.u32 $0x380, s5;
	s2 =	sand.u32 $0x7800, s4;
	v25 =	vld [tilespmem:s26+$0x440];
	v34 =	vmul.f32 v0, v7;
	v40 =	vmul.f32 v1, v10  }
0x532: {  	s2 =	sor.u32 s3, s2;
	v49 =	vld [tilespmem:s26+$0x410];
	v36 =	vmul.f32 v0, v8;
	v38 =	vmul.f32 v0, v10  }
0x533: {  	v61 =	vld [tilespmem:s26+$0x420];
	s28 =	sadd.s32 $0x10800, s2;
	v41 =	vmul.f32 v0, v5;
	v47 =	vmul.f32 v1, v6;
	v28 =	vadd.f32 v19, v12  }
0x534: {  	v46 =	vld [tilespmem:s28+$0x470];
	v59 =	vmul.f32 v1, v4;
	v29 =	vadd.f32 v20, v13;
	v33 =	vadd.f32 v21, v11  }
0x535: {  	v51 =	vld [tilespmem:s28+$0x410];
	v37 =	vadd.f32 v22, v15;
	v22 =	vadd.f32 v23, v15;
	v23 =	vmul.f32 v27, v10  }
0x536: {  	v53 =	vld [tilespmem:s28+$0x440];
	v39 =	vadd.f32 v24, v16;
	v24 =	vmul.f32 v1, v9;
	v30 =	vadd.f32 v2, v11  }
0x537: {  	v19 =	vld [tilespmem:$0x6D0];
	v45 =	vadd.f32 v31, v13;
	v31 =	vmul.f32 v1, v8;
	v1 =	vadd.f32 v34, v15  }
0x538: {  	v20 =	vld [tilespmem:$0x770];
	v50 =	vadd.f32 v35, v11;
	v48 =	vadd.f32 v59, v12;
	v2 =	vmax.f32 v22, $0.0e+00  }
0x539: {  	v21 =	vld [tilespmem:$0x700];
	v26 =	vadd.f32 v23, v17;
	v32 =	vadd.f32 v24, v16;
	v44 =	vmax.f32 v28, $0.0e+00  }
0x53a: {  	v22 =	vld [tilespmem:$0x710];
	v52 =	vmax.f32 v29, $0.0e+00;
	v35 =	vmax.f32 v1, $0.0e+00;
	v1 =	vadd.f32 v40, v17  }
0x53b: {  	v23 =	vld [tilespmem:$0x720];
	v60 =	vmax.f32 v48, $0.0e+00;
	v37 =	vmax.f32 v37, $0.0e+00;
	v2 =	vadd.f32 v2, v18  }
0x53c: {  	v24 =	vld [tilespmem:$0x730];
	v37 =	vadd.f32 v37, v18;
	v43 =	vmax.f32 v32, $0.0e+00;
	v32 =	vadd.f32 v38, v17  }
0x53d: {  	v28 =	vld [tilespmem:s28+$0x450];
	v26 =	vmax.f32 v26, $0.0e+00;
	v38 =	vadd.f32 v41, v13;
	v2 =	vadd.f32 v25, v2  }
0x53e: {  	v29 =	vld [tilespmem:s28+$0x400];
	v45 =	vmax.f32 v45, $0.0e+00;
	v42 =	vadd.f32 v26, v20;
	v34 =	vadd.f32 v36, v19  }
0x53f: {  	s9 =	simm.s32 $0x100;
	s10 =	simm.s32 $0x200;
	v41 =	vmax.f32 v39, $0.0e+00;
	v25 =	vld [tilespmem:$0x760];
	v44 =	vadd.f32 v44, v22;
	v40 =	vadd.f32 v60, v22  }
0x540: {  	s3 =	sand.u32 $0xF800, s10;
	s2 =	sand.u32 $0x380, s9;
	v39 =	vld [tilespmem:s28+$0x460];
	v1 =	vmax.f32 v1, $0.0e+00;
	v54 =	vadd.f32 v46, v42;
	v62 =	vadd.f32 v45, v23  }
0x541: {  	s2 =	sor.u32 s2, s3;
	v26 =	vld [tilespmem:$0x750];
	[tilespmem:s26+$0x440] =	vst v2;
	v2 =	vmul.f32 v0, v9;
	v48 =	vadd.f32 v52, v23;
	v42 =	vadd.f32 v1, v20  }
0x542: {  	s2 =	sadd.s32 $0x10800, s2;
	v33 =	vmax.f32 v33, $0.0e+00;
	v52 =	vadd.f32 v53, v37;
	v55 =	vadd.f32 v40, v49;
	v49 =	vld [tilespmem:s28+$0x420]  }
0x543: {  	v50 =	vmax.f32 v50, $0.0e+00;
	v2 =	vadd.f32 v2, v16;
	v46 =	vadd.f32 v44, v51;
	v51 =	vld [tilespmem:s2+$0x400]  }
0x544: {  	v45 =	vld [tilespmem:s26+$0x460];
	v1 =	vmul.f32 v0, v6;
	[tilespmem:s28+$0x470] =	vst v54;
	v36 =	vadd.f32 v43, v25;
	v43 =	vadd.f32 v61, v62  }
0x545: {  	v53 =	vadd.f32 v33, v21;
	v40 =	vadd.f32 v47, v14;
	v44 =	vld [tilespmem:s26+$0x470];
	v2 =	vmax.f32 v2, $0.0e+00;
	[tilespmem:s26+$0x410] =	vst v55  }
0x546: {  	s29 =	simm.s32 $0x0;
	s30 =	simm.s32 $0x280;
	s3 =	simm.s32 $0x500;
	v33 =	vmul.f32 v0, v4;
	v47 =	vld [tilespmem:s26+$0x400];
	v37 =	vadd.f32 v1, v14;
	[tilespmem:s26+$0x420] =	vst v43;
	v43 =	vadd.f32 v2, v25  }
.LBB2_28:
0x547: {  	s4 =	sadd.s32 $0x103, s29;
	s5 =	sadd.s32 $0x104, s29;
	s9 =	sadd.s32 $0x105, s29;
	[tilespmem:s28+$0x410] =	vst v46;
	v0 =	vadd.f32 v49, v48;
	v1 =	vadd.f32 v41, v25;
	v2 =	vmax.f32 v38, $0.0e+00;
	v38 =	vld [tilespmem:s2+$0x440]  }
0x548: {  	s29 =	sadd.s32 $0x3, s29;
	v41 =	vmov s4;
	v46 =	vmov s5;
	[tilespmem:s28+$0x440] =	vst v52;
	v48 =	vadd.f32 v53, v51;
	v49 =	vld [tilespmem:s2+$0x460]  }
0x549: {  	v51 =	vmov s9;
	p1 =	slt.u32 s29, $0x7B;
	v1 =	vadd.f32 v39, v1;
	v36 =	vadd.f32 v45, v36;
	v39 =	vld [tilespmem:s2+$0x420]  }
0x54a: {  	v34 =	vmax.f32 v34, $0.0e+00;
	v2 =	vadd.f32 v2, v23;
	[tilespmem:s28+$0x420] =	vst v0;
	v0 =	vadd.f32 v50, v21;
	v45 =	vld [tilespmem:s26+$0x430]  }
0x54b: {  	v40 =	vmax.f32 v40, $0.0e+00;
	v35 =	vadd.f32 v35, v18;
	[tilespmem:s26+$0x460] =	vst v36;
	v36 =	vadd.f32 v44, v42  }
0x54c: {  	v32 =	vmax.f32 v32, $0.0e+00;
	[tilespmem:s28+$0x460] =	vst v1;
	v0 =	vadd.f32 v0, v47;
	v1 =	vadd.f32 v33, v12;
	v42 =	vld [tilespmem:s2+$0x450]  }
0x54d: {  	v30 =	vmax.f32 v30, $0.0e+00;
	v40 =	vadd.f32 v40, v24;
	v35 =	vadd.f32 v38, v35;
	v41 =	vld.idx.msk [tilespmem:v41+s21+$0x0], $0xffff;
	[tilespmem:s2+$0x400] =	vst v48  }
0x54e: {  	v34 =	vadd.f32 v34, v26;
	v38 =	vmul.f32 v27, v6;
	v33 =	vld.idx.msk [tilespmem:v51+s21+$0x0], $0xffff;
	v2 =	vadd.f32 v39, v2  }
0x54f: {  	v1 =	vmax.f32 v1, $0.0e+00;
	v39 =	vadd.f32 v49, v43;
	[tilespmem:s26+$0x400] =	vst v0;
	v0 =	vadd.f32 v45, v40;
	v40 =	vld [tilespmem:s2+$0x470]  }
0x550: {  	v31 =	vadd.f32 v31, v19;
	v32 =	vadd.f32 v32, v20;
	v45 =	vmul.f32 v27, v8;
	v43 =	vld [tilespmem:s26+$0x450];
	[tilespmem:s26+$0x470] =	vst v36  }
0x551: {  	v30 =	vadd.f32 v30, v21;
	v37 =	vmax.f32 v37, $0.0e+00;
	v38 =	vadd.f32 v38, v14;
	v36 =	vld.idx.msk [tilespmem:v46+s21+$0x0], $0xffff;
	[tilespmem:s2+$0x440] =	vst v35  }
0x552: {  	v44 =	vmax.f32 v31, $0.0e+00;
	v35 =	vadd.f32 v45, v19;
	[tilespmem:s2+$0x420] =	vst v2;
	v2 =	vadd.f32 v42, v34  }
0x553: {  	v31 =	vmul.f32 v41, v3;
	v34 =	vmul.f32 v41, v4;
	v42 =	vadd.f32 v44, v26;
	v27 =	vmovc v41  }
0x554: {  	v41 =	vmul.f32 v27, v5;
	v44 =	vmul.f32 v33, v3;
	v32 =	vadd.f32 v40, v32  }
0x555: {  	s4 =	sadd.s32 $0xFFFFFE00, s3;
	s5 =	sadd.s32 $0xFFFFFF00, s30;
	v38 =	vmax.f32 v38, $0.0e+00;
	v34 =	vadd.f32 v34, v12;
	v40 =	vmul.f32 v27, v7  }
0x556: {  	s4 =	sand.u32 $0x7800, s4;
	s5 =	sand.u32 $0x380, s5;
	v45 =	vmul.f32 v27, v9;
	v41 =	vadd.f32 v41, v13;
	v42 =	vadd.f32 v43, v42;
	v46 =	vld [tilespmem:s28+$0x430];
	[tilespmem:s2+$0x460] =	vst v39  }
0x557: {  	s9 =	sadd.s32 $0xFFFFFF80, s30;
	s4 =	sor.u32 s5, s4;
	s5 =	sadd.s32 $0xFFFFFF00, s3;
	v1 =	vadd.f32 v1, v22;
	v43 =	vadd.f32 v44, v11;
	v39 =	vmul.f32 v36, v3;
	v44 =	vld [tilespmem:s2+$0x430];
	[tilespmem:s2+$0x450] =	vst v2  }
0x558: {  	s9 =	sand.u32 $0x380, s9;
	s4 =	sadd.s32 $0x10800, s4;
	s5 =	sand.u32 $0xF800, s5;
	v47 =	vadd.f32 v30, v29;
	v2 =	vadd.f32 v40, v15;
	v40 =	vmul.f32 v36, v5;
	v48 =	vld [tilespmem:s2+$0x410]  }
0x559: {  	v37 =	vadd.f32 v37, v24;
	s5 =	sor.u32 s9, s5;
	v50 =	vmul.f32 v27, v10;
	v30 =	vmul.f32 v36, v7;
	v49 =	vld [tilespmem:s4+$0x450];
	[tilespmem:s2+$0x470] =	vst v32  }
0x55a: {  	s5 =	sadd.s32 $0x10800, s5;
	v51 =	vmul.f32 v33, v7;
	v45 =	vadd.f32 v45, v16;
	v32 =	vmax.f32 v35, $0.0e+00;
	v29 =	vld [tilespmem:s4+$0x400];
	[tilespmem:s26+$0x450] =	vst v42  }
0x55b: {  	v52 =	vmul.f32 v36, v9;
	v35 =	vadd.f32 v30, v15;
	v32 =	vadd.f32 v32, v26;
	v42 =	vld [tilespmem:s5+$0x440];
	[tilespmem:s26+$0x430] =	vst v0;
	s26 =	smov.u32 s5  }
0x55c: {  	v30 =	vadd.f32 v31, v11;
	v0 =	vmul.f32 v36, v10;
	[tilespmem:s28+$0x400] =	vst v47;
	v31 =	vadd.f32 v44, v37  }
0x55d: {  	v35 =	vmax.f32 v35, $0.0e+00;
	v37 =	vadd.f32 v50, v17;
	v1 =	vadd.f32 v1, v48  }
0x55e: {  	v38 =	vadd.f32 v38, v24;
	v35 =	vadd.f32 v35, v18;
	v44 =	vmul.f32 v33, v8  }
0x55f: {  	v47 =	vadd.f32 v52, v16;
	v48 =	vmul.f32 v33, v10;
	v37 =	vmax.f32 v37, $0.0e+00;
	[tilespmem:s2+$0x430] =	vst v31  }
0x560: {  	v31 =	vadd.f32 v28, v32;
	v35 =	vadd.f32 v42, v35;
	v42 =	vmul.f32 v33, v5;
	[tilespmem:s2+$0x410] =	vst v1  }
0x561: {  	v38 =	vadd.f32 v46, v38;
	v47 =	vmax.f32 v47, $0.0e+00;
	v28 =	vmovc v49;
	v1 =	vadd.f32 v37, v20;
	v37 =	vld [tilespmem:s4+$0x470]  }
0x562: {  	v34 =	vmax.f32 v34, $0.0e+00;
	v40 =	vadd.f32 v40, v13;
	v32 =	vadd.f32 v48, v17;
	v46 =	vld [tilespmem:s4+$0x410];
	[tilespmem:s28+$0x450] =	vst v31  }
0x563: {  	v50 =	vmul.f32 v36, v6;
	v48 =	vadd.f32 v34, v22;
	v31 =	vmul.f32 v36, v8;
	[tilespmem:s28+$0x430] =	vst v38;
	s28 =	smov.u32 s4  }
0x564: {  	v34 =	vadd.f32 v44, v19;
	v44 =	vmul.f32 v33, v9;
	[tilespmem:s26+$0x440] =	vst v35;
	v35 =	vadd.f32 v51, v15  }
0x565: {  	v53 =	vadd.f32 v39, v11;
	v39 =	vmul.f32 v36, v4;
	v49 =	vmax.f32 v41, $0.0e+00  }
0x566: {  	v36 =	vadd.f32 v47, v25;
	v38 =	vadd.f32 v42, v13;
	v52 =	vld [tilespmem:s26+$0x420];
	v35 =	vmax.f32 v35, $0.0e+00  }
0x567: {  	v2 =	vmax.f32 v2, $0.0e+00;
	v0 =	vadd.f32 v0, v17;
	v42 =	vadd.f32 v39, v12;
	v47 =	vld [tilespmem:s26+$0x410]  }
0x568: {  	v40 =	vmax.f32 v40, $0.0e+00;
	v41 =	vmax.f32 v45, $0.0e+00;
	v44 =	vadd.f32 v44, v16;
	v39 =	vld [tilespmem:s28+$0x460]  }
0x569: {  	v2 =	vadd.f32 v2, v18;
	s2 =	sand.u32 $0xF800, s3;
	s4 =	sand.u32 $0x380, s30;
	v1 =	vadd.f32 v37, v1;
	v37 =	vmax.f32 v42, $0.0e+00;
	v54 =	vld [tilespmem:s28+$0x440]  }
0x56a: {  	v55 =	vmax.f32 v44, $0.0e+00;
	s2 =	sor.u32 s4, s2;
	v42 =	vadd.f32 v40, v23;
	v37 =	vadd.f32 v37, v22  }
.Ltmp13:
0x56b: {  	s2 =	sadd.s32 $0x10800, s2;
	v46 =	vadd.f32 v48, v46;
	v48 =	vadd.f32 v49, v23;
	v49 =	vld [tilespmem:s28+$0x420];
	[tilespmem:s28+$0x470] =	vst v1;
	v1 =	vmax.f32 v43, $0.0e+00;
	(pc) =	sbr.rel @p1 .LBB2_28-.Ltmp13, $4  }
0x56c: {  	v0 =	vmax.f32 v0, $0.0e+00;
	v40 =	vadd.f32 v50, v14;
	v37 =	vadd.f32 v37, v47;
	v51 =	vld [tilespmem:s2+$0x400]  }
0x56d: {  	v43 =	vadd.f32 v52, v42;
	v42 =	vadd.f32 v0, v20;
	v0 =	vmul.f32 v33, v6;
	v45 =	vld [tilespmem:s26+$0x460]  }
0x56e: {  	s4 =	simm.s32 $0x17E;
	v50 =	vmax.f32 v53, $0.0e+00;
	v53 =	vadd.f32 v1, v21;
	v52 =	vadd.f32 v54, v2;
	[tilespmem:s26+$0x410] =	vst v37;
	v44 =	vld [tilespmem:s26+$0x470]  }
0x56f: {  	s5 =	simm.s32 $0x0;
	s3 =	sadd.s32 $0x300, s3;
	s30 =	sadd.s32 $0x180, s30;
	v33 =	vmul.f32 v33, v4;
	v37 =	vadd.f32 v0, v14;
	v47 =	vld [tilespmem:s26+$0x400];
	[tilespmem:s26+$0x420] =	vst v43;
	v43 =	vadd.f32 v55, v25  }
0x570: {  	v1 =	vadd.f32 v49, v48;
	v2 =	vadd.f32 v41, v25  }
0x571: {  	v0 =	vld [tilespmem:s2+$0x440];
	[tilespmem:s28+$0x410] =	vst v46;
	v59 =	vadd.f32 v50, v21;
	v35 =	vadd.f32 v35, v18  }
0x572: {  	v57 =	vld [tilespmem:s2+$0x420];
	v38 =	vmax.f32 v38, $0.0e+00;
	[tilespmem:s28+$0x440] =	vst v52;
	v31 =	vadd.f32 v31, v19;
	v60 =	vadd.f32 v53, v51  }
0x573: {  	v58 =	vld [tilespmem:s2+$0x460];
	v34 =	vmax.f32 v34, $0.0e+00;
	v38 =	vadd.f32 v38, v23;
	v36 =	vadd.f32 v45, v36;
	[tilespmem:s28+$0x420] =	vst v1  }
0x574: {  	v50 =	vld [tilespmem:s2+$0x450];
	v34 =	vadd.f32 v34, v26;
	v2 =	vadd.f32 v39, v2;
	[tilespmem:s2+$0x400] =	vst v60  }
0x575: {  	v52 =	vld [tilespmem:s2+$0x470];
	v32 =	vmax.f32 v32, $0.0e+00;
	v33 =	vadd.f32 v33, v12;
	v51 =	vadd.f32 v44, v42;
	[tilespmem:s26+$0x460] =	vst v36  }
0x576: {  	v54 =	vld [tilespmem:s26+$0x450];
	v55 =	vadd.f32 v32, v20;
	v31 =	vmax.f32 v31, $0.0e+00;
	v62 =	vadd.f32 v59, v47;
	[tilespmem:s28+$0x460] =	vst v2  }
0x577: {  	v1 =	vmax.f32 v30, $0.0e+00;
	v31 =	vadd.f32 v31, v26;
	v0 =	vadd.f32 v0, v35;
	[tilespmem:s26+$0x470] =	vst v51  }
0x578: {  	v61 =	vld [tilespmem:s26+$0x430];
	v1 =	vadd.f32 v1, v21;
	v38 =	vadd.f32 v57, v38;
	[tilespmem:s26+$0x400] =	vst v62  }
0x579: {  	v2 =	vmul.f32 v27, v6;
	v53 =	vadd.f32 v58, v43;
	v34 =	vadd.f32 v50, v34;
	[tilespmem:s2+$0x440] =	vst v0  }
0x57a: {  	v56 =	vld [tilespmem:s2+$0x430];
	v57 =	vmul.f32 v27, v8;
	v27 =	vadd.f32 v52, v55;
	v0 =	vmax.f32 v40, $0.0e+00;
	[tilespmem:s2+$0x420] =	vst v38  }
0x57b: {  	v58 =	vld [tilespmem:s2+$0x410];
	v31 =	vadd.f32 v54, v31;
	[tilespmem:s2+$0x460] =	vst v53;
	v0 =	vadd.f32 v0, v24  }
0x57c: {  	v59 =	vmax.f32 v37, $0.0e+00;
	v2 =	vadd.f32 v2, v14;
	[tilespmem:s2+$0x450] =	vst v34;
	v60 =	vadd.f32 v57, v19  }
0x57d: {  	v33 =	vmax.f32 v33, $0.0e+00;
	v34 =	vadd.f32 v59, v24;
	[tilespmem:s2+$0x470] =	vst v27;
	v0 =	vadd.f32 v61, v0;
	v61 =	vld [tilespmem:s28+$0x430]  }
0x57e: {  	v1 =	vadd.f32 v1, v29;
	v27 =	vadd.f32 v33, v22;
	[tilespmem:s26+$0x450] =	vst v31;
	v62 =	vmax.f32 v60, $0.0e+00  }
0x57f: {  	v2 =	vmax.f32 v2, $0.0e+00;
	v29 =	vadd.f32 v62, v26;
	[tilespmem:s26+$0x430] =	vst v0;
	v0 =	vadd.f32 v56, v34  }
0x580: {  	[tilespmem:s28+$0x400] =	vst v1;
	v2 =	vadd.f32 v2, v24;
	v1 =	vadd.f32 v27, v58  }
0x581: {  	[tilespmem:s2+$0x430] =	vst v0;
	v0 =	vadd.f32 v28, v29  }
0x582: {  	[tilespmem:s2+$0x410] =	vst v1;
	v1 =	vadd.f32 v61, v2  }
0x583: {  	[tilespmem:s28+$0x450] =	vst v0  }
0x584: {  	[tilespmem:s28+$0x430] =	vst v1  }
.LBB2_30:
0x585: {  	v0 =	vmov s4;
	_ =	sdelay $0x4  }
0x586: {  	v0 =	vld.idx.msk [tilespmem:v0+s21+$0x0], $0xffff;
	_ =	sdelay $0x4  }
0x587: {  	v1 =	vmul.f32 v0, v3;
	v2 =	vmul.f32 v0, v4  }
0x588: {  	v28 =	vmul.f32 v0, v5;
	v31 =	vmul.f32 v0, v6  }
0x589: {  	s2 =	sshra.s32 s5, $0x2;
	v56 =	vmul.f32 v0, v7;
	v32 =	vmul.f32 v0, v8  }
0x58a: {  	v27 =	vld [tilespmem:s2+$0x18700];
	v33 =	vmul.f32 v0, v9;
	v0 =	vmul.f32 v0, v10;
	v1 =	vadd.f32 v1, v11  }
0x58b: {  	v2 =	vadd.f32 v2, v12  }
0x58c: {  	v29 =	vld [tilespmem:s2+$0x18710];
	v28 =	vadd.f32 v28, v13;
	v0 =	vadd.f32 v0, v17;
	v1 =	vmax.f32 v1, $0.0e+00  }
0x58d: {  	v61 =	vld [tilespmem:s2+$0x18770];
	v57 =	vadd.f32 v31, v14;
	v2 =	vmax.f32 v2, $0.0e+00;
	v1 =	vadd.f32 v1, v21  }
0x58e: {  	v30 =	vld [tilespmem:s2+$0x18720];
	v32 =	vadd.f32 v32, v19;
	v0 =	vmax.f32 v0, $0.0e+00;
	v2 =	vadd.f32 v2, v22  }
0x58f: {  	v58 =	vld [tilespmem:s2+$0x18730];
	v28 =	vmax.f32 v28, $0.0e+00;
	v0 =	vadd.f32 v0, v20;
	v1 =	vadd.f32 v1, v27  }
0x590: {  	v59 =	vld [tilespmem:s2+$0x18740];
	v27 =	vadd.f32 v28, v23;
	v28 =	vadd.f32 v56, v15  }
0x591: {  	v34 =	vld [tilespmem:s2+$0x18750];
	v33 =	vadd.f32 v33, v16;
	v2 =	vadd.f32 v2, v29;
	v29 =	vmax.f32 v57, $0.0e+00  }
0x592: {  	v35 =	vld [tilespmem:s2+$0x18760];
	v0 =	vadd.f32 v61, v0;
	v29 =	vadd.f32 v29, v24;
	v28 =	vmax.f32 v28, $0.0e+00;
	[tilespmem:s2+$0x18700] =	vst v1  }
0x593: {  	v60 =	vmax.f32 v32, $0.0e+00;
	v27 =	vadd.f32 v30, v27;
	[tilespmem:s2+$0x18710] =	vst v2;
	v1 =	vadd.f32 v28, v18  }
0x594: {  	p1 =	sne.s32 s5, $0x200;
	v62 =	vmax.f32 v33, $0.0e+00;
	[tilespmem:s2+$0x18770] =	vst v0;
	v2 =	vadd.f32 v58, v29;
	v28 =	vadd.f32 v60, v26  }
.Ltmp14:
0x595: {  	[tilespmem:s2+$0x18720] =	vst v27;
	v27 =	vadd.f32 v62, v25;
	v1 =	vadd.f32 v59, v1;
	(pc) =	sbr.rel @p1 .LBB2_30-.Ltmp14, $4  }
0x596: {  	[tilespmem:s2+$0x18730] =	vst v2;
	v2 =	vadd.f32 v34, v28  }
0x597: {  	[tilespmem:s2+$0x18740] =	vst v1;
	v1 =	vadd.f32 v35, v27  }
0x598: {  	[tilespmem:s2+$0x18750] =	vst v2  }
0x599: {  	s4 =	sadd.s32 $0x1, s4;
	s5 =	sadd.s32 $0x200, s5;
	[tilespmem:s2+$0x18760] =	vst v1  }
0x59a: {  	s2 =	simm.s32 $0x10800;
	s3 =	sadd.s32 $0x0, s13;
	s4 =	simm.s32 $0x10C00  }
0x59b: {  	[hbm4b:s3+s7] =	stream.strided.scatter [tilespmem:s2], [sflag:$0x6], $0x400, s22, s7, $0x38;
	[tilespmem:$0x18900] =	vst v63  }
0x59c: {  	s2 =	simm.s32 $0x100;
	s5 =	sadd.s32 $0x10, s3;
	s3 =	simm.s32 $0x11000  }
.LBB2_32:
0x59d: {  	[hbm4b:s5+s7] =	stream.strided.scatter [tilespmem:s4], [sflag:$0x6], $0x400, s22, s7, $0x38;
	[tilespmem:$0x18900] =	vst v63  }
0x59e: {  	s4 =	smov.u32 s2;
	p1 =	sne.s32 s2, $0xF00  }
.Ltmp15:
0x59f: {  	s2 =	sadd.s32 $0x100, s2;
	(pc) =	sbr.rel @p1 .LBB2_32-.Ltmp15, $4  }
0x5a0: {  	_ = 	snop  }
0x5a1: {  	s5 =	sadd.s32 s4, s13  }
0x5a2: {  	[hbm4b:s5+s7] =	stream.strided.scatter [tilespmem:s3], [sflag:$0x6], $0x400, s22, s7, $0x38;
	[tilespmem:$0x18900] =	vst v63  }
0x5a3: {  	s4 =	sadd.s32 $0x400, s3;
	s5 =	sadd.s32 $0x10, s5;
	s3 =	sadd.s32 $0x800, s3  }
0x5a4: {  	[hbm4b:s5+s7] =	stream.strided.scatter [tilespmem:s4], [sflag:$0x6], $0x400, s22, s7, $0x38;
	[tilespmem:$0x18900] =	vst v63  }
0x5a5: {  	_ =	swait.ge [sflag:s6], $0x8000  }
0x5a6: {  	[sflag:s6] =	ssyncset.done $0x0  }
0x5a7: {  	[sflag:s6] =	ssyncadd.s32 $0xFFFF8000  }
0x5a8: {  	v3 =	vld [tilespmem:$0x400]  }
0x5a9: {  	v4 =	vld [tilespmem:$0x410]  }
0x5aa: {  	v5 =	vld [tilespmem:$0x420]  }
0x5ab: {  	s2 =	simm.s32 $0x180;
	v6 =	vld [tilespmem:$0x430]  }
0x5ac: {  	v0 =	vmov s2;
	v7 =	vld [tilespmem:$0x440]  }
0x5ad: {  	v8 =	vld [tilespmem:$0x450]  }
0x5ae: {  	v9 =	vld [tilespmem:$0x460]  }
0x5af: {  	s30 =	simm.s32 $0x181;
	v10 =	vld [tilespmem:$0x470]  }
0x5b0: {  	v1 =	vmov s30;
	v11 =	vld [tilespmem:$0x480]  }
0x5b1: {  	v0 =	vld.idx.msk [tilespmem:v0+s21+$0x0], $0xffff  }
0x5b2: {  	v12 =	vld [tilespmem:$0x490]  }
0x5b3: {  	v13 =	vld [tilespmem:$0x4A0]  }
0x5b4: {  	v14 =	vld [tilespmem:$0x4B0]  }
0x5b5: {  	v1 =	vld.idx.msk [tilespmem:v1+s21+$0x0], $0xffff  }
0x5b6: {  	v15 =	vld [tilespmem:$0x4C0];
	v2 =	vmul.f32 v0, v3;
	v19 =	vmul.f32 v0, v4  }
0x5b7: {  	s3 =	simm.s32 $0x182;
	v16 =	vld [tilespmem:$0x4D0];
	v20 =	vmul.f32 v0, v5;
	v21 =	vmul.f32 v0, v6  }
0x5b8: {  	s4 =	simm.s32 $0x183;
	v37 =	vmov s3;
	v17 =	vld [tilespmem:$0x4E0];
	v22 =	vmul.f32 v0, v7;
	v23 =	vmul.f32 v0, v8  }
0x5b9: {  	s5 =	simm.s32 $0x184;
	s26 =	simm.s32 $0x100;
	s29 =	simm.s32 $0x200;
	v41 =	vmov s4;
	v18 =	vld [tilespmem:$0x4F0];
	v24 =	vmul.f32 v0, v9;
	v0 =	vmul.f32 v0, v10  }
0x5ba: {  	s10 =	simm.s32 $0x0;
	v42 =	vmov s5;
	s9 =	sand.u32 $0xF800, s29;
	s30 =	simm.s32 $0x0;
	v25 =	vmul.f32 v1, v3;
	v26 =	vmul.f32 v1, v4  }
0x5bb: {  	s3 =	sand.u32 $0x380, s26;
	s4 =	sand.u32 $0x7800, s10;
	s5 =	sand.u32 $0x380, s30;
	v28 =	vmul.f32 v1, v5;
	v2 =	vadd.f32 v2, v11;
	v27 =	vadd.f32 v19, v12  }
0x5bc: {  	s28 =	sor.u32 s3, s9;
	s3 =	sor.u32 s5, s4;
	v32 =	vmul.f32 v1, v6;
	v29 =	vadd.f32 v20, v13;
	v30 =	vadd.f32 v21, v14  }
0x5bd: {  	v52 =	vld [tilespmem:s3+$0x800];
	v34 =	vmul.f32 v1, v7;
	v31 =	vadd.f32 v22, v15;
	v33 =	vadd.f32 v23, v16  }
0x5be: {  	v36 =	vmul.f32 v1, v8;
	v19 =	vld [tilespmem:$0x500];
	v35 =	vadd.f32 v24, v17;
	v0 =	vadd.f32 v0, v18  }
0x5bf: {  	v20 =	vld [tilespmem:$0x510];
	v38 =	vadd.f32 v25, v11;
	v39 =	vadd.f32 v26, v12;
	v26 =	vmul.f32 v1, v9  }
0x5c0: {  	v21 =	vld [tilespmem:$0x520];
	v40 =	vadd.f32 v28, v13;
	v32 =	vadd.f32 v32, v14;
	v1 =	vmul.f32 v1, v10  }
0x5c1: {  	v22 =	vld [tilespmem:$0x530];
	v34 =	vadd.f32 v34, v15;
	v36 =	vadd.f32 v36, v16  }
0x5c2: {  	v23 =	vld [tilespmem:$0x540];
	v43 =	vadd.f32 v26, v17;
	v28 =	vadd.f32 v1, v18  }
0x5c3: {  	v24 =	vld [tilespmem:$0x550];
	v1 =	vmax.f32 v2, $0.0e+00;
	v2 =	vmax.f32 v27, $0.0e+00;
	v27 =	vmax.f32 v29, $0.0e+00  }
0x5c4: {  	v25 =	vld [tilespmem:$0x560];
	v30 =	vmax.f32 v30, $0.0e+00;
	v31 =	vmax.f32 v31, $0.0e+00;
	v33 =	vmax.f32 v33, $0.0e+00  }
0x5c5: {  	v29 =	vld.idx.msk [tilespmem:v37+s21+$0x0], $0xffff;
	v35 =	vmax.f32 v35, $0.0e+00;
	v0 =	vmax.f32 v0, $0.0e+00;
	v61 =	vmax.f32 v39, $0.0e+00  }
0x5c6: {  	v26 =	vld [tilespmem:$0x570];
	v32 =	vmax.f32 v32, $0.0e+00;
	v1 =	vadd.f32 v1, v19;
	v2 =	vadd.f32 v2, v20  }
0x5c7: {  	v53 =	vld [tilespmem:s3+$0x810];
	v34 =	vmax.f32 v34, $0.0e+00;
	v37 =	vadd.f32 v27, v21;
	v30 =	vadd.f32 v30, v22  }
0x5c8: {  	v54 =	vld [tilespmem:s3+$0x820];
	v28 =	vmax.f32 v28, $0.0e+00;
	v31 =	vadd.f32 v31, v23;
	v33 =	vadd.f32 v33, v24  }
0x5c9: {  	v27 =	vmax.f32 v38, $0.0e+00;
	v35 =	vadd.f32 v35, v25;
	v38 =	vadd.f32 v61, v20  }
0x5ca: {  	v39 =	vld.idx.msk [tilespmem:v41+s21+$0x0], $0xffff;
	v32 =	vadd.f32 v32, v22;
	v41 =	vadd.f32 v27, v19;
	v44 =	vmul.f32 v29, v3  }
0x5cb: {  	v55 =	vld [tilespmem:s3+$0x830];
	v0 =	vadd.f32 v0, v26;
	v45 =	vmul.f32 v29, v10;
	v62 =	vmul.f32 v29, v4  }
0x5cc: {  	v56 =	vld [tilespmem:s3+$0x850];
	v46 =	vmul.f32 v29, v5;
	v47 =	vmul.f32 v29, v6;
	v1 =	vadd.f32 v1, v52  }
0x5cd: {  	v58 =	vld [tilespmem:s3+$0x860];
	v48 =	vmul.f32 v29, v7;
	v2 =	vadd.f32 v2, v53;
	v37 =	vadd.f32 v54, v37  }
0x5ce: {  	v60 =	vld [tilespmem:s3+$0x870];
	v51 =	vmul.f32 v29, v8;
	v28 =	vadd.f32 v28, v26;
	v45 =	vadd.f32 v45, v18  }
0x5cf: {  	v27 =	vld.idx.msk [tilespmem:v42+s21+$0x0], $0xffff;
	v29 =	vmul.f32 v29, v9;
	v44 =	vadd.f32 v44, v11;
	v42 =	vadd.f32 v62, v12  }
0x5d0: {  	v49 =	vld [tilespmem:s28+$0x870];
	v57 =	vmul.f32 v39, v3;
	v46 =	vadd.f32 v46, v13;
	v47 =	vadd.f32 v47, v14  }
0x5d1: {  	s10 =	simm.s32 $0x80;
	s9 =	simm.s32 $0x100;
	v59 =	vmul.f32 v39, v4;
	v48 =	vadd.f32 v48, v15;
	v51 =	vadd.f32 v51, v16  }
0x5d2: {  	s2 =	sand.u32 $0xF800, s9;
	s4 =	sand.u32 $0x380, s10;
	v29 =	vadd.f32 v29, v17;
	[tilespmem:s3+$0x800] =	vst v1;
	v1 =	vadd.f32 v55, v30;
	v45 =	vmax.f32 v45, $0.0e+00  }
0x5d3: {  	s2 =	sor.u32 s4, s2;
	v61 =	vmul.f32 v39, v5;
	[tilespmem:s3+$0x810] =	vst v2;
	v2 =	vadd.f32 v56, v33;
	v45 =	vadd.f32 v45, v26  }
0x5d4: {  	v52 =	vld [tilespmem:s2+$0x800];
	v55 =	vadd.f32 v58, v35;
	v0 =	vadd.f32 v60, v0;
	v60 =	vmax.f32 v40, $0.0e+00  }
0x5d5: {  	v58 =	vmax.f32 v36, $0.0e+00;
	v35 =	vadd.f32 v57, v11;
	v45 =	vadd.f32 v49, v45;
	v49 =	vld [tilespmem:s3+$0x840]  }
0x5d6: {  	v50 =	vld [tilespmem:s28+$0x800];
	[tilespmem:s3+$0x820] =	vst v37;
	v36 =	vadd.f32 v61, v13;
	v37 =	vadd.f32 v60, v21;
	v44 =	vmax.f32 v44, $0.0e+00  }
0x5d7: {  	v56 =	vld [tilespmem:s2+$0x830];
	v42 =	vmax.f32 v42, $0.0e+00;
	v46 =	vmax.f32 v46, $0.0e+00;
	[tilespmem:s3+$0x860] =	vst v55;
	v55 =	vadd.f32 v58, v24  }
0x5d8: {  	v54 =	vld [tilespmem:s2+$0x860];
	v47 =	vmax.f32 v47, $0.0e+00;
	v44 =	vadd.f32 v44, v19;
	v42 =	vadd.f32 v42, v20  }
0x5d9: {  	v48 =	vmax.f32 v48, $0.0e+00;
	[tilespmem:s3+$0x830] =	vst v1;
	v46 =	vadd.f32 v46, v21;
	v1 =	vadd.f32 v41, v52;
	v52 =	vld [tilespmem:s2+$0x850]  }
0x5da: {  	v51 =	vmax.f32 v51, $0.0e+00;
	v47 =	vadd.f32 v47, v22;
	v30 =	vadd.f32 v49, v31;
	v31 =	vld [tilespmem:s2+$0x820]  }
0x5db: {  	v29 =	vmax.f32 v29, $0.0e+00;
	v48 =	vadd.f32 v48, v23;
	v51 =	vadd.f32 v51, v24;
	[tilespmem:s28+$0x870] =	vst v45;
	v45 =	vld [tilespmem:s2+$0x810]  }
0x5dc: {  	v40 =	vld [tilespmem:s2+$0x840];
	[tilespmem:s3+$0x850] =	vst v2;
	v32 =	vadd.f32 v56, v32;
	v56 =	vmax.f32 v43, $0.0e+00;
	v43 =	vmul.f32 v39, v9  }
0x5dd: {  	v53 =	vmul.f32 v39, v7;
	v33 =	vld [tilespmem:s28+$0x830];
	[tilespmem:s3+$0x870] =	vst v0;
	v62 =	vadd.f32 v29, v25;
	v50 =	vadd.f32 v44, v50  }
0x5de: {  	v61 =	vld [tilespmem:s28+$0x860];
	v29 =	vmul.f32 v39, v6;
	[tilespmem:s2+$0x800] =	vst v1;
	v43 =	vadd.f32 v43, v17;
	v1 =	vadd.f32 v52, v55  }
0x5df: {  	v60 =	vld [tilespmem:s2+$0x870];
	[tilespmem:s2+$0x830] =	vst v32;
	v49 =	vmul.f32 v39, v8;
	v2 =	vadd.f32 v31, v37;
	v31 =	vadd.f32 v34, v23  }
0x5e0: {  	v58 =	vld [tilespmem:s28+$0x810];
	[tilespmem:s3+$0x840] =	vst v30;
	v30 =	vadd.f32 v38, v45;
	v45 =	vmul.f32 v39, v10;
	v39 =	vadd.f32 v53, v15  }
0x5e1: {  	v41 =	vld [tilespmem:s28+$0x840];
	v32 =	vmul.f32 v27, v7;
	[tilespmem:s28+$0x800] =	vst v50;
	v0 =	vadd.f32 v40, v31;
	v31 =	vadd.f32 v56, v25  }
0x5e2: {  	v52 =	vmul.f32 v27, v3;
	[tilespmem:s2+$0x850] =	vst v1;
	v44 =	vadd.f32 v49, v16;
	v45 =	vadd.f32 v45, v18;
	v40 =	vld [tilespmem:s28+$0x820]  }
0x5e3: {  	v55 =	vmul.f32 v27, v4;
	[tilespmem:s2+$0x810] =	vst v30;
	v34 =	vadd.f32 v59, v12;
	v38 =	vadd.f32 v54, v31;
	v54 =	vld [tilespmem:s28+$0x850]  }
0x5e4: {  	v49 =	vmul.f32 v27, v9;
	v37 =	vadd.f32 v29, v14;
	[tilespmem:s2+$0x820] =	vst v2;
	v2 =	vadd.f32 v60, v28  }
0x5e5: {  	v30 =	vmul.f32 v27, v5;
	v60 =	vadd.f32 v42, v58;
	v28 =	vadd.f32 v33, v47;
	[tilespmem:s2+$0x840] =	vst v0  }
0x5e6: {  	s30 =	simm.s32 $0x185;
	v42 =	vadd.f32 v61, v62;
	v31 =	vmul.f32 v27, v6;
	[tilespmem:s2+$0x860] =	vst v38;
	v38 =	vadd.f32 v55, v12  }
0x5e7: {  	[tilespmem:s2+$0x870] =	vst v2;
	v29 =	vadd.f32 v40, v46;
	v40 =	vadd.f32 v41, v48;
	v48 =	vmov s30  }
0x5e8: {  	v47 =	vmul.f32 v27, v8;
	[tilespmem:s28+$0x810] =	vst v60;
	s2 =	simm.s32 $0x3;
	v46 =	vadd.f32 v52, v11;
	v41 =	vadd.f32 v54, v51  }
.LBB2_34:
0x5e9: {  	s3 =	sadd.s32 $0x183, s2;
	v33 =	vadd.f32 v30, v13;
	v31 =	vadd.f32 v31, v14;
	v0 =	vmul.f32 v27, v10;
	[tilespmem:s28+$0x820] =	vst v29  }
0x5ea: {  	v32 =	vadd.f32 v32, v15;
	v30 =	vadd.f32 v47, v16;
	v1 =	vmov s3;
	s3 =	sadd.s32 $0x184, s2;
	[tilespmem:s28+$0x830] =	vst v28  }
0x5eb: {  	v29 =	vadd.f32 v49, v17;
	v2 =	vmov s3;
	v28 =	vadd.f32 v0, v18;
	[tilespmem:s28+$0x840] =	vst v40  }
0x5ec: {  	v27 =	vmax.f32 v34, $0.0e+00;
	v34 =	vmax.f32 v36, $0.0e+00;
	v0 =	vmax.f32 v35, $0.0e+00;
	v35 =	vld.idx.msk [tilespmem:v48+s21+$0x0], $0xffff;
	[tilespmem:s28+$0x850] =	vst v41  }
0x5ed: {  	v36 =	vmax.f32 v37, $0.0e+00;
	v37 =	vmax.f32 v39, $0.0e+00;
	v39 =	vmax.f32 v44, $0.0e+00;
	[tilespmem:s28+$0x860] =	vst v42  }
0x5ee: {  	v40 =	vadd.f32 v27, v20;
	v27 =	vmax.f32 v43, $0.0e+00;
	v0 =	vadd.f32 v0, v19  }
0x5ef: {  	v36 =	vadd.f32 v36, v22;
	v41 =	vadd.f32 v34, v21;
	v34 =	vmax.f32 v45, $0.0e+00  }
0x5f0: {  	v37 =	vadd.f32 v37, v23;
	v39 =	vadd.f32 v39, v24;
	v42 =	vmax.f32 v46, $0.0e+00  }
0x5f1: {  	s26 =	sadd.s32 $0x180, s26;
	s29 =	sadd.s32 $0x300, s29;
	v38 =	vmax.f32 v38, $0.0e+00;
	v43 =	vadd.f32 v27, v25;
	v44 =	vadd.f32 v34, v26  }
0x5f2: {  	s4 =	sand.u32 $0xF800, s29;
	s5 =	sand.u32 $0x380, s26;
	s3 =	sadd.s32 $0xFFFFFE00, s29;
	v45 =	vmul.f32 v35, v10;
	v34 =	vld.idx.msk [tilespmem:v1+s21+$0x0], $0xffff;
	v1 =	vadd.f32 v42, v19;
	v42 =	vmul.f32 v35, v3  }
0x5f3: {  	s9 =	sadd.s32 $0xFFFFFF00, s26;
	s10 =	sadd.s32 $0xFFFFFF00, s29;
	s28 =	sor.u32 s5, s4;
	v46 =	vmul.f32 v35, v5;
	v27 =	vld.idx.msk [tilespmem:v2+s21+$0x0], $0xffff;
	v2 =	vadd.f32 v38, v20;
	v38 =	vmul.f32 v35, v4  }
0x5f4: {  	s3 =	sand.u32 $0x7800, s3;
	s4 =	sand.u32 $0x380, s9;
	s5 =	sadd.s32 $0xFFFFFF80, s26;
	v47 =	vmul.f32 v35, v6;
	v48 =	vmul.f32 v35, v7;
	v45 =	vadd.f32 v45, v18;
	v49 =	vld [tilespmem:s28+$0x870]  }
0x5f5: {  	s4 =	sor.u32 s4, s3;
	s3 =	sand.u32 $0xF800, s10;
	s5 =	sand.u32 $0x380, s5;
	v51 =	vmul.f32 v35, v8;
	v35 =	vmul.f32 v35, v9;
	v42 =	vadd.f32 v42, v11;
	v50 =	vld [tilespmem:s28+$0x800]  }
0x5f6: {  	s3 =	sor.u32 s5, s3;
	v46 =	vadd.f32 v46, v13;
	v38 =	vadd.f32 v38, v12;
	v45 =	vmax.f32 v45, $0.0e+00;
	v52 =	vld [tilespmem:s4+$0x800]  }
0x5f7: {  	v47 =	vadd.f32 v47, v14;
	v42 =	vmax.f32 v42, $0.0e+00;
	v45 =	vadd.f32 v45, v26;
	v53 =	vld [tilespmem:s4+$0x810]  }
0x5f8: {  	v48 =	vadd.f32 v48, v15;
	v51 =	vadd.f32 v51, v16;
	v38 =	vmax.f32 v38, $0.0e+00;
	v54 =	vld [tilespmem:s4+$0x820]  }
0x5f9: {  	v46 =	vmax.f32 v46, $0.0e+00;
	v35 =	vadd.f32 v35, v17;
	v55 =	vld [tilespmem:s4+$0x830];
	v45 =	vadd.f32 v49, v45  }
0x5fa: {  	v47 =	vmax.f32 v47, $0.0e+00;
	v48 =	vmax.f32 v48, $0.0e+00;
	v51 =	vmax.f32 v51, $0.0e+00;
	v49 =	vld [tilespmem:s4+$0x840]  }
0x5fb: {  	v42 =	vadd.f32 v42, v19;
	v35 =	vmax.f32 v35, $0.0e+00;
	v38 =	vadd.f32 v38, v20;
	v56 =	vld [tilespmem:s4+$0x850];
	[tilespmem:s28+$0x870] =	vst v45  }
0x5fc: {  	v46 =	vadd.f32 v46, v21;
	v47 =	vadd.f32 v47, v22;
	v45 =	vmul.f32 v34, v3;
	v57 =	vld [tilespmem:s4+$0x860]  }
0x5fd: {  	v48 =	vadd.f32 v48, v23;
	v51 =	vadd.f32 v51, v24;
	v58 =	vmul.f32 v34, v4;
	v59 =	vld [tilespmem:s4+$0x870]  }
0x5fe: {  	v60 =	vmul.f32 v34, v5;
	v61 =	vadd.f32 v35, v25;
	v0 =	vadd.f32 v0, v52;
	v52 =	vld [tilespmem:s3+$0x800]  }
0x5ff: {  	v62 =	vmul.f32 v34, v6;
	v35 =	vadd.f32 v40, v53;
	v40 =	vadd.f32 v54, v41;
	v41 =	vld [tilespmem:s3+$0x810]  }
0x600: {  	v53 =	vmul.f32 v34, v7;
	[tilespmem:s4+$0x800] =	vst v0;
	v0 =	vadd.f32 v55, v36;
	v36 =	vadd.f32 v49, v37;
	v37 =	vld [tilespmem:s3+$0x820]  }
0x601: {  	v49 =	vmul.f32 v34, v8;
	[tilespmem:s4+$0x810] =	vst v35;
	v35 =	vadd.f32 v56, v39;
	v39 =	vadd.f32 v57, v43;
	v43 =	vld [tilespmem:s3+$0x830]  }
0x602: {  	v33 =	vmax.f32 v33, $0.0e+00;
	v42 =	vadd.f32 v42, v50;
	[tilespmem:s4+$0x820] =	vst v40;
	v40 =	vadd.f32 v59, v44;
	v44 =	vld [tilespmem:s3+$0x840]  }
0x603: {  	v31 =	vmax.f32 v31, $0.0e+00;
	[tilespmem:s4+$0x830] =	vst v0;
	v0 =	vadd.f32 v1, v52;
	v1 =	vadd.f32 v33, v21;
	v33 =	vld [tilespmem:s3+$0x850]  }
0x604: {  	v32 =	vmax.f32 v32, $0.0e+00;
	v31 =	vadd.f32 v31, v22;
	[tilespmem:s4+$0x840] =	vst v36;
	v2 =	vadd.f32 v2, v41;
	v36 =	vld [tilespmem:s3+$0x860]  }
0x605: {  	v30 =	vmax.f32 v30, $0.0e+00;
	v32 =	vadd.f32 v32, v23;
	[tilespmem:s4+$0x850] =	vst v35;
	v1 =	vadd.f32 v37, v1;
	v37 =	vld [tilespmem:s3+$0x870]  }
0x606: {  	v30 =	vadd.f32 v30, v24;
	v29 =	vmax.f32 v29, $0.0e+00;
	[tilespmem:s4+$0x860] =	vst v39;
	v31 =	vadd.f32 v43, v31;
	v39 =	vld [tilespmem:s28+$0x810]  }
0x607: {  	v29 =	vadd.f32 v29, v25;
	v28 =	vmax.f32 v28, $0.0e+00;
	[tilespmem:s4+$0x870] =	vst v40;
	v32 =	vadd.f32 v44, v32;
	v40 =	vld [tilespmem:s28+$0x820]  }
0x608: {  	v28 =	vadd.f32 v28, v26;
	v41 =	vmul.f32 v34, v9;
	[tilespmem:s3+$0x800] =	vst v0;
	v0 =	vadd.f32 v33, v30;
	v33 =	vld [tilespmem:s28+$0x830]  }
0x609: {  	v35 =	vadd.f32 v45, v11;
	v45 =	vmul.f32 v34, v10;
	[tilespmem:s3+$0x810] =	vst v2;
	v2 =	vadd.f32 v36, v29;
	v43 =	vld [tilespmem:s28+$0x840]  }
0x60a: {  	v50 =	vmul.f32 v27, v3;
	v34 =	vadd.f32 v58, v12;
	[tilespmem:s3+$0x820] =	vst v1;
	v1 =	vadd.f32 v37, v28;
	v52 =	vld [tilespmem:s28+$0x850]  }
0x60b: {  	v54 =	vmul.f32 v27, v4;
	s4 =	sadd.s32 $0x185, s2;
	s2 =	sadd.s32 $0x3, s2;
	v36 =	vadd.f32 v60, v13;
	[tilespmem:s3+$0x830] =	vst v31;
	v55 =	vadd.f32 v38, v39;
	v38 =	vld [tilespmem:s28+$0x860]  }
0x60c: {  	v30 =	vmul.f32 v27, v5;
	p1 =	slt.u32 s2, $0x7B;
	v37 =	vadd.f32 v62, v14;
	[tilespmem:s3+$0x840] =	vst v32;
	v29 =	vadd.f32 v40, v46  }
.Ltmp16:
0x60d: {  	v39 =	vadd.f32 v53, v15;
	v31 =	vmul.f32 v27, v6;
	[tilespmem:s3+$0x850] =	vst v0;
	v28 =	vadd.f32 v33, v47;
	(pc) =	sbr.rel @p1 .LBB2_34-.Ltmp16, $4  }
0x60e: {  	v44 =	vadd.f32 v49, v16;
	v32 =	vmul.f32 v27, v7;
	[tilespmem:s3+$0x860] =	vst v2;
	v40 =	vadd.f32 v43, v48  }
0x60f: {  	v47 =	vmul.f32 v27, v8;
	v43 =	vadd.f32 v41, v17;
	[tilespmem:s3+$0x870] =	vst v1;
	v41 =	vadd.f32 v52, v51  }
0x610: {  	v45 =	vadd.f32 v45, v18;
	v48 =	vmov s4;
	[tilespmem:s28+$0x800] =	vst v42;
	v42 =	vadd.f32 v38, v61  }
0x611: {  	v49 =	vmul.f32 v27, v9;
	v46 =	vadd.f32 v50, v11;
	v38 =	vadd.f32 v54, v12;
	[tilespmem:s28+$0x810] =	vst v55  }
0x612: {  	v1 =	vadd.f32 v30, v13;
	v2 =	vadd.f32 v31, v14  }
0x613: {  	v27 =	vmul.f32 v27, v10;
	v30 =	vadd.f32 v32, v15;
	v31 =	vadd.f32 v47, v16;
	s4 =	sadd.s32 $0x300, s29;
	s5 =	sadd.s32 $0x180, s26  }
0x614: {  	v33 =	vmax.f32 v35, $0.0e+00;
	v34 =	vmax.f32 v34, $0.0e+00;
	v50 =	vmax.f32 v36, $0.0e+00;
	s3 =	sadd.s32 $0xFFFFFE00, s4;
	s10 =	sadd.s32 $0xFFFFFF00, s5  }
0x615: {  	v37 =	vmax.f32 v37, $0.0e+00;
	v39 =	vmax.f32 v39, $0.0e+00;
	v32 =	vadd.f32 v49, v17;
	s3 =	sand.u32 $0x7800, s3;
	s30 =	sand.u32 $0x380, s10  }
0x616: {  	v0 =	vld.idx.msk [tilespmem:v48+s21+$0x0], $0xffff;
	v44 =	vmax.f32 v44, $0.0e+00;
	v33 =	vadd.f32 v33, v19;
	v34 =	vadd.f32 v34, v20;
	s3 =	sor.u32 s30, s3  }
0x617: {  	v43 =	vmax.f32 v43, $0.0e+00;
	[tilespmem:s28+$0x820] =	vst v29;
	v35 =	vadd.f32 v50, v21;
	v37 =	vadd.f32 v37, v22;
	v53 =	vld [tilespmem:s3+$0x800]  }
0x618: {  	v54 =	vmax.f32 v45, $0.0e+00;
	[tilespmem:s28+$0x830] =	vst v28;
	v39 =	vadd.f32 v39, v23;
	v28 =	vadd.f32 v44, v24;
	v55 =	vld [tilespmem:s3+$0x810]  }
0x619: {  	[tilespmem:s28+$0x840] =	vst v40;
	v56 =	vmax.f32 v46, $0.0e+00;
	v40 =	vadd.f32 v43, v25;
	v29 =	vadd.f32 v54, v26;
	v57 =	vld [tilespmem:s3+$0x820]  }
0x61a: {  	[tilespmem:s28+$0x850] =	vst v41;
	s2 =	sand.u32 $0xF800, s4;
	v38 =	vmax.f32 v38, $0.0e+00;
	v27 =	vadd.f32 v27, v18;
	v41 =	vadd.f32 v56, v19;
	v58 =	vld [tilespmem:s3+$0x830]  }
0x61b: {  	s9 =	sand.u32 $0x380, s5;
	s4 =	sadd.s32 $0xFFFFFF00, s4;
	s5 =	sadd.s32 $0xFFFFFF80, s5;
	v38 =	vadd.f32 v38, v20;
	v1 =	vmax.f32 v1, $0.0e+00;
	v2 =	vmax.f32 v2, $0.0e+00;
	v60 =	vld [tilespmem:s3+$0x840]  }
0x61c: {  	s4 =	sand.u32 $0xF800, s4;
	s5 =	sand.u32 $0x380, s5;
	v1 =	vadd.f32 v1, v21;
	v2 =	vadd.f32 v2, v22;
	v62 =	vld [tilespmem:s3+$0x850]  }
0x61d: {  	s4 =	sor.u32 s5, s4;
	v32 =	vmax.f32 v32, $0.0e+00;
	v50 =	vld [tilespmem:s3+$0x870];
	v51 =	vmul.f32 v0, v10;
	v33 =	vadd.f32 v33, v53  }
0x61e: {  	[tilespmem:s28+$0x860] =	vst v42;
	s2 =	sor.u32 s9, s2;
	v56 =	vld [tilespmem:s4+$0x800];
	v32 =	vadd.f32 v32, v25;
	v59 =	vmul.f32 v0, v3;
	v34 =	vadd.f32 v34, v55  }
0x61f: {  	v52 =	vld [tilespmem:s2+$0x870];
	v61 =	vmul.f32 v0, v4;
	v36 =	vadd.f32 v51, v18;
	v35 =	vadd.f32 v57, v35;
	[tilespmem:s3+$0x800] =	vst v33  }
0x620: {  	v49 =	vld [tilespmem:s4+$0x860];
	v44 =	vadd.f32 v59, v11;
	v37 =	vadd.f32 v58, v37;
	[tilespmem:s3+$0x810] =	vst v34  }
0x621: {  	v30 =	vmax.f32 v30, $0.0e+00;
	v47 =	vld [tilespmem:s4+$0x850];
	v42 =	vadd.f32 v61, v12;
	v39 =	vadd.f32 v60, v39;
	[tilespmem:s3+$0x820] =	vst v35  }
0x622: {  	v59 =	vld [tilespmem:s4+$0x820];
	v51 =	vmax.f32 v31, $0.0e+00;
	v28 =	vadd.f32 v62, v28;
	v29 =	vadd.f32 v50, v29;
	[tilespmem:s3+$0x830] =	vst v37  }
0x623: {  	v61 =	vld [tilespmem:s4+$0x840];
	v36 =	vmax.f32 v36, $0.0e+00;
	v62 =	vadd.f32 v41, v56;
	v50 =	vadd.f32 v30, v23;
	[tilespmem:s3+$0x840] =	vst v39  }
0x624: {  	v53 =	vld [tilespmem:s3+$0x860];
	v30 =	vadd.f32 v51, v24;
	v36 =	vadd.f32 v36, v26;
	[tilespmem:s3+$0x850] =	vst v28  }
0x625: {  	v27 =	vmax.f32 v27, $0.0e+00;
	v54 =	vmul.f32 v0, v6;
	v60 =	vld [tilespmem:s4+$0x830];
	v32 =	vadd.f32 v49, v32;
	[tilespmem:s3+$0x870] =	vst v29  }
0x626: {  	[tilespmem:s4+$0x800] =	vst v62;
	v30 =	vadd.f32 v47, v30;
	v36 =	vadd.f32 v52, v36;
	v52 =	vmul.f32 v0, v5  }
0x627: {  	v27 =	vadd.f32 v27, v26;
	v43 =	vadd.f32 v54, v14;
	v55 =	vmul.f32 v0, v7;
	v58 =	vld [tilespmem:s4+$0x810];
	[tilespmem:s4+$0x860] =	vst v32  }
0x628: {  	v57 =	vmul.f32 v0, v8;
	v1 =	vadd.f32 v59, v1;
	[tilespmem:s4+$0x850] =	vst v30;
	v46 =	vadd.f32 v52, v13;
	v52 =	vld [tilespmem:s4+$0x870]  }
0x629: {  	v0 =	vmul.f32 v0, v9;
	v29 =	vadd.f32 v61, v50;
	[tilespmem:s2+$0x870] =	vst v36;
	v36 =	vadd.f32 v53, v40;
	v53 =	vld [tilespmem:s2+$0x800]  }
0x62a: {  	v54 =	vld [tilespmem:s2+$0x810];
	v33 =	vadd.f32 v55, v15;
	v2 =	vadd.f32 v60, v2;
	[tilespmem:s4+$0x820] =	vst v1  }
0x62b: {  	v34 =	vadd.f32 v57, v16;
	v55 =	vld [tilespmem:s2+$0x820];
	v0 =	vadd.f32 v0, v17;
	v1 =	vmax.f32 v44, $0.0e+00;
	[tilespmem:s4+$0x840] =	vst v29  }
0x62c: {  	v62 =	vld [tilespmem:s2+$0x860];
	v48 =	vadd.f32 v38, v58;
	v1 =	vadd.f32 v1, v19;
	[tilespmem:s4+$0x830] =	vst v2;
	v2 =	vmax.f32 v42, $0.0e+00  }
0x62d: {  	v58 =	vld [tilespmem:s2+$0x840];
	[tilespmem:s3+$0x860] =	vst v36;
	v57 =	vmax.f32 v46, $0.0e+00;
	v2 =	vadd.f32 v2, v20;
	v27 =	vadd.f32 v52, v27  }
0x62e: {  	v56 =	vld [tilespmem:s2+$0x830];
	[tilespmem:s4+$0x810] =	vst v48;
	v0 =	vmax.f32 v0, $0.0e+00;
	v29 =	vadd.f32 v57, v21;
	v1 =	vadd.f32 v1, v53  }
0x62f: {  	v61 =	vmax.f32 v33, $0.0e+00;
	v60 =	vld [tilespmem:s2+$0x850];
	v0 =	vadd.f32 v0, v25;
	v2 =	vadd.f32 v2, v54;
	[tilespmem:s4+$0x870] =	vst v27  }
0x630: {  	v59 =	vmax.f32 v43, $0.0e+00;
	v31 =	vadd.f32 v61, v23;
	v29 =	vadd.f32 v55, v29;
	[tilespmem:s2+$0x800] =	vst v1  }
0x631: {  	v30 =	vadd.f32 v59, v22;
	v0 =	vadd.f32 v62, v0;
	v27 =	vmax.f32 v34, $0.0e+00;
	[tilespmem:s2+$0x810] =	vst v2  }
0x632: {  	v2 =	vadd.f32 v58, v31;
	[tilespmem:s2+$0x820] =	vst v29;
	v1 =	vadd.f32 v27, v24  }
0x633: {  	[tilespmem:s2+$0x860] =	vst v0;
	v27 =	vadd.f32 v56, v30  }
0x634: {  	[tilespmem:s2+$0x840] =	vst v2;
	v1 =	vadd.f32 v60, v1  }
0x635: {  	[tilespmem:s2+$0x830] =	vst v27  }
0x636: {  	s3 =	simm.s32 $0x0;
	s4 =	simm.s32 $0x1FE;
	[tilespmem:s2+$0x850] =	vst v1  }
.LBB2_36:
0x637: {  	v0 =	vmov s4;
	_ =	sdelay $0x4  }
0x638: {  	v0 =	vld.idx.msk [tilespmem:v0+s21+$0x0], $0xffff;
	_ =	sdelay $0x4  }
0x639: {  	v1 =	vmul.f32 v0, v3;
	v2 =	vmul.f32 v0, v4  }
0x63a: {  	v28 =	vmul.f32 v0, v5;
	v31 =	vmul.f32 v0, v6  }
0x63b: {  	s2 =	sshra.s32 s3, $0x2;
	v56 =	vmul.f32 v0, v7;
	v32 =	vmul.f32 v0, v8  }
0x63c: {  	v27 =	vld [tilespmem:s2+$0x8300];
	v33 =	vmul.f32 v0, v9;
	v0 =	vmul.f32 v0, v10;
	v1 =	vadd.f32 v1, v11  }
0x63d: {  	v2 =	vadd.f32 v2, v12  }
0x63e: {  	v29 =	vld [tilespmem:s2+$0x8310];
	v28 =	vadd.f32 v28, v13;
	v0 =	vadd.f32 v0, v18;
	v1 =	vmax.f32 v1, $0.0e+00  }
0x63f: {  	v61 =	vld [tilespmem:s2+$0x8370];
	v57 =	vadd.f32 v31, v14;
	v2 =	vmax.f32 v2, $0.0e+00;
	v1 =	vadd.f32 v1, v19  }
0x640: {  	v30 =	vld [tilespmem:s2+$0x8320];
	v32 =	vadd.f32 v32, v16;
	v0 =	vmax.f32 v0, $0.0e+00;
	v2 =	vadd.f32 v2, v20  }
0x641: {  	v58 =	vld [tilespmem:s2+$0x8330];
	v28 =	vmax.f32 v28, $0.0e+00;
	v0 =	vadd.f32 v0, v26;
	v1 =	vadd.f32 v1, v27  }
0x642: {  	v59 =	vld [tilespmem:s2+$0x8340];
	v27 =	vadd.f32 v28, v21;
	v28 =	vadd.f32 v56, v15  }
0x643: {  	v34 =	vld [tilespmem:s2+$0x8350];
	v33 =	vadd.f32 v33, v17;
	v2 =	vadd.f32 v2, v29;
	v29 =	vmax.f32 v57, $0.0e+00  }
0x644: {  	v35 =	vld [tilespmem:s2+$0x8360];
	v0 =	vadd.f32 v61, v0;
	v29 =	vadd.f32 v29, v22;
	v28 =	vmax.f32 v28, $0.0e+00;
	[tilespmem:s2+$0x8300] =	vst v1  }
0x645: {  	v60 =	vmax.f32 v32, $0.0e+00;
	v27 =	vadd.f32 v30, v27;
	[tilespmem:s2+$0x8310] =	vst v2;
	v1 =	vadd.f32 v28, v23  }
0x646: {  	p1 =	sne.s32 s3, $0x200;
	v62 =	vmax.f32 v33, $0.0e+00;
	[tilespmem:s2+$0x8370] =	vst v0;
	v2 =	vadd.f32 v58, v29;
	v28 =	vadd.f32 v60, v24  }
.Ltmp17:
0x647: {  	[tilespmem:s2+$0x8320] =	vst v27;
	v27 =	vadd.f32 v62, v25;
	v1 =	vadd.f32 v59, v1;
	(pc) =	sbr.rel @p1 .LBB2_36-.Ltmp17, $4  }
0x648: {  	[tilespmem:s2+$0x8330] =	vst v2;
	v2 =	vadd.f32 v34, v28  }
0x649: {  	[tilespmem:s2+$0x8340] =	vst v1;
	v1 =	vadd.f32 v35, v27  }
0x64a: {  	[tilespmem:s2+$0x8350] =	vst v2  }
0x64b: {  	s4 =	sadd.s32 $0x1, s4;
	s3 =	sadd.s32 $0x200, s3;
	[tilespmem:s2+$0x8360] =	vst v1  }
0x64c: {  	v3 =	vld [tilespmem:$0x600]  }
0x64d: {  	v4 =	vld [tilespmem:$0x610]  }
0x64e: {  	v5 =	vld [tilespmem:$0x620]  }
0x64f: {  	v6 =	vld [tilespmem:$0x630];
	s2 =	simm.s32 $0x180  }
0x650: {  	v7 =	vld [tilespmem:$0x640];
	v0 =	vmov s2  }
0x651: {  	v8 =	vld [tilespmem:$0x650]  }
0x652: {  	v9 =	vld [tilespmem:$0x660]  }
0x653: {  	v10 =	vld [tilespmem:$0x670];
	s5 =	simm.s32 $0x181  }
0x654: {  	v11 =	vld [tilespmem:$0x680];
	v1 =	vmov s5  }
0x655: {  	v0 =	vld.idx.msk [tilespmem:v0+s21+$0x0], $0xffff  }
0x656: {  	v12 =	vld [tilespmem:$0x690]  }
0x657: {  	v13 =	vld [tilespmem:$0x6A0]  }
0x658: {  	v14 =	vld [tilespmem:$0x6B0]  }
0x659: {  	v1 =	vld.idx.msk [tilespmem:v1+s21+$0x0], $0xffff  }
0x65a: {  	v15 =	vld [tilespmem:$0x6C0];
	v2 =	vmul.f32 v0, v3;
	v19 =	vmul.f32 v0, v4  }
0x65b: {  	v16 =	vld [tilespmem:$0x6D0];
	v20 =	vmul.f32 v0, v5;
	v21 =	vmul.f32 v0, v6  }
0x65c: {  	v17 =	vld [tilespmem:$0x6E0];
	s9 =	simm.s32 $0x182;
	v22 =	vmul.f32 v0, v7;
	v23 =	vmul.f32 v0, v8  }
0x65d: {  	v18 =	vld [tilespmem:$0x6F0];
	s26 =	simm.s32 $0x184;
	s29 =	simm.s32 $0x200;
	s4 =	simm.s32 $0x0;
	v37 =	vmov s9;
	v24 =	vmul.f32 v0, v9;
	v0 =	vmul.f32 v0, v10  }
0x65e: {  	v42 =	vmov s26;
	s26 =	simm.s32 $0x100;
	s30 =	sand.u32 $0xF800, s29;
	s5 =	simm.s32 $0x0;
	v25 =	vmul.f32 v1, v3;
	v26 =	vmul.f32 v1, v4  }
0x65f: {  	s4 =	sand.u32 $0x7800, s4;
	s3 =	sand.u32 $0x380, s26;
	s5 =	sand.u32 $0x380, s5;
	v28 =	vmul.f32 v1, v5;
	v2 =	vadd.f32 v2, v11;
	v27 =	vadd.f32 v19, v12  }
0x660: {  	s28 =	sor.u32 s3, s30;
	s3 =	sor.u32 s5, s4;
	v32 =	vmul.f32 v1, v6;
	v29 =	vadd.f32 v20, v13;
	v30 =	vadd.f32 v21, v14  }
0x661: {  	v52 =	vld [tilespmem:s3+$0xC00];
	v34 =	vmul.f32 v1, v7;
	v31 =	vadd.f32 v22, v15;
	v33 =	vadd.f32 v23, v16  }
0x662: {  	v36 =	vmul.f32 v1, v8;
	v19 =	vld [tilespmem:$0x700];
	v35 =	vadd.f32 v24, v17;
	v0 =	vadd.f32 v0, v18  }
0x663: {  	v20 =	vld [tilespmem:$0x710];
	v38 =	vadd.f32 v25, v11;
	v39 =	vadd.f32 v26, v12;
	v26 =	vmul.f32 v1, v9  }
0x664: {  	v21 =	vld [tilespmem:$0x720];
	v40 =	vadd.f32 v28, v13;
	v32 =	vadd.f32 v32, v14;
	v1 =	vmul.f32 v1, v10  }
0x665: {  	s10 =	simm.s32 $0x183;
	v22 =	vld [tilespmem:$0x730];
	v34 =	vadd.f32 v34, v15;
	v36 =	vadd.f32 v36, v16  }
0x666: {  	v41 =	vmov s10;
	v23 =	vld [tilespmem:$0x740];
	v43 =	vadd.f32 v26, v17;
	v28 =	vadd.f32 v1, v18  }
0x667: {  	v24 =	vld [tilespmem:$0x750];
	v1 =	vmax.f32 v2, $0.0e+00;
	v2 =	vmax.f32 v27, $0.0e+00;
	v27 =	vmax.f32 v29, $0.0e+00  }
0x668: {  	v25 =	vld [tilespmem:$0x760];
	v30 =	vmax.f32 v30, $0.0e+00;
	v31 =	vmax.f32 v31, $0.0e+00;
	v33 =	vmax.f32 v33, $0.0e+00  }
0x669: {  	v29 =	vld.idx.msk [tilespmem:v37+s21+$0x0], $0xffff;
	v35 =	vmax.f32 v35, $0.0e+00;
	v0 =	vmax.f32 v0, $0.0e+00;
	v61 =	vmax.f32 v39, $0.0e+00  }
0x66a: {  	v26 =	vld [tilespmem:$0x770];
	v32 =	vmax.f32 v32, $0.0e+00;
	v1 =	vadd.f32 v1, v19;
	v2 =	vadd.f32 v2, v20  }
0x66b: {  	v53 =	vld [tilespmem:s3+$0xC10];
	v34 =	vmax.f32 v34, $0.0e+00;
	v37 =	vadd.f32 v27, v21;
	v30 =	vadd.f32 v30, v22  }
0x66c: {  	v54 =	vld [tilespmem:s3+$0xC20];
	v28 =	vmax.f32 v28, $0.0e+00;
	v31 =	vadd.f32 v31, v23;
	v33 =	vadd.f32 v33, v24  }
0x66d: {  	v27 =	vmax.f32 v38, $0.0e+00;
	v35 =	vadd.f32 v35, v25;
	v38 =	vadd.f32 v61, v20  }
0x66e: {  	v39 =	vld.idx.msk [tilespmem:v41+s21+$0x0], $0xffff;
	v32 =	vadd.f32 v32, v22;
	v41 =	vadd.f32 v27, v19;
	v44 =	vmul.f32 v29, v3  }
0x66f: {  	v55 =	vld [tilespmem:s3+$0xC30];
	v0 =	vadd.f32 v0, v26;
	v45 =	vmul.f32 v29, v10;
	v62 =	vmul.f32 v29, v4  }
0x670: {  	v56 =	vld [tilespmem:s3+$0xC50];
	v46 =	vmul.f32 v29, v5;
	v47 =	vmul.f32 v29, v6;
	v1 =	vadd.f32 v1, v52  }
0x671: {  	v58 =	vld [tilespmem:s3+$0xC60];
	v48 =	vmul.f32 v29, v7;
	v2 =	vadd.f32 v2, v53;
	v37 =	vadd.f32 v54, v37  }
0x672: {  	v60 =	vld [tilespmem:s3+$0xC70];
	v51 =	vmul.f32 v29, v8;
	v28 =	vadd.f32 v28, v26;
	v45 =	vadd.f32 v45, v18  }
0x673: {  	v27 =	vld.idx.msk [tilespmem:v42+s21+$0x0], $0xffff;
	v29 =	vmul.f32 v29, v9;
	v44 =	vadd.f32 v44, v11;
	v42 =	vadd.f32 v62, v12  }
0x674: {  	v49 =	vld [tilespmem:s28+$0xC70];
	v57 =	vmul.f32 v39, v3;
	v46 =	vadd.f32 v46, v13;
	v47 =	vadd.f32 v47, v14  }
0x675: {  	s9 =	simm.s32 $0x100;
	s10 =	simm.s32 $0x80;
	v59 =	vmul.f32 v39, v4;
	v48 =	vadd.f32 v48, v15;
	v51 =	vadd.f32 v51, v16  }
0x676: {  	s2 =	sand.u32 $0xF800, s9;
	s4 =	sand.u32 $0x380, s10;
	v29 =	vadd.f32 v29, v17;
	[tilespmem:s3+$0xC00] =	vst v1;
	v1 =	vadd.f32 v55, v30;
	v45 =	vmax.f32 v45, $0.0e+00  }
0x677: {  	s2 =	sor.u32 s4, s2;
	v61 =	vmul.f32 v39, v5;
	[tilespmem:s3+$0xC10] =	vst v2;
	v2 =	vadd.f32 v56, v33;
	v45 =	vadd.f32 v45, v26  }
0x678: {  	v52 =	vld [tilespmem:s2+$0xC00];
	v55 =	vadd.f32 v58, v35;
	v0 =	vadd.f32 v60, v0;
	v60 =	vmax.f32 v40, $0.0e+00  }
0x679: {  	v58 =	vmax.f32 v36, $0.0e+00;
	v35 =	vadd.f32 v57, v11;
	v45 =	vadd.f32 v49, v45;
	v49 =	vld [tilespmem:s3+$0xC40]  }
0x67a: {  	v50 =	vld [tilespmem:s28+$0xC00];
	[tilespmem:s3+$0xC20] =	vst v37;
	v36 =	vadd.f32 v61, v13;
	v37 =	vadd.f32 v60, v21;
	v44 =	vmax.f32 v44, $0.0e+00  }
0x67b: {  	v56 =	vld [tilespmem:s2+$0xC30];
	v42 =	vmax.f32 v42, $0.0e+00;
	v46 =	vmax.f32 v46, $0.0e+00;
	[tilespmem:s3+$0xC60] =	vst v55;
	v55 =	vadd.f32 v58, v24  }
0x67c: {  	v54 =	vld [tilespmem:s2+$0xC60];
	v47 =	vmax.f32 v47, $0.0e+00;
	v44 =	vadd.f32 v44, v19;
	v42 =	vadd.f32 v42, v20  }
0x67d: {  	v48 =	vmax.f32 v48, $0.0e+00;
	[tilespmem:s3+$0xC30] =	vst v1;
	v46 =	vadd.f32 v46, v21;
	v1 =	vadd.f32 v41, v52;
	v52 =	vld [tilespmem:s2+$0xC50]  }
0x67e: {  	v51 =	vmax.f32 v51, $0.0e+00;
	v47 =	vadd.f32 v47, v22;
	v30 =	vadd.f32 v49, v31;
	v31 =	vld [tilespmem:s2+$0xC20]  }
0x67f: {  	v29 =	vmax.f32 v29, $0.0e+00;
	v48 =	vadd.f32 v48, v23;
	v51 =	vadd.f32 v51, v24;
	[tilespmem:s28+$0xC70] =	vst v45;
	v45 =	vld [tilespmem:s2+$0xC10]  }
0x680: {  	v40 =	vld [tilespmem:s2+$0xC40];
	[tilespmem:s3+$0xC50] =	vst v2;
	v32 =	vadd.f32 v56, v32;
	v56 =	vmax.f32 v43, $0.0e+00;
	v43 =	vmul.f32 v39, v9  }
0x681: {  	v53 =	vmul.f32 v39, v7;
	v33 =	vld [tilespmem:s28+$0xC30];
	[tilespmem:s3+$0xC70] =	vst v0;
	v62 =	vadd.f32 v29, v25;
	v50 =	vadd.f32 v44, v50  }
0x682: {  	v61 =	vld [tilespmem:s28+$0xC60];
	v29 =	vmul.f32 v39, v6;
	[tilespmem:s2+$0xC00] =	vst v1;
	v43 =	vadd.f32 v43, v17;
	v1 =	vadd.f32 v52, v55  }
0x683: {  	v60 =	vld [tilespmem:s2+$0xC70];
	[tilespmem:s2+$0xC30] =	vst v32;
	v49 =	vmul.f32 v39, v8;
	v2 =	vadd.f32 v31, v37;
	v31 =	vadd.f32 v34, v23  }
0x684: {  	v58 =	vld [tilespmem:s28+$0xC10];
	[tilespmem:s3+$0xC40] =	vst v30;
	v30 =	vadd.f32 v38, v45;
	v45 =	vmul.f32 v39, v10;
	v39 =	vadd.f32 v53, v15  }
0x685: {  	v41 =	vld [tilespmem:s28+$0xC40];
	v32 =	vmul.f32 v27, v7;
	[tilespmem:s28+$0xC00] =	vst v50;
	v0 =	vadd.f32 v40, v31;
	v31 =	vadd.f32 v56, v25  }
0x686: {  	v52 =	vmul.f32 v27, v3;
	[tilespmem:s2+$0xC50] =	vst v1;
	v44 =	vadd.f32 v49, v16;
	v45 =	vadd.f32 v45, v18;
	v40 =	vld [tilespmem:s28+$0xC20]  }
0x687: {  	v55 =	vmul.f32 v27, v4;
	[tilespmem:s2+$0xC10] =	vst v30;
	v34 =	vadd.f32 v59, v12;
	v38 =	vadd.f32 v54, v31;
	v54 =	vld [tilespmem:s28+$0xC50]  }
0x688: {  	v49 =	vmul.f32 v27, v9;
	v37 =	vadd.f32 v29, v14;
	[tilespmem:s2+$0xC20] =	vst v2;
	v2 =	vadd.f32 v60, v28  }
0x689: {  	v30 =	vmul.f32 v27, v5;
	v60 =	vadd.f32 v42, v58;
	v28 =	vadd.f32 v33, v47;
	[tilespmem:s2+$0xC40] =	vst v0  }
0x68a: {  	s30 =	simm.s32 $0x185;
	v42 =	vadd.f32 v61, v62;
	v31 =	vmul.f32 v27, v6;
	[tilespmem:s2+$0xC60] =	vst v38;
	v38 =	vadd.f32 v55, v12  }
0x68b: {  	[tilespmem:s2+$0xC70] =	vst v2;
	v29 =	vadd.f32 v40, v46;
	v40 =	vadd.f32 v41, v48;
	v48 =	vmov s30  }
0x68c: {  	v47 =	vmul.f32 v27, v8;
	[tilespmem:s28+$0xC10] =	vst v60;
	s2 =	simm.s32 $0x3;
	v46 =	vadd.f32 v52, v11;
	v41 =	vadd.f32 v54, v51  }
.LBB2_38:
0x68d: {  	s3 =	sadd.s32 $0x183, s2;
	v33 =	vadd.f32 v30, v13;
	v31 =	vadd.f32 v31, v14;
	v0 =	vmul.f32 v27, v10;
	[tilespmem:s28+$0xC20] =	vst v29  }
0x68e: {  	v32 =	vadd.f32 v32, v15;
	v30 =	vadd.f32 v47, v16;
	v1 =	vmov s3;
	s3 =	sadd.s32 $0x184, s2;
	[tilespmem:s28+$0xC30] =	vst v28  }
0x68f: {  	v29 =	vadd.f32 v49, v17;
	v2 =	vmov s3;
	v28 =	vadd.f32 v0, v18;
	[tilespmem:s28+$0xC40] =	vst v40  }
0x690: {  	v27 =	vmax.f32 v34, $0.0e+00;
	v34 =	vmax.f32 v36, $0.0e+00;
	v0 =	vmax.f32 v35, $0.0e+00;
	v35 =	vld.idx.msk [tilespmem:v48+s21+$0x0], $0xffff;
	[tilespmem:s28+$0xC50] =	vst v41  }
0x691: {  	v36 =	vmax.f32 v37, $0.0e+00;
	v37 =	vmax.f32 v39, $0.0e+00;
	v39 =	vmax.f32 v44, $0.0e+00;
	[tilespmem:s28+$0xC60] =	vst v42  }
0x692: {  	v40 =	vadd.f32 v27, v20;
	v27 =	vmax.f32 v43, $0.0e+00;
	v0 =	vadd.f32 v0, v19  }
0x693: {  	v36 =	vadd.f32 v36, v22;
	v41 =	vadd.f32 v34, v21;
	v34 =	vmax.f32 v45, $0.0e+00  }
0x694: {  	v37 =	vadd.f32 v37, v23;
	v39 =	vadd.f32 v39, v24;
	v42 =	vmax.f32 v46, $0.0e+00  }
0x695: {  	s26 =	sadd.s32 $0x180, s26;
	s29 =	sadd.s32 $0x300, s29;
	v38 =	vmax.f32 v38, $0.0e+00;
	v43 =	vadd.f32 v27, v25;
	v44 =	vadd.f32 v34, v26  }
0x696: {  	s4 =	sand.u32 $0xF800, s29;
	s5 =	sand.u32 $0x380, s26;
	s3 =	sadd.s32 $0xFFFFFE00, s29;
	v45 =	vmul.f32 v35, v10;
	v34 =	vld.idx.msk [tilespmem:v1+s21+$0x0], $0xffff;
	v1 =	vadd.f32 v42, v19;
	v42 =	vmul.f32 v35, v3  }
0x697: {  	s9 =	sadd.s32 $0xFFFFFF00, s26;
	s10 =	sadd.s32 $0xFFFFFF00, s29;
	s28 =	sor.u32 s5, s4;
	v46 =	vmul.f32 v35, v5;
	v27 =	vld.idx.msk [tilespmem:v2+s21+$0x0], $0xffff;
	v2 =	vadd.f32 v38, v20;
	v38 =	vmul.f32 v35, v4  }
0x698: {  	s3 =	sand.u32 $0x7800, s3;
	s4 =	sand.u32 $0x380, s9;
	s5 =	sadd.s32 $0xFFFFFF80, s26;
	v47 =	vmul.f32 v35, v6;
	v48 =	vmul.f32 v35, v7;
	v45 =	vadd.f32 v45, v18;
	v49 =	vld [tilespmem:s28+$0xC70]  }
0x699: {  	s4 =	sor.u32 s4, s3;
	s3 =	sand.u32 $0xF800, s10;
	s5 =	sand.u32 $0x380, s5;
	v51 =	vmul.f32 v35, v8;
	v35 =	vmul.f32 v35, v9;
	v42 =	vadd.f32 v42, v11;
	v50 =	vld [tilespmem:s28+$0xC00]  }
0x69a: {  	s3 =	sor.u32 s5, s3;
	v46 =	vadd.f32 v46, v13;
	v38 =	vadd.f32 v38, v12;
	v45 =	vmax.f32 v45, $0.0e+00;
	v52 =	vld [tilespmem:s4+$0xC00]  }
0x69b: {  	v47 =	vadd.f32 v47, v14;
	v42 =	vmax.f32 v42, $0.0e+00;
	v45 =	vadd.f32 v45, v26;
	v53 =	vld [tilespmem:s4+$0xC10]  }
0x69c: {  	v48 =	vadd.f32 v48, v15;
	v51 =	vadd.f32 v51, v16;
	v38 =	vmax.f32 v38, $0.0e+00;
	v54 =	vld [tilespmem:s4+$0xC20]  }
0x69d: {  	v46 =	vmax.f32 v46, $0.0e+00;
	v35 =	vadd.f32 v35, v17;
	v55 =	vld [tilespmem:s4+$0xC30];
	v45 =	vadd.f32 v49, v45  }
0x69e: {  	v47 =	vmax.f32 v47, $0.0e+00;
	v48 =	vmax.f32 v48, $0.0e+00;
	v51 =	vmax.f32 v51, $0.0e+00;
	v49 =	vld [tilespmem:s4+$0xC40]  }
0x69f: {  	v42 =	vadd.f32 v42, v19;
	v35 =	vmax.f32 v35, $0.0e+00;
	v38 =	vadd.f32 v38, v20;
	v56 =	vld [tilespmem:s4+$0xC50];
	[tilespmem:s28+$0xC70] =	vst v45  }
0x6a0: {  	v46 =	vadd.f32 v46, v21;
	v47 =	vadd.f32 v47, v22;
	v45 =	vmul.f32 v34, v3;
	v57 =	vld [tilespmem:s4+$0xC60]  }
0x6a1: {  	v48 =	vadd.f32 v48, v23;
	v51 =	vadd.f32 v51, v24;
	v58 =	vmul.f32 v34, v4;
	v59 =	vld [tilespmem:s4+$0xC70]  }
0x6a2: {  	v60 =	vmul.f32 v34, v5;
	v61 =	vadd.f32 v35, v25;
	v0 =	vadd.f32 v0, v52;
	v52 =	vld [tilespmem:s3+$0xC00]  }
0x6a3: {  	v62 =	vmul.f32 v34, v6;
	v35 =	vadd.f32 v40, v53;
	v40 =	vadd.f32 v54, v41;
	v41 =	vld [tilespmem:s3+$0xC10]  }
0x6a4: {  	v53 =	vmul.f32 v34, v7;
	[tilespmem:s4+$0xC00] =	vst v0;
	v0 =	vadd.f32 v55, v36;
	v36 =	vadd.f32 v49, v37;
	v37 =	vld [tilespmem:s3+$0xC20]  }
0x6a5: {  	v49 =	vmul.f32 v34, v8;
	[tilespmem:s4+$0xC10] =	vst v35;
	v35 =	vadd.f32 v56, v39;
	v39 =	vadd.f32 v57, v43;
	v43 =	vld [tilespmem:s3+$0xC30]  }
0x6a6: {  	v33 =	vmax.f32 v33, $0.0e+00;
	v42 =	vadd.f32 v42, v50;
	[tilespmem:s4+$0xC20] =	vst v40;
	v40 =	vadd.f32 v59, v44;
	v44 =	vld [tilespmem:s3+$0xC40]  }
0x6a7: {  	v31 =	vmax.f32 v31, $0.0e+00;
	[tilespmem:s4+$0xC30] =	vst v0;
	v0 =	vadd.f32 v1, v52;
	v1 =	vadd.f32 v33, v21;
	v33 =	vld [tilespmem:s3+$0xC50]  }
0x6a8: {  	v32 =	vmax.f32 v32, $0.0e+00;
	v31 =	vadd.f32 v31, v22;
	[tilespmem:s4+$0xC40] =	vst v36;
	v2 =	vadd.f32 v2, v41;
	v36 =	vld [tilespmem:s3+$0xC60]  }
0x6a9: {  	v30 =	vmax.f32 v30, $0.0e+00;
	v32 =	vadd.f32 v32, v23;
	[tilespmem:s4+$0xC50] =	vst v35;
	v1 =	vadd.f32 v37, v1;
	v37 =	vld [tilespmem:s3+$0xC70]  }
0x6aa: {  	v30 =	vadd.f32 v30, v24;
	v29 =	vmax.f32 v29, $0.0e+00;
	[tilespmem:s4+$0xC60] =	vst v39;
	v31 =	vadd.f32 v43, v31;
	v39 =	vld [tilespmem:s28+$0xC10]  }
0x6ab: {  	v29 =	vadd.f32 v29, v25;
	v28 =	vmax.f32 v28, $0.0e+00;
	[tilespmem:s4+$0xC70] =	vst v40;
	v32 =	vadd.f32 v44, v32;
	v40 =	vld [tilespmem:s28+$0xC20]  }
0x6ac: {  	v28 =	vadd.f32 v28, v26;
	v41 =	vmul.f32 v34, v9;
	[tilespmem:s3+$0xC00] =	vst v0;
	v0 =	vadd.f32 v33, v30;
	v33 =	vld [tilespmem:s28+$0xC30]  }
0x6ad: {  	v35 =	vadd.f32 v45, v11;
	v45 =	vmul.f32 v34, v10;
	[tilespmem:s3+$0xC10] =	vst v2;
	v2 =	vadd.f32 v36, v29;
	v43 =	vld [tilespmem:s28+$0xC40]  }
0x6ae: {  	v50 =	vmul.f32 v27, v3;
	v34 =	vadd.f32 v58, v12;
	[tilespmem:s3+$0xC20] =	vst v1;
	v1 =	vadd.f32 v37, v28;
	v52 =	vld [tilespmem:s28+$0xC50]  }
0x6af: {  	v54 =	vmul.f32 v27, v4;
	s4 =	sadd.s32 $0x185, s2;
	s2 =	sadd.s32 $0x3, s2;
	v36 =	vadd.f32 v60, v13;
	[tilespmem:s3+$0xC30] =	vst v31;
	v55 =	vadd.f32 v38, v39;
	v38 =	vld [tilespmem:s28+$0xC60]  }
0x6b0: {  	v30 =	vmul.f32 v27, v5;
	p1 =	slt.u32 s2, $0x7B;
	v37 =	vadd.f32 v62, v14;
	[tilespmem:s3+$0xC40] =	vst v32;
	v29 =	vadd.f32 v40, v46  }
.Ltmp18:
0x6b1: {  	v39 =	vadd.f32 v53, v15;
	v31 =	vmul.f32 v27, v6;
	[tilespmem:s3+$0xC50] =	vst v0;
	v28 =	vadd.f32 v33, v47;
	(pc) =	sbr.rel @p1 .LBB2_38-.Ltmp18, $4  }
0x6b2: {  	v44 =	vadd.f32 v49, v16;
	v32 =	vmul.f32 v27, v7;
	[tilespmem:s3+$0xC60] =	vst v2;
	v40 =	vadd.f32 v43, v48  }
0x6b3: {  	v47 =	vmul.f32 v27, v8;
	v43 =	vadd.f32 v41, v17;
	[tilespmem:s3+$0xC70] =	vst v1;
	v41 =	vadd.f32 v52, v51  }
0x6b4: {  	v45 =	vadd.f32 v45, v18;
	v48 =	vmov s4;
	[tilespmem:s28+$0xC00] =	vst v42;
	v42 =	vadd.f32 v38, v61  }
0x6b5: {  	v49 =	vmul.f32 v27, v9;
	v46 =	vadd.f32 v50, v11;
	v38 =	vadd.f32 v54, v12;
	[tilespmem:s28+$0xC10] =	vst v55  }
0x6b6: {  	v1 =	vadd.f32 v30, v13;
	v2 =	vadd.f32 v31, v14  }
0x6b7: {  	v27 =	vmul.f32 v27, v10;
	v30 =	vadd.f32 v32, v15;
	v31 =	vadd.f32 v47, v16;
	s4 =	sadd.s32 $0x300, s29;
	s5 =	sadd.s32 $0x180, s26  }
0x6b8: {  	v33 =	vmax.f32 v35, $0.0e+00;
	v34 =	vmax.f32 v34, $0.0e+00;
	v50 =	vmax.f32 v36, $0.0e+00;
	s3 =	sadd.s32 $0xFFFFFE00, s4;
	s10 =	sadd.s32 $0xFFFFFF00, s5  }
0x6b9: {  	v37 =	vmax.f32 v37, $0.0e+00;
	v39 =	vmax.f32 v39, $0.0e+00;
	v32 =	vadd.f32 v49, v17;
	s3 =	sand.u32 $0x7800, s3;
	s30 =	sand.u32 $0x380, s10  }
0x6ba: {  	v0 =	vld.idx.msk [tilespmem:v48+s21+$0x0], $0xffff;
	v44 =	vmax.f32 v44, $0.0e+00;
	v33 =	vadd.f32 v33, v19;
	v34 =	vadd.f32 v34, v20;
	s3 =	sor.u32 s30, s3  }
0x6bb: {  	v43 =	vmax.f32 v43, $0.0e+00;
	[tilespmem:s28+$0xC20] =	vst v29;
	v35 =	vadd.f32 v50, v21;
	v37 =	vadd.f32 v37, v22;
	v53 =	vld [tilespmem:s3+$0xC00]  }
0x6bc: {  	v54 =	vmax.f32 v45, $0.0e+00;
	[tilespmem:s28+$0xC30] =	vst v28;
	v39 =	vadd.f32 v39, v23;
	v28 =	vadd.f32 v44, v24;
	v55 =	vld [tilespmem:s3+$0xC10]  }
0x6bd: {  	[tilespmem:s28+$0xC40] =	vst v40;
	v56 =	vmax.f32 v46, $0.0e+00;
	v40 =	vadd.f32 v43, v25;
	v29 =	vadd.f32 v54, v26;
	v57 =	vld [tilespmem:s3+$0xC20]  }
0x6be: {  	[tilespmem:s28+$0xC50] =	vst v41;
	s2 =	sand.u32 $0xF800, s4;
	v38 =	vmax.f32 v38, $0.0e+00;
	v27 =	vadd.f32 v27, v18;
	v41 =	vadd.f32 v56, v19;
	v58 =	vld [tilespmem:s3+$0xC30]  }
0x6bf: {  	s9 =	sand.u32 $0x380, s5;
	s4 =	sadd.s32 $0xFFFFFF00, s4;
	s5 =	sadd.s32 $0xFFFFFF80, s5;
	v38 =	vadd.f32 v38, v20;
	v1 =	vmax.f32 v1, $0.0e+00;
	v2 =	vmax.f32 v2, $0.0e+00;
	v60 =	vld [tilespmem:s3+$0xC40]  }
0x6c0: {  	s4 =	sand.u32 $0xF800, s4;
	s5 =	sand.u32 $0x380, s5;
	v1 =	vadd.f32 v1, v21;
	v2 =	vadd.f32 v2, v22;
	v62 =	vld [tilespmem:s3+$0xC50]  }
0x6c1: {  	s4 =	sor.u32 s5, s4;
	v32 =	vmax.f32 v32, $0.0e+00;
	v50 =	vld [tilespmem:s3+$0xC70];
	v51 =	vmul.f32 v0, v10;
	v33 =	vadd.f32 v33, v53  }
0x6c2: {  	[tilespmem:s28+$0xC60] =	vst v42;
	s2 =	sor.u32 s9, s2;
	v56 =	vld [tilespmem:s4+$0xC00];
	v32 =	vadd.f32 v32, v25;
	v59 =	vmul.f32 v0, v3;
	v34 =	vadd.f32 v34, v55  }
0x6c3: {  	v52 =	vld [tilespmem:s2+$0xC70];
	v61 =	vmul.f32 v0, v4;
	v36 =	vadd.f32 v51, v18;
	v35 =	vadd.f32 v57, v35;
	[tilespmem:s3+$0xC00] =	vst v33  }
0x6c4: {  	v49 =	vld [tilespmem:s4+$0xC60];
	v44 =	vadd.f32 v59, v11;
	v37 =	vadd.f32 v58, v37;
	[tilespmem:s3+$0xC10] =	vst v34  }
0x6c5: {  	v30 =	vmax.f32 v30, $0.0e+00;
	v47 =	vld [tilespmem:s4+$0xC50];
	v42 =	vadd.f32 v61, v12;
	v39 =	vadd.f32 v60, v39;
	[tilespmem:s3+$0xC20] =	vst v35  }
0x6c6: {  	v59 =	vld [tilespmem:s4+$0xC20];
	v51 =	vmax.f32 v31, $0.0e+00;
	v28 =	vadd.f32 v62, v28;
	v29 =	vadd.f32 v50, v29;
	[tilespmem:s3+$0xC30] =	vst v37  }
0x6c7: {  	v61 =	vld [tilespmem:s4+$0xC40];
	v36 =	vmax.f32 v36, $0.0e+00;
	v62 =	vadd.f32 v41, v56;
	v50 =	vadd.f32 v30, v23;
	[tilespmem:s3+$0xC40] =	vst v39  }
0x6c8: {  	v53 =	vld [tilespmem:s3+$0xC60];
	v30 =	vadd.f32 v51, v24;
	v36 =	vadd.f32 v36, v26;
	[tilespmem:s3+$0xC50] =	vst v28  }
0x6c9: {  	v27 =	vmax.f32 v27, $0.0e+00;
	v54 =	vmul.f32 v0, v6;
	v60 =	vld [tilespmem:s4+$0xC30];
	v32 =	vadd.f32 v49, v32;
	[tilespmem:s3+$0xC70] =	vst v29  }
0x6ca: {  	[tilespmem:s4+$0xC00] =	vst v62;
	v30 =	vadd.f32 v47, v30;
	v36 =	vadd.f32 v52, v36;
	v52 =	vmul.f32 v0, v5  }
0x6cb: {  	v27 =	vadd.f32 v27, v26;
	v43 =	vadd.f32 v54, v14;
	v55 =	vmul.f32 v0, v7;
	v58 =	vld [tilespmem:s4+$0xC10];
	[tilespmem:s4+$0xC60] =	vst v32  }
0x6cc: {  	v57 =	vmul.f32 v0, v8;
	v1 =	vadd.f32 v59, v1;
	[tilespmem:s4+$0xC50] =	vst v30;
	v46 =	vadd.f32 v52, v13;
	v52 =	vld [tilespmem:s4+$0xC70]  }
0x6cd: {  	v0 =	vmul.f32 v0, v9;
	v29 =	vadd.f32 v61, v50;
	[tilespmem:s2+$0xC70] =	vst v36;
	v36 =	vadd.f32 v53, v40;
	v53 =	vld [tilespmem:s2+$0xC00]  }
0x6ce: {  	v54 =	vld [tilespmem:s2+$0xC10];
	v33 =	vadd.f32 v55, v15;
	v2 =	vadd.f32 v60, v2;
	[tilespmem:s4+$0xC20] =	vst v1  }
0x6cf: {  	v34 =	vadd.f32 v57, v16;
	v55 =	vld [tilespmem:s2+$0xC20];
	v0 =	vadd.f32 v0, v17;
	v1 =	vmax.f32 v44, $0.0e+00;
	[tilespmem:s4+$0xC40] =	vst v29  }
0x6d0: {  	v62 =	vld [tilespmem:s2+$0xC60];
	v48 =	vadd.f32 v38, v58;
	v1 =	vadd.f32 v1, v19;
	[tilespmem:s4+$0xC30] =	vst v2;
	v2 =	vmax.f32 v42, $0.0e+00  }
0x6d1: {  	v58 =	vld [tilespmem:s2+$0xC40];
	[tilespmem:s3+$0xC60] =	vst v36;
	v57 =	vmax.f32 v46, $0.0e+00;
	v2 =	vadd.f32 v2, v20;
	v27 =	vadd.f32 v52, v27  }
0x6d2: {  	v56 =	vld [tilespmem:s2+$0xC30];
	[tilespmem:s4+$0xC10] =	vst v48;
	v0 =	vmax.f32 v0, $0.0e+00;
	v29 =	vadd.f32 v57, v21;
	v1 =	vadd.f32 v1, v53  }
0x6d3: {  	v61 =	vmax.f32 v33, $0.0e+00;
	v60 =	vld [tilespmem:s2+$0xC50];
	v0 =	vadd.f32 v0, v25;
	v2 =	vadd.f32 v2, v54;
	[tilespmem:s4+$0xC70] =	vst v27  }
0x6d4: {  	v59 =	vmax.f32 v43, $0.0e+00;
	v31 =	vadd.f32 v61, v23;
	v29 =	vadd.f32 v55, v29;
	[tilespmem:s2+$0xC00] =	vst v1  }
0x6d5: {  	v30 =	vadd.f32 v59, v22;
	v0 =	vadd.f32 v62, v0;
	v27 =	vmax.f32 v34, $0.0e+00;
	[tilespmem:s2+$0xC10] =	vst v2  }
0x6d6: {  	v2 =	vadd.f32 v58, v31;
	[tilespmem:s2+$0xC20] =	vst v29;
	v1 =	vadd.f32 v27, v24  }
0x6d7: {  	[tilespmem:s2+$0xC60] =	vst v0;
	v27 =	vadd.f32 v56, v30  }
0x6d8: {  	[tilespmem:s2+$0xC40] =	vst v2;
	v1 =	vadd.f32 v60, v1  }
0x6d9: {  	[tilespmem:s2+$0xC30] =	vst v27  }
0x6da: {  	s3 =	simm.s32 $0x0;
	s4 =	simm.s32 $0x1FE;
	[tilespmem:s2+$0xC50] =	vst v1  }
.LBB2_40:
0x6db: {  	v0 =	vmov s4;
	_ =	sdelay $0x4  }
0x6dc: {  	v0 =	vld.idx.msk [tilespmem:v0+s21+$0x0], $0xffff;
	_ =	sdelay $0x4  }
0x6dd: {  	v1 =	vmul.f32 v0, v3;
	v2 =	vmul.f32 v0, v4  }
0x6de: {  	v28 =	vmul.f32 v0, v5;
	v31 =	vmul.f32 v0, v6  }
0x6df: {  	s2 =	sshra.s32 s3, $0x2;
	v56 =	vmul.f32 v0, v7;
	v32 =	vmul.f32 v0, v8  }
0x6e0: {  	v27 =	vld [tilespmem:s2+$0x8700];
	v33 =	vmul.f32 v0, v9;
	v0 =	vmul.f32 v0, v10;
	v1 =	vadd.f32 v1, v11  }
0x6e1: {  	v2 =	vadd.f32 v2, v12  }
0x6e2: {  	v29 =	vld [tilespmem:s2+$0x8710];
	v28 =	vadd.f32 v28, v13;
	v0 =	vadd.f32 v0, v18;
	v1 =	vmax.f32 v1, $0.0e+00  }
0x6e3: {  	v61 =	vld [tilespmem:s2+$0x8770];
	v57 =	vadd.f32 v31, v14;
	v2 =	vmax.f32 v2, $0.0e+00;
	v1 =	vadd.f32 v1, v19  }
0x6e4: {  	v30 =	vld [tilespmem:s2+$0x8720];
	v32 =	vadd.f32 v32, v16;
	v0 =	vmax.f32 v0, $0.0e+00;
	v2 =	vadd.f32 v2, v20  }
0x6e5: {  	v58 =	vld [tilespmem:s2+$0x8730];
	v28 =	vmax.f32 v28, $0.0e+00;
	v0 =	vadd.f32 v0, v26;
	v1 =	vadd.f32 v1, v27  }
0x6e6: {  	v59 =	vld [tilespmem:s2+$0x8740];
	v27 =	vadd.f32 v28, v21;
	v28 =	vadd.f32 v56, v15  }
0x6e7: {  	v34 =	vld [tilespmem:s2+$0x8750];
	v33 =	vadd.f32 v33, v17;
	v2 =	vadd.f32 v2, v29;
	v29 =	vmax.f32 v57, $0.0e+00  }
0x6e8: {  	v35 =	vld [tilespmem:s2+$0x8760];
	v0 =	vadd.f32 v61, v0;
	v29 =	vadd.f32 v29, v22;
	v28 =	vmax.f32 v28, $0.0e+00;
	[tilespmem:s2+$0x8700] =	vst v1  }
0x6e9: {  	v60 =	vmax.f32 v32, $0.0e+00;
	v27 =	vadd.f32 v30, v27;
	[tilespmem:s2+$0x8710] =	vst v2;
	v1 =	vadd.f32 v28, v23  }
0x6ea: {  	p1 =	sne.s32 s3, $0x200;
	v62 =	vmax.f32 v33, $0.0e+00;
	[tilespmem:s2+$0x8770] =	vst v0;
	v2 =	vadd.f32 v58, v29;
	v28 =	vadd.f32 v60, v24  }
.Ltmp19:
0x6eb: {  	[tilespmem:s2+$0x8720] =	vst v27;
	v27 =	vadd.f32 v62, v25;
	v1 =	vadd.f32 v59, v1;
	(pc) =	sbr.rel @p1 .LBB2_40-.Ltmp19, $4  }
0x6ec: {  	[tilespmem:s2+$0x8730] =	vst v2;
	v2 =	vadd.f32 v34, v28  }
0x6ed: {  	[tilespmem:s2+$0x8740] =	vst v1;
	v1 =	vadd.f32 v35, v27  }
0x6ee: {  	[tilespmem:s2+$0x8750] =	vst v2  }
0x6ef: {  	s4 =	sadd.s32 $0x1, s4;
	s3 =	sadd.s32 $0x200, s3;
	[tilespmem:s2+$0x8760] =	vst v1  }
0x6f0: {  	s2 =	simm.s32 $0x800;
	s3 =	sadd.s32 $0x0, s14;
	s4 =	simm.s32 $0xC00  }
0x6f1: {  	[hbm4b:s3+s7] =	stream.strided.scatter [tilespmem:s2], [sflag:$0x4], $0x400, s22, s7, $0x38;
	[tilespmem:$0x18900] =	vst v63  }
0x6f2: {  	s2 =	simm.s32 $0x100;
	s5 =	sadd.s32 $0x10, s3;
	s3 =	simm.s32 $0x1000  }
.LBB2_42:
0x6f3: {  	[hbm4b:s5+s7] =	stream.strided.scatter [tilespmem:s4], [sflag:$0x4], $0x400, s22, s7, $0x38;
	[tilespmem:$0x18900] =	vst v63  }
0x6f4: {  	s4 =	smov.u32 s2;
	p1 =	sne.s32 s2, $0xF00  }
.Ltmp20:
0x6f5: {  	s2 =	sadd.s32 $0x100, s2;
	(pc) =	sbr.rel @p1 .LBB2_42-.Ltmp20, $4  }
0x6f6: {  	_ = 	snop  }
0x6f7: {  	s5 =	sadd.s32 s4, s14  }
0x6f8: {  	[hbm4b:s5+s7] =	stream.strided.scatter [tilespmem:s3], [sflag:$0x4], $0x400, s22, s7, $0x38;
	[tilespmem:$0x18900] =	vst v63  }
0x6f9: {  	s4 =	sadd.s32 $0x400, s3;
	s5 =	sadd.s32 $0x10, s5;
	s3 =	sadd.s32 $0x800, s3  }
0x6fa: {  	[hbm4b:s5+s7] =	stream.strided.scatter [tilespmem:s4], [sflag:$0x4], $0x400, s22, s7, $0x38;
	[tilespmem:$0x18900] =	vst v63  }
0x6fb: {  	_ =	swait.ge [sflag:s20], $0x8000  }
0x6fc: {  	[sflag:s20] =	ssyncset.done $0x0  }
0x6fd: {  	s25 =	sadd.s32 $0x1, s25;
	[sflag:s20] =	ssyncadd.s32 $0xFFFF8000  }
0x6fe: {  	p1 =	sne.s32 s25, s15;
	_ =	swait.ge [sflag:s31], $0x8000  }
.Ltmp21:
0x6ff: {  	[sflag:s31] =	ssyncset.done $0x0;
	(pc) =	sbr.rel @p1 .LBB2_1-.Ltmp21, $4  }
0x700: {  	[sflag:s31] =	ssyncadd.s32 $0xFFFF8000  }
0x701: {  	_ =	swait.ge [sflag:s1], $0x8000  }
0x702: {  	[sflag:s1] =	ssyncset.done $0x0;
	v0 =	vld [tilespmem:$0x1FFE0]  }
0x703: {  	v1 =	vld [tilespmem:$0x1FFF0];
	[sflag:s1] =	ssyncadd.s32 $0xFFFF8000  }
0x704: {  	_ =	sfence.sel $0x180000  }
0x705: {  	[bflag:$0x0] =	sbarrier.arrive $0xFFFF  }
0x706: {  	_ =	strace $0x90000047  }
0x707: {  	s0 =	stileid.u32;
	[bflag:$0x2] =	sbarrier.arrive $0xFFFF  }
0x708: {  	p0 =	sne.s32 s0, $0x0;
	s0 =	rddreg [dreg:$0x8]  }
0x709: {  	s0 =	sadd.s32 @!p0 $0x100000, s0  }
0x70a: {  	[sflag:s0] =	ssyncadd.tile.s32 @!p0 $0x1;
	_ =	shalt  }
.Lfunc_end2:
_tile_overlayer_lowered:
.L_overlay_start_2:
0x70b: {  	(tag) =	ssettag $0x2  }
0x70c: {  	s0 =	rddreg [dreg:$0x0];
	s2 =	stileid.u32  }
0x70d: {  	s1 =	rddreg [dreg:$0x1];
	p0 =	sne.s32 s2, $0x0  }
0x70e: {  	s3 =	rddreg [dreg:$0x2];
	[bflag:$0x3] =	sbarrier.arrive $0xFFFF;
	s2 =	simm.s32 @!p0 $0x1C07  }
0x70f: {  	[timem:s3], [sflag:s2] =	dma.local @!p0 [hbm:s0], s1  }
0x710: {  	s0 =	simm.s32 @!p0 $0x7  }
0x711: {  	_ =	swait.ge @!p0 [sflag:s0], s1  }
0x712: {  	s1 =	ssub.s32 @!p0 $0x0, s1;
	[sflag:s0] =	ssyncset.done @!p0 $0x0  }
0x713: {  	[sflag:s0] =	ssyncadd.s32 @!p0 s1  }
0x714: {  	[bflag:$0x3] =	sbarrier.arrive $0xFFFF  }
0x715: {  	_ =	shalt  }

</sc_bundles>
